<compile_context>
chip_gen: v7x
topology: tpu7x:2x2x1
jax: 0.10.2.dev20260603
libtpu: 0.0.44.dev20260713+nightly
codegen_flags: <defaults>
</compile_context>

<pallas_src>
import functools

import jax
import jax.numpy as jnp
from jax import lax
from jax.experimental import pallas as pl
from jax.experimental.pallas import tpu as pltpu
from jax.experimental.pallas import tpu_sc as plsc

VOCAB = 100000
D = 64
B = 4096
L = 50
R = 128

N_TOK = B * L
CHUNK = 128
LANES = 16
K = 5
SUP = K * CHUNK

_info = plsc.get_sparse_core_info()
NC, NS = _info.num_cores, _info.num_subcores
NW = NC * NS
TOK_PER_W = N_TOK // NW
NCHUNK = TOK_PER_W // CHUNK
NSUP = TOK_PER_W // SUP

_BS_STEPS = (64, 32, 16, 8, 4, 2, 1)

_mesh = plsc.VectorSubcoreMesh(core_axis_name="c", subcore_axis_name="s")


@functools.partial(
    pl.kernel,
    mesh=_mesh,
    out_type=jax.ShapeDtypeStruct((N_TOK, D), jnp.float32),
    compiler_params=pltpu.CompilerParams(needs_layout_passes=False,
                                         use_tc_tiling_on_sc=False),
    scratch_types=[
        pltpu.VMEM((NCHUNK, CHUNK), jnp.int32),
        pltpu.VMEM((SUP, D), jnp.float32),
        pltpu.VMEM((SUP, D), jnp.float32),
        pltpu.VMEM((R,), jnp.int32),
        pltpu.VMEM((R, D), jnp.float32),
        pltpu.VMEM((LANES,), jnp.int32),
        pltpu.VMEM((LANES,), jnp.int32),
        pltpu.SemaphoreType.DMA,
        pltpu.SemaphoreType.DMA,
        pltpu.SemaphoreType.DMA,
        pltpu.SemaphoreType.DMA,
    ],
)
def _sc_lookup(x_hbm, pre_hbm, res_hbm, ridx_hbm, out_hbm,
               idx_all, rows0, rows1, ridx_v, rtab_v, tpos_v, tslot_v,
               gsem0, gsem1, wsem0, wsem1):
    cid = lax.axis_index("c")
    sid = lax.axis_index("s")
    wid = sid * NC + cid
    wbase = wid * TOK_PER_W

    pltpu.sync_copy(x_hbm.at[pl.ds(wid * NCHUNK, NCHUNK)], idx_all)
    pltpu.sync_copy(ridx_hbm, ridx_v)
    pltpu.sync_copy(res_hbm, rtab_v)

    iota16 = lax.iota(jnp.int32, LANES)
    zero16 = jnp.zeros((LANES,), jnp.int32)
    rmin_s = jnp.min(plsc.load_gather(ridx_v, [zero16]))
    rmax_s = jnp.max(plsc.load_gather(ridx_v, [zero16 + (R - 1)]))

    rows = (rows0, rows1)
    gsem = (gsem0, gsem1)
    wsem = (wsem0, wsem1)

    def gather_copies(s, b):
        cbase = s * K
        return [
            pltpu.make_async_copy(
                pre_hbm.at[idx_all.at[cbase + j]],
                rows[b].at[pl.ds(j * CHUNK, CHUNK)],
                gsem[b],
            )
            for j in range(K)
        ]

    def fire_gathers(s, b):
        cbase = s * K
        for j in range(K):
            pltpu.async_copy(
                pre_hbm.at[idx_all.at[cbase + j]],
                rows[b].at[pl.ds(j * CHUNK, CHUNK)],
                gsem[b],
            )

    def wb_copy(s, b):
        return pltpu.make_async_copy(
            rows[b], out_hbm.at[pl.ds(wbase + s * SUP, SUP)], wsem[b])

    def fixup(s, b):
        cbase = s * K
        rows_b = rows[b]
        for j in range(K):
            crow = idx_all.at[cbase + j]
            mn = jnp.full((LANES,), jnp.iinfo(jnp.int32).max, jnp.int32)
            mx = jnp.full((LANES,), jnp.iinfo(jnp.int32).min, jnp.int32)
            for i in range(CHUNK // LANES):
                v = crow[pl.ds(i * LANES, LANES)]
                mn = jnp.minimum(mn, v)
                mx = jnp.maximum(mx, v)
            maybe = (jnp.min(mn) <= rmax_s) & (jnp.max(mx) >= rmin_s)

            def fine(j=j, crow=crow):
                def vec_body(i, carry):
                    v = crow[pl.ds(i * LANES, LANES)]
                    lo = zero16
                    for sz in _BS_STEPS:
                        mid = lo + sz
                        probe = plsc.load_gather(ridx_v, [mid - 1])
                        lo = jnp.where(probe < v, mid, lo)
                    safe = jnp.minimum(lo, R - 1)
                    hit = (plsc.load_gather(ridx_v, [safe]) == v) & (lo < R)
                    cnt = jnp.sum(hit.astype(jnp.int32))

                    def do_fix():
                        plsc.store_compressed(
                            tpos_v.at[...], j * CHUNK + i * LANES + iota16,
                            mask=hit)
                        plsc.store_compressed(tslot_v.at[...], lo, mask=hit)

                        def fix_one(q, c):
                            qb = jnp.full((LANES,), q, jnp.int32)
                            p_b = plsc.load_gather(tpos_v, [qb])
                            s_b = plsc.load_gather(tslot_v, [qb])
                            for d in range(D // LANES):
                                colv = iota16 + d * LANES
                                vals = plsc.load_gather(rtab_v, [s_b, colv])
                                plsc.store_scatter(rows_b, [p_b, colv], vals)
                            return c

                        lax.fori_loop(0, cnt, fix_one, 0)

                    lax.cond(cnt > 0, do_fix, lambda: None)
                    return carry

                lax.fori_loop(0, CHUNK // LANES, vec_body, 0)

            lax.cond(maybe, fine, lambda: None)

    fire_gathers(0, 0)
    fire_gathers(1, 1)

    def super_body(s2, carry):
        for b in range(2):
            s = 2 * s2 + b
            for cp in gather_copies(s, b):
                cp.wait()
            fixup(s, b)
            wb = wb_copy(s, b)
            wb.start()

            def fire_next(s=s, b=b, wb=wb):
                wb.wait()
                fire_gathers(s + 2, b)

            lax.cond(s + 2 < NSUP, fire_next, lambda: None)
        return carry

    lax.fori_loop(0, NSUP // 2, super_body, 0)

    wb_copy(NSUP - 2, 0).wait()
    wb_copy(NSUP - 1, 1).wait()


def kernel(x, pretrained_embedding, residual_embedding, residual_index):
    y = _sc_lookup(x.reshape(N_TOK // CHUNK, CHUNK), pretrained_embedding,
                   residual_embedding, residual_index)
    return y.reshape(B, L, D)

# --- scband reference (transcript-rebuilt; emitter-appended) ---
"""Pipeline reference for scband-elastic-embedding-53171695125093 (READ-ONLY COPY).

The authoritative reference and input builder live on the scoring server;
editing this copy changes nothing except your own understanding.
"""

import jax, jax.numpy as jnp
import numpy as np

VOCAB = 100000
D = 64
B = 4096
L = 50
R = 128


def setup_inputs(seed: int = 0) -> dict:
    key = jax.random.key(seed)
    k1, k2 = jax.random.split(key)
    pretrained_embedding = jax.random.normal(k1, (VOCAB, D), dtype=jnp.float32)
    residual_index = jnp.arange(R, dtype=jnp.int32)
    # residual_embedding is initialized as pretrained rows selected by residual_index,
    # matching torch: nn.Parameter(pretrained_embedding.index_select(0, residual_index))
    residual_embedding = jnp.take(pretrained_embedding, residual_index, axis=0)
    x = jax.random.randint(k2, (B, L), 0, VOCAB, dtype=jnp.int32)
    return {
        "x": x,
        "pretrained_embedding": pretrained_embedding,
        "residual_embedding": residual_embedding,
        "residual_index": residual_index,
    }


def reference(x, pretrained_embedding, residual_embedding, residual_index):
    vocab = pretrained_embedding.shape[0]
    n_res = residual_index.shape[0]
    # Vectorized equivalent of the python dict residual_map: map vocab id -> residual slot (or -1)
    pos_map = jnp.full((vocab,), -1, dtype=jnp.int32).at[residual_index].set(
        jnp.arange(n_res, dtype=jnp.int32)
    )
    pos = pos_map[x]                      # [B, L] residual slot or -1
    is_res = pos >= 0                     # [B, L] bool
    safe_pos = jnp.where(is_res, pos, 0)
    res_rows = jnp.take(residual_embedding, safe_pos, axis=0)      # [B, L, D]
    pre_rows = jnp.take(pretrained_embedding, x, axis=0)           # [B, L, D]
    y = jnp.where(is_res[..., None], res_rows, pre_rows)
    return y

if __name__ == "__main__":
    import jax
    _d = setup_inputs()
    print(jax.jit(kernel)(*tuple(_d.values())))

</pallas_src>

<mosaic_0001>
#map = affine_map<(d0, d1) -> (0, 0)>
#map1 = affine_map<(d0, d1) -> (0)>
module attributes {stable_mosaic.version = 14 : i64} {
  func.func @_sc_lookup(%arg0: i32, %arg1: i32, %arg2: memref<1600x128xi32, #tpu.memory_space<hbm>>, %arg3: memref<100000x64xf32, #tpu.memory_space<hbm>>, %arg4: memref<128x64xf32, #tpu.memory_space<hbm>>, %arg5: memref<128xi32, #tpu.memory_space<hbm>>, %arg6: memref<204800x64xf32, #tpu.memory_space<hbm>>, %arg7: memref<50x128xi32, #tpu.memory_space<vmem>>, %arg8: memref<640x64xf32, #tpu.memory_space<vmem>>, %arg9: memref<640x64xf32, #tpu.memory_space<vmem>>, %arg10: memref<128xi32, #tpu.memory_space<vmem>>, %arg11: memref<128x64xf32, #tpu.memory_space<vmem>>, %arg12: memref<16xi32, #tpu.memory_space<vmem>>, %arg13: memref<16xi32, #tpu.memory_space<vmem>>, %arg14: memref<!tpu.dma_semaphore, #tpu.memory_space<semaphore_mem>>, %arg15: memref<!tpu.dma_semaphore, #tpu.memory_space<semaphore_mem>>, %arg16: memref<!tpu.dma_semaphore, #tpu.memory_space<semaphore_mem>>, %arg17: memref<!tpu.dma_semaphore, #tpu.memory_space<semaphore_mem>>) attributes {dimension_semantics = [#tpu.dimension_semantics<core_parallel>, #tpu.dimension_semantics<subcore_parallel>], iteration_bounds = array<i64: 2, 16>, scalar_prefetch = 0 : i64, scratch_operands = 11 : i64, tpu.core_type = #tpu.core_type<sc_vector_subcore>, window_params = [{transform_indices = #map}, {transform_indices = #map}, {transform_indices = #map}, {transform_indices = #map1}, {transform_indices = #map}]} {
    %mul3A = arith.constant 2 : i32
    %mul3A_0 = arith.muli %arg1, %mul3A : i32
    %add3A = arith.addi %mul3A_0, %arg0 : i32
    %mul3A_1 = arith.constant 6400 : i32
    %mul3A_2 = arith.muli %add3A, %mul3A_1 : i32
    %mul3A_3 = arith.constant 50 : i32
    %mul3A_4 = arith.muli %add3A, %mul3A_3 : i32
    "tpu.region"() ({
      %run_scoped3A = tpu.sem_alloc : memref<!tpu.dma_semaphore, #tpu.memory_space<semaphore_mem>>
      %dma_start3A_139 = arith.constant 0 : i32
      %dma_start3A_140 = tpu.memref_slice %arg2[%mul3A_4, %dma_start3A_139] : memref<1600x128xi32, #tpu.memory_space<hbm>> -> memref<50x128xi32, #tpu.memory_space<hbm>>
      %dma_start3A_141 = arith.constant 0 : i32
      %dma_start3A_142 = tpu.memref_slice %arg2[%mul3A_4, %dma_start3A_141] : memref<1600x128xi32, #tpu.memory_space<hbm>> -> memref<50x128xi32, #tpu.memory_space<hbm>>
      tpu.enqueue_dma source(%dma_start3A_142 : memref<50x128xi32, #tpu.memory_space<hbm>>) target(%arg7 : memref<50x128xi32, #tpu.memory_space<vmem>>) target_semaphore(%run_scoped3A : memref<!tpu.dma_semaphore, #tpu.memory_space<semaphore_mem>>)
      %dma_wait3A_143 = arith.constant 0 : i32
      %dma_wait3A_144 = tpu.memref_slice %arg2[%mul3A_4, %dma_wait3A_143] : memref<1600x128xi32, #tpu.memory_space<hbm>> -> memref<50x128xi32, #tpu.memory_space<hbm>>
      %dma_wait3A_145 = arith.constant 0 : i32
      %dma_wait3A_146 = tpu.memref_slice %arg2[%mul3A_4, %dma_wait3A_145] : memref<1600x128xi32, #tpu.memory_space<hbm>> -> memref<50x128xi32, #tpu.memory_space<hbm>>
      tpu.wait_dma2 semaphore(%run_scoped3A : memref<!tpu.dma_semaphore, #tpu.memory_space<semaphore_mem>>) src(%dma_wait3A_146 : memref<50x128xi32, #tpu.memory_space<hbm>>) dst(%arg7 : memref<50x128xi32, #tpu.memory_space<vmem>>)
      tpu.yield
    }) : () -> ()
    "tpu.region"() ({
      %run_scoped3A = tpu.sem_alloc : memref<!tpu.dma_semaphore, #tpu.memory_space<semaphore_mem>>
      tpu.enqueue_dma source(%arg5 : memref<128xi32, #tpu.memory_space<hbm>>) target(%arg10 : memref<128xi32, #tpu.memory_space<vmem>>) target_semaphore(%run_scoped3A : memref<!tpu.dma_semaphore, #tpu.memory_space<semaphore_mem>>)
      tpu.wait_dma2 semaphore(%run_scoped3A : memref<!tpu.dma_semaphore, #tpu.memory_space<semaphore_mem>>) src(%arg5 : memref<128xi32, #tpu.memory_space<hbm>>) dst(%arg10 : memref<128xi32, #tpu.memory_space<vmem>>)
      tpu.yield
    }) : () -> ()
    "tpu.region"() ({
      %run_scoped3A = tpu.sem_alloc : memref<!tpu.dma_semaphore, #tpu.memory_space<semaphore_mem>>
      tpu.enqueue_dma source(%arg4 : memref<128x64xf32, #tpu.memory_space<hbm>>) target(%arg11 : memref<128x64xf32, #tpu.memory_space<vmem>>) target_semaphore(%run_scoped3A : memref<!tpu.dma_semaphore, #tpu.memory_space<semaphore_mem>>)
      tpu.wait_dma2 semaphore(%run_scoped3A : memref<!tpu.dma_semaphore, #tpu.memory_space<semaphore_mem>>) src(%arg4 : memref<128x64xf32, #tpu.memory_space<hbm>>) dst(%arg11 : memref<128x64xf32, #tpu.memory_space<vmem>>)
      tpu.yield
    }) : () -> ()
    %iota3A = tpu.iota {dimensions = array<i32: 0>} : vector<16xi32>
    %broadcast_in_dim3A = arith.constant 0 : i32
    %broadcast_in_dim3A_5 = vector.broadcast %broadcast_in_dim3A : i32 to vector<16xi32>
    %gather3A = tpu.vector_load_idx %arg10[%broadcast_in_dim3A_5] : memref<128xi32, #tpu.memory_space<vmem>>[vector<16xi32>], vector<16xi32>,
    %reduce_min3A = arith.constant true
    %reduce_min3A_6 = vector.broadcast %reduce_min3A : i1 to vector<16xi1>
    %reduce_min3A_7 = arith.constant -2147483648 : i32
    %reduce_min3A_8 = vector.broadcast %reduce_min3A_7 : i32 to vector<16xi32>
    %reduce_min3A_9 = arith.xori %gather3A, %reduce_min3A_8 : vector<16xi32>
    %reduce_min3A_10 = tpu.scan <min>, %reduce_min3A_9 masked %reduce_min3A_6 : vector<16xi32>, vector<16xi1> -> vector<16xi32>
    %reduce_min3A_11 = arith.xori %reduce_min3A_10, %reduce_min3A_8 : vector<16xi32>
    %reduce_min3A_12 = vector.extract %reduce_min3A_11[15] : i32 from vector<16xi32>
    %add3A_13 = arith.constant 127 : i32
    %add3A_14 = vector.broadcast %add3A_13 : i32 to vector<16xi32>
    %add3A_15 = arith.addi %broadcast_in_dim3A_5, %add3A_14 : vector<16xi32>
    %gather3A_16 = tpu.vector_load_idx %arg10[%add3A_15] : memref<128xi32, #tpu.memory_space<vmem>>[vector<16xi32>], vector<16xi32>,
    %reduce_max3A = arith.constant true
    %reduce_max3A_17 = vector.broadcast %reduce_max3A : i1 to vector<16xi1>
    %reduce_max3A_18 = arith.constant -2147483648 : i32
    %reduce_max3A_19 = vector.broadcast %reduce_max3A_18 : i32 to vector<16xi32>
    %reduce_max3A_20 = arith.xori %gather3A_16, %reduce_max3A_19 : vector<16xi32>
    %reduce_max3A_21 = tpu.scan <max>, %reduce_max3A_20 masked %reduce_max3A_17 : vector<16xi32>, vector<16xi1> -> vector<16xi32>
    %reduce_max3A_22 = arith.xori %reduce_max3A_21, %reduce_max3A_19 : vector<16xi32>
    %reduce_max3A_23 = vector.extract %reduce_max3A_22[15] : i32 from vector<16xi32>
    %dma_start3A = arith.constant 0 : i32
    %dma_start3A_24 = arith.constant 0 : i32
    %dma_start3A_25 = arith.constant 0 : i32
    %dma_start3A_26 = tpu.memref_slice %arg8[%dma_start3A_24, %dma_start3A_25] : memref<640x64xf32, #tpu.memory_space<vmem>> -> memref<128x64xf32, #tpu.memory_space<vmem>>
    %dma_start3A_27 = arith.constant 0 : i32
    %dma_start3A_28 = tpu.memref_slice %arg7[%dma_start3A, %dma_start3A_27] : memref<50x128xi32, #tpu.memory_space<vmem>> -> memref<1x128xi32, #tpu.memory_space<vmem>>
    %dma_start3A_29 = tpu.memref_squeeze %dma_start3A_28 : memref<1x128xi32, #tpu.memory_space<vmem>> -> memref<128xi32, #tpu.memory_space<vmem>>
    %dma_start3A_30 = arith.constant 0 : i32
    %dma_start3A_31 = arith.constant 0 : i32
    %dma_start3A_32 = tpu.memref_slice %arg3[%dma_start3A_30, %dma_start3A_31] : memref<100000x64xf32, #tpu.memory_space<hbm>> -> memref<100000x64xf32, #tpu.memory_space<hbm>>
    tpu.enqueue_indirect_dma source(%dma_start3A_32 : memref<100000x64xf32, #tpu.memory_space<hbm>>) target(%dma_start3A_26 : memref<128x64xf32, #tpu.memory_space<vmem>>) offsets(%dma_start3A_29 : memref<128xi32, #tpu.memory_space<vmem>>) semaphore(%arg14 : memref<!tpu.dma_semaphore, #tpu.memory_space<semaphore_mem>>)
    %dma_start3A_33 = arith.constant 1 : i32
    %dma_start3A_34 = arith.constant 128 : i32
    %dma_start3A_35 = arith.constant 0 : i32
    %dma_start3A_36 = tpu.memref_slice %arg8[%dma_start3A_34, %dma_start3A_35] : memref<640x64xf32, #tpu.memory_space<vmem>> -> memref<128x64xf32, #tpu.memory_space<vmem>>
    %dma_start3A_37 = arith.constant 0 : i32
    %dma_start3A_38 = tpu.memref_slice %arg7[%dma_start3A_33, %dma_start3A_37] : memref<50x128xi32, #tpu.memory_space<vmem>> -> memref<1x128xi32, #tpu.memory_space<vmem>>
    %dma_start3A_39 = tpu.memref_squeeze %dma_start3A_38 : memref<1x128xi32, #tpu.memory_space<vmem>> -> memref<128xi32, #tpu.memory_space<vmem>>
    %dma_start3A_40 = arith.constant 0 : i32
    %dma_start3A_41 = arith.constant 0 : i32
    %dma_start3A_42 = tpu.memref_slice %arg3[%dma_start3A_40, %dma_start3A_41] : memref<100000x64xf32, #tpu.memory_space<hbm>> -> memref<100000x64xf32, #tpu.memory_space<hbm>>
    tpu.enqueue_indirect_dma source(%dma_start3A_42 : memref<100000x64xf32, #tpu.memory_space<hbm>>) target(%dma_start3A_36 : memref<128x64xf32, #tpu.memory_space<vmem>>) offsets(%dma_start3A_39 : memref<128xi32, #tpu.memory_space<vmem>>) semaphore(%arg14 : memref<!tpu.dma_semaphore, #tpu.memory_space<semaphore_mem>>)
    %dma_start3A_43 = arith.constant 2 : i32
    %dma_start3A_44 = arith.constant 256 : i32
    %dma_start3A_45 = arith.constant 0 : i32
    %dma_start3A_46 = tpu.memref_slice %arg8[%dma_start3A_44, %dma_start3A_45] : memref<640x64xf32, #tpu.memory_space<vmem>> -> memref<128x64xf32, #tpu.memory_space<vmem>>
    %dma_start3A_47 = arith.constant 0 : i32
    %dma_start3A_48 = tpu.memref_slice %arg7[%dma_start3A_43, %dma_start3A_47] : memref<50x128xi32, #tpu.memory_space<vmem>> -> memref<1x128xi32, #tpu.memory_space<vmem>>
    %dma_start3A_49 = tpu.memref_squeeze %dma_start3A_48 : memref<1x128xi32, #tpu.memory_space<vmem>> -> memref<128xi32, #tpu.memory_space<vmem>>
    %dma_start3A_50 = arith.constant 0 : i32
    %dma_start3A_51 = arith.constant 0 : i32
    %dma_start3A_52 = tpu.memref_slice %arg3[%dma_start3A_50, %dma_start3A_51] : memref<100000x64xf32, #tpu.memory_space<hbm>> -> memref<100000x64xf32, #tpu.memory_space<hbm>>
    tpu.enqueue_indirect_dma source(%dma_start3A_52 : memref<100000x64xf32, #tpu.memory_space<hbm>>) target(%dma_start3A_46 : memref<128x64xf32, #tpu.memory_space<vmem>>) offsets(%dma_start3A_49 : memref<128xi32, #tpu.memory_space<vmem>>) semaphore(%arg14 : memref<!tpu.dma_semaphore, #tpu.memory_space<semaphore_mem>>)
    %dma_start3A_53 = arith.constant 3 : i32
    %dma_start3A_54 = arith.constant 384 : i32
    %dma_start3A_55 = arith.constant 0 : i32
    %dma_start3A_56 = tpu.memref_slice %arg8[%dma_start3A_54, %dma_start3A_55] : memref<640x64xf32, #tpu.memory_space<vmem>> -> memref<128x64xf32, #tpu.memory_space<vmem>>
    %dma_start3A_57 = arith.constant 0 : i32
    %dma_start3A_58 = tpu.memref_slice %arg7[%dma_start3A_53, %dma_start3A_57] : memref<50x128xi32, #tpu.memory_space<vmem>> -> memref<1x128xi32, #tpu.memory_space<vmem>>
    %dma_start3A_59 = tpu.memref_squeeze %dma_start3A_58 : memref<1x128xi32, #tpu.memory_space<vmem>> -> memref<128xi32, #tpu.memory_space<vmem>>
    %dma_start3A_60 = arith.constant 0 : i32
    %dma_start3A_61 = arith.constant 0 : i32
    %dma_start3A_62 = tpu.memref_slice %arg3[%dma_start3A_60, %dma_start3A_61] : memref<100000x64xf32, #tpu.memory_space<hbm>> -> memref<100000x64xf32, #tpu.memory_space<hbm>>
    tpu.enqueue_indirect_dma source(%dma_start3A_62 : memref<100000x64xf32, #tpu.memory_space<hbm>>) target(%dma_start3A_56 : memref<128x64xf32, #tpu.memory_space<vmem>>) offsets(%dma_start3A_59 : memref<128xi32, #tpu.memory_space<vmem>>) semaphore(%arg14 : memref<!tpu.dma_semaphore, #tpu.memory_space<semaphore_mem>>)
    %dma_start3A_63 = arith.constant 4 : i32
    %dma_start3A_64 = arith.constant 512 : i32
    %dma_start3A_65 = arith.constant 0 : i32
    %dma_start3A_66 = tpu.memref_slice %arg8[%dma_start3A_64, %dma_start3A_65] : memref<640x64xf32, #tpu.memory_space<vmem>> -> memref<128x64xf32, #tpu.memory_space<vmem>>
    %dma_start3A_67 = arith.constant 0 : i32
    %dma_start3A_68 = tpu.memref_slice %arg7[%dma_start3A_63, %dma_start3A_67] : memref<50x128xi32, #tpu.memory_space<vmem>> -> memref<1x128xi32, #tpu.memory_space<vmem>>
    %dma_start3A_69 = tpu.memref_squeeze %dma_start3A_68 : memref<1x128xi32, #tpu.memory_space<vmem>> -> memref<128xi32, #tpu.memory_space<vmem>>
    %dma_start3A_70 = arith.constant 0 : i32
    %dma_start3A_71 = arith.constant 0 : i32
    %dma_start3A_72 = tpu.memref_slice %arg3[%dma_start3A_70, %dma_start3A_71] : memref<100000x64xf32, #tpu.memory_space<hbm>> -> memref<100000x64xf32, #tpu.memory_space<hbm>>
    tpu.enqueue_indirect_dma source(%dma_start3A_72 : memref<100000x64xf32, #tpu.memory_space<hbm>>) target(%dma_start3A_66 : memref<128x64xf32, #tpu.memory_space<vmem>>) offsets(%dma_start3A_69 : memref<128xi32, #tpu.memory_space<vmem>>) semaphore(%arg14 : memref<!tpu.dma_semaphore, #tpu.memory_space<semaphore_mem>>)
    %dma_start3A_73 = arith.constant 5 : i32
    %dma_start3A_74 = arith.constant 0 : i32
    %dma_start3A_75 = arith.constant 0 : i32
    %dma_start3A_76 = tpu.memref_slice %arg9[%dma_start3A_74, %dma_start3A_75] : memref<640x64xf32, #tpu.memory_space<vmem>> -> memref<128x64xf32, #tpu.memory_space<vmem>>
    %dma_start3A_77 = arith.constant 0 : i32
    %dma_start3A_78 = tpu.memref_slice %arg7[%dma_start3A_73, %dma_start3A_77] : memref<50x128xi32, #tpu.memory_space<vmem>> -> memref<1x128xi32, #tpu.memory_space<vmem>>
    %dma_start3A_79 = tpu.memref_squeeze %dma_start3A_78 : memref<1x128xi32, #tpu.memory_space<vmem>> -> memref<128xi32, #tpu.memory_space<vmem>>
    %dma_start3A_80 = arith.constant 0 : i32
    %dma_start3A_81 = arith.constant 0 : i32
    %dma_start3A_82 = tpu.memref_slice %arg3[%dma_start3A_80, %dma_start3A_81] : memref<100000x64xf32, #tpu.memory_space<hbm>> -> memref<100000x64xf32, #tpu.memory_space<hbm>>
    tpu.enqueue_indirect_dma source(%dma_start3A_82 : memref<100000x64xf32, #tpu.memory_space<hbm>>) target(%dma_start3A_76 : memref<128x64xf32, #tpu.memory_space<vmem>>) offsets(%dma_start3A_79 : memref<128xi32, #tpu.memory_space<vmem>>) semaphore(%arg15 : memref<!tpu.dma_semaphore, #tpu.memory_space<semaphore_mem>>)
    %dma_start3A_83 = arith.constant 6 : i32
    %dma_start3A_84 = arith.constant 128 : i32
    %dma_start3A_85 = arith.constant 0 : i32
    %dma_start3A_86 = tpu.memref_slice %arg9[%dma_start3A_84, %dma_start3A_85] : memref<640x64xf32, #tpu.memory_space<vmem>> -> memref<128x64xf32, #tpu.memory_space<vmem>>
    %dma_start3A_87 = arith.constant 0 : i32
    %dma_start3A_88 = tpu.memref_slice %arg7[%dma_start3A_83, %dma_start3A_87] : memref<50x128xi32, #tpu.memory_space<vmem>> -> memref<1x128xi32, #tpu.memory_space<vmem>>
    %dma_start3A_89 = tpu.memref_squeeze %dma_start3A_88 : memref<1x128xi32, #tpu.memory_space<vmem>> -> memref<128xi32, #tpu.memory_space<vmem>>
    %dma_start3A_90 = arith.constant 0 : i32
    %dma_start3A_91 = arith.constant 0 : i32
    %dma_start3A_92 = tpu.memref_slice %arg3[%dma_start3A_90, %dma_start3A_91] : memref<100000x64xf32, #tpu.memory_space<hbm>> -> memref<100000x64xf32, #tpu.memory_space<hbm>>
    tpu.enqueue_indirect_dma source(%dma_start3A_92 : memref<100000x64xf32, #tpu.memory_space<hbm>>) target(%dma_start3A_86 : memref<128x64xf32, #tpu.memory_space<vmem>>) offsets(%dma_start3A_89 : memref<128xi32, #tpu.memory_space<vmem>>) semaphore(%arg15 : memref<!tpu.dma_semaphore, #tpu.memory_space<semaphore_mem>>)
    %dma_start3A_93 = arith.constant 7 : i32
    %dma_start3A_94 = arith.constant 256 : i32
    %dma_start3A_95 = arith.constant 0 : i32
    %dma_start3A_96 = tpu.memref_slice %arg9[%dma_start3A_94, %dma_start3A_95] : memref<640x64xf32, #tpu.memory_space<vmem>> -> memref<128x64xf32, #tpu.memory_space<vmem>>
    %dma_start3A_97 = arith.constant 0 : i32
    %dma_start3A_98 = tpu.memref_slice %arg7[%dma_start3A_93, %dma_start3A_97] : memref<50x128xi32, #tpu.memory_space<vmem>> -> memref<1x128xi32, #tpu.memory_space<vmem>>
    %dma_start3A_99 = tpu.memref_squeeze %dma_start3A_98 : memref<1x128xi32, #tpu.memory_space<vmem>> -> memref<128xi32, #tpu.memory_space<vmem>>
    %dma_start3A_100 = arith.constant 0 : i32
    %dma_start3A_101 = arith.constant 0 : i32
    %dma_start3A_102 = tpu.memref_slice %arg3[%dma_start3A_100, %dma_start3A_101] : memref<100000x64xf32, #tpu.memory_space<hbm>> -> memref<100000x64xf32, #tpu.memory_space<hbm>>
    tpu.enqueue_indirect_dma source(%dma_start3A_102 : memref<100000x64xf32, #tpu.memory_space<hbm>>) target(%dma_start3A_96 : memref<128x64xf32, #tpu.memory_space<vmem>>) offsets(%dma_start3A_99 : memref<128xi32, #tpu.memory_space<vmem>>) semaphore(%arg15 : memref<!tpu.dma_semaphore, #tpu.memory_space<semaphore_mem>>)
    %dma_start3A_103 = arith.constant 8 : i32
    %dma_start3A_104 = arith.constant 384 : i32
    %dma_start3A_105 = arith.constant 0 : i32
    %dma_start3A_106 = tpu.memref_slice %arg9[%dma_start3A_104, %dma_start3A_105] : memref<640x64xf32, #tpu.memory_space<vmem>> -> memref<128x64xf32, #tpu.memory_space<vmem>>
    %dma_start3A_107 = arith.constant 0 : i32
    %dma_start3A_108 = tpu.memref_slice %arg7[%dma_start3A_103, %dma_start3A_107] : memref<50x128xi32, #tpu.memory_space<vmem>> -> memref<1x128xi32, #tpu.memory_space<vmem>>
    %dma_start3A_109 = tpu.memref_squeeze %dma_start3A_108 : memref<1x128xi32, #tpu.memory_space<vmem>> -> memref<128xi32, #tpu.memory_space<vmem>>
    %dma_start3A_110 = arith.constant 0 : i32
    %dma_start3A_111 = arith.constant 0 : i32
    %dma_start3A_112 = tpu.memref_slice %arg3[%dma_start3A_110, %dma_start3A_111] : memref<100000x64xf32, #tpu.memory_space<hbm>> -> memref<100000x64xf32, #tpu.memory_space<hbm>>
    tpu.enqueue_indirect_dma source(%dma_start3A_112 : memref<100000x64xf32, #tpu.memory_space<hbm>>) target(%dma_start3A_106 : memref<128x64xf32, #tpu.memory_space<vmem>>) offsets(%dma_start3A_109 : memref<128xi32, #tpu.memory_space<vmem>>) semaphore(%arg15 : memref<!tpu.dma_semaphore, #tpu.memory_space<semaphore_mem>>)
    %dma_start3A_113 = arith.constant 9 : i32
    %dma_start3A_114 = arith.constant 512 : i32
    %dma_start3A_115 = arith.constant 0 : i32
    %dma_start3A_116 = tpu.memref_slice %arg9[%dma_start3A_114, %dma_start3A_115] : memref<640x64xf32, #tpu.memory_space<vmem>> -> memref<128x64xf32, #tpu.memory_space<vmem>>
    %dma_start3A_117 = arith.constant 0 : i32
    %dma_start3A_118 = tpu.memref_slice %arg7[%dma_start3A_113, %dma_start3A_117] : memref<50x128xi32, #tpu.memory_space<vmem>> -> memref<1x128xi32, #tpu.memory_space<vmem>>
    %dma_start3A_119 = tpu.memref_squeeze %dma_start3A_118 : memref<1x128xi32, #tpu.memory_space<vmem>> -> memref<128xi32, #tpu.memory_space<vmem>>
    %dma_start3A_120 = arith.constant 0 : i32
    %dma_start3A_121 = arith.constant 0 : i32
    %dma_start3A_122 = tpu.memref_slice %arg3[%dma_start3A_120, %dma_start3A_121] : memref<100000x64xf32, #tpu.memory_space<hbm>> -> memref<100000x64xf32, #tpu.memory_space<hbm>>
    tpu.enqueue_indirect_dma source(%dma_start3A_122 : memref<100000x64xf32, #tpu.memory_space<hbm>>) target(%dma_start3A_116 : memref<128x64xf32, #tpu.memory_space<vmem>>) offsets(%dma_start3A_119 : memref<128xi32, #tpu.memory_space<vmem>>) semaphore(%arg15 : memref<!tpu.dma_semaphore, #tpu.memory_space<semaphore_mem>>)
    %scan3A = arith.constant 0 : i32
    %scan3A_123 = arith.constant 0 : i32
    %scan3A_124 = arith.constant 5 : i32
    %scan3A_125 = arith.addi %scan3A_123, %scan3A_124 : i32
    %scan3A_126 = arith.constant 1 : i32
    scf.for %scan3A_139 = %scan3A_123 to %scan3A_125 step %scan3A_126  : i32 {
      %mul3A_140 = arith.constant 2 : i32
      %mul3A_141 = arith.muli %mul3A_140, %scan3A_139 : i32
      %add3A_142 = arith.constant 0 : i32
      %add3A_143 = arith.addi %mul3A_141, %add3A_142 : i32
      %mul3A_144 = arith.constant 5 : i32
      %mul3A_145 = arith.muli %add3A_143, %mul3A_144 : i32
      %add3A_146 = arith.constant 0 : i32
      %add3A_147 = arith.addi %mul3A_145, %add3A_146 : i32
      %add3A_148 = arith.constant 1 : i32
      %add3A_149 = arith.addi %mul3A_145, %add3A_148 : i32
      %add3A_150 = arith.constant 2 : i32
      %add3A_151 = arith.addi %mul3A_145, %add3A_150 : i32
      %add3A_152 = arith.constant 3 : i32
      %add3A_153 = arith.addi %mul3A_145, %add3A_152 : i32
      %add3A_154 = arith.constant 4 : i32
      %add3A_155 = arith.addi %mul3A_145, %add3A_154 : i32
      %dma_wait3A_156 = arith.constant 0 : i32
      %dma_wait3A_157 = arith.constant 0 : i32
      %dma_wait3A_158 = tpu.memref_slice %arg8[%dma_wait3A_156, %dma_wait3A_157] : memref<640x64xf32, #tpu.memory_space<vmem>> -> memref<128x64xf32, #tpu.memory_space<vmem>>
      %dma_wait3A_159 = arith.constant 0 : i32
      %dma_wait3A_160 = tpu.memref_slice %arg7[%add3A_147, %dma_wait3A_159] : memref<50x128xi32, #tpu.memory_space<vmem>> -> memref<1x128xi32, #tpu.memory_space<vmem>>
      %dma_wait3A_161 = tpu.memref_squeeze %dma_wait3A_160 : memref<1x128xi32, #tpu.memory_space<vmem>> -> memref<128xi32, #tpu.memory_space<vmem>>
      %dma_wait3A_162 = arith.constant 0 : i32
      %dma_wait3A_163 = arith.constant 0 : i32
      %dma_wait3A_164 = tpu.memref_slice %arg3[%dma_wait3A_162, %dma_wait3A_163] : memref<100000x64xf32, #tpu.memory_space<hbm>> -> memref<100000x64xf32, #tpu.memory_space<hbm>>
      tpu.wait_indirect_dma semaphore(%arg14 : memref<!tpu.dma_semaphore, #tpu.memory_space<semaphore_mem>>) src(%dma_wait3A_164 : memref<100000x64xf32, #tpu.memory_space<hbm>>) dst(%dma_wait3A_158 : memref<128x64xf32, #tpu.memory_space<vmem>>)
      %dma_wait3A_165 = arith.constant 128 : i32
      %dma_wait3A_166 = arith.constant 0 : i32
      %dma_wait3A_167 = tpu.memref_slice %arg8[%dma_wait3A_165, %dma_wait3A_166] : memref<640x64xf32, #tpu.memory_space<vmem>> -> memref<128x64xf32, #tpu.memory_space<vmem>>
      %dma_wait3A_168 = arith.constant 0 : i32
      %dma_wait3A_169 = tpu.memref_slice %arg7[%add3A_149, %dma_wait3A_168] : memref<50x128xi32, #tpu.memory_space<vmem>> -> memref<1x128xi32, #tpu.memory_space<vmem>>
      %dma_wait3A_170 = tpu.memref_squeeze %dma_wait3A_169 : memref<1x128xi32, #tpu.memory_space<vmem>> -> memref<128xi32, #tpu.memory_space<vmem>>
      %dma_wait3A_171 = arith.constant 0 : i32
      %dma_wait3A_172 = arith.constant 0 : i32
      %dma_wait3A_173 = tpu.memref_slice %arg3[%dma_wait3A_171, %dma_wait3A_172] : memref<100000x64xf32, #tpu.memory_space<hbm>> -> memref<100000x64xf32, #tpu.memory_space<hbm>>
      tpu.wait_indirect_dma semaphore(%arg14 : memref<!tpu.dma_semaphore, #tpu.memory_space<semaphore_mem>>) src(%dma_wait3A_173 : memref<100000x64xf32, #tpu.memory_space<hbm>>) dst(%dma_wait3A_167 : memref<128x64xf32, #tpu.memory_space<vmem>>)
      %dma_wait3A_174 = arith.constant 256 : i32
      %dma_wait3A_175 = arith.constant 0 : i32
      %dma_wait3A_176 = tpu.memref_slice %arg8[%dma_wait3A_174, %dma_wait3A_175] : memref<640x64xf32, #tpu.memory_space<vmem>> -> memref<128x64xf32, #tpu.memory_space<vmem>>
      %dma_wait3A_177 = arith.constant 0 : i32
      %dma_wait3A_178 = tpu.memref_slice %arg7[%add3A_151, %dma_wait3A_177] : memref<50x128xi32, #tpu.memory_space<vmem>> -> memref<1x128xi32, #tpu.memory_space<vmem>>
      %dma_wait3A_179 = tpu.memref_squeeze %dma_wait3A_178 : memref<1x128xi32, #tpu.memory_space<vmem>> -> memref<128xi32, #tpu.memory_space<vmem>>
      %dma_wait3A_180 = arith.constant 0 : i32
      %dma_wait3A_181 = arith.constant 0 : i32
      %dma_wait3A_182 = tpu.memref_slice %arg3[%dma_wait3A_180, %dma_wait3A_181] : memref<100000x64xf32, #tpu.memory_space<hbm>> -> memref<100000x64xf32, #tpu.memory_space<hbm>>
      tpu.wait_indirect_dma semaphore(%arg14 : memref<!tpu.dma_semaphore, #tpu.memory_space<semaphore_mem>>) src(%dma_wait3A_182 : memref<100000x64xf32, #tpu.memory_space<hbm>>) dst(%dma_wait3A_176 : memref<128x64xf32, #tpu.memory_space<vmem>>)
      %dma_wait3A_183 = arith.constant 384 : i32
      %dma_wait3A_184 = arith.constant 0 : i32
      %dma_wait3A_185 = tpu.memref_slice %arg8[%dma_wait3A_183, %dma_wait3A_184] : memref<640x64xf32, #tpu.memory_space<vmem>> -> memref<128x64xf32, #tpu.memory_space<vmem>>
      %dma_wait3A_186 = arith.constant 0 : i32
      %dma_wait3A_187 = tpu.memref_slice %arg7[%add3A_153, %dma_wait3A_186] : memref<50x128xi32, #tpu.memory_space<vmem>> -> memref<1x128xi32, #tpu.memory_space<vmem>>
      %dma_wait3A_188 = tpu.memref_squeeze %dma_wait3A_187 : memref<1x128xi32, #tpu.memory_space<vmem>> -> memref<128xi32, #tpu.memory_space<vmem>>
      %dma_wait3A_189 = arith.constant 0 : i32
      %dma_wait3A_190 = arith.constant 0 : i32
      %dma_wait3A_191 = tpu.memref_slice %arg3[%dma_wait3A_189, %dma_wait3A_190] : memref<100000x64xf32, #tpu.memory_space<hbm>> -> memref<100000x64xf32, #tpu.memory_space<hbm>>
      tpu.wait_indirect_dma semaphore(%arg14 : memref<!tpu.dma_semaphore, #tpu.memory_space<semaphore_mem>>) src(%dma_wait3A_191 : memref<100000x64xf32, #tpu.memory_space<hbm>>) dst(%dma_wait3A_185 : memref<128x64xf32, #tpu.memory_space<vmem>>)
      %dma_wait3A_192 = arith.constant 512 : i32
      %dma_wait3A_193 = arith.constant 0 : i32
      %dma_wait3A_194 = tpu.memref_slice %arg8[%dma_wait3A_192, %dma_wait3A_193] : memref<640x64xf32, #tpu.memory_space<vmem>> -> memref<128x64xf32, #tpu.memory_space<vmem>>
      %dma_wait3A_195 = arith.constant 0 : i32
      %dma_wait3A_196 = tpu.memref_slice %arg7[%add3A_155, %dma_wait3A_195] : memref<50x128xi32, #tpu.memory_space<vmem>> -> memref<1x128xi32, #tpu.memory_space<vmem>>
      %dma_wait3A_197 = tpu.memref_squeeze %dma_wait3A_196 : memref<1x128xi32, #tpu.memory_space<vmem>> -> memref<128xi32, #tpu.memory_space<vmem>>
      %dma_wait3A_198 = arith.constant 0 : i32
      %dma_wait3A_199 = arith.constant 0 : i32
      %dma_wait3A_200 = tpu.memref_slice %arg3[%dma_wait3A_198, %dma_wait3A_199] : memref<100000x64xf32, #tpu.memory_space<hbm>> -> memref<100000x64xf32, #tpu.memory_space<hbm>>
      tpu.wait_indirect_dma semaphore(%arg14 : memref<!tpu.dma_semaphore, #tpu.memory_space<semaphore_mem>>) src(%dma_wait3A_200 : memref<100000x64xf32, #tpu.memory_space<hbm>>) dst(%dma_wait3A_194 : memref<128x64xf32, #tpu.memory_space<vmem>>)
      %mul3A_201 = arith.constant 5 : i32
      %mul3A_202 = arith.muli %add3A_143, %mul3A_201 : i32
      %add3A_203 = arith.constant 0 : i32
      %add3A_204 = arith.addi %mul3A_202, %add3A_203 : i32
      %broadcast_in_dim3A_205 = arith.constant 2147483647 : i32
      %broadcast_in_dim3A_206 = vector.broadcast %broadcast_in_dim3A_205 : i32 to vector<16xi32>
      %broadcast_in_dim3A_207 = arith.constant -2147483648 : i32
      %broadcast_in_dim3A_208 = vector.broadcast %broadcast_in_dim3A_207 : i32 to vector<16xi32>
      %get3A = arith.constant 0 : i32
      %get3A_209 = tpu.memref_slice %arg7[%add3A_204, %get3A] : memref<50x128xi32, #tpu.memory_space<vmem>> -> memref<1x128xi32, #tpu.memory_space<vmem>>
      %get3A_210 = tpu.memref_squeeze %get3A_209 : memref<1x128xi32, #tpu.memory_space<vmem>> -> memref<128xi32, #tpu.memory_space<vmem>>
      %get3A_211 = arith.constant 0 : index
      %get3A_212 = tpu.vector_load %get3A_210[%get3A_211] {strides = array<i32>} : memref<128xi32, #tpu.memory_space<vmem>>, vector<16xi32>,
      %min3A = arith.minsi %broadcast_in_dim3A_206, %get3A_212 : vector<16xi32>
      %max3A = arith.maxsi %broadcast_in_dim3A_208, %get3A_212 : vector<16xi32>
      %get3A_213 = arith.constant 0 : i32
      %get3A_214 = tpu.memref_slice %arg7[%add3A_204, %get3A_213] : memref<50x128xi32, #tpu.memory_space<vmem>> -> memref<1x128xi32, #tpu.memory_space<vmem>>
      %get3A_215 = tpu.memref_squeeze %get3A_214 : memref<1x128xi32, #tpu.memory_space<vmem>> -> memref<128xi32, #tpu.memory_space<vmem>>
      %get3A_216 = arith.constant 16 : index
      %get3A_217 = tpu.vector_load %get3A_215[%get3A_216] {strides = array<i32>} : memref<128xi32, #tpu.memory_space<vmem>>, vector<16xi32>,
      %min3A_218 = arith.minsi %min3A, %get3A_217 : vector<16xi32>
      %max3A_219 = arith.maxsi %max3A, %get3A_217 : vector<16xi32>
      %get3A_220 = arith.constant 0 : i32
      %get3A_221 = tpu.memref_slice %arg7[%add3A_204, %get3A_220] : memref<50x128xi32, #tpu.memory_space<vmem>> -> memref<1x128xi32, #tpu.memory_space<vmem>>
      %get3A_222 = tpu.memref_squeeze %get3A_221 : memref<1x128xi32, #tpu.memory_space<vmem>> -> memref<128xi32, #tpu.memory_space<vmem>>
      %get3A_223 = arith.constant 32 : index
      %get3A_224 = tpu.vector_load %get3A_222[%get3A_223] {strides = array<i32>} : memref<128xi32, #tpu.memory_space<vmem>>, vector<16xi32>,
      %min3A_225 = arith.minsi %min3A_218, %get3A_224 : vector<16xi32>
      %max3A_226 = arith.maxsi %max3A_219, %get3A_224 : vector<16xi32>
      %get3A_227 = arith.constant 0 : i32
      %get3A_228 = tpu.memref_slice %arg7[%add3A_204, %get3A_227] : memref<50x128xi32, #tpu.memory_space<vmem>> -> memref<1x128xi32, #tpu.memory_space<vmem>>
      %get3A_229 = tpu.memref_squeeze %get3A_228 : memref<1x128xi32, #tpu.memory_space<vmem>> -> memref<128xi32, #tpu.memory_space<vmem>>
      %get3A_230 = arith.constant 48 : index
      %get3A_231 = tpu.vector_load %get3A_229[%get3A_230] {strides = array<i32>} : memref<128xi32, #tpu.memory_space<vmem>>, vector<16xi32>,
      %min3A_232 = arith.minsi %min3A_225, %get3A_231 : vector<16xi32>
      %max3A_233 = arith.maxsi %max3A_226, %get3A_231 : vector<16xi32>
      %get3A_234 = arith.constant 0 : i32
      %get3A_235 = tpu.memref_slice %arg7[%add3A_204, %get3A_234] : memref<50x128xi32, #tpu.memory_space<vmem>> -> memref<1x128xi32, #tpu.memory_space<vmem>>
      %get3A_236 = tpu.memref_squeeze %get3A_235 : memref<1x128xi32, #tpu.memory_space<vmem>> -> memref<128xi32, #tpu.memory_space<vmem>>
      %get3A_237 = arith.constant 64 : index
      %get3A_238 = tpu.vector_load %get3A_236[%get3A_237] {strides = array<i32>} : memref<128xi32, #tpu.memory_space<vmem>>, vector<16xi32>,
      %min3A_239 = arith.minsi %min3A_232, %get3A_238 : vector<16xi32>
      %max3A_240 = arith.maxsi %max3A_233, %get3A_238 : vector<16xi32>
      %get3A_241 = arith.constant 0 : i32
      %get3A_242 = tpu.memref_slice %arg7[%add3A_204, %get3A_241] : memref<50x128xi32, #tpu.memory_space<vmem>> -> memref<1x128xi32, #tpu.memory_space<vmem>>
      %get3A_243 = tpu.memref_squeeze %get3A_242 : memref<1x128xi32, #tpu.memory_space<vmem>> -> memref<128xi32, #tpu.memory_space<vmem>>
      %get3A_244 = arith.constant 80 : index
      %get3A_245 = tpu.vector_load %get3A_243[%get3A_244] {strides = array<i32>} : memref<128xi32, #tpu.memory_space<vmem>>, vector<16xi32>,
      %min3A_246 = arith.minsi %min3A_239, %get3A_245 : vector<16xi32>
      %max3A_247 = arith.maxsi %max3A_240, %get3A_245 : vector<16xi32>
      %get3A_248 = arith.constant 0 : i32
      %get3A_249 = tpu.memref_slice %arg7[%add3A_204, %get3A_248] : memref<50x128xi32, #tpu.memory_space<vmem>> -> memref<1x128xi32, #tpu.memory_space<vmem>>
      %get3A_250 = tpu.memref_squeeze %get3A_249 : memref<1x128xi32, #tpu.memory_space<vmem>> -> memref<128xi32, #tpu.memory_space<vmem>>
      %get3A_251 = arith.constant 96 : index
      %get3A_252 = tpu.vector_load %get3A_250[%get3A_251] {strides = array<i32>} : memref<128xi32, #tpu.memory_space<vmem>>, vector<16xi32>,
      %min3A_253 = arith.minsi %min3A_246, %get3A_252 : vector<16xi32>
      %max3A_254 = arith.maxsi %max3A_247, %get3A_252 : vector<16xi32>
      %get3A_255 = arith.constant 0 : i32
      %get3A_256 = tpu.memref_slice %arg7[%add3A_204, %get3A_255] : memref<50x128xi32, #tpu.memory_space<vmem>> -> memref<1x128xi32, #tpu.memory_space<vmem>>
      %get3A_257 = tpu.memref_squeeze %get3A_256 : memref<1x128xi32, #tpu.memory_space<vmem>> -> memref<128xi32, #tpu.memory_space<vmem>>
      %get3A_258 = arith.constant 112 : index
      %get3A_259 = tpu.vector_load %get3A_257[%get3A_258] {strides = array<i32>} : memref<128xi32, #tpu.memory_space<vmem>>, vector<16xi32>,
      %min3A_260 = arith.minsi %min3A_253, %get3A_259 : vector<16xi32>
      %max3A_261 = arith.maxsi %max3A_254, %get3A_259 : vector<16xi32>
      %reduce_min3A_262 = arith.constant true
      %reduce_min3A_263 = vector.broadcast %reduce_min3A_262 : i1 to vector<16xi1>
      %reduce_min3A_264 = arith.constant -2147483648 : i32
      %reduce_min3A_265 = vector.broadcast %reduce_min3A_264 : i32 to vector<16xi32>
      %reduce_min3A_266 = arith.xori %min3A_260, %reduce_min3A_265 : vector<16xi32>
      %reduce_min3A_267 = tpu.scan <min>, %reduce_min3A_266 masked %reduce_min3A_263 : vector<16xi32>, vector<16xi1> -> vector<16xi32>
      %reduce_min3A_268 = arith.xori %reduce_min3A_267, %reduce_min3A_265 : vector<16xi32>
      %reduce_min3A_269 = vector.extract %reduce_min3A_268[15] : i32 from vector<16xi32>
      %le3A = arith.cmpi sle, %reduce_min3A_269, %reduce_max3A_23 : i32
      %reduce_max3A_270 = arith.constant true
      %reduce_max3A_271 = vector.broadcast %reduce_max3A_270 : i1 to vector<16xi1>
      %reduce_max3A_272 = arith.constant -2147483648 : i32
      %reduce_max3A_273 = vector.broadcast %reduce_max3A_272 : i32 to vector<16xi32>
      %reduce_max3A_274 = arith.xori %max3A_261, %reduce_max3A_273 : vector<16xi32>
      %reduce_max3A_275 = tpu.scan <max>, %reduce_max3A_274 masked %reduce_max3A_271 : vector<16xi32>, vector<16xi1> -> vector<16xi32>
      %reduce_max3A_276 = arith.xori %reduce_max3A_275, %reduce_max3A_273 : vector<16xi32>
      %reduce_max3A_277 = vector.extract %reduce_max3A_276[15] : i32 from vector<16xi32>
      %ge3A = arith.cmpi sge, %reduce_max3A_277, %reduce_min3A_12 : i32
      %and3A = arith.andi %le3A, %ge3A : i1
      %convert_element_type3A = arith.extui %and3A : i1 to i32
      %cond3A = arith.constant 0 : i32
      %cond3A_278 = arith.cmpi ne, %convert_element_type3A, %cond3A : i32
      scf.if %cond3A_278 {
        %scan3A_1125 = arith.constant 0 : i32
        %scan3A_1126 = arith.constant 0 : i32
        %scan3A_1127 = arith.constant 8 : i32
        %scan3A_1128 = arith.addi %scan3A_1126, %scan3A_1127 : i32
        %scan3A_1129 = arith.constant 1 : i32
        scf.for %scan3A_1131 = %scan3A_1126 to %scan3A_1128 step %scan3A_1129  : i32 {
          %mul3A_1132 = arith.constant 16 : i32
          %mul3A_1133 = arith.muli %scan3A_1131, %mul3A_1132 : i32
          %get3A_1134 = arith.constant 0 : i32
          %get3A_1135 = tpu.memref_slice %arg7[%add3A_204, %get3A_1134] : memref<50x128xi32, #tpu.memory_space<vmem>> -> memref<1x128xi32, #tpu.memory_space<vmem>>
          %get3A_1136 = tpu.memref_squeeze %get3A_1135 : memref<1x128xi32, #tpu.memory_space<vmem>> -> memref<128xi32, #tpu.memory_space<vmem>>
          %get3A_1137 = arith.index_cast %mul3A_1133 : i32 to index
          %get3A_1138 = tpu.vector_load %get3A_1136[%get3A_1137] {strides = array<i32>} : memref<128xi32, #tpu.memory_space<vmem>>, vector<16xi32>,
          %add3A_1139 = arith.constant 64 : i32
          %add3A_1140 = vector.broadcast %add3A_1139 : i32 to vector<16xi32>
          %add3A_1141 = arith.addi %broadcast_in_dim3A_5, %add3A_1140 : vector<16xi32>
          %sub3A = arith.constant 1 : i32
          %sub3A_1142 = vector.broadcast %sub3A : i32 to vector<16xi32>
          %sub3A_1143 = arith.subi %add3A_1141, %sub3A_1142 : vector<16xi32>
          %gather3A_1144 = tpu.vector_load_idx %arg10[%sub3A_1143] : memref<128xi32, #tpu.memory_space<vmem>>[vector<16xi32>], vector<16xi32>,
          %lt3A_1145 = arith.cmpi slt, %gather3A_1144, %get3A_1138 : vector<16xi32>
          %select_n3A = arith.select %lt3A_1145, %add3A_1141, %broadcast_in_dim3A_5 : vector<16xi1>, vector<16xi32>
          %add3A_1146 = arith.constant 32 : i32
          %add3A_1147 = vector.broadcast %add3A_1146 : i32 to vector<16xi32>
          %add3A_1148 = arith.addi %select_n3A, %add3A_1147 : vector<16xi32>
          %sub3A_1149 = arith.constant 1 : i32
          %sub3A_1150 = vector.broadcast %sub3A_1149 : i32 to vector<16xi32>
          %sub3A_1151 = arith.subi %add3A_1148, %sub3A_1150 : vector<16xi32>
          %gather3A_1152 = tpu.vector_load_idx %arg10[%sub3A_1151] : memref<128xi32, #tpu.memory_space<vmem>>[vector<16xi32>], vector<16xi32>,
          %lt3A_1153 = arith.cmpi slt, %gather3A_1152, %get3A_1138 : vector<16xi32>
          %select_n3A_1154 = arith.select %lt3A_1153, %add3A_1148, %select_n3A : vector<16xi1>, vector<16xi32>
          %add3A_1155 = arith.constant 16 : i32
          %add3A_1156 = vector.broadcast %add3A_1155 : i32 to vector<16xi32>
          %add3A_1157 = arith.addi %select_n3A_1154, %add3A_1156 : vector<16xi32>
          %sub3A_1158 = arith.constant 1 : i32
          %sub3A_1159 = vector.broadcast %sub3A_1158 : i32 to vector<16xi32>
          %sub3A_1160 = arith.subi %add3A_1157, %sub3A_1159 : vector<16xi32>
          %gather3A_1161 = tpu.vector_load_idx %arg10[%sub3A_1160] : memref<128xi32, #tpu.memory_space<vmem>>[vector<16xi32>], vector<16xi32>,
          %lt3A_1162 = arith.cmpi slt, %gather3A_1161, %get3A_1138 : vector<16xi32>
          %select_n3A_1163 = arith.select %lt3A_1162, %add3A_1157, %select_n3A_1154 : vector<16xi1>, vector<16xi32>
          %add3A_1164 = arith.constant 8 : i32
          %add3A_1165 = vector.broadcast %add3A_1164 : i32 to vector<16xi32>
          %add3A_1166 = arith.addi %select_n3A_1163, %add3A_1165 : vector<16xi32>
          %sub3A_1167 = arith.constant 1 : i32
          %sub3A_1168 = vector.broadcast %sub3A_1167 : i32 to vector<16xi32>
          %sub3A_1169 = arith.subi %add3A_1166, %sub3A_1168 : vector<16xi32>
          %gather3A_1170 = tpu.vector_load_idx %arg10[%sub3A_1169] : memref<128xi32, #tpu.memory_space<vmem>>[vector<16xi32>], vector<16xi32>,
          %lt3A_1171 = arith.cmpi slt, %gather3A_1170, %get3A_1138 : vector<16xi32>
          %select_n3A_1172 = arith.select %lt3A_1171, %add3A_1166, %select_n3A_1163 : vector<16xi1>, vector<16xi32>
          %add3A_1173 = arith.constant 4 : i32
          %add3A_1174 = vector.broadcast %add3A_1173 : i32 to vector<16xi32>
          %add3A_1175 = arith.addi %select_n3A_1172, %add3A_1174 : vector<16xi32>
          %sub3A_1176 = arith.constant 1 : i32
          %sub3A_1177 = vector.broadcast %sub3A_1176 : i32 to vector<16xi32>
          %sub3A_1178 = arith.subi %add3A_1175, %sub3A_1177 : vector<16xi32>
          %gather3A_1179 = tpu.vector_load_idx %arg10[%sub3A_1178] : memref<128xi32, #tpu.memory_space<vmem>>[vector<16xi32>], vector<16xi32>,
          %lt3A_1180 = arith.cmpi slt, %gather3A_1179, %get3A_1138 : vector<16xi32>
          %select_n3A_1181 = arith.select %lt3A_1180, %add3A_1175, %select_n3A_1172 : vector<16xi1>, vector<16xi32>
          %add3A_1182 = arith.constant 2 : i32
          %add3A_1183 = vector.broadcast %add3A_1182 : i32 to vector<16xi32>
          %add3A_1184 = arith.addi %select_n3A_1181, %add3A_1183 : vector<16xi32>
          %sub3A_1185 = arith.constant 1 : i32
          %sub3A_1186 = vector.broadcast %sub3A_1185 : i32 to vector<16xi32>
          %sub3A_1187 = arith.subi %add3A_1184, %sub3A_1186 : vector<16xi32>
          %gather3A_1188 = tpu.vector_load_idx %arg10[%sub3A_1187] : memref<128xi32, #tpu.memory_space<vmem>>[vector<16xi32>], vector<16xi32>,
          %lt3A_1189 = arith.cmpi slt, %gather3A_1188, %get3A_1138 : vector<16xi32>
          %select_n3A_1190 = arith.select %lt3A_1189, %add3A_1184, %select_n3A_1181 : vector<16xi1>, vector<16xi32>
          %add3A_1191 = arith.constant 1 : i32
          %add3A_1192 = vector.broadcast %add3A_1191 : i32 to vector<16xi32>
          %add3A_1193 = arith.addi %select_n3A_1190, %add3A_1192 : vector<16xi32>
          %sub3A_1194 = arith.constant 1 : i32
          %sub3A_1195 = vector.broadcast %sub3A_1194 : i32 to vector<16xi32>
          %sub3A_1196 = arith.subi %add3A_1193, %sub3A_1195 : vector<16xi32>
          %gather3A_1197 = tpu.vector_load_idx %arg10[%sub3A_1196] : memref<128xi32, #tpu.memory_space<vmem>>[vector<16xi32>], vector<16xi32>,
          %lt3A_1198 = arith.cmpi slt, %gather3A_1197, %get3A_1138 : vector<16xi32>
          %select_n3A_1199 = arith.select %lt3A_1198, %add3A_1193, %select_n3A_1190 : vector<16xi1>, vector<16xi32>
          %min3A_1200 = arith.constant 127 : i32
          %min3A_1201 = vector.broadcast %min3A_1200 : i32 to vector<16xi32>
          %min3A_1202 = arith.minsi %select_n3A_1199, %min3A_1201 : vector<16xi32>
          %gather3A_1203 = tpu.vector_load_idx %arg10[%min3A_1202] : memref<128xi32, #tpu.memory_space<vmem>>[vector<16xi32>], vector<16xi32>,
          %eq3A = arith.cmpi eq, %gather3A_1203, %get3A_1138 : vector<16xi32>
          %lt3A_1204 = arith.constant 128 : i32
          %lt3A_1205 = vector.broadcast %lt3A_1204 : i32 to vector<16xi32>
          %lt3A_1206 = arith.cmpi slt, %select_n3A_1199, %lt3A_1205 : vector<16xi32>
          %and3A_1207 = arith.andi %eq3A, %lt3A_1206 : vector<16xi1>
          %convert_element_type3A_1208 = arith.extui %and3A_1207 : vector<16xi1> to vector<16xi32>
          %reduce_sum3A = arith.constant true
          %reduce_sum3A_1209 = vector.broadcast %reduce_sum3A : i1 to vector<16xi1>
          %reduce_sum3A_1210 = tpu.scan <sum>, %convert_element_type3A_1208 masked %reduce_sum3A_1209 : vector<16xi32>, vector<16xi1> -> vector<16xi32>
          %reduce_sum3A_1211 = vector.extract %reduce_sum3A_1210[15] : i32 from vector<16xi32>
          %gt3A = arith.constant 0 : i32
          %gt3A_1212 = arith.cmpi sgt, %reduce_sum3A_1211, %gt3A : i32
          %convert_element_type3A_1213 = arith.extui %gt3A_1212 : i1 to i32
          %cond3A_1214 = arith.constant 0 : i32
          %cond3A_1215 = arith.cmpi ne, %convert_element_type3A_1213, %cond3A_1214 : i32
          scf.if %cond3A_1215 {
            %mul3A_1216 = arith.constant 16 : i32
            %mul3A_1217 = arith.muli %scan3A_1131, %mul3A_1216 : i32
            %add3A_1218 = arith.constant 0 : i32
            %add3A_1219 = arith.addi %add3A_1218, %mul3A_1217 : i32
            %add3A_1220 = vector.broadcast %add3A_1219 : i32 to vector<16xi32>
            %add3A_1221 = arith.addi %add3A_1220, %iota3A : vector<16xi32>
            %swap3A = arith.constant 0 : index
            %swap3A_1222 = tpu.vector_load %arg12[%swap3A] masked %and3A_1207 {strides = array<i32>} : memref<16xi32, #tpu.memory_space<vmem>>, vector<16xi32>, vector<16xi1>
            tpu.vector_store %arg12[%swap3A], %add3A_1221 masked %and3A_1207 {strides = array<i32>} : memref<16xi32, #tpu.memory_space<vmem>>, vector<16xi32>, vector<16xi1>
            %swap3A_1223 = arith.constant 0 : index
            %swap3A_1224 = tpu.vector_load %arg13[%swap3A_1223] masked %and3A_1207 {strides = array<i32>} : memref<16xi32, #tpu.memory_space<vmem>>, vector<16xi32>, vector<16xi1>
            tpu.vector_store %arg13[%swap3A_1223], %select_n3A_1199 masked %and3A_1207 {strides = array<i32>} : memref<16xi32, #tpu.memory_space<vmem>>, vector<16xi32>, vector<16xi1>
            %while3A = arith.constant 0 : i32
            %while3A_1225 = arith.constant 0 : i32
            %while3A_1226 = arith.subi %reduce_sum3A_1211, %while3A_1225 : i32
            %while3A_1227 = arith.addi %while3A_1225, %while3A_1226 : i32
            %while3A_1228 = arith.constant 1 : i32
            %while3A_1229 = arith.divsi %while3A_1226, %while3A_1228 : i32
            %while3A_1230 = arith.muli %while3A_1229, %while3A_1228 : i32
            %while3A_1231 = arith.addi %while3A_1225, %while3A_1230 : i32
            %while3A_1232 = arith.constant 1 : i32
            scf.for %while3A_1234 = %while3A_1225 to %while3A_1231 step %while3A_1232  : i32 {
              %broadcast_in_dim3A_1235 = vector.broadcast %while3A_1234 : i32 to vector<16xi32>
              %gather3A_1236 = tpu.vector_load_idx %arg12[%broadcast_in_dim3A_1235] : memref<16xi32, #tpu.memory_space<vmem>>[vector<16xi32>], vector<16xi32>,
              %gather3A_1237 = tpu.vector_load_idx %arg13[%broadcast_in_dim3A_1235] : memref<16xi32, #tpu.memory_space<vmem>>[vector<16xi32>], vector<16xi32>,
              %add3A_1238 = arith.constant 0 : i32
              %add3A_1239 = vector.broadcast %add3A_1238 : i32 to vector<16xi32>
              %add3A_1240 = arith.addi %iota3A, %add3A_1239 : vector<16xi32>
              %gather3A_1241 = tpu.vector_load_idx %arg11[%gather3A_1237, %add3A_1240] : memref<128x64xf32, #tpu.memory_space<vmem>>[vector<16xi32>, vector<16xi32>], vector<16xf32>,
              tpu.vector_store_idx %arg8[%gather3A_1236, %add3A_1240], %gather3A_1241 : memref<640x64xf32, #tpu.memory_space<vmem>>[vector<16xi32>, vector<16xi32>], vector<16xf32>,
              %add3A_1242 = arith.constant 16 : i32
              %add3A_1243 = vector.broadcast %add3A_1242 : i32 to vector<16xi32>
              %add3A_1244 = arith.addi %iota3A, %add3A_1243 : vector<16xi32>
              %gather3A_1245 = tpu.vector_load_idx %arg11[%gather3A_1237, %add3A_1244] : memref<128x64xf32, #tpu.memory_space<vmem>>[vector<16xi32>, vector<16xi32>], vector<16xf32>,
              tpu.vector_store_idx %arg8[%gather3A_1236, %add3A_1244], %gather3A_1245 : memref<640x64xf32, #tpu.memory_space<vmem>>[vector<16xi32>, vector<16xi32>], vector<16xf32>,
              %add3A_1246 = arith.constant 32 : i32
              %add3A_1247 = vector.broadcast %add3A_1246 : i32 to vector<16xi32>
              %add3A_1248 = arith.addi %iota3A, %add3A_1247 : vector<16xi32>
              %gather3A_1249 = tpu.vector_load_idx %arg11[%gather3A_1237, %add3A_1248] : memref<128x64xf32, #tpu.memory_space<vmem>>[vector<16xi32>, vector<16xi32>], vector<16xf32>,
              tpu.vector_store_idx %arg8[%gather3A_1236, %add3A_1248], %gather3A_1249 : memref<640x64xf32, #tpu.memory_space<vmem>>[vector<16xi32>, vector<16xi32>], vector<16xf32>,
              %add3A_1250 = arith.constant 48 : i32
              %add3A_1251 = vector.broadcast %add3A_1250 : i32 to vector<16xi32>
              %add3A_1252 = arith.addi %iota3A, %add3A_1251 : vector<16xi32>
              %gather3A_1253 = tpu.vector_load_idx %arg11[%gather3A_1237, %add3A_1252] : memref<128x64xf32, #tpu.memory_space<vmem>>[vector<16xi32>, vector<16xi32>], vector<16xf32>,
              tpu.vector_store_idx %arg8[%gather3A_1236, %add3A_1252], %gather3A_1253 : memref<640x64xf32, #tpu.memory_space<vmem>>[vector<16xi32>, vector<16xi32>], vector<16xf32>,
            }
            %while3A_1233 = arith.constant 1 : i32
            scf.for %while3A_1234 = %while3A_1231 to %while3A_1227 step %while3A_1233  : i32 {
              %broadcast_in_dim3A_1235 = vector.broadcast %while3A_1234 : i32 to vector<16xi32>
              %gather3A_1236 = tpu.vector_load_idx %arg12[%broadcast_in_dim3A_1235] : memref<16xi32, #tpu.memory_space<vmem>>[vector<16xi32>], vector<16xi32>,
              %gather3A_1237 = tpu.vector_load_idx %arg13[%broadcast_in_dim3A_1235] : memref<16xi32, #tpu.memory_space<vmem>>[vector<16xi32>], vector<16xi32>,
              %add3A_1238 = arith.constant 0 : i32
              %add3A_1239 = vector.broadcast %add3A_1238 : i32 to vector<16xi32>
              %add3A_1240 = arith.addi %iota3A, %add3A_1239 : vector<16xi32>
              %gather3A_1241 = tpu.vector_load_idx %arg11[%gather3A_1237, %add3A_1240] : memref<128x64xf32, #tpu.memory_space<vmem>>[vector<16xi32>, vector<16xi32>], vector<16xf32>,
              tpu.vector_store_idx %arg8[%gather3A_1236, %add3A_1240], %gather3A_1241 : memref<640x64xf32, #tpu.memory_space<vmem>>[vector<16xi32>, vector<16xi32>], vector<16xf32>,
              %add3A_1242 = arith.constant 16 : i32
              %add3A_1243 = vector.broadcast %add3A_1242 : i32 to vector<16xi32>
              %add3A_1244 = arith.addi %iota3A, %add3A_1243 : vector<16xi32>
              %gather3A_1245 = tpu.vector_load_idx %arg11[%gather3A_1237, %add3A_1244] : memref<128x64xf32, #tpu.memory_space<vmem>>[vector<16xi32>, vector<16xi32>], vector<16xf32>,
              tpu.vector_store_idx %arg8[%gather3A_1236, %add3A_1244], %gather3A_1245 : memref<640x64xf32, #tpu.memory_space<vmem>>[vector<16xi32>, vector<16xi32>], vector<16xf32>,
              %add3A_1246 = arith.constant 32 : i32
              %add3A_1247 = vector.broadcast %add3A_1246 : i32 to vector<16xi32>
              %add3A_1248 = arith.addi %iota3A, %add3A_1247 : vector<16xi32>
              %gather3A_1249 = tpu.vector_load_idx %arg11[%gather3A_1237, %add3A_1248] : memref<128x64xf32, #tpu.memory_space<vmem>>[vector<16xi32>, vector<16xi32>], vector<16xf32>,
              tpu.vector_store_idx %arg8[%gather3A_1236, %add3A_1248], %gather3A_1249 : memref<640x64xf32, #tpu.memory_space<vmem>>[vector<16xi32>, vector<16xi32>], vector<16xf32>,
              %add3A_1250 = arith.constant 48 : i32
              %add3A_1251 = vector.broadcast %add3A_1250 : i32 to vector<16xi32>
              %add3A_1252 = arith.addi %iota3A, %add3A_1251 : vector<16xi32>
              %gather3A_1253 = tpu.vector_load_idx %arg11[%gather3A_1237, %add3A_1252] : memref<128x64xf32, #tpu.memory_space<vmem>>[vector<16xi32>, vector<16xi32>], vector<16xf32>,
              tpu.vector_store_idx %arg8[%gather3A_1236, %add3A_1252], %gather3A_1253 : memref<640x64xf32, #tpu.memory_space<vmem>>[vector<16xi32>, vector<16xi32>], vector<16xf32>,
            }
          } else {
          }
        }
        %scan3A_1130 = arith.constant 8 : i32
      } else {
      }
      %add3A_279 = arith.constant 1 : i32
      %add3A_280 = arith.addi %mul3A_202, %add3A_279 : i32
      %broadcast_in_dim3A_281 = arith.constant 2147483647 : i32
      %broadcast_in_dim3A_282 = vector.broadcast %broadcast_in_dim3A_281 : i32 to vector<16xi32>
      %broadcast_in_dim3A_283 = arith.constant -2147483648 : i32
      %broadcast_in_dim3A_284 = vector.broadcast %broadcast_in_dim3A_283 : i32 to vector<16xi32>
      %get3A_285 = arith.constant 0 : i32
      %get3A_286 = tpu.memref_slice %arg7[%add3A_280, %get3A_285] : memref<50x128xi32, #tpu.memory_space<vmem>> -> memref<1x128xi32, #tpu.memory_space<vmem>>
      %get3A_287 = tpu.memref_squeeze %get3A_286 : memref<1x128xi32, #tpu.memory_space<vmem>> -> memref<128xi32, #tpu.memory_space<vmem>>
      %get3A_288 = arith.constant 0 : index
      %get3A_289 = tpu.vector_load %get3A_287[%get3A_288] {strides = array<i32>} : memref<128xi32, #tpu.memory_space<vmem>>, vector<16xi32>,
      %min3A_290 = arith.minsi %broadcast_in_dim3A_282, %get3A_289 : vector<16xi32>
      %max3A_291 = arith.maxsi %broadcast_in_dim3A_284, %get3A_289 : vector<16xi32>
      %get3A_292 = arith.constant 0 : i32
      %get3A_293 = tpu.memref_slice %arg7[%add3A_280, %get3A_292] : memref<50x128xi32, #tpu.memory_space<vmem>> -> memref<1x128xi32, #tpu.memory_space<vmem>>
      %get3A_294 = tpu.memref_squeeze %get3A_293 : memref<1x128xi32, #tpu.memory_space<vmem>> -> memref<128xi32, #tpu.memory_space<vmem>>
      %get3A_295 = arith.constant 16 : index
      %get3A_296 = tpu.vector_load %get3A_294[%get3A_295] {strides = array<i32>} : memref<128xi32, #tpu.memory_space<vmem>>, vector<16xi32>,
      %min3A_297 = arith.minsi %min3A_290, %get3A_296 : vector<16xi32>
      %max3A_298 = arith.maxsi %max3A_291, %get3A_296 : vector<16xi32>
      %get3A_299 = arith.constant 0 : i32
      %get3A_300 = tpu.memref_slice %arg7[%add3A_280, %get3A_299] : memref<50x128xi32, #tpu.memory_space<vmem>> -> memref<1x128xi32, #tpu.memory_space<vmem>>
      %get3A_301 = tpu.memref_squeeze %get3A_300 : memref<1x128xi32, #tpu.memory_space<vmem>> -> memref<128xi32, #tpu.memory_space<vmem>>
      %get3A_302 = arith.constant 32 : index
      %get3A_303 = tpu.vector_load %get3A_301[%get3A_302] {strides = array<i32>} : memref<128xi32, #tpu.memory_space<vmem>>, vector<16xi32>,
      %min3A_304 = arith.minsi %min3A_297, %get3A_303 : vector<16xi32>
      %max3A_305 = arith.maxsi %max3A_298, %get3A_303 : vector<16xi32>
      %get3A_306 = arith.constant 0 : i32
      %get3A_307 = tpu.memref_slice %arg7[%add3A_280, %get3A_306] : memref<50x128xi32, #tpu.memory_space<vmem>> -> memref<1x128xi32, #tpu.memory_space<vmem>>
      %get3A_308 = tpu.memref_squeeze %get3A_307 : memref<1x128xi32, #tpu.memory_space<vmem>> -> memref<128xi32, #tpu.memory_space<vmem>>
      %get3A_309 = arith.constant 48 : index
      %get3A_310 = tpu.vector_load %get3A_308[%get3A_309] {strides = array<i32>} : memref<128xi32, #tpu.memory_space<vmem>>, vector<16xi32>,
      %min3A_311 = arith.minsi %min3A_304, %get3A_310 : vector<16xi32>
      %max3A_312 = arith.maxsi %max3A_305, %get3A_310 : vector<16xi32>
      %get3A_313 = arith.constant 0 : i32
      %get3A_314 = tpu.memref_slice %arg7[%add3A_280, %get3A_313] : memref<50x128xi32, #tpu.memory_space<vmem>> -> memref<1x128xi32, #tpu.memory_space<vmem>>
      %get3A_315 = tpu.memref_squeeze %get3A_314 : memref<1x128xi32, #tpu.memory_space<vmem>> -> memref<128xi32, #tpu.memory_space<vmem>>
      %get3A_316 = arith.constant 64 : index
      %get3A_317 = tpu.vector_load %get3A_315[%get3A_316] {strides = array<i32>} : memref<128xi32, #tpu.memory_space<vmem>>, vector<16xi32>,
      %min3A_318 = arith.minsi %min3A_311, %get3A_317 : vector<16xi32>
      %max3A_319 = arith.maxsi %max3A_312, %get3A_317 : vector<16xi32>
      %get3A_320 = arith.constant 0 : i32
      %get3A_321 = tpu.memref_slice %arg7[%add3A_280, %get3A_320] : memref<50x128xi32, #tpu.memory_space<vmem>> -> memref<1x128xi32, #tpu.memory_space<vmem>>
      %get3A_322 = tpu.memref_squeeze %get3A_321 : memref<1x128xi32, #tpu.memory_space<vmem>> -> memref<128xi32, #tpu.memory_space<vmem>>
      %get3A_323 = arith.constant 80 : index
      %get3A_324 = tpu.vector_load %get3A_322[%get3A_323] {strides = array<i32>} : memref<128xi32, #tpu.memory_space<vmem>>, vector<16xi32>,
      %min3A_325 = arith.minsi %min3A_318, %get3A_324 : vector<16xi32>
      %max3A_326 = arith.maxsi %max3A_319, %get3A_324 : vector<16xi32>
      %get3A_327 = arith.constant 0 : i32
      %get3A_328 = tpu.memref_slice %arg7[%add3A_280, %get3A_327] : memref<50x128xi32, #tpu.memory_space<vmem>> -> memref<1x128xi32, #tpu.memory_space<vmem>>
      %get3A_329 = tpu.memref_squeeze %get3A_328 : memref<1x128xi32, #tpu.memory_space<vmem>> -> memref<128xi32, #tpu.memory_space<vmem>>
      %get3A_330 = arith.constant 96 : index
      %get3A_331 = tpu.vector_load %get3A_329[%get3A_330] {strides = array<i32>} : memref<128xi32, #tpu.memory_space<vmem>>, vector<16xi32>,
      %min3A_332 = arith.minsi %min3A_325, %get3A_331 : vector<16xi32>
      %max3A_333 = arith.maxsi %max3A_326, %get3A_331 : vector<16xi32>
      %get3A_334 = arith.constant 0 : i32
      %get3A_335 = tpu.memref_slice %arg7[%add3A_280, %get3A_334] : memref<50x128xi32, #tpu.memory_space<vmem>> -> memref<1x128xi32, #tpu.memory_space<vmem>>
      %get3A_336 = tpu.memref_squeeze %get3A_335 : memref<1x128xi32, #tpu.memory_space<vmem>> -> memref<128xi32, #tpu.memory_space<vmem>>
      %get3A_337 = arith.constant 112 : index
      %get3A_338 = tpu.vector_load %get3A_336[%get3A_337] {strides = array<i32>} : memref<128xi32, #tpu.memory_space<vmem>>, vector<16xi32>,
      %min3A_339 = arith.minsi %min3A_332, %get3A_338 : vector<16xi32>
      %max3A_340 = arith.maxsi %max3A_333, %get3A_338 : vector<16xi32>
      %reduce_min3A_341 = arith.constant true
      %reduce_min3A_342 = vector.broadcast %reduce_min3A_341 : i1 to vector<16xi1>
      %reduce_min3A_343 = arith.constant -2147483648 : i32
      %reduce_min3A_344 = vector.broadcast %reduce_min3A_343 : i32 to vector<16xi32>
      %reduce_min3A_345 = arith.xori %min3A_339, %reduce_min3A_344 : vector<16xi32>
      %reduce_min3A_346 = tpu.scan <min>, %reduce_min3A_345 masked %reduce_min3A_342 : vector<16xi32>, vector<16xi1> -> vector<16xi32>
      %reduce_min3A_347 = arith.xori %reduce_min3A_346, %reduce_min3A_344 : vector<16xi32>
      %reduce_min3A_348 = vector.extract %reduce_min3A_347[15] : i32 from vector<16xi32>
      %le3A_349 = arith.cmpi sle, %reduce_min3A_348, %reduce_max3A_23 : i32
      %reduce_max3A_350 = arith.constant true
      %reduce_max3A_351 = vector.broadcast %reduce_max3A_350 : i1 to vector<16xi1>
      %reduce_max3A_352 = arith.constant -2147483648 : i32
      %reduce_max3A_353 = vector.broadcast %reduce_max3A_352 : i32 to vector<16xi32>
      %reduce_max3A_354 = arith.xori %max3A_340, %reduce_max3A_353 : vector<16xi32>
      %reduce_max3A_355 = tpu.scan <max>, %reduce_max3A_354 masked %reduce_max3A_351 : vector<16xi32>, vector<16xi1> -> vector<16xi32>
      %reduce_max3A_356 = arith.xori %reduce_max3A_355, %reduce_max3A_353 : vector<16xi32>
      %reduce_max3A_357 = vector.extract %reduce_max3A_356[15] : i32 from vector<16xi32>
      %ge3A_358 = arith.cmpi sge, %reduce_max3A_357, %reduce_min3A_12 : i32
      %and3A_359 = arith.andi %le3A_349, %ge3A_358 : i1
      %convert_element_type3A_360 = arith.extui %and3A_359 : i1 to i32
      %cond3A_361 = arith.constant 0 : i32
      %cond3A_362 = arith.cmpi ne, %convert_element_type3A_360, %cond3A_361 : i32
      scf.if %cond3A_362 {
        %scan3A_1125 = arith.constant 0 : i32
        %scan3A_1126 = arith.constant 0 : i32
        %scan3A_1127 = arith.constant 8 : i32
        %scan3A_1128 = arith.addi %scan3A_1126, %scan3A_1127 : i32
        %scan3A_1129 = arith.constant 1 : i32
        scf.for %scan3A_1131 = %scan3A_1126 to %scan3A_1128 step %scan3A_1129  : i32 {
          %mul3A_1132 = arith.constant 16 : i32
          %mul3A_1133 = arith.muli %scan3A_1131, %mul3A_1132 : i32
          %get3A_1134 = arith.constant 0 : i32
          %get3A_1135 = tpu.memref_slice %arg7[%add3A_280, %get3A_1134] : memref<50x128xi32, #tpu.memory_space<vmem>> -> memref<1x128xi32, #tpu.memory_space<vmem>>
          %get3A_1136 = tpu.memref_squeeze %get3A_1135 : memref<1x128xi32, #tpu.memory_space<vmem>> -> memref<128xi32, #tpu.memory_space<vmem>>
          %get3A_1137 = arith.index_cast %mul3A_1133 : i32 to index
          %get3A_1138 = tpu.vector_load %get3A_1136[%get3A_1137] {strides = array<i32>} : memref<128xi32, #tpu.memory_space<vmem>>, vector<16xi32>,
          %add3A_1139 = arith.constant 64 : i32
          %add3A_1140 = vector.broadcast %add3A_1139 : i32 to vector<16xi32>
          %add3A_1141 = arith.addi %broadcast_in_dim3A_5, %add3A_1140 : vector<16xi32>
          %sub3A = arith.constant 1 : i32
          %sub3A_1142 = vector.broadcast %sub3A : i32 to vector<16xi32>
          %sub3A_1143 = arith.subi %add3A_1141, %sub3A_1142 : vector<16xi32>
          %gather3A_1144 = tpu.vector_load_idx %arg10[%sub3A_1143] : memref<128xi32, #tpu.memory_space<vmem>>[vector<16xi32>], vector<16xi32>,
          %lt3A_1145 = arith.cmpi slt, %gather3A_1144, %get3A_1138 : vector<16xi32>
          %select_n3A = arith.select %lt3A_1145, %add3A_1141, %broadcast_in_dim3A_5 : vector<16xi1>, vector<16xi32>
          %add3A_1146 = arith.constant 32 : i32
          %add3A_1147 = vector.broadcast %add3A_1146 : i32 to vector<16xi32>
          %add3A_1148 = arith.addi %select_n3A, %add3A_1147 : vector<16xi32>
          %sub3A_1149 = arith.constant 1 : i32
          %sub3A_1150 = vector.broadcast %sub3A_1149 : i32 to vector<16xi32>
          %sub3A_1151 = arith.subi %add3A_1148, %sub3A_1150 : vector<16xi32>
          %gather3A_1152 = tpu.vector_load_idx %arg10[%sub3A_1151] : memref<128xi32, #tpu.memory_space<vmem>>[vector<16xi32>], vector<16xi32>,
          %lt3A_1153 = arith.cmpi slt, %gather3A_1152, %get3A_1138 : vector<16xi32>
          %select_n3A_1154 = arith.select %lt3A_1153, %add3A_1148, %select_n3A : vector<16xi1>, vector<16xi32>
          %add3A_1155 = arith.constant 16 : i32
          %add3A_1156 = vector.broadcast %add3A_1155 : i32 to vector<16xi32>
          %add3A_1157 = arith.addi %select_n3A_1154, %add3A_1156 : vector<16xi32>
          %sub3A_1158 = arith.constant 1 : i32
          %sub3A_1159 = vector.broadcast %sub3A_1158 : i32 to vector<16xi32>
          %sub3A_1160 = arith.subi %add3A_1157, %sub3A_1159 : vector<16xi32>
          %gather3A_1161 = tpu.vector_load_idx %arg10[%sub3A_1160] : memref<128xi32, #tpu.memory_space<vmem>>[vector<16xi32>], vector<16xi32>,
          %lt3A_1162 = arith.cmpi slt, %gather3A_1161, %get3A_1138 : vector<16xi32>
          %select_n3A_1163 = arith.select %lt3A_1162, %add3A_1157, %select_n3A_1154 : vector<16xi1>, vector<16xi32>
          %add3A_1164 = arith.constant 8 : i32
          %add3A_1165 = vector.broadcast %add3A_1164 : i32 to vector<16xi32>
          %add3A_1166 = arith.addi %select_n3A_1163, %add3A_1165 : vector<16xi32>
          %sub3A_1167 = arith.constant 1 : i32
          %sub3A_1168 = vector.broadcast %sub3A_1167 : i32 to vector<16xi32>
          %sub3A_1169 = arith.subi %add3A_1166, %sub3A_1168 : vector<16xi32>
          %gather3A_1170 = tpu.vector_load_idx %arg10[%sub3A_1169] : memref<128xi32, #tpu.memory_space<vmem>>[vector<16xi32>], vector<16xi32>,
          %lt3A_1171 = arith.cmpi slt, %gather3A_1170, %get3A_1138 : vector<16xi32>
          %select_n3A_1172 = arith.select %lt3A_1171, %add3A_1166, %select_n3A_1163 : vector<16xi1>, vector<16xi32>
          %add3A_1173 = arith.constant 4 : i32
          %add3A_1174 = vector.broadcast %add3A_1173 : i32 to vector<16xi32>
          %add3A_1175 = arith.addi %select_n3A_1172, %add3A_1174 : vector<16xi32>
          %sub3A_1176 = arith.constant 1 : i32
          %sub3A_1177 = vector.broadcast %sub3A_1176 : i32 to vector<16xi32>
          %sub3A_1178 = arith.subi %add3A_1175, %sub3A_1177 : vector<16xi32>
          %gather3A_1179 = tpu.vector_load_idx %arg10[%sub3A_1178] : memref<128xi32, #tpu.memory_space<vmem>>[vector<16xi32>], vector<16xi32>,
          %lt3A_1180 = arith.cmpi slt, %gather3A_1179, %get3A_1138 : vector<16xi32>
          %select_n3A_1181 = arith.select %lt3A_1180, %add3A_1175, %select_n3A_1172 : vector<16xi1>, vector<16xi32>
          %add3A_1182 = arith.constant 2 : i32
          %add3A_1183 = vector.broadcast %add3A_1182 : i32 to vector<16xi32>
          %add3A_1184 = arith.addi %select_n3A_1181, %add3A_1183 : vector<16xi32>
          %sub3A_1185 = arith.constant 1 : i32
          %sub3A_1186 = vector.broadcast %sub3A_1185 : i32 to vector<16xi32>
          %sub3A_1187 = arith.subi %add3A_1184, %sub3A_1186 : vector<16xi32>
          %gather3A_1188 = tpu.vector_load_idx %arg10[%sub3A_1187] : memref<128xi32, #tpu.memory_space<vmem>>[vector<16xi32>], vector<16xi32>,
          %lt3A_1189 = arith.cmpi slt, %gather3A_1188, %get3A_1138 : vector<16xi32>
          %select_n3A_1190 = arith.select %lt3A_1189, %add3A_1184, %select_n3A_1181 : vector<16xi1>, vector<16xi32>
          %add3A_1191 = arith.constant 1 : i32
          %add3A_1192 = vector.broadcast %add3A_1191 : i32 to vector<16xi32>
          %add3A_1193 = arith.addi %select_n3A_1190, %add3A_1192 : vector<16xi32>
          %sub3A_1194 = arith.constant 1 : i32
          %sub3A_1195 = vector.broadcast %sub3A_1194 : i32 to vector<16xi32>
          %sub3A_1196 = arith.subi %add3A_1193, %sub3A_1195 : vector<16xi32>
          %gather3A_1197 = tpu.vector_load_idx %arg10[%sub3A_1196] : memref<128xi32, #tpu.memory_space<vmem>>[vector<16xi32>], vector<16xi32>,
          %lt3A_1198 = arith.cmpi slt, %gather3A_1197, %get3A_1138 : vector<16xi32>
          %select_n3A_1199 = arith.select %lt3A_1198, %add3A_1193, %select_n3A_1190 : vector<16xi1>, vector<16xi32>
          %min3A_1200 = arith.constant 127 : i32
          %min3A_1201 = vector.broadcast %min3A_1200 : i32 to vector<16xi32>
          %min3A_1202 = arith.minsi %select_n3A_1199, %min3A_1201 : vector<16xi32>
          %gather3A_1203 = tpu.vector_load_idx %arg10[%min3A_1202] : memref<128xi32, #tpu.memory_space<vmem>>[vector<16xi32>], vector<16xi32>,
          %eq3A = arith.cmpi eq, %gather3A_1203, %get3A_1138 : vector<16xi32>
          %lt3A_1204 = arith.constant 128 : i32
          %lt3A_1205 = vector.broadcast %lt3A_1204 : i32 to vector<16xi32>
          %lt3A_1206 = arith.cmpi slt, %select_n3A_1199, %lt3A_1205 : vector<16xi32>
          %and3A_1207 = arith.andi %eq3A, %lt3A_1206 : vector<16xi1>
          %convert_element_type3A_1208 = arith.extui %and3A_1207 : vector<16xi1> to vector<16xi32>
          %reduce_sum3A = arith.constant true
          %reduce_sum3A_1209 = vector.broadcast %reduce_sum3A : i1 to vector<16xi1>
          %reduce_sum3A_1210 = tpu.scan <sum>, %convert_element_type3A_1208 masked %reduce_sum3A_1209 : vector<16xi32>, vector<16xi1> -> vector<16xi32>
          %reduce_sum3A_1211 = vector.extract %reduce_sum3A_1210[15] : i32 from vector<16xi32>
          %gt3A = arith.constant 0 : i32
          %gt3A_1212 = arith.cmpi sgt, %reduce_sum3A_1211, %gt3A : i32
          %convert_element_type3A_1213 = arith.extui %gt3A_1212 : i1 to i32
          %cond3A_1214 = arith.constant 0 : i32
          %cond3A_1215 = arith.cmpi ne, %convert_element_type3A_1213, %cond3A_1214 : i32
          scf.if %cond3A_1215 {
            %mul3A_1216 = arith.constant 16 : i32
            %mul3A_1217 = arith.muli %scan3A_1131, %mul3A_1216 : i32
            %add3A_1218 = arith.constant 128 : i32
            %add3A_1219 = arith.addi %add3A_1218, %mul3A_1217 : i32
            %add3A_1220 = vector.broadcast %add3A_1219 : i32 to vector<16xi32>
            %add3A_1221 = arith.addi %add3A_1220, %iota3A : vector<16xi32>
            %swap3A = arith.constant 0 : index
            %swap3A_1222 = tpu.vector_load %arg12[%swap3A] masked %and3A_1207 {strides = array<i32>} : memref<16xi32, #tpu.memory_space<vmem>>, vector<16xi32>, vector<16xi1>
            tpu.vector_store %arg12[%swap3A], %add3A_1221 masked %and3A_1207 {strides = array<i32>} : memref<16xi32, #tpu.memory_space<vmem>>, vector<16xi32>, vector<16xi1>
            %swap3A_1223 = arith.constant 0 : index
            %swap3A_1224 = tpu.vector_load %arg13[%swap3A_1223] masked %and3A_1207 {strides = array<i32>} : memref<16xi32, #tpu.memory_space<vmem>>, vector<16xi32>, vector<16xi1>
            tpu.vector_store %arg13[%swap3A_1223], %select_n3A_1199 masked %and3A_1207 {strides = array<i32>} : memref<16xi32, #tpu.memory_space<vmem>>, vector<16xi32>, vector<16xi1>
            %while3A = arith.constant 0 : i32
            %while3A_1225 = arith.constant 0 : i32
            %while3A_1226 = arith.subi %reduce_sum3A_1211, %while3A_1225 : i32
            %while3A_1227 = arith.addi %while3A_1225, %while3A_1226 : i32
            %while3A_1228 = arith.constant 1 : i32
            %while3A_1229 = arith.divsi %while3A_1226, %while3A_1228 : i32
            %while3A_1230 = arith.muli %while3A_1229, %while3A_1228 : i32
            %while3A_1231 = arith.addi %while3A_1225, %while3A_1230 : i32
            %while3A_1232 = arith.constant 1 : i32
            scf.for %while3A_1234 = %while3A_1225 to %while3A_1231 step %while3A_1232  : i32 {
              %broadcast_in_dim3A_1235 = vector.broadcast %while3A_1234 : i32 to vector<16xi32>
              %gather3A_1236 = tpu.vector_load_idx %arg12[%broadcast_in_dim3A_1235] : memref<16xi32, #tpu.memory_space<vmem>>[vector<16xi32>], vector<16xi32>,
              %gather3A_1237 = tpu.vector_load_idx %arg13[%broadcast_in_dim3A_1235] : memref<16xi32, #tpu.memory_space<vmem>>[vector<16xi32>], vector<16xi32>,
              %add3A_1238 = arith.constant 0 : i32
              %add3A_1239 = vector.broadcast %add3A_1238 : i32 to vector<16xi32>
              %add3A_1240 = arith.addi %iota3A, %add3A_1239 : vector<16xi32>
              %gather3A_1241 = tpu.vector_load_idx %arg11[%gather3A_1237, %add3A_1240] : memref<128x64xf32, #tpu.memory_space<vmem>>[vector<16xi32>, vector<16xi32>], vector<16xf32>,
              tpu.vector_store_idx %arg8[%gather3A_1236, %add3A_1240], %gather3A_1241 : memref<640x64xf32, #tpu.memory_space<vmem>>[vector<16xi32>, vector<16xi32>], vector<16xf32>,
              %add3A_1242 = arith.constant 16 : i32
              %add3A_1243 = vector.broadcast %add3A_1242 : i32 to vector<16xi32>
              %add3A_1244 = arith.addi %iota3A, %add3A_1243 : vector<16xi32>
              %gather3A_1245 = tpu.vector_load_idx %arg11[%gather3A_1237, %add3A_1244] : memref<128x64xf32, #tpu.memory_space<vmem>>[vector<16xi32>, vector<16xi32>], vector<16xf32>,
              tpu.vector_store_idx %arg8[%gather3A_1236, %add3A_1244], %gather3A_1245 : memref<640x64xf32, #tpu.memory_space<vmem>>[vector<16xi32>, vector<16xi32>], vector<16xf32>,
              %add3A_1246 = arith.constant 32 : i32
              %add3A_1247 = vector.broadcast %add3A_1246 : i32 to vector<16xi32>
              %add3A_1248 = arith.addi %iota3A, %add3A_1247 : vector<16xi32>
              %gather3A_1249 = tpu.vector_load_idx %arg11[%gather3A_1237, %add3A_1248] : memref<128x64xf32, #tpu.memory_space<vmem>>[vector<16xi32>, vector<16xi32>], vector<16xf32>,
              tpu.vector_store_idx %arg8[%gather3A_1236, %add3A_1248], %gather3A_1249 : memref<640x64xf32, #tpu.memory_space<vmem>>[vector<16xi32>, vector<16xi32>], vector<16xf32>,
              %add3A_1250 = arith.constant 48 : i32
              %add3A_1251 = vector.broadcast %add3A_1250 : i32 to vector<16xi32>
              %add3A_1252 = arith.addi %iota3A, %add3A_1251 : vector<16xi32>
              %gather3A_1253 = tpu.vector_load_idx %arg11[%gather3A_1237, %add3A_1252] : memref<128x64xf32, #tpu.memory_space<vmem>>[vector<16xi32>, vector<16xi32>], vector<16xf32>,
              tpu.vector_store_idx %arg8[%gather3A_1236, %add3A_1252], %gather3A_1253 : memref<640x64xf32, #tpu.memory_space<vmem>>[vector<16xi32>, vector<16xi32>], vector<16xf32>,
            }
            %while3A_1233 = arith.constant 1 : i32
            scf.for %while3A_1234 = %while3A_1231 to %while3A_1227 step %while3A_1233  : i32 {
              %broadcast_in_dim3A_1235 = vector.broadcast %while3A_1234 : i32 to vector<16xi32>
              %gather3A_1236 = tpu.vector_load_idx %arg12[%broadcast_in_dim3A_1235] : memref<16xi32, #tpu.memory_space<vmem>>[vector<16xi32>], vector<16xi32>,
              %gather3A_1237 = tpu.vector_load_idx %arg13[%broadcast_in_dim3A_1235] : memref<16xi32, #tpu.memory_space<vmem>>[vector<16xi32>], vector<16xi32>,
              %add3A_1238 = arith.constant 0 : i32
              %add3A_1239 = vector.broadcast %add3A_1238 : i32 to vector<16xi32>
              %add3A_1240 = arith.addi %iota3A, %add3A_1239 : vector<16xi32>
              %gather3A_1241 = tpu.vector_load_idx %arg11[%gather3A_1237, %add3A_1240] : memref<128x64xf32, #tpu.memory_space<vmem>>[vector<16xi32>, vector<16xi32>], vector<16xf32>,
              tpu.vector_store_idx %arg8[%gather3A_1236, %add3A_1240], %gather3A_1241 : memref<640x64xf32, #tpu.memory_space<vmem>>[vector<16xi32>, vector<16xi32>], vector<16xf32>,
              %add3A_1242 = arith.constant 16 : i32
              %add3A_1243 = vector.broadcast %add3A_1242 : i32 to vector<16xi32>
              %add3A_1244 = arith.addi %iota3A, %add3A_1243 : vector<16xi32>
              %gather3A_1245 = tpu.vector_load_idx %arg11[%gather3A_1237, %add3A_1244] : memref<128x64xf32, #tpu.memory_space<vmem>>[vector<16xi32>, vector<16xi32>], vector<16xf32>,
              tpu.vector_store_idx %arg8[%gather3A_1236, %add3A_1244], %gather3A_1245 : memref<640x64xf32, #tpu.memory_space<vmem>>[vector<16xi32>, vector<16xi32>], vector<16xf32>,
              %add3A_1246 = arith.constant 32 : i32
              %add3A_1247 = vector.broadcast %add3A_1246 : i32 to vector<16xi32>
              %add3A_1248 = arith.addi %iota3A, %add3A_1247 : vector<16xi32>
              %gather3A_1249 = tpu.vector_load_idx %arg11[%gather3A_1237, %add3A_1248] : memref<128x64xf32, #tpu.memory_space<vmem>>[vector<16xi32>, vector<16xi32>], vector<16xf32>,
              tpu.vector_store_idx %arg8[%gather3A_1236, %add3A_1248], %gather3A_1249 : memref<640x64xf32, #tpu.memory_space<vmem>>[vector<16xi32>, vector<16xi32>], vector<16xf32>,
              %add3A_1250 = arith.constant 48 : i32
              %add3A_1251 = vector.broadcast %add3A_1250 : i32 to vector<16xi32>
              %add3A_1252 = arith.addi %iota3A, %add3A_1251 : vector<16xi32>
              %gather3A_1253 = tpu.vector_load_idx %arg11[%gather3A_1237, %add3A_1252] : memref<128x64xf32, #tpu.memory_space<vmem>>[vector<16xi32>, vector<16xi32>], vector<16xf32>,
              tpu.vector_store_idx %arg8[%gather3A_1236, %add3A_1252], %gather3A_1253 : memref<640x64xf32, #tpu.memory_space<vmem>>[vector<16xi32>, vector<16xi32>], vector<16xf32>,
            }
          } else {
          }
        }
        %scan3A_1130 = arith.constant 8 : i32
      } else {
      }
      %add3A_363 = arith.constant 2 : i32
      %add3A_364 = arith.addi %mul3A_202, %add3A_363 : i32
      %broadcast_in_dim3A_365 = arith.constant 2147483647 : i32
      %broadcast_in_dim3A_366 = vector.broadcast %broadcast_in_dim3A_365 : i32 to vector<16xi32>
      %broadcast_in_dim3A_367 = arith.constant -2147483648 : i32
      %broadcast_in_dim3A_368 = vector.broadcast %broadcast_in_dim3A_367 : i32 to vector<16xi32>
      %get3A_369 = arith.constant 0 : i32
      %get3A_370 = tpu.memref_slice %arg7[%add3A_364, %get3A_369] : memref<50x128xi32, #tpu.memory_space<vmem>> -> memref<1x128xi32, #tpu.memory_space<vmem>>
      %get3A_371 = tpu.memref_squeeze %get3A_370 : memref<1x128xi32, #tpu.memory_space<vmem>> -> memref<128xi32, #tpu.memory_space<vmem>>
      %get3A_372 = arith.constant 0 : index
      %get3A_373 = tpu.vector_load %get3A_371[%get3A_372] {strides = array<i32>} : memref<128xi32, #tpu.memory_space<vmem>>, vector<16xi32>,
      %min3A_374 = arith.minsi %broadcast_in_dim3A_366, %get3A_373 : vector<16xi32>
      %max3A_375 = arith.maxsi %broadcast_in_dim3A_368, %get3A_373 : vector<16xi32>
      %get3A_376 = arith.constant 0 : i32
      %get3A_377 = tpu.memref_slice %arg7[%add3A_364, %get3A_376] : memref<50x128xi32, #tpu.memory_space<vmem>> -> memref<1x128xi32, #tpu.memory_space<vmem>>
      %get3A_378 = tpu.memref_squeeze %get3A_377 : memref<1x128xi32, #tpu.memory_space<vmem>> -> memref<128xi32, #tpu.memory_space<vmem>>
      %get3A_379 = arith.constant 16 : index
      %get3A_380 = tpu.vector_load %get3A_378[%get3A_379] {strides = array<i32>} : memref<128xi32, #tpu.memory_space<vmem>>, vector<16xi32>,
      %min3A_381 = arith.minsi %min3A_374, %get3A_380 : vector<16xi32>
      %max3A_382 = arith.maxsi %max3A_375, %get3A_380 : vector<16xi32>
      %get3A_383 = arith.constant 0 : i32
      %get3A_384 = tpu.memref_slice %arg7[%add3A_364, %get3A_383] : memref<50x128xi32, #tpu.memory_space<vmem>> -> memref<1x128xi32, #tpu.memory_space<vmem>>
      %get3A_385 = tpu.memref_squeeze %get3A_384 : memref<1x128xi32, #tpu.memory_space<vmem>> -> memref<128xi32, #tpu.memory_space<vmem>>
      %get3A_386 = arith.constant 32 : index
      %get3A_387 = tpu.vector_load %get3A_385[%get3A_386] {strides = array<i32>} : memref<128xi32, #tpu.memory_space<vmem>>, vector<16xi32>,
      %min3A_388 = arith.minsi %min3A_381, %get3A_387 : vector<16xi32>
      %max3A_389 = arith.maxsi %max3A_382, %get3A_387 : vector<16xi32>
      %get3A_390 = arith.constant 0 : i32
      %get3A_391 = tpu.memref_slice %arg7[%add3A_364, %get3A_390] : memref<50x128xi32, #tpu.memory_space<vmem>> -> memref<1x128xi32, #tpu.memory_space<vmem>>
      %get3A_392 = tpu.memref_squeeze %get3A_391 : memref<1x128xi32, #tpu.memory_space<vmem>> -> memref<128xi32, #tpu.memory_space<vmem>>
      %get3A_393 = arith.constant 48 : index
      %get3A_394 = tpu.vector_load %get3A_392[%get3A_393] {strides = array<i32>} : memref<128xi32, #tpu.memory_space<vmem>>, vector<16xi32>,
      %min3A_395 = arith.minsi %min3A_388, %get3A_394 : vector<16xi32>
      %max3A_396 = arith.maxsi %max3A_389, %get3A_394 : vector<16xi32>
      %get3A_397 = arith.constant 0 : i32
      %get3A_398 = tpu.memref_slice %arg7[%add3A_364, %get3A_397] : memref<50x128xi32, #tpu.memory_space<vmem>> -> memref<1x128xi32, #tpu.memory_space<vmem>>
      %get3A_399 = tpu.memref_squeeze %get3A_398 : memref<1x128xi32, #tpu.memory_space<vmem>> -> memref<128xi32, #tpu.memory_space<vmem>>
      %get3A_400 = arith.constant 64 : index
      %get3A_401 = tpu.vector_load %get3A_399[%get3A_400] {strides = array<i32>} : memref<128xi32, #tpu.memory_space<vmem>>, vector<16xi32>,
      %min3A_402 = arith.minsi %min3A_395, %get3A_401 : vector<16xi32>
      %max3A_403 = arith.maxsi %max3A_396, %get3A_401 : vector<16xi32>
      %get3A_404 = arith.constant 0 : i32
      %get3A_405 = tpu.memref_slice %arg7[%add3A_364, %get3A_404] : memref<50x128xi32, #tpu.memory_space<vmem>> -> memref<1x128xi32, #tpu.memory_space<vmem>>
      %get3A_406 = tpu.memref_squeeze %get3A_405 : memref<1x128xi32, #tpu.memory_space<vmem>> -> memref<128xi32, #tpu.memory_space<vmem>>
      %get3A_407 = arith.constant 80 : index
      %get3A_408 = tpu.vector_load %get3A_406[%get3A_407] {strides = array<i32>} : memref<128xi32, #tpu.memory_space<vmem>>, vector<16xi32>,
      %min3A_409 = arith.minsi %min3A_402, %get3A_408 : vector<16xi32>
      %max3A_410 = arith.maxsi %max3A_403, %get3A_408 : vector<16xi32>
      %get3A_411 = arith.constant 0 : i32
      %get3A_412 = tpu.memref_slice %arg7[%add3A_364, %get3A_411] : memref<50x128xi32, #tpu.memory_space<vmem>> -> memref<1x128xi32, #tpu.memory_space<vmem>>
      %get3A_413 = tpu.memref_squeeze %get3A_412 : memref<1x128xi32, #tpu.memory_space<vmem>> -> memref<128xi32, #tpu.memory_space<vmem>>
      %get3A_414 = arith.constant 96 : index
      %get3A_415 = tpu.vector_load %get3A_413[%get3A_414] {strides = array<i32>} : memref<128xi32, #tpu.memory_space<vmem>>, vector<16xi32>,
      %min3A_416 = arith.minsi %min3A_409, %get3A_415 : vector<16xi32>
      %max3A_417 = arith.maxsi %max3A_410, %get3A_415 : vector<16xi32>
      %get3A_418 = arith.constant 0 : i32
      %get3A_419 = tpu.memref_slice %arg7[%add3A_364, %get3A_418] : memref<50x128xi32, #tpu.memory_space<vmem>> -> memref<1x128xi32, #tpu.memory_space<vmem>>
      %get3A_420 = tpu.memref_squeeze %get3A_419 : memref<1x128xi32, #tpu.memory_space<vmem>> -> memref<128xi32, #tpu.memory_space<vmem>>
      %get3A_421 = arith.constant 112 : index
      %get3A_422 = tpu.vector_load %get3A_420[%get3A_421] {strides = array<i32>} : memref<128xi32, #tpu.memory_space<vmem>>, vector<16xi32>,
      %min3A_423 = arith.minsi %min3A_416, %get3A_422 : vector<16xi32>
      %max3A_424 = arith.maxsi %max3A_417, %get3A_422 : vector<16xi32>
      %reduce_min3A_425 = arith.constant true
      %reduce_min3A_426 = vector.broadcast %reduce_min3A_425 : i1 to vector<16xi1>
      %reduce_min3A_427 = arith.constant -2147483648 : i32
      %reduce_min3A_428 = vector.broadcast %reduce_min3A_427 : i32 to vector<16xi32>
      %reduce_min3A_429 = arith.xori %min3A_423, %reduce_min3A_428 : vector<16xi32>
      %reduce_min3A_430 = tpu.scan <min>, %reduce_min3A_429 masked %reduce_min3A_426 : vector<16xi32>, vector<16xi1> -> vector<16xi32>
      %reduce_min3A_431 = arith.xori %reduce_min3A_430, %reduce_min3A_428 : vector<16xi32>
      %reduce_min3A_432 = vector.extract %reduce_min3A_431[15] : i32 from vector<16xi32>
      %le3A_433 = arith.cmpi sle, %reduce_min3A_432, %reduce_max3A_23 : i32
      %reduce_max3A_434 = arith.constant true
      %reduce_max3A_435 = vector.broadcast %reduce_max3A_434 : i1 to vector<16xi1>
      %reduce_max3A_436 = arith.constant -2147483648 : i32
      %reduce_max3A_437 = vector.broadcast %reduce_max3A_436 : i32 to vector<16xi32>
      %reduce_max3A_438 = arith.xori %max3A_424, %reduce_max3A_437 : vector<16xi32>
      %reduce_max3A_439 = tpu.scan <max>, %reduce_max3A_438 masked %reduce_max3A_435 : vector<16xi32>, vector<16xi1> -> vector<16xi32>
      %reduce_max3A_440 = arith.xori %reduce_max3A_439, %reduce_max3A_437 : vector<16xi32>
      %reduce_max3A_441 = vector.extract %reduce_max3A_440[15] : i32 from vector<16xi32>
      %ge3A_442 = arith.cmpi sge, %reduce_max3A_441, %reduce_min3A_12 : i32
      %and3A_443 = arith.andi %le3A_433, %ge3A_442 : i1
      %convert_element_type3A_444 = arith.extui %and3A_443 : i1 to i32
      %cond3A_445 = arith.constant 0 : i32
      %cond3A_446 = arith.cmpi ne, %convert_element_type3A_444, %cond3A_445 : i32
      scf.if %cond3A_446 {
        %scan3A_1125 = arith.constant 0 : i32
        %scan3A_1126 = arith.constant 0 : i32
        %scan3A_1127 = arith.constant 8 : i32
        %scan3A_1128 = arith.addi %scan3A_1126, %scan3A_1127 : i32
        %scan3A_1129 = arith.constant 1 : i32
        scf.for %scan3A_1131 = %scan3A_1126 to %scan3A_1128 step %scan3A_1129  : i32 {
          %mul3A_1132 = arith.constant 16 : i32
          %mul3A_1133 = arith.muli %scan3A_1131, %mul3A_1132 : i32
          %get3A_1134 = arith.constant 0 : i32
          %get3A_1135 = tpu.memref_slice %arg7[%add3A_364, %get3A_1134] : memref<50x128xi32, #tpu.memory_space<vmem>> -> memref<1x128xi32, #tpu.memory_space<vmem>>
          %get3A_1136 = tpu.memref_squeeze %get3A_1135 : memref<1x128xi32, #tpu.memory_space<vmem>> -> memref<128xi32, #tpu.memory_space<vmem>>
          %get3A_1137 = arith.index_cast %mul3A_1133 : i32 to index
          %get3A_1138 = tpu.vector_load %get3A_1136[%get3A_1137] {strides = array<i32>} : memref<128xi32, #tpu.memory_space<vmem>>, vector<16xi32>,
          %add3A_1139 = arith.constant 64 : i32
          %add3A_1140 = vector.broadcast %add3A_1139 : i32 to vector<16xi32>
          %add3A_1141 = arith.addi %broadcast_in_dim3A_5, %add3A_1140 : vector<16xi32>
          %sub3A = arith.constant 1 : i32
          %sub3A_1142 = vector.broadcast %sub3A : i32 to vector<16xi32>
          %sub3A_1143 = arith.subi %add3A_1141, %sub3A_1142 : vector<16xi32>
          %gather3A_1144 = tpu.vector_load_idx %arg10[%sub3A_1143] : memref<128xi32, #tpu.memory_space<vmem>>[vector<16xi32>], vector<16xi32>,
          %lt3A_1145 = arith.cmpi slt, %gather3A_1144, %get3A_1138 : vector<16xi32>
          %select_n3A = arith.select %lt3A_1145, %add3A_1141, %broadcast_in_dim3A_5 : vector<16xi1>, vector<16xi32>
          %add3A_1146 = arith.constant 32 : i32
          %add3A_1147 = vector.broadcast %add3A_1146 : i32 to vector<16xi32>
          %add3A_1148 = arith.addi %select_n3A, %add3A_1147 : vector<16xi32>
          %sub3A_1149 = arith.constant 1 : i32
          %sub3A_1150 = vector.broadcast %sub3A_1149 : i32 to vector<16xi32>
          %sub3A_1151 = arith.subi %add3A_1148, %sub3A_1150 : vector<16xi32>
          %gather3A_1152 = tpu.vector_load_idx %arg10[%sub3A_1151] : memref<128xi32, #tpu.memory_space<vmem>>[vector<16xi32>], vector<16xi32>,
          %lt3A_1153 = arith.cmpi slt, %gather3A_1152, %get3A_1138 : vector<16xi32>
          %select_n3A_1154 = arith.select %lt3A_1153, %add3A_1148, %select_n3A : vector<16xi1>, vector<16xi32>
          %add3A_1155 = arith.constant 16 : i32
          %add3A_1156 = vector.broadcast %add3A_1155 : i32 to vector<16xi32>
          %add3A_1157 = arith.addi %select_n3A_1154, %add3A_1156 : vector<16xi32>
          %sub3A_1158 = arith.constant 1 : i32
          %sub3A_1159 = vector.broadcast %sub3A_1158 : i32 to vector<16xi32>
          %sub3A_1160 = arith.subi %add3A_1157, %sub3A_1159 : vector<16xi32>
          %gather3A_1161 = tpu.vector_load_idx %arg10[%sub3A_1160] : memref<128xi32, #tpu.memory_space<vmem>>[vector<16xi32>], vector<16xi32>,
          %lt3A_1162 = arith.cmpi slt, %gather3A_1161, %get3A_1138 : vector<16xi32>
          %select_n3A_1163 = arith.select %lt3A_1162, %add3A_1157, %select_n3A_1154 : vector<16xi1>, vector<16xi32>
          %add3A_1164 = arith.constant 8 : i32
          %add3A_1165 = vector.broadcast %add3A_1164 : i32 to vector<16xi32>
          %add3A_1166 = arith.addi %select_n3A_1163, %add3A_1165 : vector<16xi32>
          %sub3A_1167 = arith.constant 1 : i32
          %sub3A_1168 = vector.broadcast %sub3A_1167 : i32 to vector<16xi32>
          %sub3A_1169 = arith.subi %add3A_1166, %sub3A_1168 : vector<16xi32>
          %gather3A_1170 = tpu.vector_load_idx %arg10[%sub3A_1169] : memref<128xi32, #tpu.memory_space<vmem>>[vector<16xi32>], vector<16xi32>,
          %lt3A_1171 = arith.cmpi slt, %gather3A_1170, %get3A_1138 : vector<16xi32>
          %select_n3A_1172 = arith.select %lt3A_1171, %add3A_1166, %select_n3A_1163 : vector<16xi1>, vector<16xi32>
          %add3A_1173 = arith.constant 4 : i32
          %add3A_1174 = vector.broadcast %add3A_1173 : i32 to vector<16xi32>
          %add3A_1175 = arith.addi %select_n3A_1172, %add3A_1174 : vector<16xi32>
          %sub3A_1176 = arith.constant 1 : i32
          %sub3A_1177 = vector.broadcast %sub3A_1176 : i32 to vector<16xi32>
          %sub3A_1178 = arith.subi %add3A_1175, %sub3A_1177 : vector<16xi32>
          %gather3A_1179 = tpu.vector_load_idx %arg10[%sub3A_1178] : memref<128xi32, #tpu.memory_space<vmem>>[vector<16xi32>], vector<16xi32>,
          %lt3A_1180 = arith.cmpi slt, %gather3A_1179, %get3A_1138 : vector<16xi32>
          %select_n3A_1181 = arith.select %lt3A_1180, %add3A_1175, %select_n3A_1172 : vector<16xi1>, vector<16xi32>
          %add3A_1182 = arith.constant 2 : i32
          %add3A_1183 = vector.broadcast %add3A_1182 : i32 to vector<16xi32>
          %add3A_1184 = arith.addi %select_n3A_1181, %add3A_1183 : vector<16xi32>
          %sub3A_1185 = arith.constant 1 : i32
          %sub3A_1186 = vector.broadcast %sub3A_1185 : i32 to vector<16xi32>
          %sub3A_1187 = arith.subi %add3A_1184, %sub3A_1186 : vector<16xi32>
          %gather3A_1188 = tpu.vector_load_idx %arg10[%sub3A_1187] : memref<128xi32, #tpu.memory_space<vmem>>[vector<16xi32>], vector<16xi32>,
          %lt3A_1189 = arith.cmpi slt, %gather3A_1188, %get3A_1138 : vector<16xi32>
          %select_n3A_1190 = arith.select %lt3A_1189, %add3A_1184, %select_n3A_1181 : vector<16xi1>, vector<16xi32>
          %add3A_1191 = arith.constant 1 : i32
          %add3A_1192 = vector.broadcast %add3A_1191 : i32 to vector<16xi32>
          %add3A_1193 = arith.addi %select_n3A_1190, %add3A_1192 : vector<16xi32>
          %sub3A_1194 = arith.constant 1 : i32
          %sub3A_1195 = vector.broadcast %sub3A_1194 : i32 to vector<16xi32>
          %sub3A_1196 = arith.subi %add3A_1193, %sub3A_1195 : vector<16xi32>
          %gather3A_1197 = tpu.vector_load_idx %arg10[%sub3A_1196] : memref<128xi32, #tpu.memory_space<vmem>>[vector<16xi32>], vector<16xi32>,
          %lt3A_1198 = arith.cmpi slt, %gather3A_1197, %get3A_1138 : vector<16xi32>
          %select_n3A_1199 = arith.select %lt3A_1198, %add3A_1193, %select_n3A_1190 : vector<16xi1>, vector<16xi32>
          %min3A_1200 = arith.constant 127 : i32
          %min3A_1201 = vector.broadcast %min3A_1200 : i32 to vector<16xi32>
          %min3A_1202 = arith.minsi %select_n3A_1199, %min3A_1201 : vector<16xi32>
          %gather3A_1203 = tpu.vector_load_idx %arg10[%min3A_1202] : memref<128xi32, #tpu.memory_space<vmem>>[vector<16xi32>], vector<16xi32>,
          %eq3A = arith.cmpi eq, %gather3A_1203, %get3A_1138 : vector<16xi32>
          %lt3A_1204 = arith.constant 128 : i32
          %lt3A_1205 = vector.broadcast %lt3A_1204 : i32 to vector<16xi32>
          %lt3A_1206 = arith.cmpi slt, %select_n3A_1199, %lt3A_1205 : vector<16xi32>
          %and3A_1207 = arith.andi %eq3A, %lt3A_1206 : vector<16xi1>
          %convert_element_type3A_1208 = arith.extui %and3A_1207 : vector<16xi1> to vector<16xi32>
          %reduce_sum3A = arith.constant true
          %reduce_sum3A_1209 = vector.broadcast %reduce_sum3A : i1 to vector<16xi1>
          %reduce_sum3A_1210 = tpu.scan <sum>, %convert_element_type3A_1208 masked %reduce_sum3A_1209 : vector<16xi32>, vector<16xi1> -> vector<16xi32>
          %reduce_sum3A_1211 = vector.extract %reduce_sum3A_1210[15] : i32 from vector<16xi32>
          %gt3A = arith.constant 0 : i32
          %gt3A_1212 = arith.cmpi sgt, %reduce_sum3A_1211, %gt3A : i32
          %convert_element_type3A_1213 = arith.extui %gt3A_1212 : i1 to i32
          %cond3A_1214 = arith.constant 0 : i32
          %cond3A_1215 = arith.cmpi ne, %convert_element_type3A_1213, %cond3A_1214 : i32
          scf.if %cond3A_1215 {
            %mul3A_1216 = arith.constant 16 : i32
            %mul3A_1217 = arith.muli %scan3A_1131, %mul3A_1216 : i32
            %add3A_1218 = arith.constant 256 : i32
            %add3A_1219 = arith.addi %add3A_1218, %mul3A_1217 : i32
            %add3A_1220 = vector.broadcast %add3A_1219 : i32 to vector<16xi32>
            %add3A_1221 = arith.addi %add3A_1220, %iota3A : vector<16xi32>
            %swap3A = arith.constant 0 : index
            %swap3A_1222 = tpu.vector_load %arg12[%swap3A] masked %and3A_1207 {strides = array<i32>} : memref<16xi32, #tpu.memory_space<vmem>>, vector<16xi32>, vector<16xi1>
            tpu.vector_store %arg12[%swap3A], %add3A_1221 masked %and3A_1207 {strides = array<i32>} : memref<16xi32, #tpu.memory_space<vmem>>, vector<16xi32>, vector<16xi1>
            %swap3A_1223 = arith.constant 0 : index
            %swap3A_1224 = tpu.vector_load %arg13[%swap3A_1223] masked %and3A_1207 {strides = array<i32>} : memref<16xi32, #tpu.memory_space<vmem>>, vector<16xi32>, vector<16xi1>
            tpu.vector_store %arg13[%swap3A_1223], %select_n3A_1199 masked %and3A_1207 {strides = array<i32>} : memref<16xi32, #tpu.memory_space<vmem>>, vector<16xi32>, vector<16xi1>
            %while3A = arith.constant 0 : i32
            %while3A_1225 = arith.constant 0 : i32
            %while3A_1226 = arith.subi %reduce_sum3A_1211, %while3A_1225 : i32
            %while3A_1227 = arith.addi %while3A_1225, %while3A_1226 : i32
            %while3A_1228 = arith.constant 1 : i32
            %while3A_1229 = arith.divsi %while3A_1226, %while3A_1228 : i32
            %while3A_1230 = arith.muli %while3A_1229, %while3A_1228 : i32
            %while3A_1231 = arith.addi %while3A_1225, %while3A_1230 : i32
            %while3A_1232 = arith.constant 1 : i32
            scf.for %while3A_1234 = %while3A_1225 to %while3A_1231 step %while3A_1232  : i32 {
              %broadcast_in_dim3A_1235 = vector.broadcast %while3A_1234 : i32 to vector<16xi32>
              %gather3A_1236 = tpu.vector_load_idx %arg12[%broadcast_in_dim3A_1235] : memref<16xi32, #tpu.memory_space<vmem>>[vector<16xi32>], vector<16xi32>,
              %gather3A_1237 = tpu.vector_load_idx %arg13[%broadcast_in_dim3A_1235] : memref<16xi32, #tpu.memory_space<vmem>>[vector<16xi32>], vector<16xi32>,
              %add3A_1238 = arith.constant 0 : i32
              %add3A_1239 = vector.broadcast %add3A_1238 : i32 to vector<16xi32>
              %add3A_1240 = arith.addi %iota3A, %add3A_1239 : vector<16xi32>
              %gather3A_1241 = tpu.vector_load_idx %arg11[%gather3A_1237, %add3A_1240] : memref<128x64xf32, #tpu.memory_space<vmem>>[vector<16xi32>, vector<16xi32>], vector<16xf32>,
              tpu.vector_store_idx %arg8[%gather3A_1236, %add3A_1240], %gather3A_1241 : memref<640x64xf32, #tpu.memory_space<vmem>>[vector<16xi32>, vector<16xi32>], vector<16xf32>,
              %add3A_1242 = arith.constant 16 : i32
              %add3A_1243 = vector.broadcast %add3A_1242 : i32 to vector<16xi32>
              %add3A_1244 = arith.addi %iota3A, %add3A_1243 : vector<16xi32>
              %gather3A_1245 = tpu.vector_load_idx %arg11[%gather3A_1237, %add3A_1244] : memref<128x64xf32, #tpu.memory_space<vmem>>[vector<16xi32>, vector<16xi32>], vector<16xf32>,
              tpu.vector_store_idx %arg8[%gather3A_1236, %add3A_1244], %gather3A_1245 : memref<640x64xf32, #tpu.memory_space<vmem>>[vector<16xi32>, vector<16xi32>], vector<16xf32>,
              %add3A_1246 = arith.constant 32 : i32
              %add3A_1247 = vector.broadcast %add3A_1246 : i32 to vector<16xi32>
              %add3A_1248 = arith.addi %iota3A, %add3A_1247 : vector<16xi32>
              %gather3A_1249 = tpu.vector_load_idx %arg11[%gather3A_1237, %add3A_1248] : memref<128x64xf32, #tpu.memory_space<vmem>>[vector<16xi32>, vector<16xi32>], vector<16xf32>,
              tpu.vector_store_idx %arg8[%gather3A_1236, %add3A_1248], %gather3A_1249 : memref<640x64xf32, #tpu.memory_space<vmem>>[vector<16xi32>, vector<16xi32>], vector<16xf32>,
              %add3A_1250 = arith.constant 48 : i32
              %add3A_1251 = vector.broadcast %add3A_1250 : i32 to vector<16xi32>
              %add3A_1252 = arith.addi %iota3A, %add3A_1251 : vector<16xi32>
              %gather3A_1253 = tpu.vector_load_idx %arg11[%gather3A_1237, %add3A_1252] : memref<128x64xf32, #tpu.memory_space<vmem>>[vector<16xi32>, vector<16xi32>], vector<16xf32>,
              tpu.vector_store_idx %arg8[%gather3A_1236, %add3A_1252], %gather3A_1253 : memref<640x64xf32, #tpu.memory_space<vmem>>[vector<16xi32>, vector<16xi32>], vector<16xf32>,
            }
            %while3A_1233 = arith.constant 1 : i32
            scf.for %while3A_1234 = %while3A_1231 to %while3A_1227 step %while3A_1233  : i32 {
              %broadcast_in_dim3A_1235 = vector.broadcast %while3A_1234 : i32 to vector<16xi32>
              %gather3A_1236 = tpu.vector_load_idx %arg12[%broadcast_in_dim3A_1235] : memref<16xi32, #tpu.memory_space<vmem>>[vector<16xi32>], vector<16xi32>,
              %gather3A_1237 = tpu.vector_load_idx %arg13[%broadcast_in_dim3A_1235] : memref<16xi32, #tpu.memory_space<vmem>>[vector<16xi32>], vector<16xi32>,
              %add3A_1238 = arith.constant 0 : i32
              %add3A_1239 = vector.broadcast %add3A_1238 : i32 to vector<16xi32>
              %add3A_1240 = arith.addi %iota3A, %add3A_1239 : vector<16xi32>
              %gather3A_1241 = tpu.vector_load_idx %arg11[%gather3A_1237, %add3A_1240] : memref<128x64xf32, #tpu.memory_space<vmem>>[vector<16xi32>, vector<16xi32>], vector<16xf32>,
              tpu.vector_store_idx %arg8[%gather3A_1236, %add3A_1240], %gather3A_1241 : memref<640x64xf32, #tpu.memory_space<vmem>>[vector<16xi32>, vector<16xi32>], vector<16xf32>,
              %add3A_1242 = arith.constant 16 : i32
              %add3A_1243 = vector.broadcast %add3A_1242 : i32 to vector<16xi32>
              %add3A_1244 = arith.addi %iota3A, %add3A_1243 : vector<16xi32>
              %gather3A_1245 = tpu.vector_load_idx %arg11[%gather3A_1237, %add3A_1244] : memref<128x64xf32, #tpu.memory_space<vmem>>[vector<16xi32>, vector<16xi32>], vector<16xf32>,
              tpu.vector_store_idx %arg8[%gather3A_1236, %add3A_1244], %gather3A_1245 : memref<640x64xf32, #tpu.memory_space<vmem>>[vector<16xi32>, vector<16xi32>], vector<16xf32>,
              %add3A_1246 = arith.constant 32 : i32
              %add3A_1247 = vector.broadcast %add3A_1246 : i32 to vector<16xi32>
              %add3A_1248 = arith.addi %iota3A, %add3A_1247 : vector<16xi32>
              %gather3A_1249 = tpu.vector_load_idx %arg11[%gather3A_1237, %add3A_1248] : memref<128x64xf32, #tpu.memory_space<vmem>>[vector<16xi32>, vector<16xi32>], vector<16xf32>,
              tpu.vector_store_idx %arg8[%gather3A_1236, %add3A_1248], %gather3A_1249 : memref<640x64xf32, #tpu.memory_space<vmem>>[vector<16xi32>, vector<16xi32>], vector<16xf32>,
              %add3A_1250 = arith.constant 48 : i32
              %add3A_1251 = vector.broadcast %add3A_1250 : i32 to vector<16xi32>
              %add3A_1252 = arith.addi %iota3A, %add3A_1251 : vector<16xi32>
              %gather3A_1253 = tpu.vector_load_idx %arg11[%gather3A_1237, %add3A_1252] : memref<128x64xf32, #tpu.memory_space<vmem>>[vector<16xi32>, vector<16xi32>], vector<16xf32>,
              tpu.vector_store_idx %arg8[%gather3A_1236, %add3A_1252], %gather3A_1253 : memref<640x64xf32, #tpu.memory_space<vmem>>[vector<16xi32>, vector<16xi32>], vector<16xf32>,
            }
          } else {
          }
        }
        %scan3A_1130 = arith.constant 8 : i32
      } else {
      }
      %add3A_447 = arith.constant 3 : i32
      %add3A_448 = arith.addi %mul3A_202, %add3A_447 : i32
      %broadcast_in_dim3A_449 = arith.constant 2147483647 : i32
      %broadcast_in_dim3A_450 = vector.broadcast %broadcast_in_dim3A_449 : i32 to vector<16xi32>
      %broadcast_in_dim3A_451 = arith.constant -2147483648 : i32
      %broadcast_in_dim3A_452 = vector.broadcast %broadcast_in_dim3A_451 : i32 to vector<16xi32>
      %get3A_453 = arith.constant 0 : i32
      %get3A_454 = tpu.memref_slice %arg7[%add3A_448, %get3A_453] : memref<50x128xi32, #tpu.memory_space<vmem>> -> memref<1x128xi32, #tpu.memory_space<vmem>>
      %get3A_455 = tpu.memref_squeeze %get3A_454 : memref<1x128xi32, #tpu.memory_space<vmem>> -> memref<128xi32, #tpu.memory_space<vmem>>
      %get3A_456 = arith.constant 0 : index
      %get3A_457 = tpu.vector_load %get3A_455[%get3A_456] {strides = array<i32>} : memref<128xi32, #tpu.memory_space<vmem>>, vector<16xi32>,
      %min3A_458 = arith.minsi %broadcast_in_dim3A_450, %get3A_457 : vector<16xi32>
      %max3A_459 = arith.maxsi %broadcast_in_dim3A_452, %get3A_457 : vector<16xi32>
      %get3A_460 = arith.constant 0 : i32
      %get3A_461 = tpu.memref_slice %arg7[%add3A_448, %get3A_460] : memref<50x128xi32, #tpu.memory_space<vmem>> -> memref<1x128xi32, #tpu.memory_space<vmem>>
      %get3A_462 = tpu.memref_squeeze %get3A_461 : memref<1x128xi32, #tpu.memory_space<vmem>> -> memref<128xi32, #tpu.memory_space<vmem>>
      %get3A_463 = arith.constant 16 : index
      %get3A_464 = tpu.vector_load %get3A_462[%get3A_463] {strides = array<i32>} : memref<128xi32, #tpu.memory_space<vmem>>, vector<16xi32>,
      %min3A_465 = arith.minsi %min3A_458, %get3A_464 : vector<16xi32>
      %max3A_466 = arith.maxsi %max3A_459, %get3A_464 : vector<16xi32>
      %get3A_467 = arith.constant 0 : i32
      %get3A_468 = tpu.memref_slice %arg7[%add3A_448, %get3A_467] : memref<50x128xi32, #tpu.memory_space<vmem>> -> memref<1x128xi32, #tpu.memory_space<vmem>>
      %get3A_469 = tpu.memref_squeeze %get3A_468 : memref<1x128xi32, #tpu.memory_space<vmem>> -> memref<128xi32, #tpu.memory_space<vmem>>
      %get3A_470 = arith.constant 32 : index
      %get3A_471 = tpu.vector_load %get3A_469[%get3A_470] {strides = array<i32>} : memref<128xi32, #tpu.memory_space<vmem>>, vector<16xi32>,
      %min3A_472 = arith.minsi %min3A_465, %get3A_471 : vector<16xi32>
      %max3A_473 = arith.maxsi %max3A_466, %get3A_471 : vector<16xi32>
      %get3A_474 = arith.constant 0 : i32
      %get3A_475 = tpu.memref_slice %arg7[%add3A_448, %get3A_474] : memref<50x128xi32, #tpu.memory_space<vmem>> -> memref<1x128xi32, #tpu.memory_space<vmem>>
      %get3A_476 = tpu.memref_squeeze %get3A_475 : memref<1x128xi32, #tpu.memory_space<vmem>> -> memref<128xi32, #tpu.memory_space<vmem>>
      %get3A_477 = arith.constant 48 : index
      %get3A_478 = tpu.vector_load %get3A_476[%get3A_477] {strides = array<i32>} : memref<128xi32, #tpu.memory_space<vmem>>, vector<16xi32>,
      %min3A_479 = arith.minsi %min3A_472, %get3A_478 : vector<16xi32>
      %max3A_480 = arith.maxsi %max3A_473, %get3A_478 : vector<16xi32>
      %get3A_481 = arith.constant 0 : i32
      %get3A_482 = tpu.memref_slice %arg7[%add3A_448, %get3A_481] : memref<50x128xi32, #tpu.memory_space<vmem>> -> memref<1x128xi32, #tpu.memory_space<vmem>>
      %get3A_483 = tpu.memref_squeeze %get3A_482 : memref<1x128xi32, #tpu.memory_space<vmem>> -> memref<128xi32, #tpu.memory_space<vmem>>
      %get3A_484 = arith.constant 64 : index
      %get3A_485 = tpu.vector_load %get3A_483[%get3A_484] {strides = array<i32>} : memref<128xi32, #tpu.memory_space<vmem>>, vector<16xi32>,
      %min3A_486 = arith.minsi %min3A_479, %get3A_485 : vector<16xi32>
      %max3A_487 = arith.maxsi %max3A_480, %get3A_485 : vector<16xi32>
      %get3A_488 = arith.constant 0 : i32
      %get3A_489 = tpu.memref_slice %arg7[%add3A_448, %get3A_488] : memref<50x128xi32, #tpu.memory_space<vmem>> -> memref<1x128xi32, #tpu.memory_space<vmem>>
      %get3A_490 = tpu.memref_squeeze %get3A_489 : memref<1x128xi32, #tpu.memory_space<vmem>> -> memref<128xi32, #tpu.memory_space<vmem>>
      %get3A_491 = arith.constant 80 : index
      %get3A_492 = tpu.vector_load %get3A_490[%get3A_491] {strides = array<i32>} : memref<128xi32, #tpu.memory_space<vmem>>, vector<16xi32>,
      %min3A_493 = arith.minsi %min3A_486, %get3A_492 : vector<16xi32>
      %max3A_494 = arith.maxsi %max3A_487, %get3A_492 : vector<16xi32>
      %get3A_495 = arith.constant 0 : i32
      %get3A_496 = tpu.memref_slice %arg7[%add3A_448, %get3A_495] : memref<50x128xi32, #tpu.memory_space<vmem>> -> memref<1x128xi32, #tpu.memory_space<vmem>>
      %get3A_497 = tpu.memref_squeeze %get3A_496 : memref<1x128xi32, #tpu.memory_space<vmem>> -> memref<128xi32, #tpu.memory_space<vmem>>
      %get3A_498 = arith.constant 96 : index
      %get3A_499 = tpu.vector_load %get3A_497[%get3A_498] {strides = array<i32>} : memref<128xi32, #tpu.memory_space<vmem>>, vector<16xi32>,
      %min3A_500 = arith.minsi %min3A_493, %get3A_499 : vector<16xi32>
      %max3A_501 = arith.maxsi %max3A_494, %get3A_499 : vector<16xi32>
      %get3A_502 = arith.constant 0 : i32
      %get3A_503 = tpu.memref_slice %arg7[%add3A_448, %get3A_502] : memref<50x128xi32, #tpu.memory_space<vmem>> -> memref<1x128xi32, #tpu.memory_space<vmem>>
      %get3A_504 = tpu.memref_squeeze %get3A_503 : memref<1x128xi32, #tpu.memory_space<vmem>> -> memref<128xi32, #tpu.memory_space<vmem>>
      %get3A_505 = arith.constant 112 : index
      %get3A_506 = tpu.vector_load %get3A_504[%get3A_505] {strides = array<i32>} : memref<128xi32, #tpu.memory_space<vmem>>, vector<16xi32>,
      %min3A_507 = arith.minsi %min3A_500, %get3A_506 : vector<16xi32>
      %max3A_508 = arith.maxsi %max3A_501, %get3A_506 : vector<16xi32>
      %reduce_min3A_509 = arith.constant true
      %reduce_min3A_510 = vector.broadcast %reduce_min3A_509 : i1 to vector<16xi1>
      %reduce_min3A_511 = arith.constant -2147483648 : i32
      %reduce_min3A_512 = vector.broadcast %reduce_min3A_511 : i32 to vector<16xi32>
      %reduce_min3A_513 = arith.xori %min3A_507, %reduce_min3A_512 : vector<16xi32>
      %reduce_min3A_514 = tpu.scan <min>, %reduce_min3A_513 masked %reduce_min3A_510 : vector<16xi32>, vector<16xi1> -> vector<16xi32>
      %reduce_min3A_515 = arith.xori %reduce_min3A_514, %reduce_min3A_512 : vector<16xi32>
      %reduce_min3A_516 = vector.extract %reduce_min3A_515[15] : i32 from vector<16xi32>
      %le3A_517 = arith.cmpi sle, %reduce_min3A_516, %reduce_max3A_23 : i32
      %reduce_max3A_518 = arith.constant true
      %reduce_max3A_519 = vector.broadcast %reduce_max3A_518 : i1 to vector<16xi1>
      %reduce_max3A_520 = arith.constant -2147483648 : i32
      %reduce_max3A_521 = vector.broadcast %reduce_max3A_520 : i32 to vector<16xi32>
      %reduce_max3A_522 = arith.xori %max3A_508, %reduce_max3A_521 : vector<16xi32>
      %reduce_max3A_523 = tpu.scan <max>, %reduce_max3A_522 masked %reduce_max3A_519 : vector<16xi32>, vector<16xi1> -> vector<16xi32>
      %reduce_max3A_524 = arith.xori %reduce_max3A_523, %reduce_max3A_521 : vector<16xi32>
      %reduce_max3A_525 = vector.extract %reduce_max3A_524[15] : i32 from vector<16xi32>
      %ge3A_526 = arith.cmpi sge, %reduce_max3A_525, %reduce_min3A_12 : i32
      %and3A_527 = arith.andi %le3A_517, %ge3A_526 : i1
      %convert_element_type3A_528 = arith.extui %and3A_527 : i1 to i32
      %cond3A_529 = arith.constant 0 : i32
      %cond3A_530 = arith.cmpi ne, %convert_element_type3A_528, %cond3A_529 : i32
      scf.if %cond3A_530 {
        %scan3A_1125 = arith.constant 0 : i32
        %scan3A_1126 = arith.constant 0 : i32
        %scan3A_1127 = arith.constant 8 : i32
        %scan3A_1128 = arith.addi %scan3A_1126, %scan3A_1127 : i32
        %scan3A_1129 = arith.constant 1 : i32
        scf.for %scan3A_1131 = %scan3A_1126 to %scan3A_1128 step %scan3A_1129  : i32 {
          %mul3A_1132 = arith.constant 16 : i32
          %mul3A_1133 = arith.muli %scan3A_1131, %mul3A_1132 : i32
          %get3A_1134 = arith.constant 0 : i32
          %get3A_1135 = tpu.memref_slice %arg7[%add3A_448, %get3A_1134] : memref<50x128xi32, #tpu.memory_space<vmem>> -> memref<1x128xi32, #tpu.memory_space<vmem>>
          %get3A_1136 = tpu.memref_squeeze %get3A_1135 : memref<1x128xi32, #tpu.memory_space<vmem>> -> memref<128xi32, #tpu.memory_space<vmem>>
          %get3A_1137 = arith.index_cast %mul3A_1133 : i32 to index
          %get3A_1138 = tpu.vector_load %get3A_1136[%get3A_1137] {strides = array<i32>} : memref<128xi32, #tpu.memory_space<vmem>>, vector<16xi32>,
          %add3A_1139 = arith.constant 64 : i32
          %add3A_1140 = vector.broadcast %add3A_1139 : i32 to vector<16xi32>
          %add3A_1141 = arith.addi %broadcast_in_dim3A_5, %add3A_1140 : vector<16xi32>
          %sub3A = arith.constant 1 : i32
          %sub3A_1142 = vector.broadcast %sub3A : i32 to vector<16xi32>
          %sub3A_1143 = arith.subi %add3A_1141, %sub3A_1142 : vector<16xi32>
          %gather3A_1144 = tpu.vector_load_idx %arg10[%sub3A_1143] : memref<128xi32, #tpu.memory_space<vmem>>[vector<16xi32>], vector<16xi32>,
          %lt3A_1145 = arith.cmpi slt, %gather3A_1144, %get3A_1138 : vector<16xi32>
          %select_n3A = arith.select %lt3A_1145, %add3A_1141, %broadcast_in_dim3A_5 : vector<16xi1>, vector<16xi32>
          %add3A_1146 = arith.constant 32 : i32
          %add3A_1147 = vector.broadcast %add3A_1146 : i32 to vector<16xi32>
          %add3A_1148 = arith.addi %select_n3A, %add3A_1147 : vector<16xi32>
          %sub3A_1149 = arith.constant 1 : i32
          %sub3A_1150 = vector.broadcast %sub3A_1149 : i32 to vector<16xi32>
          %sub3A_1151 = arith.subi %add3A_1148, %sub3A_1150 : vector<16xi32>
          %gather3A_1152 = tpu.vector_load_idx %arg10[%sub3A_1151] : memref<128xi32, #tpu.memory_space<vmem>>[vector<16xi32>], vector<16xi32>,
          %lt3A_1153 = arith.cmpi slt, %gather3A_1152, %get3A_1138 : vector<16xi32>
          %select_n3A_1154 = arith.select %lt3A_1153, %add3A_1148, %select_n3A : vector<16xi1>, vector<16xi32>
          %add3A_1155 = arith.constant 16 : i32
          %add3A_1156 = vector.broadcast %add3A_1155 : i32 to vector<16xi32>
          %add3A_1157 = arith.addi %select_n3A_1154, %add3A_1156 : vector<16xi32>
          %sub3A_1158 = arith.constant 1 : i32
          %sub3A_1159 = vector.broadcast %sub3A_1158 : i32 to vector<16xi32>
          %sub3A_1160 = arith.subi %add3A_1157, %sub3A_1159 : vector<16xi32>
          %gather3A_1161 = tpu.vector_load_idx %arg10[%sub3A_1160] : memref<128xi32, #tpu.memory_space<vmem>>[vector<16xi32>], vector<16xi32>,
          %lt3A_1162 = arith.cmpi slt, %gather3A_1161, %get3A_1138 : vector<16xi32>
          %select_n3A_1163 = arith.select %lt3A_1162, %add3A_1157, %select_n3A_1154 : vector<16xi1>, vector<16xi32>
          %add3A_1164 = arith.constant 8 : i32
          %add3A_1165 = vector.broadcast %add3A_1164 : i32 to vector<16xi32>
          %add3A_1166 = arith.addi %select_n3A_1163, %add3A_1165 : vector<16xi32>
          %sub3A_1167 = arith.constant 1 : i32
          %sub3A_1168 = vector.broadcast %sub3A_1167 : i32 to vector<16xi32>
          %sub3A_1169 = arith.subi %add3A_1166, %sub3A_1168 : vector<16xi32>
          %gather3A_1170 = tpu.vector_load_idx %arg10[%sub3A_1169] : memref<128xi32, #tpu.memory_space<vmem>>[vector<16xi32>], vector<16xi32>,
          %lt3A_1171 = arith.cmpi slt, %gather3A_1170, %get3A_1138 : vector<16xi32>
          %select_n3A_1172 = arith.select %lt3A_1171, %add3A_1166, %select_n3A_1163 : vector<16xi1>, vector<16xi32>
          %add3A_1173 = arith.constant 4 : i32
          %add3A_1174 = vector.broadcast %add3A_1173 : i32 to vector<16xi32>
          %add3A_1175 = arith.addi %select_n3A_1172, %add3A_1174 : vector<16xi32>
          %sub3A_1176 = arith.constant 1 : i32
          %sub3A_1177 = vector.broadcast %sub3A_1176 : i32 to vector<16xi32>
          %sub3A_1178 = arith.subi %add3A_1175, %sub3A_1177 : vector<16xi32>
          %gather3A_1179 = tpu.vector_load_idx %arg10[%sub3A_1178] : memref<128xi32, #tpu.memory_space<vmem>>[vector<16xi32>], vector<16xi32>,
          %lt3A_1180 = arith.cmpi slt, %gather3A_1179, %get3A_1138 : vector<16xi32>
          %select_n3A_1181 = arith.select %lt3A_1180, %add3A_1175, %select_n3A_1172 : vector<16xi1>, vector<16xi32>
          %add3A_1182 = arith.constant 2 : i32
          %add3A_1183 = vector.broadcast %add3A_1182 : i32 to vector<16xi32>
          %add3A_1184 = arith.addi %select_n3A_1181, %add3A_1183 : vector<16xi32>
          %sub3A_1185 = arith.constant 1 : i32
          %sub3A_1186 = vector.broadcast %sub3A_1185 : i32 to vector<16xi32>
          %sub3A_1187 = arith.subi %add3A_1184, %sub3A_1186 : vector<16xi32>
          %gather3A_1188 = tpu.vector_load_idx %arg10[%sub3A_1187] : memref<128xi32, #tpu.memory_space<vmem>>[vector<16xi32>], vector<16xi32>,
          %lt3A_1189 = arith.cmpi slt, %gather3A_1188, %get3A_1138 : vector<16xi32>
          %select_n3A_1190 = arith.select %lt3A_1189, %add3A_1184, %select_n3A_1181 : vector<16xi1>, vector<16xi32>
          %add3A_1191 = arith.constant 1 : i32
          %add3A_1192 = vector.broadcast %add3A_1191 : i32 to vector<16xi32>
          %add3A_1193 = arith.addi %select_n3A_1190, %add3A_1192 : vector<16xi32>
          %sub3A_1194 = arith.constant 1 : i32
          %sub3A_1195 = vector.broadcast %sub3A_1194 : i32 to vector<16xi32>
          %sub3A_1196 = arith.subi %add3A_1193, %sub3A_1195 : vector<16xi32>
          %gather3A_1197 = tpu.vector_load_idx %arg10[%sub3A_1196] : memref<128xi32, #tpu.memory_space<vmem>>[vector<16xi32>], vector<16xi32>,
          %lt3A_1198 = arith.cmpi slt, %gather3A_1197, %get3A_1138 : vector<16xi32>
          %select_n3A_1199 = arith.select %lt3A_1198, %add3A_1193, %select_n3A_1190 : vector<16xi1>, vector<16xi32>
          %min3A_1200 = arith.constant 127 : i32
          %min3A_1201 = vector.broadcast %min3A_1200 : i32 to vector<16xi32>
          %min3A_1202 = arith.minsi %select_n3A_1199, %min3A_1201 : vector<16xi32>
          %gather3A_1203 = tpu.vector_load_idx %arg10[%min3A_1202] : memref<128xi32, #tpu.memory_space<vmem>>[vector<16xi32>], vector<16xi32>,
          %eq3A = arith.cmpi eq, %gather3A_1203, %get3A_1138 : vector<16xi32>
          %lt3A_1204 = arith.constant 128 : i32
          %lt3A_1205 = vector.broadcast %lt3A_1204 : i32 to vector<16xi32>
          %lt3A_1206 = arith.cmpi slt, %select_n3A_1199, %lt3A_1205 : vector<16xi32>
          %and3A_1207 = arith.andi %eq3A, %lt3A_1206 : vector<16xi1>
          %convert_element_type3A_1208 = arith.extui %and3A_1207 : vector<16xi1> to vector<16xi32>
          %reduce_sum3A = arith.constant true
          %reduce_sum3A_1209 = vector.broadcast %reduce_sum3A : i1 to vector<16xi1>
          %reduce_sum3A_1210 = tpu.scan <sum>, %convert_element_type3A_1208 masked %reduce_sum3A_1209 : vector<16xi32>, vector<16xi1> -> vector<16xi32>
          %reduce_sum3A_1211 = vector.extract %reduce_sum3A_1210[15] : i32 from vector<16xi32>
          %gt3A = arith.constant 0 : i32
          %gt3A_1212 = arith.cmpi sgt, %reduce_sum3A_1211, %gt3A : i32
          %convert_element_type3A_1213 = arith.extui %gt3A_1212 : i1 to i32
          %cond3A_1214 = arith.constant 0 : i32
          %cond3A_1215 = arith.cmpi ne, %convert_element_type3A_1213, %cond3A_1214 : i32
          scf.if %cond3A_1215 {
            %mul3A_1216 = arith.constant 16 : i32
            %mul3A_1217 = arith.muli %scan3A_1131, %mul3A_1216 : i32
            %add3A_1218 = arith.constant 384 : i32
            %add3A_1219 = arith.addi %add3A_1218, %mul3A_1217 : i32
            %add3A_1220 = vector.broadcast %add3A_1219 : i32 to vector<16xi32>
            %add3A_1221 = arith.addi %add3A_1220, %iota3A : vector<16xi32>
            %swap3A = arith.constant 0 : index
            %swap3A_1222 = tpu.vector_load %arg12[%swap3A] masked %and3A_1207 {strides = array<i32>} : memref<16xi32, #tpu.memory_space<vmem>>, vector<16xi32>, vector<16xi1>
            tpu.vector_store %arg12[%swap3A], %add3A_1221 masked %and3A_1207 {strides = array<i32>} : memref<16xi32, #tpu.memory_space<vmem>>, vector<16xi32>, vector<16xi1>
            %swap3A_1223 = arith.constant 0 : index
            %swap3A_1224 = tpu.vector_load %arg13[%swap3A_1223] masked %and3A_1207 {strides = array<i32>} : memref<16xi32, #tpu.memory_space<vmem>>, vector<16xi32>, vector<16xi1>
            tpu.vector_store %arg13[%swap3A_1223], %select_n3A_1199 masked %and3A_1207 {strides = array<i32>} : memref<16xi32, #tpu.memory_space<vmem>>, vector<16xi32>, vector<16xi1>
            %while3A = arith.constant 0 : i32
            %while3A_1225 = arith.constant 0 : i32
            %while3A_1226 = arith.subi %reduce_sum3A_1211, %while3A_1225 : i32
            %while3A_1227 = arith.addi %while3A_1225, %while3A_1226 : i32
            %while3A_1228 = arith.constant 1 : i32
            %while3A_1229 = arith.divsi %while3A_1226, %while3A_1228 : i32
            %while3A_1230 = arith.muli %while3A_1229, %while3A_1228 : i32
            %while3A_1231 = arith.addi %while3A_1225, %while3A_1230 : i32
            %while3A_1232 = arith.constant 1 : i32
            scf.for %while3A_1234 = %while3A_1225 to %while3A_1231 step %while3A_1232  : i32 {
              %broadcast_in_dim3A_1235 = vector.broadcast %while3A_1234 : i32 to vector<16xi32>
              %gather3A_1236 = tpu.vector_load_idx %arg12[%broadcast_in_dim3A_1235] : memref<16xi32, #tpu.memory_space<vmem>>[vector<16xi32>], vector<16xi32>,
              %gather3A_1237 = tpu.vector_load_idx %arg13[%broadcast_in_dim3A_1235] : memref<16xi32, #tpu.memory_space<vmem>>[vector<16xi32>], vector<16xi32>,
              %add3A_1238 = arith.constant 0 : i32
              %add3A_1239 = vector.broadcast %add3A_1238 : i32 to vector<16xi32>
              %add3A_1240 = arith.addi %iota3A, %add3A_1239 : vector<16xi32>
              %gather3A_1241 = tpu.vector_load_idx %arg11[%gather3A_1237, %add3A_1240] : memref<128x64xf32, #tpu.memory_space<vmem>>[vector<16xi32>, vector<16xi32>], vector<16xf32>,
              tpu.vector_store_idx %arg8[%gather3A_1236, %add3A_1240], %gather3A_1241 : memref<640x64xf32, #tpu.memory_space<vmem>>[vector<16xi32>, vector<16xi32>], vector<16xf32>,
              %add3A_1242 = arith.constant 16 : i32
              %add3A_1243 = vector.broadcast %add3A_1242 : i32 to vector<16xi32>
              %add3A_1244 = arith.addi %iota3A, %add3A_1243 : vector<16xi32>
              %gather3A_1245 = tpu.vector_load_idx %arg11[%gather3A_1237, %add3A_1244] : memref<128x64xf32, #tpu.memory_space<vmem>>[vector<16xi32>, vector<16xi32>], vector<16xf32>,
              tpu.vector_store_idx %arg8[%gather3A_1236, %add3A_1244], %gather3A_1245 : memref<640x64xf32, #tpu.memory_space<vmem>>[vector<16xi32>, vector<16xi32>], vector<16xf32>,
              %add3A_1246 = arith.constant 32 : i32
              %add3A_1247 = vector.broadcast %add3A_1246 : i32 to vector<16xi32>
              %add3A_1248 = arith.addi %iota3A, %add3A_1247 : vector<16xi32>
              %gather3A_1249 = tpu.vector_load_idx %arg11[%gather3A_1237, %add3A_1248] : memref<128x64xf32, #tpu.memory_space<vmem>>[vector<16xi32>, vector<16xi32>], vector<16xf32>,
              tpu.vector_store_idx %arg8[%gather3A_1236, %add3A_1248], %gather3A_1249 : memref<640x64xf32, #tpu.memory_space<vmem>>[vector<16xi32>, vector<16xi32>], vector<16xf32>,
              %add3A_1250 = arith.constant 48 : i32
              %add3A_1251 = vector.broadcast %add3A_1250 : i32 to vector<16xi32>
              %add3A_1252 = arith.addi %iota3A, %add3A_1251 : vector<16xi32>
              %gather3A_1253 = tpu.vector_load_idx %arg11[%gather3A_1237, %add3A_1252] : memref<128x64xf32, #tpu.memory_space<vmem>>[vector<16xi32>, vector<16xi32>], vector<16xf32>,
              tpu.vector_store_idx %arg8[%gather3A_1236, %add3A_1252], %gather3A_1253 : memref<640x64xf32, #tpu.memory_space<vmem>>[vector<16xi32>, vector<16xi32>], vector<16xf32>,
            }
            %while3A_1233 = arith.constant 1 : i32
            scf.for %while3A_1234 = %while3A_1231 to %while3A_1227 step %while3A_1233  : i32 {
              %broadcast_in_dim3A_1235 = vector.broadcast %while3A_1234 : i32 to vector<16xi32>
              %gather3A_1236 = tpu.vector_load_idx %arg12[%broadcast_in_dim3A_1235] : memref<16xi32, #tpu.memory_space<vmem>>[vector<16xi32>], vector<16xi32>,
              %gather3A_1237 = tpu.vector_load_idx %arg13[%broadcast_in_dim3A_1235] : memref<16xi32, #tpu.memory_space<vmem>>[vector<16xi32>], vector<16xi32>,
              %add3A_1238 = arith.constant 0 : i32
              %add3A_1239 = vector.broadcast %add3A_1238 : i32 to vector<16xi32>
              %add3A_1240 = arith.addi %iota3A, %add3A_1239 : vector<16xi32>
              %gather3A_1241 = tpu.vector_load_idx %arg11[%gather3A_1237, %add3A_1240] : memref<128x64xf32, #tpu.memory_space<vmem>>[vector<16xi32>, vector<16xi32>], vector<16xf32>,
              tpu.vector_store_idx %arg8[%gather3A_1236, %add3A_1240], %gather3A_1241 : memref<640x64xf32, #tpu.memory_space<vmem>>[vector<16xi32>, vector<16xi32>], vector<16xf32>,
              %add3A_1242 = arith.constant 16 : i32
              %add3A_1243 = vector.broadcast %add3A_1242 : i32 to vector<16xi32>
              %add3A_1244 = arith.addi %iota3A, %add3A_1243 : vector<16xi32>
              %gather3A_1245 = tpu.vector_load_idx %arg11[%gather3A_1237, %add3A_1244] : memref<128x64xf32, #tpu.memory_space<vmem>>[vector<16xi32>, vector<16xi32>], vector<16xf32>,
              tpu.vector_store_idx %arg8[%gather3A_1236, %add3A_1244], %gather3A_1245 : memref<640x64xf32, #tpu.memory_space<vmem>>[vector<16xi32>, vector<16xi32>], vector<16xf32>,
              %add3A_1246 = arith.constant 32 : i32
              %add3A_1247 = vector.broadcast %add3A_1246 : i32 to vector<16xi32>
              %add3A_1248 = arith.addi %iota3A, %add3A_1247 : vector<16xi32>
              %gather3A_1249 = tpu.vector_load_idx %arg11[%gather3A_1237, %add3A_1248] : memref<128x64xf32, #tpu.memory_space<vmem>>[vector<16xi32>, vector<16xi32>], vector<16xf32>,
              tpu.vector_store_idx %arg8[%gather3A_1236, %add3A_1248], %gather3A_1249 : memref<640x64xf32, #tpu.memory_space<vmem>>[vector<16xi32>, vector<16xi32>], vector<16xf32>,
              %add3A_1250 = arith.constant 48 : i32
              %add3A_1251 = vector.broadcast %add3A_1250 : i32 to vector<16xi32>
              %add3A_1252 = arith.addi %iota3A, %add3A_1251 : vector<16xi32>
              %gather3A_1253 = tpu.vector_load_idx %arg11[%gather3A_1237, %add3A_1252] : memref<128x64xf32, #tpu.memory_space<vmem>>[vector<16xi32>, vector<16xi32>], vector<16xf32>,
              tpu.vector_store_idx %arg8[%gather3A_1236, %add3A_1252], %gather3A_1253 : memref<640x64xf32, #tpu.memory_space<vmem>>[vector<16xi32>, vector<16xi32>], vector<16xf32>,
            }
          } else {
          }
        }
        %scan3A_1130 = arith.constant 8 : i32
      } else {
      }
      %add3A_531 = arith.constant 4 : i32
      %add3A_532 = arith.addi %mul3A_202, %add3A_531 : i32
      %broadcast_in_dim3A_533 = arith.constant 2147483647 : i32
      %broadcast_in_dim3A_534 = vector.broadcast %broadcast_in_dim3A_533 : i32 to vector<16xi32>
      %broadcast_in_dim3A_535 = arith.constant -2147483648 : i32
      %broadcast_in_dim3A_536 = vector.broadcast %broadcast_in_dim3A_535 : i32 to vector<16xi32>
      %get3A_537 = arith.constant 0 : i32
      %get3A_538 = tpu.memref_slice %arg7[%add3A_532, %get3A_537] : memref<50x128xi32, #tpu.memory_space<vmem>> -> memref<1x128xi32, #tpu.memory_space<vmem>>
      %get3A_539 = tpu.memref_squeeze %get3A_538 : memref<1x128xi32, #tpu.memory_space<vmem>> -> memref<128xi32, #tpu.memory_space<vmem>>
      %get3A_540 = arith.constant 0 : index
      %get3A_541 = tpu.vector_load %get3A_539[%get3A_540] {strides = array<i32>} : memref<128xi32, #tpu.memory_space<vmem>>, vector<16xi32>,
      %min3A_542 = arith.minsi %broadcast_in_dim3A_534, %get3A_541 : vector<16xi32>
      %max3A_543 = arith.maxsi %broadcast_in_dim3A_536, %get3A_541 : vector<16xi32>
      %get3A_544 = arith.constant 0 : i32
      %get3A_545 = tpu.memref_slice %arg7[%add3A_532, %get3A_544] : memref<50x128xi32, #tpu.memory_space<vmem>> -> memref<1x128xi32, #tpu.memory_space<vmem>>
      %get3A_546 = tpu.memref_squeeze %get3A_545 : memref<1x128xi32, #tpu.memory_space<vmem>> -> memref<128xi32, #tpu.memory_space<vmem>>
      %get3A_547 = arith.constant 16 : index
      %get3A_548 = tpu.vector_load %get3A_546[%get3A_547] {strides = array<i32>} : memref<128xi32, #tpu.memory_space<vmem>>, vector<16xi32>,
      %min3A_549 = arith.minsi %min3A_542, %get3A_548 : vector<16xi32>
      %max3A_550 = arith.maxsi %max3A_543, %get3A_548 : vector<16xi32>
      %get3A_551 = arith.constant 0 : i32
      %get3A_552 = tpu.memref_slice %arg7[%add3A_532, %get3A_551] : memref<50x128xi32, #tpu.memory_space<vmem>> -> memref<1x128xi32, #tpu.memory_space<vmem>>
      %get3A_553 = tpu.memref_squeeze %get3A_552 : memref<1x128xi32, #tpu.memory_space<vmem>> -> memref<128xi32, #tpu.memory_space<vmem>>
      %get3A_554 = arith.constant 32 : index
      %get3A_555 = tpu.vector_load %get3A_553[%get3A_554] {strides = array<i32>} : memref<128xi32, #tpu.memory_space<vmem>>, vector<16xi32>,
      %min3A_556 = arith.minsi %min3A_549, %get3A_555 : vector<16xi32>
      %max3A_557 = arith.maxsi %max3A_550, %get3A_555 : vector<16xi32>
      %get3A_558 = arith.constant 0 : i32
      %get3A_559 = tpu.memref_slice %arg7[%add3A_532, %get3A_558] : memref<50x128xi32, #tpu.memory_space<vmem>> -> memref<1x128xi32, #tpu.memory_space<vmem>>
      %get3A_560 = tpu.memref_squeeze %get3A_559 : memref<1x128xi32, #tpu.memory_space<vmem>> -> memref<128xi32, #tpu.memory_space<vmem>>
      %get3A_561 = arith.constant 48 : index
      %get3A_562 = tpu.vector_load %get3A_560[%get3A_561] {strides = array<i32>} : memref<128xi32, #tpu.memory_space<vmem>>, vector<16xi32>,
      %min3A_563 = arith.minsi %min3A_556, %get3A_562 : vector<16xi32>
      %max3A_564 = arith.maxsi %max3A_557, %get3A_562 : vector<16xi32>
      %get3A_565 = arith.constant 0 : i32
      %get3A_566 = tpu.memref_slice %arg7[%add3A_532, %get3A_565] : memref<50x128xi32, #tpu.memory_space<vmem>> -> memref<1x128xi32, #tpu.memory_space<vmem>>
      %get3A_567 = tpu.memref_squeeze %get3A_566 : memref<1x128xi32, #tpu.memory_space<vmem>> -> memref<128xi32, #tpu.memory_space<vmem>>
      %get3A_568 = arith.constant 64 : index
      %get3A_569 = tpu.vector_load %get3A_567[%get3A_568] {strides = array<i32>} : memref<128xi32, #tpu.memory_space<vmem>>, vector<16xi32>,
      %min3A_570 = arith.minsi %min3A_563, %get3A_569 : vector<16xi32>
      %max3A_571 = arith.maxsi %max3A_564, %get3A_569 : vector<16xi32>
      %get3A_572 = arith.constant 0 : i32
      %get3A_573 = tpu.memref_slice %arg7[%add3A_532, %get3A_572] : memref<50x128xi32, #tpu.memory_space<vmem>> -> memref<1x128xi32, #tpu.memory_space<vmem>>
      %get3A_574 = tpu.memref_squeeze %get3A_573 : memref<1x128xi32, #tpu.memory_space<vmem>> -> memref<128xi32, #tpu.memory_space<vmem>>
      %get3A_575 = arith.constant 80 : index
      %get3A_576 = tpu.vector_load %get3A_574[%get3A_575] {strides = array<i32>} : memref<128xi32, #tpu.memory_space<vmem>>, vector<16xi32>,
      %min3A_577 = arith.minsi %min3A_570, %get3A_576 : vector<16xi32>
      %max3A_578 = arith.maxsi %max3A_571, %get3A_576 : vector<16xi32>
      %get3A_579 = arith.constant 0 : i32
      %get3A_580 = tpu.memref_slice %arg7[%add3A_532, %get3A_579] : memref<50x128xi32, #tpu.memory_space<vmem>> -> memref<1x128xi32, #tpu.memory_space<vmem>>
      %get3A_581 = tpu.memref_squeeze %get3A_580 : memref<1x128xi32, #tpu.memory_space<vmem>> -> memref<128xi32, #tpu.memory_space<vmem>>
      %get3A_582 = arith.constant 96 : index
      %get3A_583 = tpu.vector_load %get3A_581[%get3A_582] {strides = array<i32>} : memref<128xi32, #tpu.memory_space<vmem>>, vector<16xi32>,
      %min3A_584 = arith.minsi %min3A_577, %get3A_583 : vector<16xi32>
      %max3A_585 = arith.maxsi %max3A_578, %get3A_583 : vector<16xi32>
      %get3A_586 = arith.constant 0 : i32
      %get3A_587 = tpu.memref_slice %arg7[%add3A_532, %get3A_586] : memref<50x128xi32, #tpu.memory_space<vmem>> -> memref<1x128xi32, #tpu.memory_space<vmem>>
      %get3A_588 = tpu.memref_squeeze %get3A_587 : memref<1x128xi32, #tpu.memory_space<vmem>> -> memref<128xi32, #tpu.memory_space<vmem>>
      %get3A_589 = arith.constant 112 : index
      %get3A_590 = tpu.vector_load %get3A_588[%get3A_589] {strides = array<i32>} : memref<128xi32, #tpu.memory_space<vmem>>, vector<16xi32>,
      %min3A_591 = arith.minsi %min3A_584, %get3A_590 : vector<16xi32>
      %max3A_592 = arith.maxsi %max3A_585, %get3A_590 : vector<16xi32>
      %reduce_min3A_593 = arith.constant true
      %reduce_min3A_594 = vector.broadcast %reduce_min3A_593 : i1 to vector<16xi1>
      %reduce_min3A_595 = arith.constant -2147483648 : i32
      %reduce_min3A_596 = vector.broadcast %reduce_min3A_595 : i32 to vector<16xi32>
      %reduce_min3A_597 = arith.xori %min3A_591, %reduce_min3A_596 : vector<16xi32>
      %reduce_min3A_598 = tpu.scan <min>, %reduce_min3A_597 masked %reduce_min3A_594 : vector<16xi32>, vector<16xi1> -> vector<16xi32>
      %reduce_min3A_599 = arith.xori %reduce_min3A_598, %reduce_min3A_596 : vector<16xi32>
      %reduce_min3A_600 = vector.extract %reduce_min3A_599[15] : i32 from vector<16xi32>
      %le3A_601 = arith.cmpi sle, %reduce_min3A_600, %reduce_max3A_23 : i32
      %reduce_max3A_602 = arith.constant true
      %reduce_max3A_603 = vector.broadcast %reduce_max3A_602 : i1 to vector<16xi1>
      %reduce_max3A_604 = arith.constant -2147483648 : i32
      %reduce_max3A_605 = vector.broadcast %reduce_max3A_604 : i32 to vector<16xi32>
      %reduce_max3A_606 = arith.xori %max3A_592, %reduce_max3A_605 : vector<16xi32>
      %reduce_max3A_607 = tpu.scan <max>, %reduce_max3A_606 masked %reduce_max3A_603 : vector<16xi32>, vector<16xi1> -> vector<16xi32>
      %reduce_max3A_608 = arith.xori %reduce_max3A_607, %reduce_max3A_605 : vector<16xi32>
      %reduce_max3A_609 = vector.extract %reduce_max3A_608[15] : i32 from vector<16xi32>
      %ge3A_610 = arith.cmpi sge, %reduce_max3A_609, %reduce_min3A_12 : i32
      %and3A_611 = arith.andi %le3A_601, %ge3A_610 : i1
      %convert_element_type3A_612 = arith.extui %and3A_611 : i1 to i32
      %cond3A_613 = arith.constant 0 : i32
      %cond3A_614 = arith.cmpi ne, %convert_element_type3A_612, %cond3A_613 : i32
      scf.if %cond3A_614 {
        %scan3A_1125 = arith.constant 0 : i32
        %scan3A_1126 = arith.constant 0 : i32
        %scan3A_1127 = arith.constant 8 : i32
        %scan3A_1128 = arith.addi %scan3A_1126, %scan3A_1127 : i32
        %scan3A_1129 = arith.constant 1 : i32
        scf.for %scan3A_1131 = %scan3A_1126 to %scan3A_1128 step %scan3A_1129  : i32 {
          %mul3A_1132 = arith.constant 16 : i32
          %mul3A_1133 = arith.muli %scan3A_1131, %mul3A_1132 : i32
          %get3A_1134 = arith.constant 0 : i32
          %get3A_1135 = tpu.memref_slice %arg7[%add3A_532, %get3A_1134] : memref<50x128xi32, #tpu.memory_space<vmem>> -> memref<1x128xi32, #tpu.memory_space<vmem>>
          %get3A_1136 = tpu.memref_squeeze %get3A_1135 : memref<1x128xi32, #tpu.memory_space<vmem>> -> memref<128xi32, #tpu.memory_space<vmem>>
          %get3A_1137 = arith.index_cast %mul3A_1133 : i32 to index
          %get3A_1138 = tpu.vector_load %get3A_1136[%get3A_1137] {strides = array<i32>} : memref<128xi32, #tpu.memory_space<vmem>>, vector<16xi32>,
          %add3A_1139 = arith.constant 64 : i32
          %add3A_1140 = vector.broadcast %add3A_1139 : i32 to vector<16xi32>
          %add3A_1141 = arith.addi %broadcast_in_dim3A_5, %add3A_1140 : vector<16xi32>
          %sub3A = arith.constant 1 : i32
          %sub3A_1142 = vector.broadcast %sub3A : i32 to vector<16xi32>
          %sub3A_1143 = arith.subi %add3A_1141, %sub3A_1142 : vector<16xi32>
          %gather3A_1144 = tpu.vector_load_idx %arg10[%sub3A_1143] : memref<128xi32, #tpu.memory_space<vmem>>[vector<16xi32>], vector<16xi32>,
          %lt3A_1145 = arith.cmpi slt, %gather3A_1144, %get3A_1138 : vector<16xi32>
          %select_n3A = arith.select %lt3A_1145, %add3A_1141, %broadcast_in_dim3A_5 : vector<16xi1>, vector<16xi32>
          %add3A_1146 = arith.constant 32 : i32
          %add3A_1147 = vector.broadcast %add3A_1146 : i32 to vector<16xi32>
          %add3A_1148 = arith.addi %select_n3A, %add3A_1147 : vector<16xi32>
          %sub3A_1149 = arith.constant 1 : i32
          %sub3A_1150 = vector.broadcast %sub3A_1149 : i32 to vector<16xi32>
          %sub3A_1151 = arith.subi %add3A_1148, %sub3A_1150 : vector<16xi32>
          %gather3A_1152 = tpu.vector_load_idx %arg10[%sub3A_1151] : memref<128xi32, #tpu.memory_space<vmem>>[vector<16xi32>], vector<16xi32>,
          %lt3A_1153 = arith.cmpi slt, %gather3A_1152, %get3A_1138 : vector<16xi32>
          %select_n3A_1154 = arith.select %lt3A_1153, %add3A_1148, %select_n3A : vector<16xi1>, vector<16xi32>
          %add3A_1155 = arith.constant 16 : i32
          %add3A_1156 = vector.broadcast %add3A_1155 : i32 to vector<16xi32>
          %add3A_1157 = arith.addi %select_n3A_1154, %add3A_1156 : vector<16xi32>
          %sub3A_1158 = arith.constant 1 : i32
          %sub3A_1159 = vector.broadcast %sub3A_1158 : i32 to vector<16xi32>
          %sub3A_1160 = arith.subi %add3A_1157, %sub3A_1159 : vector<16xi32>
          %gather3A_1161 = tpu.vector_load_idx %arg10[%sub3A_1160] : memref<128xi32, #tpu.memory_space<vmem>>[vector<16xi32>], vector<16xi32>,
          %lt3A_1162 = arith.cmpi slt, %gather3A_1161, %get3A_1138 : vector<16xi32>
          %select_n3A_1163 = arith.select %lt3A_1162, %add3A_1157, %select_n3A_1154 : vector<16xi1>, vector<16xi32>
          %add3A_1164 = arith.constant 8 : i32
          %add3A_1165 = vector.broadcast %add3A_1164 : i32 to vector<16xi32>
          %add3A_1166 = arith.addi %select_n3A_1163, %add3A_1165 : vector<16xi32>
          %sub3A_1167 = arith.constant 1 : i32
          %sub3A_1168 = vector.broadcast %sub3A_1167 : i32 to vector<16xi32>
          %sub3A_1169 = arith.subi %add3A_1166, %sub3A_1168 : vector<16xi32>
          %gather3A_1170 = tpu.vector_load_idx %arg10[%sub3A_1169] : memref<128xi32, #tpu.memory_space<vmem>>[vector<16xi32>], vector<16xi32>,
          %lt3A_1171 = arith.cmpi slt, %gather3A_1170, %get3A_1138 : vector<16xi32>
          %select_n3A_1172 = arith.select %lt3A_1171, %add3A_1166, %select_n3A_1163 : vector<16xi1>, vector<16xi32>
          %add3A_1173 = arith.constant 4 : i32
          %add3A_1174 = vector.broadcast %add3A_1173 : i32 to vector<16xi32>
          %add3A_1175 = arith.addi %select_n3A_1172, %add3A_1174 : vector<16xi32>
          %sub3A_1176 = arith.constant 1 : i32
          %sub3A_1177 = vector.broadcast %sub3A_1176 : i32 to vector<16xi32>
          %sub3A_1178 = arith.subi %add3A_1175, %sub3A_1177 : vector<16xi32>
          %gather3A_1179 = tpu.vector_load_idx %arg10[%sub3A_1178] : memref<128xi32, #tpu.memory_space<vmem>>[vector<16xi32>], vector<16xi32>,
          %lt3A_1180 = arith.cmpi slt, %gather3A_1179, %get3A_1138 : vector<16xi32>
          %select_n3A_1181 = arith.select %lt3A_1180, %add3A_1175, %select_n3A_1172 : vector<16xi1>, vector<16xi32>
          %add3A_1182 = arith.constant 2 : i32
          %add3A_1183 = vector.broadcast %add3A_1182 : i32 to vector<16xi32>
          %add3A_1184 = arith.addi %select_n3A_1181, %add3A_1183 : vector<16xi32>
          %sub3A_1185 = arith.constant 1 : i32
          %sub3A_1186 = vector.broadcast %sub3A_1185 : i32 to vector<16xi32>
          %sub3A_1187 = arith.subi %add3A_1184, %sub3A_1186 : vector<16xi32>
          %gather3A_1188 = tpu.vector_load_idx %arg10[%sub3A_1187] : memref<128xi32, #tpu.memory_space<vmem>>[vector<16xi32>], vector<16xi32>,
          %lt3A_1189 = arith.cmpi slt, %gather3A_1188, %get3A_1138 : vector<16xi32>
          %select_n3A_1190 = arith.select %lt3A_1189, %add3A_1184, %select_n3A_1181 : vector<16xi1>, vector<16xi32>
          %add3A_1191 = arith.constant 1 : i32
          %add3A_1192 = vector.broadcast %add3A_1191 : i32 to vector<16xi32>
          %add3A_1193 = arith.addi %select_n3A_1190, %add3A_1192 : vector<16xi32>
          %sub3A_1194 = arith.constant 1 : i32
          %sub3A_1195 = vector.broadcast %sub3A_1194 : i32 to vector<16xi32>
          %sub3A_1196 = arith.subi %add3A_1193, %sub3A_1195 : vector<16xi32>
          %gather3A_1197 = tpu.vector_load_idx %arg10[%sub3A_1196] : memref<128xi32, #tpu.memory_space<vmem>>[vector<16xi32>], vector<16xi32>,
          %lt3A_1198 = arith.cmpi slt, %gather3A_1197, %get3A_1138 : vector<16xi32>
          %select_n3A_1199 = arith.select %lt3A_1198, %add3A_1193, %select_n3A_1190 : vector<16xi1>, vector<16xi32>
          %min3A_1200 = arith.constant 127 : i32
          %min3A_1201 = vector.broadcast %min3A_1200 : i32 to vector<16xi32>
          %min3A_1202 = arith.minsi %select_n3A_1199, %min3A_1201 : vector<16xi32>
          %gather3A_1203 = tpu.vector_load_idx %arg10[%min3A_1202] : memref<128xi32, #tpu.memory_space<vmem>>[vector<16xi32>], vector<16xi32>,
          %eq3A = arith.cmpi eq, %gather3A_1203, %get3A_1138 : vector<16xi32>
          %lt3A_1204 = arith.constant 128 : i32
          %lt3A_1205 = vector.broadcast %lt3A_1204 : i32 to vector<16xi32>
          %lt3A_1206 = arith.cmpi slt, %select_n3A_1199, %lt3A_1205 : vector<16xi32>
          %and3A_1207 = arith.andi %eq3A, %lt3A_1206 : vector<16xi1>
          %convert_element_type3A_1208 = arith.extui %and3A_1207 : vector<16xi1> to vector<16xi32>
          %reduce_sum3A = arith.constant true
          %reduce_sum3A_1209 = vector.broadcast %reduce_sum3A : i1 to vector<16xi1>
          %reduce_sum3A_1210 = tpu.scan <sum>, %convert_element_type3A_1208 masked %reduce_sum3A_1209 : vector<16xi32>, vector<16xi1> -> vector<16xi32>
          %reduce_sum3A_1211 = vector.extract %reduce_sum3A_1210[15] : i32 from vector<16xi32>
          %gt3A = arith.constant 0 : i32
          %gt3A_1212 = arith.cmpi sgt, %reduce_sum3A_1211, %gt3A : i32
          %convert_element_type3A_1213 = arith.extui %gt3A_1212 : i1 to i32
          %cond3A_1214 = arith.constant 0 : i32
          %cond3A_1215 = arith.cmpi ne, %convert_element_type3A_1213, %cond3A_1214 : i32
          scf.if %cond3A_1215 {
            %mul3A_1216 = arith.constant 16 : i32
            %mul3A_1217 = arith.muli %scan3A_1131, %mul3A_1216 : i32
            %add3A_1218 = arith.constant 512 : i32
            %add3A_1219 = arith.addi %add3A_1218, %mul3A_1217 : i32
            %add3A_1220 = vector.broadcast %add3A_1219 : i32 to vector<16xi32>
            %add3A_1221 = arith.addi %add3A_1220, %iota3A : vector<16xi32>
            %swap3A = arith.constant 0 : index
            %swap3A_1222 = tpu.vector_load %arg12[%swap3A] masked %and3A_1207 {strides = array<i32>} : memref<16xi32, #tpu.memory_space<vmem>>, vector<16xi32>, vector<16xi1>
            tpu.vector_store %arg12[%swap3A], %add3A_1221 masked %and3A_1207 {strides = array<i32>} : memref<16xi32, #tpu.memory_space<vmem>>, vector<16xi32>, vector<16xi1>
            %swap3A_1223 = arith.constant 0 : index
            %swap3A_1224 = tpu.vector_load %arg13[%swap3A_1223] masked %and3A_1207 {strides = array<i32>} : memref<16xi32, #tpu.memory_space<vmem>>, vector<16xi32>, vector<16xi1>
            tpu.vector_store %arg13[%swap3A_1223], %select_n3A_1199 masked %and3A_1207 {strides = array<i32>} : memref<16xi32, #tpu.memory_space<vmem>>, vector<16xi32>, vector<16xi1>
            %while3A = arith.constant 0 : i32
            %while3A_1225 = arith.constant 0 : i32
            %while3A_1226 = arith.subi %reduce_sum3A_1211, %while3A_1225 : i32
            %while3A_1227 = arith.addi %while3A_1225, %while3A_1226 : i32
            %while3A_1228 = arith.constant 1 : i32
            %while3A_1229 = arith.divsi %while3A_1226, %while3A_1228 : i32
            %while3A_1230 = arith.muli %while3A_1229, %while3A_1228 : i32
            %while3A_1231 = arith.addi %while3A_1225, %while3A_1230 : i32
            %while3A_1232 = arith.constant 1 : i32
            scf.for %while3A_1234 = %while3A_1225 to %while3A_1231 step %while3A_1232  : i32 {
              %broadcast_in_dim3A_1235 = vector.broadcast %while3A_1234 : i32 to vector<16xi32>
              %gather3A_1236 = tpu.vector_load_idx %arg12[%broadcast_in_dim3A_1235] : memref<16xi32, #tpu.memory_space<vmem>>[vector<16xi32>], vector<16xi32>,
              %gather3A_1237 = tpu.vector_load_idx %arg13[%broadcast_in_dim3A_1235] : memref<16xi32, #tpu.memory_space<vmem>>[vector<16xi32>], vector<16xi32>,
              %add3A_1238 = arith.constant 0 : i32
              %add3A_1239 = vector.broadcast %add3A_1238 : i32 to vector<16xi32>
              %add3A_1240 = arith.addi %iota3A, %add3A_1239 : vector<16xi32>
              %gather3A_1241 = tpu.vector_load_idx %arg11[%gather3A_1237, %add3A_1240] : memref<128x64xf32, #tpu.memory_space<vmem>>[vector<16xi32>, vector<16xi32>], vector<16xf32>,
              tpu.vector_store_idx %arg8[%gather3A_1236, %add3A_1240], %gather3A_1241 : memref<640x64xf32, #tpu.memory_space<vmem>>[vector<16xi32>, vector<16xi32>], vector<16xf32>,
              %add3A_1242 = arith.constant 16 : i32
              %add3A_1243 = vector.broadcast %add3A_1242 : i32 to vector<16xi32>
              %add3A_1244 = arith.addi %iota3A, %add3A_1243 : vector<16xi32>
              %gather3A_1245 = tpu.vector_load_idx %arg11[%gather3A_1237, %add3A_1244] : memref<128x64xf32, #tpu.memory_space<vmem>>[vector<16xi32>, vector<16xi32>], vector<16xf32>,
              tpu.vector_store_idx %arg8[%gather3A_1236, %add3A_1244], %gather3A_1245 : memref<640x64xf32, #tpu.memory_space<vmem>>[vector<16xi32>, vector<16xi32>], vector<16xf32>,
              %add3A_1246 = arith.constant 32 : i32
              %add3A_1247 = vector.broadcast %add3A_1246 : i32 to vector<16xi32>
              %add3A_1248 = arith.addi %iota3A, %add3A_1247 : vector<16xi32>
              %gather3A_1249 = tpu.vector_load_idx %arg11[%gather3A_1237, %add3A_1248] : memref<128x64xf32, #tpu.memory_space<vmem>>[vector<16xi32>, vector<16xi32>], vector<16xf32>,
              tpu.vector_store_idx %arg8[%gather3A_1236, %add3A_1248], %gather3A_1249 : memref<640x64xf32, #tpu.memory_space<vmem>>[vector<16xi32>, vector<16xi32>], vector<16xf32>,
              %add3A_1250 = arith.constant 48 : i32
              %add3A_1251 = vector.broadcast %add3A_1250 : i32 to vector<16xi32>
              %add3A_1252 = arith.addi %iota3A, %add3A_1251 : vector<16xi32>
              %gather3A_1253 = tpu.vector_load_idx %arg11[%gather3A_1237, %add3A_1252] : memref<128x64xf32, #tpu.memory_space<vmem>>[vector<16xi32>, vector<16xi32>], vector<16xf32>,
              tpu.vector_store_idx %arg8[%gather3A_1236, %add3A_1252], %gather3A_1253 : memref<640x64xf32, #tpu.memory_space<vmem>>[vector<16xi32>, vector<16xi32>], vector<16xf32>,
            }
            %while3A_1233 = arith.constant 1 : i32
            scf.for %while3A_1234 = %while3A_1231 to %while3A_1227 step %while3A_1233  : i32 {
              %broadcast_in_dim3A_1235 = vector.broadcast %while3A_1234 : i32 to vector<16xi32>
              %gather3A_1236 = tpu.vector_load_idx %arg12[%broadcast_in_dim3A_1235] : memref<16xi32, #tpu.memory_space<vmem>>[vector<16xi32>], vector<16xi32>,
              %gather3A_1237 = tpu.vector_load_idx %arg13[%broadcast_in_dim3A_1235] : memref<16xi32, #tpu.memory_space<vmem>>[vector<16xi32>], vector<16xi32>,
              %add3A_1238 = arith.constant 0 : i32
              %add3A_1239 = vector.broadcast %add3A_1238 : i32 to vector<16xi32>
              %add3A_1240 = arith.addi %iota3A, %add3A_1239 : vector<16xi32>
              %gather3A_1241 = tpu.vector_load_idx %arg11[%gather3A_1237, %add3A_1240] : memref<128x64xf32, #tpu.memory_space<vmem>>[vector<16xi32>, vector<16xi32>], vector<16xf32>,
              tpu.vector_store_idx %arg8[%gather3A_1236, %add3A_1240], %gather3A_1241 : memref<640x64xf32, #tpu.memory_space<vmem>>[vector<16xi32>, vector<16xi32>], vector<16xf32>,
              %add3A_1242 = arith.constant 16 : i32
              %add3A_1243 = vector.broadcast %add3A_1242 : i32 to vector<16xi32>
              %add3A_1244 = arith.addi %iota3A, %add3A_1243 : vector<16xi32>
              %gather3A_1245 = tpu.vector_load_idx %arg11[%gather3A_1237, %add3A_1244] : memref<128x64xf32, #tpu.memory_space<vmem>>[vector<16xi32>, vector<16xi32>], vector<16xf32>,
              tpu.vector_store_idx %arg8[%gather3A_1236, %add3A_1244], %gather3A_1245 : memref<640x64xf32, #tpu.memory_space<vmem>>[vector<16xi32>, vector<16xi32>], vector<16xf32>,
              %add3A_1246 = arith.constant 32 : i32
              %add3A_1247 = vector.broadcast %add3A_1246 : i32 to vector<16xi32>
              %add3A_1248 = arith.addi %iota3A, %add3A_1247 : vector<16xi32>
              %gather3A_1249 = tpu.vector_load_idx %arg11[%gather3A_1237, %add3A_1248] : memref<128x64xf32, #tpu.memory_space<vmem>>[vector<16xi32>, vector<16xi32>], vector<16xf32>,
              tpu.vector_store_idx %arg8[%gather3A_1236, %add3A_1248], %gather3A_1249 : memref<640x64xf32, #tpu.memory_space<vmem>>[vector<16xi32>, vector<16xi32>], vector<16xf32>,
              %add3A_1250 = arith.constant 48 : i32
              %add3A_1251 = vector.broadcast %add3A_1250 : i32 to vector<16xi32>
              %add3A_1252 = arith.addi %iota3A, %add3A_1251 : vector<16xi32>
              %gather3A_1253 = tpu.vector_load_idx %arg11[%gather3A_1237, %add3A_1252] : memref<128x64xf32, #tpu.memory_space<vmem>>[vector<16xi32>, vector<16xi32>], vector<16xf32>,
              tpu.vector_store_idx %arg8[%gather3A_1236, %add3A_1252], %gather3A_1253 : memref<640x64xf32, #tpu.memory_space<vmem>>[vector<16xi32>, vector<16xi32>], vector<16xf32>,
            }
          } else {
          }
        }
        %scan3A_1130 = arith.constant 8 : i32
      } else {
      }
      %mul3A_615 = arith.constant 640 : i32
      %mul3A_616 = arith.muli %add3A_143, %mul3A_615 : i32
      %add3A_617 = arith.addi %mul3A_2, %mul3A_616 : i32
      %dma_start3A_618 = arith.constant 0 : i32
      %dma_start3A_619 = tpu.memref_slice %arg6[%add3A_617, %dma_start3A_618] : memref<204800x64xf32, #tpu.memory_space<hbm>> -> memref<640x64xf32, #tpu.memory_space<hbm>>
      %dma_start3A_620 = arith.constant 0 : i32
      %dma_start3A_621 = tpu.memref_slice %arg6[%add3A_617, %dma_start3A_620] : memref<204800x64xf32, #tpu.memory_space<hbm>> -> memref<640x64xf32, #tpu.memory_space<hbm>>
      tpu.enqueue_dma source(%arg8 : memref<640x64xf32, #tpu.memory_space<vmem>>) target(%dma_start3A_621 : memref<640x64xf32, #tpu.memory_space<hbm>>) target_semaphore(%arg16 : memref<!tpu.dma_semaphore, #tpu.memory_space<semaphore_mem>>)
      %add3A_622 = arith.constant 2 : i32
      %add3A_623 = arith.addi %add3A_143, %add3A_622 : i32
      %lt3A = arith.constant 10 : i32
      %lt3A_624 = arith.cmpi slt, %add3A_623, %lt3A : i32
      %convert_element_type3A_625 = arith.extui %lt3A_624 : i1 to i32
      %cond3A_626 = arith.constant 0 : i32
      %cond3A_627 = arith.cmpi ne, %convert_element_type3A_625, %cond3A_626 : i32
      scf.if %cond3A_627 {
        %dma_wait3A_1125 = arith.constant 0 : i32
        %dma_wait3A_1126 = tpu.memref_slice %arg6[%add3A_617, %dma_wait3A_1125] : memref<204800x64xf32, #tpu.memory_space<hbm>> -> memref<640x64xf32, #tpu.memory_space<hbm>>
        %dma_wait3A_1127 = arith.constant 0 : i32
        %dma_wait3A_1128 = tpu.memref_slice %arg6[%add3A_617, %dma_wait3A_1127] : memref<204800x64xf32, #tpu.memory_space<hbm>> -> memref<640x64xf32, #tpu.memory_space<hbm>>
        tpu.wait_dma2 semaphore(%arg16 : memref<!tpu.dma_semaphore, #tpu.memory_space<semaphore_mem>>) src(%arg8 : memref<640x64xf32, #tpu.memory_space<vmem>>) dst(%dma_wait3A_1128 : memref<640x64xf32, #tpu.memory_space<hbm>>)
        %add3A_1129 = arith.constant 2 : i32
        %add3A_1130 = arith.addi %add3A_143, %add3A_1129 : i32
        %mul3A_1131 = arith.constant 5 : i32
        %mul3A_1132 = arith.muli %add3A_1130, %mul3A_1131 : i32
        %add3A_1133 = arith.constant 0 : i32
        %add3A_1134 = arith.addi %mul3A_1132, %add3A_1133 : i32
        %dma_start3A_1135 = arith.constant 0 : i32
        %dma_start3A_1136 = arith.constant 0 : i32
        %dma_start3A_1137 = tpu.memref_slice %arg8[%dma_start3A_1135, %dma_start3A_1136] : memref<640x64xf32, #tpu.memory_space<vmem>> -> memref<128x64xf32, #tpu.memory_space<vmem>>
        %dma_start3A_1138 = arith.constant 0 : i32
        %dma_start3A_1139 = tpu.memref_slice %arg7[%add3A_1134, %dma_start3A_1138] : memref<50x128xi32, #tpu.memory_space<vmem>> -> memref<1x128xi32, #tpu.memory_space<vmem>>
        %dma_start3A_1140 = tpu.memref_squeeze %dma_start3A_1139 : memref<1x128xi32, #tpu.memory_space<vmem>> -> memref<128xi32, #tpu.memory_space<vmem>>
        %dma_start3A_1141 = arith.constant 0 : i32
        %dma_start3A_1142 = arith.constant 0 : i32
        %dma_start3A_1143 = tpu.memref_slice %arg3[%dma_start3A_1141, %dma_start3A_1142] : memref<100000x64xf32, #tpu.memory_space<hbm>> -> memref<100000x64xf32, #tpu.memory_space<hbm>>
        tpu.enqueue_indirect_dma source(%dma_start3A_1143 : memref<100000x64xf32, #tpu.memory_space<hbm>>) target(%dma_start3A_1137 : memref<128x64xf32, #tpu.memory_space<vmem>>) offsets(%dma_start3A_1140 : memref<128xi32, #tpu.memory_space<vmem>>) semaphore(%arg14 : memref<!tpu.dma_semaphore, #tpu.memory_space<semaphore_mem>>)
        %add3A_1144 = arith.constant 1 : i32
        %add3A_1145 = arith.addi %mul3A_1132, %add3A_1144 : i32
        %dma_start3A_1146 = arith.constant 128 : i32
        %dma_start3A_1147 = arith.constant 0 : i32
        %dma_start3A_1148 = tpu.memref_slice %arg8[%dma_start3A_1146, %dma_start3A_1147] : memref<640x64xf32, #tpu.memory_space<vmem>> -> memref<128x64xf32, #tpu.memory_space<vmem>>
        %dma_start3A_1149 = arith.constant 0 : i32
        %dma_start3A_1150 = tpu.memref_slice %arg7[%add3A_1145, %dma_start3A_1149] : memref<50x128xi32, #tpu.memory_space<vmem>> -> memref<1x128xi32, #tpu.memory_space<vmem>>
        %dma_start3A_1151 = tpu.memref_squeeze %dma_start3A_1150 : memref<1x128xi32, #tpu.memory_space<vmem>> -> memref<128xi32, #tpu.memory_space<vmem>>
        %dma_start3A_1152 = arith.constant 0 : i32
        %dma_start3A_1153 = arith.constant 0 : i32
        %dma_start3A_1154 = tpu.memref_slice %arg3[%dma_start3A_1152, %dma_start3A_1153] : memref<100000x64xf32, #tpu.memory_space<hbm>> -> memref<100000x64xf32, #tpu.memory_space<hbm>>
        tpu.enqueue_indirect_dma source(%dma_start3A_1154 : memref<100000x64xf32, #tpu.memory_space<hbm>>) target(%dma_start3A_1148 : memref<128x64xf32, #tpu.memory_space<vmem>>) offsets(%dma_start3A_1151 : memref<128xi32, #tpu.memory_space<vmem>>) semaphore(%arg14 : memref<!tpu.dma_semaphore, #tpu.memory_space<semaphore_mem>>)
        %add3A_1155 = arith.constant 2 : i32
        %add3A_1156 = arith.addi %mul3A_1132, %add3A_1155 : i32
        %dma_start3A_1157 = arith.constant 256 : i32
        %dma_start3A_1158 = arith.constant 0 : i32
        %dma_start3A_1159 = tpu.memref_slice %arg8[%dma_start3A_1157, %dma_start3A_1158] : memref<640x64xf32, #tpu.memory_space<vmem>> -> memref<128x64xf32, #tpu.memory_space<vmem>>
        %dma_start3A_1160 = arith.constant 0 : i32
        %dma_start3A_1161 = tpu.memref_slice %arg7[%add3A_1156, %dma_start3A_1160] : memref<50x128xi32, #tpu.memory_space<vmem>> -> memref<1x128xi32, #tpu.memory_space<vmem>>
        %dma_start3A_1162 = tpu.memref_squeeze %dma_start3A_1161 : memref<1x128xi32, #tpu.memory_space<vmem>> -> memref<128xi32, #tpu.memory_space<vmem>>
        %dma_start3A_1163 = arith.constant 0 : i32
        %dma_start3A_1164 = arith.constant 0 : i32
        %dma_start3A_1165 = tpu.memref_slice %arg3[%dma_start3A_1163, %dma_start3A_1164] : memref<100000x64xf32, #tpu.memory_space<hbm>> -> memref<100000x64xf32, #tpu.memory_space<hbm>>
        tpu.enqueue_indirect_dma source(%dma_start3A_1165 : memref<100000x64xf32, #tpu.memory_space<hbm>>) target(%dma_start3A_1159 : memref<128x64xf32, #tpu.memory_space<vmem>>) offsets(%dma_start3A_1162 : memref<128xi32, #tpu.memory_space<vmem>>) semaphore(%arg14 : memref<!tpu.dma_semaphore, #tpu.memory_space<semaphore_mem>>)
        %add3A_1166 = arith.constant 3 : i32
        %add3A_1167 = arith.addi %mul3A_1132, %add3A_1166 : i32
        %dma_start3A_1168 = arith.constant 384 : i32
        %dma_start3A_1169 = arith.constant 0 : i32
        %dma_start3A_1170 = tpu.memref_slice %arg8[%dma_start3A_1168, %dma_start3A_1169] : memref<640x64xf32, #tpu.memory_space<vmem>> -> memref<128x64xf32, #tpu.memory_space<vmem>>
        %dma_start3A_1171 = arith.constant 0 : i32
        %dma_start3A_1172 = tpu.memref_slice %arg7[%add3A_1167, %dma_start3A_1171] : memref<50x128xi32, #tpu.memory_space<vmem>> -> memref<1x128xi32, #tpu.memory_space<vmem>>
        %dma_start3A_1173 = tpu.memref_squeeze %dma_start3A_1172 : memref<1x128xi32, #tpu.memory_space<vmem>> -> memref<128xi32, #tpu.memory_space<vmem>>
        %dma_start3A_1174 = arith.constant 0 : i32
        %dma_start3A_1175 = arith.constant 0 : i32
        %dma_start3A_1176 = tpu.memref_slice %arg3[%dma_start3A_1174, %dma_start3A_1175] : memref<100000x64xf32, #tpu.memory_space<hbm>> -> memref<100000x64xf32, #tpu.memory_space<hbm>>
        tpu.enqueue_indirect_dma source(%dma_start3A_1176 : memref<100000x64xf32, #tpu.memory_space<hbm>>) target(%dma_start3A_1170 : memref<128x64xf32, #tpu.memory_space<vmem>>) offsets(%dma_start3A_1173 : memref<128xi32, #tpu.memory_space<vmem>>) semaphore(%arg14 : memref<!tpu.dma_semaphore, #tpu.memory_space<semaphore_mem>>)
        %add3A_1177 = arith.constant 4 : i32
        %add3A_1178 = arith.addi %mul3A_1132, %add3A_1177 : i32
        %dma_start3A_1179 = arith.constant 512 : i32
        %dma_start3A_1180 = arith.constant 0 : i32
        %dma_start3A_1181 = tpu.memref_slice %arg8[%dma_start3A_1179, %dma_start3A_1180] : memref<640x64xf32, #tpu.memory_space<vmem>> -> memref<128x64xf32, #tpu.memory_space<vmem>>
        %dma_start3A_1182 = arith.constant 0 : i32
        %dma_start3A_1183 = tpu.memref_slice %arg7[%add3A_1178, %dma_start3A_1182] : memref<50x128xi32, #tpu.memory_space<vmem>> -> memref<1x128xi32, #tpu.memory_space<vmem>>
        %dma_start3A_1184 = tpu.memref_squeeze %dma_start3A_1183 : memref<1x128xi32, #tpu.memory_space<vmem>> -> memref<128xi32, #tpu.memory_space<vmem>>
        %dma_start3A_1185 = arith.constant 0 : i32
        %dma_start3A_1186 = arith.constant 0 : i32
        %dma_start3A_1187 = tpu.memref_slice %arg3[%dma_start3A_1185, %dma_start3A_1186] : memref<100000x64xf32, #tpu.memory_space<hbm>> -> memref<100000x64xf32, #tpu.memory_space<hbm>>
        tpu.enqueue_indirect_dma source(%dma_start3A_1187 : memref<100000x64xf32, #tpu.memory_space<hbm>>) target(%dma_start3A_1181 : memref<128x64xf32, #tpu.memory_space<vmem>>) offsets(%dma_start3A_1184 : memref<128xi32, #tpu.memory_space<vmem>>) semaphore(%arg14 : memref<!tpu.dma_semaphore, #tpu.memory_space<semaphore_mem>>)
      } else {
      }
      %mul3A_628 = arith.constant 2 : i32
      %mul3A_629 = arith.muli %mul3A_628, %scan3A_139 : i32
      %add3A_630 = arith.constant 1 : i32
      %add3A_631 = arith.addi %mul3A_629, %add3A_630 : i32
      %mul3A_632 = arith.constant 5 : i32
      %mul3A_633 = arith.muli %add3A_631, %mul3A_632 : i32
      %add3A_634 = arith.constant 0 : i32
      %add3A_635 = arith.addi %mul3A_633, %add3A_634 : i32
      %add3A_636 = arith.constant 1 : i32
      %add3A_637 = arith.addi %mul3A_633, %add3A_636 : i32
      %add3A_638 = arith.constant 2 : i32
      %add3A_639 = arith.addi %mul3A_633, %add3A_638 : i32
      %add3A_640 = arith.constant 3 : i32
      %add3A_641 = arith.addi %mul3A_633, %add3A_640 : i32
      %add3A_642 = arith.constant 4 : i32
      %add3A_643 = arith.addi %mul3A_633, %add3A_642 : i32
      %dma_wait3A_644 = arith.constant 0 : i32
      %dma_wait3A_645 = arith.constant 0 : i32
      %dma_wait3A_646 = tpu.memref_slice %arg9[%dma_wait3A_644, %dma_wait3A_645] : memref<640x64xf32, #tpu.memory_space<vmem>> -> memref<128x64xf32, #tpu.memory_space<vmem>>
      %dma_wait3A_647 = arith.constant 0 : i32
      %dma_wait3A_648 = tpu.memref_slice %arg7[%add3A_635, %dma_wait3A_647] : memref<50x128xi32, #tpu.memory_space<vmem>> -> memref<1x128xi32, #tpu.memory_space<vmem>>
      %dma_wait3A_649 = tpu.memref_squeeze %dma_wait3A_648 : memref<1x128xi32, #tpu.memory_space<vmem>> -> memref<128xi32, #tpu.memory_space<vmem>>
      %dma_wait3A_650 = arith.constant 0 : i32
      %dma_wait3A_651 = arith.constant 0 : i32
      %dma_wait3A_652 = tpu.memref_slice %arg3[%dma_wait3A_650, %dma_wait3A_651] : memref<100000x64xf32, #tpu.memory_space<hbm>> -> memref<100000x64xf32, #tpu.memory_space<hbm>>
      tpu.wait_indirect_dma semaphore(%arg15 : memref<!tpu.dma_semaphore, #tpu.memory_space<semaphore_mem>>) src(%dma_wait3A_652 : memref<100000x64xf32, #tpu.memory_space<hbm>>) dst(%dma_wait3A_646 : memref<128x64xf32, #tpu.memory_space<vmem>>)
      %dma_wait3A_653 = arith.constant 128 : i32
      %dma_wait3A_654 = arith.constant 0 : i32
      %dma_wait3A_655 = tpu.memref_slice %arg9[%dma_wait3A_653, %dma_wait3A_654] : memref<640x64xf32, #tpu.memory_space<vmem>> -> memref<128x64xf32, #tpu.memory_space<vmem>>
      %dma_wait3A_656 = arith.constant 0 : i32
      %dma_wait3A_657 = tpu.memref_slice %arg7[%add3A_637, %dma_wait3A_656] : memref<50x128xi32, #tpu.memory_space<vmem>> -> memref<1x128xi32, #tpu.memory_space<vmem>>
      %dma_wait3A_658 = tpu.memref_squeeze %dma_wait3A_657 : memref<1x128xi32, #tpu.memory_space<vmem>> -> memref<128xi32, #tpu.memory_space<vmem>>
      %dma_wait3A_659 = arith.constant 0 : i32
      %dma_wait3A_660 = arith.constant 0 : i32
      %dma_wait3A_661 = tpu.memref_slice %arg3[%dma_wait3A_659, %dma_wait3A_660] : memref<100000x64xf32, #tpu.memory_space<hbm>> -> memref<100000x64xf32, #tpu.memory_space<hbm>>
      tpu.wait_indirect_dma semaphore(%arg15 : memref<!tpu.dma_semaphore, #tpu.memory_space<semaphore_mem>>) src(%dma_wait3A_661 : memref<100000x64xf32, #tpu.memory_space<hbm>>) dst(%dma_wait3A_655 : memref<128x64xf32, #tpu.memory_space<vmem>>)
      %dma_wait3A_662 = arith.constant 256 : i32
      %dma_wait3A_663 = arith.constant 0 : i32
      %dma_wait3A_664 = tpu.memref_slice %arg9[%dma_wait3A_662, %dma_wait3A_663] : memref<640x64xf32, #tpu.memory_space<vmem>> -> memref<128x64xf32, #tpu.memory_space<vmem>>
      %dma_wait3A_665 = arith.constant 0 : i32
      %dma_wait3A_666 = tpu.memref_slice %arg7[%add3A_639, %dma_wait3A_665] : memref<50x128xi32, #tpu.memory_space<vmem>> -> memref<1x128xi32, #tpu.memory_space<vmem>>
      %dma_wait3A_667 = tpu.memref_squeeze %dma_wait3A_666 : memref<1x128xi32, #tpu.memory_space<vmem>> -> memref<128xi32, #tpu.memory_space<vmem>>
      %dma_wait3A_668 = arith.constant 0 : i32
      %dma_wait3A_669 = arith.constant 0 : i32
      %dma_wait3A_670 = tpu.memref_slice %arg3[%dma_wait3A_668, %dma_wait3A_669] : memref<100000x64xf32, #tpu.memory_space<hbm>> -> memref<100000x64xf32, #tpu.memory_space<hbm>>
      tpu.wait_indirect_dma semaphore(%arg15 : memref<!tpu.dma_semaphore, #tpu.memory_space<semaphore_mem>>) src(%dma_wait3A_670 : memref<100000x64xf32, #tpu.memory_space<hbm>>) dst(%dma_wait3A_664 : memref<128x64xf32, #tpu.memory_space<vmem>>)
      %dma_wait3A_671 = arith.constant 384 : i32
      %dma_wait3A_672 = arith.constant 0 : i32
      %dma_wait3A_673 = tpu.memref_slice %arg9[%dma_wait3A_671, %dma_wait3A_672] : memref<640x64xf32, #tpu.memory_space<vmem>> -> memref<128x64xf32, #tpu.memory_space<vmem>>
      %dma_wait3A_674 = arith.constant 0 : i32
      %dma_wait3A_675 = tpu.memref_slice %arg7[%add3A_641, %dma_wait3A_674] : memref<50x128xi32, #tpu.memory_space<vmem>> -> memref<1x128xi32, #tpu.memory_space<vmem>>
      %dma_wait3A_676 = tpu.memref_squeeze %dma_wait3A_675 : memref<1x128xi32, #tpu.memory_space<vmem>> -> memref<128xi32, #tpu.memory_space<vmem>>
      %dma_wait3A_677 = arith.constant 0 : i32
      %dma_wait3A_678 = arith.constant 0 : i32
      %dma_wait3A_679 = tpu.memref_slice %arg3[%dma_wait3A_677, %dma_wait3A_678] : memref<100000x64xf32, #tpu.memory_space<hbm>> -> memref<100000x64xf32, #tpu.memory_space<hbm>>
      tpu.wait_indirect_dma semaphore(%arg15 : memref<!tpu.dma_semaphore, #tpu.memory_space<semaphore_mem>>) src(%dma_wait3A_679 : memref<100000x64xf32, #tpu.memory_space<hbm>>) dst(%dma_wait3A_673 : memref<128x64xf32, #tpu.memory_space<vmem>>)
      %dma_wait3A_680 = arith.constant 512 : i32
      %dma_wait3A_681 = arith.constant 0 : i32
      %dma_wait3A_682 = tpu.memref_slice %arg9[%dma_wait3A_680, %dma_wait3A_681] : memref<640x64xf32, #tpu.memory_space<vmem>> -> memref<128x64xf32, #tpu.memory_space<vmem>>
      %dma_wait3A_683 = arith.constant 0 : i32
      %dma_wait3A_684 = tpu.memref_slice %arg7[%add3A_643, %dma_wait3A_683] : memref<50x128xi32, #tpu.memory_space<vmem>> -> memref<1x128xi32, #tpu.memory_space<vmem>>
      %dma_wait3A_685 = tpu.memref_squeeze %dma_wait3A_684 : memref<1x128xi32, #tpu.memory_space<vmem>> -> memref<128xi32, #tpu.memory_space<vmem>>
      %dma_wait3A_686 = arith.constant 0 : i32
      %dma_wait3A_687 = arith.constant 0 : i32
      %dma_wait3A_688 = tpu.memref_slice %arg3[%dma_wait3A_686, %dma_wait3A_687] : memref<100000x64xf32, #tpu.memory_space<hbm>> -> memref<100000x64xf32, #tpu.memory_space<hbm>>
      tpu.wait_indirect_dma semaphore(%arg15 : memref<!tpu.dma_semaphore, #tpu.memory_space<semaphore_mem>>) src(%dma_wait3A_688 : memref<100000x64xf32, #tpu.memory_space<hbm>>) dst(%dma_wait3A_682 : memref<128x64xf32, #tpu.memory_space<vmem>>)
      %mul3A_689 = arith.constant 5 : i32
      %mul3A_690 = arith.muli %add3A_631, %mul3A_689 : i32
      %add3A_691 = arith.constant 0 : i32
      %add3A_692 = arith.addi %mul3A_690, %add3A_691 : i32
      %broadcast_in_dim3A_693 = arith.constant 2147483647 : i32
      %broadcast_in_dim3A_694 = vector.broadcast %broadcast_in_dim3A_693 : i32 to vector<16xi32>
      %broadcast_in_dim3A_695 = arith.constant -2147483648 : i32
      %broadcast_in_dim3A_696 = vector.broadcast %broadcast_in_dim3A_695 : i32 to vector<16xi32>
      %get3A_697 = arith.constant 0 : i32
      %get3A_698 = tpu.memref_slice %arg7[%add3A_692, %get3A_697] : memref<50x128xi32, #tpu.memory_space<vmem>> -> memref<1x128xi32, #tpu.memory_space<vmem>>
      %get3A_699 = tpu.memref_squeeze %get3A_698 : memref<1x128xi32, #tpu.memory_space<vmem>> -> memref<128xi32, #tpu.memory_space<vmem>>
      %get3A_700 = arith.constant 0 : index
      %get3A_701 = tpu.vector_load %get3A_699[%get3A_700] {strides = array<i32>} : memref<128xi32, #tpu.memory_space<vmem>>, vector<16xi32>,
      %min3A_702 = arith.minsi %broadcast_in_dim3A_694, %get3A_701 : vector<16xi32>
      %max3A_703 = arith.maxsi %broadcast_in_dim3A_696, %get3A_701 : vector<16xi32>
      %get3A_704 = arith.constant 0 : i32
      %get3A_705 = tpu.memref_slice %arg7[%add3A_692, %get3A_704] : memref<50x128xi32, #tpu.memory_space<vmem>> -> memref<1x128xi32, #tpu.memory_space<vmem>>
      %get3A_706 = tpu.memref_squeeze %get3A_705 : memref<1x128xi32, #tpu.memory_space<vmem>> -> memref<128xi32, #tpu.memory_space<vmem>>
      %get3A_707 = arith.constant 16 : index
      %get3A_708 = tpu.vector_load %get3A_706[%get3A_707] {strides = array<i32>} : memref<128xi32, #tpu.memory_space<vmem>>, vector<16xi32>,
      %min3A_709 = arith.minsi %min3A_702, %get3A_708 : vector<16xi32>
      %max3A_710 = arith.maxsi %max3A_703, %get3A_708 : vector<16xi32>
      %get3A_711 = arith.constant 0 : i32
      %get3A_712 = tpu.memref_slice %arg7[%add3A_692, %get3A_711] : memref<50x128xi32, #tpu.memory_space<vmem>> -> memref<1x128xi32, #tpu.memory_space<vmem>>
      %get3A_713 = tpu.memref_squeeze %get3A_712 : memref<1x128xi32, #tpu.memory_space<vmem>> -> memref<128xi32, #tpu.memory_space<vmem>>
      %get3A_714 = arith.constant 32 : index
      %get3A_715 = tpu.vector_load %get3A_713[%get3A_714] {strides = array<i32>} : memref<128xi32, #tpu.memory_space<vmem>>, vector<16xi32>,
      %min3A_716 = arith.minsi %min3A_709, %get3A_715 : vector<16xi32>
      %max3A_717 = arith.maxsi %max3A_710, %get3A_715 : vector<16xi32>
      %get3A_718 = arith.constant 0 : i32
      %get3A_719 = tpu.memref_slice %arg7[%add3A_692, %get3A_718] : memref<50x128xi32, #tpu.memory_space<vmem>> -> memref<1x128xi32, #tpu.memory_space<vmem>>
      %get3A_720 = tpu.memref_squeeze %get3A_719 : memref<1x128xi32, #tpu.memory_space<vmem>> -> memref<128xi32, #tpu.memory_space<vmem>>
      %get3A_721 = arith.constant 48 : index
      %get3A_722 = tpu.vector_load %get3A_720[%get3A_721] {strides = array<i32>} : memref<128xi32, #tpu.memory_space<vmem>>, vector<16xi32>,
      %min3A_723 = arith.minsi %min3A_716, %get3A_722 : vector<16xi32>
      %max3A_724 = arith.maxsi %max3A_717, %get3A_722 : vector<16xi32>
      %get3A_725 = arith.constant 0 : i32
      %get3A_726 = tpu.memref_slice %arg7[%add3A_692, %get3A_725] : memref<50x128xi32, #tpu.memory_space<vmem>> -> memref<1x128xi32, #tpu.memory_space<vmem>>
      %get3A_727 = tpu.memref_squeeze %get3A_726 : memref<1x128xi32, #tpu.memory_space<vmem>> -> memref<128xi32, #tpu.memory_space<vmem>>
      %get3A_728 = arith.constant 64 : index
      %get3A_729 = tpu.vector_load %get3A_727[%get3A_728] {strides = array<i32>} : memref<128xi32, #tpu.memory_space<vmem>>, vector<16xi32>,
      %min3A_730 = arith.minsi %min3A_723, %get3A_729 : vector<16xi32>
      %max3A_731 = arith.maxsi %max3A_724, %get3A_729 : vector<16xi32>
      %get3A_732 = arith.constant 0 : i32
      %get3A_733 = tpu.memref_slice %arg7[%add3A_692, %get3A_732] : memref<50x128xi32, #tpu.memory_space<vmem>> -> memref<1x128xi32, #tpu.memory_space<vmem>>
      %get3A_734 = tpu.memref_squeeze %get3A_733 : memref<1x128xi32, #tpu.memory_space<vmem>> -> memref<128xi32, #tpu.memory_space<vmem>>
      %get3A_735 = arith.constant 80 : index
      %get3A_736 = tpu.vector_load %get3A_734[%get3A_735] {strides = array<i32>} : memref<128xi32, #tpu.memory_space<vmem>>, vector<16xi32>,
      %min3A_737 = arith.minsi %min3A_730, %get3A_736 : vector<16xi32>
      %max3A_738 = arith.maxsi %max3A_731, %get3A_736 : vector<16xi32>
      %get3A_739 = arith.constant 0 : i32
      %get3A_740 = tpu.memref_slice %arg7[%add3A_692, %get3A_739] : memref<50x128xi32, #tpu.memory_space<vmem>> -> memref<1x128xi32, #tpu.memory_space<vmem>>
      %get3A_741 = tpu.memref_squeeze %get3A_740 : memref<1x128xi32, #tpu.memory_space<vmem>> -> memref<128xi32, #tpu.memory_space<vmem>>
      %get3A_742 = arith.constant 96 : index
      %get3A_743 = tpu.vector_load %get3A_741[%get3A_742] {strides = array<i32>} : memref<128xi32, #tpu.memory_space<vmem>>, vector<16xi32>,
      %min3A_744 = arith.minsi %min3A_737, %get3A_743 : vector<16xi32>
      %max3A_745 = arith.maxsi %max3A_738, %get3A_743 : vector<16xi32>
      %get3A_746 = arith.constant 0 : i32
      %get3A_747 = tpu.memref_slice %arg7[%add3A_692, %get3A_746] : memref<50x128xi32, #tpu.memory_space<vmem>> -> memref<1x128xi32, #tpu.memory_space<vmem>>
      %get3A_748 = tpu.memref_squeeze %get3A_747 : memref<1x128xi32, #tpu.memory_space<vmem>> -> memref<128xi32, #tpu.memory_space<vmem>>
      %get3A_749 = arith.constant 112 : index
      %get3A_750 = tpu.vector_load %get3A_748[%get3A_749] {strides = array<i32>} : memref<128xi32, #tpu.memory_space<vmem>>, vector<16xi32>,
      %min3A_751 = arith.minsi %min3A_744, %get3A_750 : vector<16xi32>
      %max3A_752 = arith.maxsi %max3A_745, %get3A_750 : vector<16xi32>
      %reduce_min3A_753 = arith.constant true
      %reduce_min3A_754 = vector.broadcast %reduce_min3A_753 : i1 to vector<16xi1>
      %reduce_min3A_755 = arith.constant -2147483648 : i32
      %reduce_min3A_756 = vector.broadcast %reduce_min3A_755 : i32 to vector<16xi32>
      %reduce_min3A_757 = arith.xori %min3A_751, %reduce_min3A_756 : vector<16xi32>
      %reduce_min3A_758 = tpu.scan <min>, %reduce_min3A_757 masked %reduce_min3A_754 : vector<16xi32>, vector<16xi1> -> vector<16xi32>
      %reduce_min3A_759 = arith.xori %reduce_min3A_758, %reduce_min3A_756 : vector<16xi32>
      %reduce_min3A_760 = vector.extract %reduce_min3A_759[15] : i32 from vector<16xi32>
      %le3A_761 = arith.cmpi sle, %reduce_min3A_760, %reduce_max3A_23 : i32
      %reduce_max3A_762 = arith.constant true
      %reduce_max3A_763 = vector.broadcast %reduce_max3A_762 : i1 to vector<16xi1>
      %reduce_max3A_764 = arith.constant -2147483648 : i32
      %reduce_max3A_765 = vector.broadcast %reduce_max3A_764 : i32 to vector<16xi32>
      %reduce_max3A_766 = arith.xori %max3A_752, %reduce_max3A_765 : vector<16xi32>
      %reduce_max3A_767 = tpu.scan <max>, %reduce_max3A_766 masked %reduce_max3A_763 : vector<16xi32>, vector<16xi1> -> vector<16xi32>
      %reduce_max3A_768 = arith.xori %reduce_max3A_767, %reduce_max3A_765 : vector<16xi32>
      %reduce_max3A_769 = vector.extract %reduce_max3A_768[15] : i32 from vector<16xi32>
      %ge3A_770 = arith.cmpi sge, %reduce_max3A_769, %reduce_min3A_12 : i32
      %and3A_771 = arith.andi %le3A_761, %ge3A_770 : i1
      %convert_element_type3A_772 = arith.extui %and3A_771 : i1 to i32
      %cond3A_773 = arith.constant 0 : i32
      %cond3A_774 = arith.cmpi ne, %convert_element_type3A_772, %cond3A_773 : i32
      scf.if %cond3A_774 {
        %scan3A_1125 = arith.constant 0 : i32
        %scan3A_1126 = arith.constant 0 : i32
        %scan3A_1127 = arith.constant 8 : i32
        %scan3A_1128 = arith.addi %scan3A_1126, %scan3A_1127 : i32
        %scan3A_1129 = arith.constant 1 : i32
        scf.for %scan3A_1131 = %scan3A_1126 to %scan3A_1128 step %scan3A_1129  : i32 {
          %mul3A_1132 = arith.constant 16 : i32
          %mul3A_1133 = arith.muli %scan3A_1131, %mul3A_1132 : i32
          %get3A_1134 = arith.constant 0 : i32
          %get3A_1135 = tpu.memref_slice %arg7[%add3A_692, %get3A_1134] : memref<50x128xi32, #tpu.memory_space<vmem>> -> memref<1x128xi32, #tpu.memory_space<vmem>>
          %get3A_1136 = tpu.memref_squeeze %get3A_1135 : memref<1x128xi32, #tpu.memory_space<vmem>> -> memref<128xi32, #tpu.memory_space<vmem>>
          %get3A_1137 = arith.index_cast %mul3A_1133 : i32 to index
          %get3A_1138 = tpu.vector_load %get3A_1136[%get3A_1137] {strides = array<i32>} : memref<128xi32, #tpu.memory_space<vmem>>, vector<16xi32>,
          %add3A_1139 = arith.constant 64 : i32
          %add3A_1140 = vector.broadcast %add3A_1139 : i32 to vector<16xi32>
          %add3A_1141 = arith.addi %broadcast_in_dim3A_5, %add3A_1140 : vector<16xi32>
          %sub3A = arith.constant 1 : i32
          %sub3A_1142 = vector.broadcast %sub3A : i32 to vector<16xi32>
          %sub3A_1143 = arith.subi %add3A_1141, %sub3A_1142 : vector<16xi32>
          %gather3A_1144 = tpu.vector_load_idx %arg10[%sub3A_1143] : memref<128xi32, #tpu.memory_space<vmem>>[vector<16xi32>], vector<16xi32>,
          %lt3A_1145 = arith.cmpi slt, %gather3A_1144, %get3A_1138 : vector<16xi32>
          %select_n3A = arith.select %lt3A_1145, %add3A_1141, %broadcast_in_dim3A_5 : vector<16xi1>, vector<16xi32>
          %add3A_1146 = arith.constant 32 : i32
          %add3A_1147 = vector.broadcast %add3A_1146 : i32 to vector<16xi32>
          %add3A_1148 = arith.addi %select_n3A, %add3A_1147 : vector<16xi32>
          %sub3A_1149 = arith.constant 1 : i32
          %sub3A_1150 = vector.broadcast %sub3A_1149 : i32 to vector<16xi32>
          %sub3A_1151 = arith.subi %add3A_1148, %sub3A_1150 : vector<16xi32>
          %gather3A_1152 = tpu.vector_load_idx %arg10[%sub3A_1151] : memref<128xi32, #tpu.memory_space<vmem>>[vector<16xi32>], vector<16xi32>,
          %lt3A_1153 = arith.cmpi slt, %gather3A_1152, %get3A_1138 : vector<16xi32>
          %select_n3A_1154 = arith.select %lt3A_1153, %add3A_1148, %select_n3A : vector<16xi1>, vector<16xi32>
          %add3A_1155 = arith.constant 16 : i32
          %add3A_1156 = vector.broadcast %add3A_1155 : i32 to vector<16xi32>
          %add3A_1157 = arith.addi %select_n3A_1154, %add3A_1156 : vector<16xi32>
          %sub3A_1158 = arith.constant 1 : i32
          %sub3A_1159 = vector.broadcast %sub3A_1158 : i32 to vector<16xi32>
          %sub3A_1160 = arith.subi %add3A_1157, %sub3A_1159 : vector<16xi32>
          %gather3A_1161 = tpu.vector_load_idx %arg10[%sub3A_1160] : memref<128xi32, #tpu.memory_space<vmem>>[vector<16xi32>], vector<16xi32>,
          %lt3A_1162 = arith.cmpi slt, %gather3A_1161, %get3A_1138 : vector<16xi32>
          %select_n3A_1163 = arith.select %lt3A_1162, %add3A_1157, %select_n3A_1154 : vector<16xi1>, vector<16xi32>
          %add3A_1164 = arith.constant 8 : i32
          %add3A_1165 = vector.broadcast %add3A_1164 : i32 to vector<16xi32>
          %add3A_1166 = arith.addi %select_n3A_1163, %add3A_1165 : vector<16xi32>
          %sub3A_1167 = arith.constant 1 : i32
          %sub3A_1168 = vector.broadcast %sub3A_1167 : i32 to vector<16xi32>
          %sub3A_1169 = arith.subi %add3A_1166, %sub3A_1168 : vector<16xi32>
          %gather3A_1170 = tpu.vector_load_idx %arg10[%sub3A_1169] : memref<128xi32, #tpu.memory_space<vmem>>[vector<16xi32>], vector<16xi32>,
          %lt3A_1171 = arith.cmpi slt, %gather3A_1170, %get3A_1138 : vector<16xi32>
          %select_n3A_1172 = arith.select %lt3A_1171, %add3A_1166, %select_n3A_1163 : vector<16xi1>, vector<16xi32>
          %add3A_1173 = arith.constant 4 : i32
          %add3A_1174 = vector.broadcast %add3A_1173 : i32 to vector<16xi32>
          %add3A_1175 = arith.addi %select_n3A_1172, %add3A_1174 : vector<16xi32>
          %sub3A_1176 = arith.constant 1 : i32
          %sub3A_1177 = vector.broadcast %sub3A_1176 : i32 to vector<16xi32>
          %sub3A_1178 = arith.subi %add3A_1175, %sub3A_1177 : vector<16xi32>
          %gather3A_1179 = tpu.vector_load_idx %arg10[%sub3A_1178] : memref<128xi32, #tpu.memory_space<vmem>>[vector<16xi32>], vector<16xi32>,
          %lt3A_1180 = arith.cmpi slt, %gather3A_1179, %get3A_1138 : vector<16xi32>
          %select_n3A_1181 = arith.select %lt3A_1180, %add3A_1175, %select_n3A_1172 : vector<16xi1>, vector<16xi32>
          %add3A_1182 = arith.constant 2 : i32
          %add3A_1183 = vector.broadcast %add3A_1182 : i32 to vector<16xi32>
          %add3A_1184 = arith.addi %select_n3A_1181, %add3A_1183 : vector<16xi32>
          %sub3A_1185 = arith.constant 1 : i32
          %sub3A_1186 = vector.broadcast %sub3A_1185 : i32 to vector<16xi32>
          %sub3A_1187 = arith.subi %add3A_1184, %sub3A_1186 : vector<16xi32>
          %gather3A_1188 = tpu.vector_load_idx %arg10[%sub3A_1187] : memref<128xi32, #tpu.memory_space<vmem>>[vector<16xi32>], vector<16xi32>,
          %lt3A_1189 = arith.cmpi slt, %gather3A_1188, %get3A_1138 : vector<16xi32>
          %select_n3A_1190 = arith.select %lt3A_1189, %add3A_1184, %select_n3A_1181 : vector<16xi1>, vector<16xi32>
          %add3A_1191 = arith.constant 1 : i32
          %add3A_1192 = vector.broadcast %add3A_1191 : i32 to vector<16xi32>
          %add3A_1193 = arith.addi %select_n3A_1190, %add3A_1192 : vector<16xi32>
          %sub3A_1194 = arith.constant 1 : i32
          %sub3A_1195 = vector.broadcast %sub3A_1194 : i32 to vector<16xi32>
          %sub3A_1196 = arith.subi %add3A_1193, %sub3A_1195 : vector<16xi32>
          %gather3A_1197 = tpu.vector_load_idx %arg10[%sub3A_1196] : memref<128xi32, #tpu.memory_space<vmem>>[vector<16xi32>], vector<16xi32>,
          %lt3A_1198 = arith.cmpi slt, %gather3A_1197, %get3A_1138 : vector<16xi32>
          %select_n3A_1199 = arith.select %lt3A_1198, %add3A_1193, %select_n3A_1190 : vector<16xi1>, vector<16xi32>
          %min3A_1200 = arith.constant 127 : i32
          %min3A_1201 = vector.broadcast %min3A_1200 : i32 to vector<16xi32>
          %min3A_1202 = arith.minsi %select_n3A_1199, %min3A_1201 : vector<16xi32>
          %gather3A_1203 = tpu.vector_load_idx %arg10[%min3A_1202] : memref<128xi32, #tpu.memory_space<vmem>>[vector<16xi32>], vector<16xi32>,
          %eq3A = arith.cmpi eq, %gather3A_1203, %get3A_1138 : vector<16xi32>
          %lt3A_1204 = arith.constant 128 : i32
          %lt3A_1205 = vector.broadcast %lt3A_1204 : i32 to vector<16xi32>
          %lt3A_1206 = arith.cmpi slt, %select_n3A_1199, %lt3A_1205 : vector<16xi32>
          %and3A_1207 = arith.andi %eq3A, %lt3A_1206 : vector<16xi1>
          %convert_element_type3A_1208 = arith.extui %and3A_1207 : vector<16xi1> to vector<16xi32>
          %reduce_sum3A = arith.constant true
          %reduce_sum3A_1209 = vector.broadcast %reduce_sum3A : i1 to vector<16xi1>
          %reduce_sum3A_1210 = tpu.scan <sum>, %convert_element_type3A_1208 masked %reduce_sum3A_1209 : vector<16xi32>, vector<16xi1> -> vector<16xi32>
          %reduce_sum3A_1211 = vector.extract %reduce_sum3A_1210[15] : i32 from vector<16xi32>
          %gt3A = arith.constant 0 : i32
          %gt3A_1212 = arith.cmpi sgt, %reduce_sum3A_1211, %gt3A : i32
          %convert_element_type3A_1213 = arith.extui %gt3A_1212 : i1 to i32
          %cond3A_1214 = arith.constant 0 : i32
          %cond3A_1215 = arith.cmpi ne, %convert_element_type3A_1213, %cond3A_1214 : i32
          scf.if %cond3A_1215 {
            %mul3A_1216 = arith.constant 16 : i32
            %mul3A_1217 = arith.muli %scan3A_1131, %mul3A_1216 : i32
            %add3A_1218 = arith.constant 0 : i32
            %add3A_1219 = arith.addi %add3A_1218, %mul3A_1217 : i32
            %add3A_1220 = vector.broadcast %add3A_1219 : i32 to vector<16xi32>
            %add3A_1221 = arith.addi %add3A_1220, %iota3A : vector<16xi32>
            %swap3A = arith.constant 0 : index
            %swap3A_1222 = tpu.vector_load %arg12[%swap3A] masked %and3A_1207 {strides = array<i32>} : memref<16xi32, #tpu.memory_space<vmem>>, vector<16xi32>, vector<16xi1>
            tpu.vector_store %arg12[%swap3A], %add3A_1221 masked %and3A_1207 {strides = array<i32>} : memref<16xi32, #tpu.memory_space<vmem>>, vector<16xi32>, vector<16xi1>
            %swap3A_1223 = arith.constant 0 : index
            %swap3A_1224 = tpu.vector_load %arg13[%swap3A_1223] masked %and3A_1207 {strides = array<i32>} : memref<16xi32, #tpu.memory_space<vmem>>, vector<16xi32>, vector<16xi1>
            tpu.vector_store %arg13[%swap3A_1223], %select_n3A_1199 masked %and3A_1207 {strides = array<i32>} : memref<16xi32, #tpu.memory_space<vmem>>, vector<16xi32>, vector<16xi1>
            %while3A = arith.constant 0 : i32
            %while3A_1225 = arith.constant 0 : i32
            %while3A_1226 = arith.subi %reduce_sum3A_1211, %while3A_1225 : i32
            %while3A_1227 = arith.addi %while3A_1225, %while3A_1226 : i32
            %while3A_1228 = arith.constant 1 : i32
            %while3A_1229 = arith.divsi %while3A_1226, %while3A_1228 : i32
            %while3A_1230 = arith.muli %while3A_1229, %while3A_1228 : i32
            %while3A_1231 = arith.addi %while3A_1225, %while3A_1230 : i32
            %while3A_1232 = arith.constant 1 : i32
            scf.for %while3A_1234 = %while3A_1225 to %while3A_1231 step %while3A_1232  : i32 {
              %broadcast_in_dim3A_1235 = vector.broadcast %while3A_1234 : i32 to vector<16xi32>
              %gather3A_1236 = tpu.vector_load_idx %arg12[%broadcast_in_dim3A_1235] : memref<16xi32, #tpu.memory_space<vmem>>[vector<16xi32>], vector<16xi32>,
              %gather3A_1237 = tpu.vector_load_idx %arg13[%broadcast_in_dim3A_1235] : memref<16xi32, #tpu.memory_space<vmem>>[vector<16xi32>], vector<16xi32>,
              %add3A_1238 = arith.constant 0 : i32
              %add3A_1239 = vector.broadcast %add3A_1238 : i32 to vector<16xi32>
              %add3A_1240 = arith.addi %iota3A, %add3A_1239 : vector<16xi32>
              %gather3A_1241 = tpu.vector_load_idx %arg11[%gather3A_1237, %add3A_1240] : memref<128x64xf32, #tpu.memory_space<vmem>>[vector<16xi32>, vector<16xi32>], vector<16xf32>,
              tpu.vector_store_idx %arg9[%gather3A_1236, %add3A_1240], %gather3A_1241 : memref<640x64xf32, #tpu.memory_space<vmem>>[vector<16xi32>, vector<16xi32>], vector<16xf32>,
              %add3A_1242 = arith.constant 16 : i32
              %add3A_1243 = vector.broadcast %add3A_1242 : i32 to vector<16xi32>
              %add3A_1244 = arith.addi %iota3A, %add3A_1243 : vector<16xi32>
              %gather3A_1245 = tpu.vector_load_idx %arg11[%gather3A_1237, %add3A_1244] : memref<128x64xf32, #tpu.memory_space<vmem>>[vector<16xi32>, vector<16xi32>], vector<16xf32>,
              tpu.vector_store_idx %arg9[%gather3A_1236, %add3A_1244], %gather3A_1245 : memref<640x64xf32, #tpu.memory_space<vmem>>[vector<16xi32>, vector<16xi32>], vector<16xf32>,
              %add3A_1246 = arith.constant 32 : i32
              %add3A_1247 = vector.broadcast %add3A_1246 : i32 to vector<16xi32>
              %add3A_1248 = arith.addi %iota3A, %add3A_1247 : vector<16xi32>
              %gather3A_1249 = tpu.vector_load_idx %arg11[%gather3A_1237, %add3A_1248] : memref<128x64xf32, #tpu.memory_space<vmem>>[vector<16xi32>, vector<16xi32>], vector<16xf32>,
              tpu.vector_store_idx %arg9[%gather3A_1236, %add3A_1248], %gather3A_1249 : memref<640x64xf32, #tpu.memory_space<vmem>>[vector<16xi32>, vector<16xi32>], vector<16xf32>,
              %add3A_1250 = arith.constant 48 : i32
              %add3A_1251 = vector.broadcast %add3A_1250 : i32 to vector<16xi32>
              %add3A_1252 = arith.addi %iota3A, %add3A_1251 : vector<16xi32>
              %gather3A_1253 = tpu.vector_load_idx %arg11[%gather3A_1237, %add3A_1252] : memref<128x64xf32, #tpu.memory_space<vmem>>[vector<16xi32>, vector<16xi32>], vector<16xf32>,
              tpu.vector_store_idx %arg9[%gather3A_1236, %add3A_1252], %gather3A_1253 : memref<640x64xf32, #tpu.memory_space<vmem>>[vector<16xi32>, vector<16xi32>], vector<16xf32>,
            }
            %while3A_1233 = arith.constant 1 : i32
            scf.for %while3A_1234 = %while3A_1231 to %while3A_1227 step %while3A_1233  : i32 {
              %broadcast_in_dim3A_1235 = vector.broadcast %while3A_1234 : i32 to vector<16xi32>
              %gather3A_1236 = tpu.vector_load_idx %arg12[%broadcast_in_dim3A_1235] : memref<16xi32, #tpu.memory_space<vmem>>[vector<16xi32>], vector<16xi32>,
              %gather3A_1237 = tpu.vector_load_idx %arg13[%broadcast_in_dim3A_1235] : memref<16xi32, #tpu.memory_space<vmem>>[vector<16xi32>], vector<16xi32>,
              %add3A_1238 = arith.constant 0 : i32
              %add3A_1239 = vector.broadcast %add3A_1238 : i32 to vector<16xi32>
              %add3A_1240 = arith.addi %iota3A, %add3A_1239 : vector<16xi32>
              %gather3A_1241 = tpu.vector_load_idx %arg11[%gather3A_1237, %add3A_1240] : memref<128x64xf32, #tpu.memory_space<vmem>>[vector<16xi32>, vector<16xi32>], vector<16xf32>,
              tpu.vector_store_idx %arg9[%gather3A_1236, %add3A_1240], %gather3A_1241 : memref<640x64xf32, #tpu.memory_space<vmem>>[vector<16xi32>, vector<16xi32>], vector<16xf32>,
              %add3A_1242 = arith.constant 16 : i32
              %add3A_1243 = vector.broadcast %add3A_1242 : i32 to vector<16xi32>
              %add3A_1244 = arith.addi %iota3A, %add3A_1243 : vector<16xi32>
              %gather3A_1245 = tpu.vector_load_idx %arg11[%gather3A_1237, %add3A_1244] : memref<128x64xf32, #tpu.memory_space<vmem>>[vector<16xi32>, vector<16xi32>], vector<16xf32>,
              tpu.vector_store_idx %arg9[%gather3A_1236, %add3A_1244], %gather3A_1245 : memref<640x64xf32, #tpu.memory_space<vmem>>[vector<16xi32>, vector<16xi32>], vector<16xf32>,
              %add3A_1246 = arith.constant 32 : i32
              %add3A_1247 = vector.broadcast %add3A_1246 : i32 to vector<16xi32>
              %add3A_1248 = arith.addi %iota3A, %add3A_1247 : vector<16xi32>
              %gather3A_1249 = tpu.vector_load_idx %arg11[%gather3A_1237, %add3A_1248] : memref<128x64xf32, #tpu.memory_space<vmem>>[vector<16xi32>, vector<16xi32>], vector<16xf32>,
              tpu.vector_store_idx %arg9[%gather3A_1236, %add3A_1248], %gather3A_1249 : memref<640x64xf32, #tpu.memory_space<vmem>>[vector<16xi32>, vector<16xi32>], vector<16xf32>,
              %add3A_1250 = arith.constant 48 : i32
              %add3A_1251 = vector.broadcast %add3A_1250 : i32 to vector<16xi32>
              %add3A_1252 = arith.addi %iota3A, %add3A_1251 : vector<16xi32>
              %gather3A_1253 = tpu.vector_load_idx %arg11[%gather3A_1237, %add3A_1252] : memref<128x64xf32, #tpu.memory_space<vmem>>[vector<16xi32>, vector<16xi32>], vector<16xf32>,
              tpu.vector_store_idx %arg9[%gather3A_1236, %add3A_1252], %gather3A_1253 : memref<640x64xf32, #tpu.memory_space<vmem>>[vector<16xi32>, vector<16xi32>], vector<16xf32>,
            }
          } else {
          }
        }
        %scan3A_1130 = arith.constant 8 : i32
      } else {
      }
      %add3A_775 = arith.constant 1 : i32
      %add3A_776 = arith.addi %mul3A_690, %add3A_775 : i32
      %broadcast_in_dim3A_777 = arith.constant 2147483647 : i32
      %broadcast_in_dim3A_778 = vector.broadcast %broadcast_in_dim3A_777 : i32 to vector<16xi32>
      %broadcast_in_dim3A_779 = arith.constant -2147483648 : i32
      %broadcast_in_dim3A_780 = vector.broadcast %broadcast_in_dim3A_779 : i32 to vector<16xi32>
      %get3A_781 = arith.constant 0 : i32
      %get3A_782 = tpu.memref_slice %arg7[%add3A_776, %get3A_781] : memref<50x128xi32, #tpu.memory_space<vmem>> -> memref<1x128xi32, #tpu.memory_space<vmem>>
      %get3A_783 = tpu.memref_squeeze %get3A_782 : memref<1x128xi32, #tpu.memory_space<vmem>> -> memref<128xi32, #tpu.memory_space<vmem>>
      %get3A_784 = arith.constant 0 : index
      %get3A_785 = tpu.vector_load %get3A_783[%get3A_784] {strides = array<i32>} : memref<128xi32, #tpu.memory_space<vmem>>, vector<16xi32>,
      %min3A_786 = arith.minsi %broadcast_in_dim3A_778, %get3A_785 : vector<16xi32>
      %max3A_787 = arith.maxsi %broadcast_in_dim3A_780, %get3A_785 : vector<16xi32>
      %get3A_788 = arith.constant 0 : i32
      %get3A_789 = tpu.memref_slice %arg7[%add3A_776, %get3A_788] : memref<50x128xi32, #tpu.memory_space<vmem>> -> memref<1x128xi32, #tpu.memory_space<vmem>>
      %get3A_790 = tpu.memref_squeeze %get3A_789 : memref<1x128xi32, #tpu.memory_space<vmem>> -> memref<128xi32, #tpu.memory_space<vmem>>
      %get3A_791 = arith.constant 16 : index
      %get3A_792 = tpu.vector_load %get3A_790[%get3A_791] {strides = array<i32>} : memref<128xi32, #tpu.memory_space<vmem>>, vector<16xi32>,
      %min3A_793 = arith.minsi %min3A_786, %get3A_792 : vector<16xi32>
      %max3A_794 = arith.maxsi %max3A_787, %get3A_792 : vector<16xi32>
      %get3A_795 = arith.constant 0 : i32
      %get3A_796 = tpu.memref_slice %arg7[%add3A_776, %get3A_795] : memref<50x128xi32, #tpu.memory_space<vmem>> -> memref<1x128xi32, #tpu.memory_space<vmem>>
      %get3A_797 = tpu.memref_squeeze %get3A_796 : memref<1x128xi32, #tpu.memory_space<vmem>> -> memref<128xi32, #tpu.memory_space<vmem>>
      %get3A_798 = arith.constant 32 : index
      %get3A_799 = tpu.vector_load %get3A_797[%get3A_798] {strides = array<i32>} : memref<128xi32, #tpu.memory_space<vmem>>, vector<16xi32>,
      %min3A_800 = arith.minsi %min3A_793, %get3A_799 : vector<16xi32>
      %max3A_801 = arith.maxsi %max3A_794, %get3A_799 : vector<16xi32>
      %get3A_802 = arith.constant 0 : i32
      %get3A_803 = tpu.memref_slice %arg7[%add3A_776, %get3A_802] : memref<50x128xi32, #tpu.memory_space<vmem>> -> memref<1x128xi32, #tpu.memory_space<vmem>>
      %get3A_804 = tpu.memref_squeeze %get3A_803 : memref<1x128xi32, #tpu.memory_space<vmem>> -> memref<128xi32, #tpu.memory_space<vmem>>
      %get3A_805 = arith.constant 48 : index
      %get3A_806 = tpu.vector_load %get3A_804[%get3A_805] {strides = array<i32>} : memref<128xi32, #tpu.memory_space<vmem>>, vector<16xi32>,
      %min3A_807 = arith.minsi %min3A_800, %get3A_806 : vector<16xi32>
      %max3A_808 = arith.maxsi %max3A_801, %get3A_806 : vector<16xi32>
      %get3A_809 = arith.constant 0 : i32
      %get3A_810 = tpu.memref_slice %arg7[%add3A_776, %get3A_809] : memref<50x128xi32, #tpu.memory_space<vmem>> -> memref<1x128xi32, #tpu.memory_space<vmem>>
      %get3A_811 = tpu.memref_squeeze %get3A_810 : memref<1x128xi32, #tpu.memory_space<vmem>> -> memref<128xi32, #tpu.memory_space<vmem>>
      %get3A_812 = arith.constant 64 : index
      %get3A_813 = tpu.vector_load %get3A_811[%get3A_812] {strides = array<i32>} : memref<128xi32, #tpu.memory_space<vmem>>, vector<16xi32>,
      %min3A_814 = arith.minsi %min3A_807, %get3A_813 : vector<16xi32>
      %max3A_815 = arith.maxsi %max3A_808, %get3A_813 : vector<16xi32>
      %get3A_816 = arith.constant 0 : i32
      %get3A_817 = tpu.memref_slice %arg7[%add3A_776, %get3A_816] : memref<50x128xi32, #tpu.memory_space<vmem>> -> memref<1x128xi32, #tpu.memory_space<vmem>>
      %get3A_818 = tpu.memref_squeeze %get3A_817 : memref<1x128xi32, #tpu.memory_space<vmem>> -> memref<128xi32, #tpu.memory_space<vmem>>
      %get3A_819 = arith.constant 80 : index
      %get3A_820 = tpu.vector_load %get3A_818[%get3A_819] {strides = array<i32>} : memref<128xi32, #tpu.memory_space<vmem>>, vector<16xi32>,
      %min3A_821 = arith.minsi %min3A_814, %get3A_820 : vector<16xi32>
      %max3A_822 = arith.maxsi %max3A_815, %get3A_820 : vector<16xi32>
      %get3A_823 = arith.constant 0 : i32
      %get3A_824 = tpu.memref_slice %arg7[%add3A_776, %get3A_823] : memref<50x128xi32, #tpu.memory_space<vmem>> -> memref<1x128xi32, #tpu.memory_space<vmem>>
      %get3A_825 = tpu.memref_squeeze %get3A_824 : memref<1x128xi32, #tpu.memory_space<vmem>> -> memref<128xi32, #tpu.memory_space<vmem>>
      %get3A_826 = arith.constant 96 : index
      %get3A_827 = tpu.vector_load %get3A_825[%get3A_826] {strides = array<i32>} : memref<128xi32, #tpu.memory_space<vmem>>, vector<16xi32>,
      %min3A_828 = arith.minsi %min3A_821, %get3A_827 : vector<16xi32>
      %max3A_829 = arith.maxsi %max3A_822, %get3A_827 : vector<16xi32>
      %get3A_830 = arith.constant 0 : i32
      %get3A_831 = tpu.memref_slice %arg7[%add3A_776, %get3A_830] : memref<50x128xi32, #tpu.memory_space<vmem>> -> memref<1x128xi32, #tpu.memory_space<vmem>>
      %get3A_832 = tpu.memref_squeeze %get3A_831 : memref<1x128xi32, #tpu.memory_space<vmem>> -> memref<128xi32, #tpu.memory_space<vmem>>
      %get3A_833 = arith.constant 112 : index
      %get3A_834 = tpu.vector_load %get3A_832[%get3A_833] {strides = array<i32>} : memref<128xi32, #tpu.memory_space<vmem>>, vector<16xi32>,
      %min3A_835 = arith.minsi %min3A_828, %get3A_834 : vector<16xi32>
      %max3A_836 = arith.maxsi %max3A_829, %get3A_834 : vector<16xi32>
      %reduce_min3A_837 = arith.constant true
      %reduce_min3A_838 = vector.broadcast %reduce_min3A_837 : i1 to vector<16xi1>
      %reduce_min3A_839 = arith.constant -2147483648 : i32
      %reduce_min3A_840 = vector.broadcast %reduce_min3A_839 : i32 to vector<16xi32>
      %reduce_min3A_841 = arith.xori %min3A_835, %reduce_min3A_840 : vector<16xi32>
      %reduce_min3A_842 = tpu.scan <min>, %reduce_min3A_841 masked %reduce_min3A_838 : vector<16xi32>, vector<16xi1> -> vector<16xi32>
      %reduce_min3A_843 = arith.xori %reduce_min3A_842, %reduce_min3A_840 : vector<16xi32>
      %reduce_min3A_844 = vector.extract %reduce_min3A_843[15] : i32 from vector<16xi32>
      %le3A_845 = arith.cmpi sle, %reduce_min3A_844, %reduce_max3A_23 : i32
      %reduce_max3A_846 = arith.constant true
      %reduce_max3A_847 = vector.broadcast %reduce_max3A_846 : i1 to vector<16xi1>
      %reduce_max3A_848 = arith.constant -2147483648 : i32
      %reduce_max3A_849 = vector.broadcast %reduce_max3A_848 : i32 to vector<16xi32>
      %reduce_max3A_850 = arith.xori %max3A_836, %reduce_max3A_849 : vector<16xi32>
      %reduce_max3A_851 = tpu.scan <max>, %reduce_max3A_850 masked %reduce_max3A_847 : vector<16xi32>, vector<16xi1> -> vector<16xi32>
      %reduce_max3A_852 = arith.xori %reduce_max3A_851, %reduce_max3A_849 : vector<16xi32>
      %reduce_max3A_853 = vector.extract %reduce_max3A_852[15] : i32 from vector<16xi32>
      %ge3A_854 = arith.cmpi sge, %reduce_max3A_853, %reduce_min3A_12 : i32
      %and3A_855 = arith.andi %le3A_845, %ge3A_854 : i1
      %convert_element_type3A_856 = arith.extui %and3A_855 : i1 to i32
      %cond3A_857 = arith.constant 0 : i32
      %cond3A_858 = arith.cmpi ne, %convert_element_type3A_856, %cond3A_857 : i32
      scf.if %cond3A_858 {
        %scan3A_1125 = arith.constant 0 : i32
        %scan3A_1126 = arith.constant 0 : i32
        %scan3A_1127 = arith.constant 8 : i32
        %scan3A_1128 = arith.addi %scan3A_1126, %scan3A_1127 : i32
        %scan3A_1129 = arith.constant 1 : i32
        scf.for %scan3A_1131 = %scan3A_1126 to %scan3A_1128 step %scan3A_1129  : i32 {
          %mul3A_1132 = arith.constant 16 : i32
          %mul3A_1133 = arith.muli %scan3A_1131, %mul3A_1132 : i32
          %get3A_1134 = arith.constant 0 : i32
          %get3A_1135 = tpu.memref_slice %arg7[%add3A_776, %get3A_1134] : memref<50x128xi32, #tpu.memory_space<vmem>> -> memref<1x128xi32, #tpu.memory_space<vmem>>
          %get3A_1136 = tpu.memref_squeeze %get3A_1135 : memref<1x128xi32, #tpu.memory_space<vmem>> -> memref<128xi32, #tpu.memory_space<vmem>>
          %get3A_1137 = arith.index_cast %mul3A_1133 : i32 to index
          %get3A_1138 = tpu.vector_load %get3A_1136[%get3A_1137] {strides = array<i32>} : memref<128xi32, #tpu.memory_space<vmem>>, vector<16xi32>,
          %add3A_1139 = arith.constant 64 : i32
          %add3A_1140 = vector.broadcast %add3A_1139 : i32 to vector<16xi32>
          %add3A_1141 = arith.addi %broadcast_in_dim3A_5, %add3A_1140 : vector<16xi32>
          %sub3A = arith.constant 1 : i32
          %sub3A_1142 = vector.broadcast %sub3A : i32 to vector<16xi32>
          %sub3A_1143 = arith.subi %add3A_1141, %sub3A_1142 : vector<16xi32>
          %gather3A_1144 = tpu.vector_load_idx %arg10[%sub3A_1143] : memref<128xi32, #tpu.memory_space<vmem>>[vector<16xi32>], vector<16xi32>,
          %lt3A_1145 = arith.cmpi slt, %gather3A_1144, %get3A_1138 : vector<16xi32>
          %select_n3A = arith.select %lt3A_1145, %add3A_1141, %broadcast_in_dim3A_5 : vector<16xi1>, vector<16xi32>
          %add3A_1146 = arith.constant 32 : i32
          %add3A_1147 = vector.broadcast %add3A_1146 : i32 to vector<16xi32>
          %add3A_1148 = arith.addi %select_n3A, %add3A_1147 : vector<16xi32>
          %sub3A_1149 = arith.constant 1 : i32
          %sub3A_1150 = vector.broadcast %sub3A_1149 : i32 to vector<16xi32>
          %sub3A_1151 = arith.subi %add3A_1148, %sub3A_1150 : vector<16xi32>
          %gather3A_1152 = tpu.vector_load_idx %arg10[%sub3A_1151] : memref<128xi32, #tpu.memory_space<vmem>>[vector<16xi32>], vector<16xi32>,
          %lt3A_1153 = arith.cmpi slt, %gather3A_1152, %get3A_1138 : vector<16xi32>
          %select_n3A_1154 = arith.select %lt3A_1153, %add3A_1148, %select_n3A : vector<16xi1>, vector<16xi32>
          %add3A_1155 = arith.constant 16 : i32
          %add3A_1156 = vector.broadcast %add3A_1155 : i32 to vector<16xi32>
          %add3A_1157 = arith.addi %select_n3A_1154, %add3A_1156 : vector<16xi32>
          %sub3A_1158 = arith.constant 1 : i32
          %sub3A_1159 = vector.broadcast %sub3A_1158 : i32 to vector<16xi32>
          %sub3A_1160 = arith.subi %add3A_1157, %sub3A_1159 : vector<16xi32>
          %gather3A_1161 = tpu.vector_load_idx %arg10[%sub3A_1160] : memref<128xi32, #tpu.memory_space<vmem>>[vector<16xi32>], vector<16xi32>,
          %lt3A_1162 = arith.cmpi slt, %gather3A_1161, %get3A_1138 : vector<16xi32>
          %select_n3A_1163 = arith.select %lt3A_1162, %add3A_1157, %select_n3A_1154 : vector<16xi1>, vector<16xi32>
          %add3A_1164 = arith.constant 8 : i32
          %add3A_1165 = vector.broadcast %add3A_1164 : i32 to vector<16xi32>
          %add3A_1166 = arith.addi %select_n3A_1163, %add3A_1165 : vector<16xi32>
          %sub3A_1167 = arith.constant 1 : i32
          %sub3A_1168 = vector.broadcast %sub3A_1167 : i32 to vector<16xi32>
          %sub3A_1169 = arith.subi %add3A_1166, %sub3A_1168 : vector<16xi32>
          %gather3A_1170 = tpu.vector_load_idx %arg10[%sub3A_1169] : memref<128xi32, #tpu.memory_space<vmem>>[vector<16xi32>], vector<16xi32>,
          %lt3A_1171 = arith.cmpi slt, %gather3A_1170, %get3A_1138 : vector<16xi32>
          %select_n3A_1172 = arith.select %lt3A_1171, %add3A_1166, %select_n3A_1163 : vector<16xi1>, vector<16xi32>
          %add3A_1173 = arith.constant 4 : i32
          %add3A_1174 = vector.broadcast %add3A_1173 : i32 to vector<16xi32>
          %add3A_1175 = arith.addi %select_n3A_1172, %add3A_1174 : vector<16xi32>
          %sub3A_1176 = arith.constant 1 : i32
          %sub3A_1177 = vector.broadcast %sub3A_1176 : i32 to vector<16xi32>
          %sub3A_1178 = arith.subi %add3A_1175, %sub3A_1177 : vector<16xi32>
          %gather3A_1179 = tpu.vector_load_idx %arg10[%sub3A_1178] : memref<128xi32, #tpu.memory_space<vmem>>[vector<16xi32>], vector<16xi32>,
          %lt3A_1180 = arith.cmpi slt, %gather3A_1179, %get3A_1138 : vector<16xi32>
          %select_n3A_1181 = arith.select %lt3A_1180, %add3A_1175, %select_n3A_1172 : vector<16xi1>, vector<16xi32>
          %add3A_1182 = arith.constant 2 : i32
          %add3A_1183 = vector.broadcast %add3A_1182 : i32 to vector<16xi32>
          %add3A_1184 = arith.addi %select_n3A_1181, %add3A_1183 : vector<16xi32>
          %sub3A_1185 = arith.constant 1 : i32
          %sub3A_1186 = vector.broadcast %sub3A_1185 : i32 to vector<16xi32>
          %sub3A_1187 = arith.subi %add3A_1184, %sub3A_1186 : vector<16xi32>
          %gather3A_1188 = tpu.vector_load_idx %arg10[%sub3A_1187] : memref<128xi32, #tpu.memory_space<vmem>>[vector<16xi32>], vector<16xi32>,
          %lt3A_1189 = arith.cmpi slt, %gather3A_1188, %get3A_1138 : vector<16xi32>
          %select_n3A_1190 = arith.select %lt3A_1189, %add3A_1184, %select_n3A_1181 : vector<16xi1>, vector<16xi32>
          %add3A_1191 = arith.constant 1 : i32
          %add3A_1192 = vector.broadcast %add3A_1191 : i32 to vector<16xi32>
          %add3A_1193 = arith.addi %select_n3A_1190, %add3A_1192 : vector<16xi32>
          %sub3A_1194 = arith.constant 1 : i32
          %sub3A_1195 = vector.broadcast %sub3A_1194 : i32 to vector<16xi32>
          %sub3A_1196 = arith.subi %add3A_1193, %sub3A_1195 : vector<16xi32>
          %gather3A_1197 = tpu.vector_load_idx %arg10[%sub3A_1196] : memref<128xi32, #tpu.memory_space<vmem>>[vector<16xi32>], vector<16xi32>,
          %lt3A_1198 = arith.cmpi slt, %gather3A_1197, %get3A_1138 : vector<16xi32>
          %select_n3A_1199 = arith.select %lt3A_1198, %add3A_1193, %select_n3A_1190 : vector<16xi1>, vector<16xi32>
          %min3A_1200 = arith.constant 127 : i32
          %min3A_1201 = vector.broadcast %min3A_1200 : i32 to vector<16xi32>
          %min3A_1202 = arith.minsi %select_n3A_1199, %min3A_1201 : vector<16xi32>
          %gather3A_1203 = tpu.vector_load_idx %arg10[%min3A_1202] : memref<128xi32, #tpu.memory_space<vmem>>[vector<16xi32>], vector<16xi32>,
          %eq3A = arith.cmpi eq, %gather3A_1203, %get3A_1138 : vector<16xi32>
          %lt3A_1204 = arith.constant 128 : i32
          %lt3A_1205 = vector.broadcast %lt3A_1204 : i32 to vector<16xi32>
          %lt3A_1206 = arith.cmpi slt, %select_n3A_1199, %lt3A_1205 : vector<16xi32>
          %and3A_1207 = arith.andi %eq3A, %lt3A_1206 : vector<16xi1>
          %convert_element_type3A_1208 = arith.extui %and3A_1207 : vector<16xi1> to vector<16xi32>
          %reduce_sum3A = arith.constant true
          %reduce_sum3A_1209 = vector.broadcast %reduce_sum3A : i1 to vector<16xi1>
          %reduce_sum3A_1210 = tpu.scan <sum>, %convert_element_type3A_1208 masked %reduce_sum3A_1209 : vector<16xi32>, vector<16xi1> -> vector<16xi32>
          %reduce_sum3A_1211 = vector.extract %reduce_sum3A_1210[15] : i32 from vector<16xi32>
          %gt3A = arith.constant 0 : i32
          %gt3A_1212 = arith.cmpi sgt, %reduce_sum3A_1211, %gt3A : i32
          %convert_element_type3A_1213 = arith.extui %gt3A_1212 : i1 to i32
          %cond3A_1214 = arith.constant 0 : i32
          %cond3A_1215 = arith.cmpi ne, %convert_element_type3A_1213, %cond3A_1214 : i32
          scf.if %cond3A_1215 {
            %mul3A_1216 = arith.constant 16 : i32
            %mul3A_1217 = arith.muli %scan3A_1131, %mul3A_1216 : i32
            %add3A_1218 = arith.constant 128 : i32
            %add3A_1219 = arith.addi %add3A_1218, %mul3A_1217 : i32
            %add3A_1220 = vector.broadcast %add3A_1219 : i32 to vector<16xi32>
            %add3A_1221 = arith.addi %add3A_1220, %iota3A : vector<16xi32>
            %swap3A = arith.constant 0 : index
            %swap3A_1222 = tpu.vector_load %arg12[%swap3A] masked %and3A_1207 {strides = array<i32>} : memref<16xi32, #tpu.memory_space<vmem>>, vector<16xi32>, vector<16xi1>
            tpu.vector_store %arg12[%swap3A], %add3A_1221 masked %and3A_1207 {strides = array<i32>} : memref<16xi32, #tpu.memory_space<vmem>>, vector<16xi32>, vector<16xi1>
            %swap3A_1223 = arith.constant 0 : index
            %swap3A_1224 = tpu.vector_load %arg13[%swap3A_1223] masked %and3A_1207 {strides = array<i32>} : memref<16xi32, #tpu.memory_space<vmem>>, vector<16xi32>, vector<16xi1>
            tpu.vector_store %arg13[%swap3A_1223], %select_n3A_1199 masked %and3A_1207 {strides = array<i32>} : memref<16xi32, #tpu.memory_space<vmem>>, vector<16xi32>, vector<16xi1>
            %while3A = arith.constant 0 : i32
            %while3A_1225 = arith.constant 0 : i32
            %while3A_1226 = arith.subi %reduce_sum3A_1211, %while3A_1225 : i32
            %while3A_1227 = arith.addi %while3A_1225, %while3A_1226 : i32
            %while3A_1228 = arith.constant 1 : i32
            %while3A_1229 = arith.divsi %while3A_1226, %while3A_1228 : i32
            %while3A_1230 = arith.muli %while3A_1229, %while3A_1228 : i32
            %while3A_1231 = arith.addi %while3A_1225, %while3A_1230 : i32
            %while3A_1232 = arith.constant 1 : i32
            scf.for %while3A_1234 = %while3A_1225 to %while3A_1231 step %while3A_1232  : i32 {
              %broadcast_in_dim3A_1235 = vector.broadcast %while3A_1234 : i32 to vector<16xi32>
              %gather3A_1236 = tpu.vector_load_idx %arg12[%broadcast_in_dim3A_1235] : memref<16xi32, #tpu.memory_space<vmem>>[vector<16xi32>], vector<16xi32>,
              %gather3A_1237 = tpu.vector_load_idx %arg13[%broadcast_in_dim3A_1235] : memref<16xi32, #tpu.memory_space<vmem>>[vector<16xi32>], vector<16xi32>,
              %add3A_1238 = arith.constant 0 : i32
              %add3A_1239 = vector.broadcast %add3A_1238 : i32 to vector<16xi32>
              %add3A_1240 = arith.addi %iota3A, %add3A_1239 : vector<16xi32>
              %gather3A_1241 = tpu.vector_load_idx %arg11[%gather3A_1237, %add3A_1240] : memref<128x64xf32, #tpu.memory_space<vmem>>[vector<16xi32>, vector<16xi32>], vector<16xf32>,
              tpu.vector_store_idx %arg9[%gather3A_1236, %add3A_1240], %gather3A_1241 : memref<640x64xf32, #tpu.memory_space<vmem>>[vector<16xi32>, vector<16xi32>], vector<16xf32>,
              %add3A_1242 = arith.constant 16 : i32
              %add3A_1243 = vector.broadcast %add3A_1242 : i32 to vector<16xi32>
              %add3A_1244 = arith.addi %iota3A, %add3A_1243 : vector<16xi32>
              %gather3A_1245 = tpu.vector_load_idx %arg11[%gather3A_1237, %add3A_1244] : memref<128x64xf32, #tpu.memory_space<vmem>>[vector<16xi32>, vector<16xi32>], vector<16xf32>,
              tpu.vector_store_idx %arg9[%gather3A_1236, %add3A_1244], %gather3A_1245 : memref<640x64xf32, #tpu.memory_space<vmem>>[vector<16xi32>, vector<16xi32>], vector<16xf32>,
              %add3A_1246 = arith.constant 32 : i32
              %add3A_1247 = vector.broadcast %add3A_1246 : i32 to vector<16xi32>
              %add3A_1248 = arith.addi %iota3A, %add3A_1247 : vector<16xi32>
              %gather3A_1249 = tpu.vector_load_idx %arg11[%gather3A_1237, %add3A_1248] : memref<128x64xf32, #tpu.memory_space<vmem>>[vector<16xi32>, vector<16xi32>], vector<16xf32>,
              tpu.vector_store_idx %arg9[%gather3A_1236, %add3A_1248], %gather3A_1249 : memref<640x64xf32, #tpu.memory_space<vmem>>[vector<16xi32>, vector<16xi32>], vector<16xf32>,
              %add3A_1250 = arith.constant 48 : i32
              %add3A_1251 = vector.broadcast %add3A_1250 : i32 to vector<16xi32>
              %add3A_1252 = arith.addi %iota3A, %add3A_1251 : vector<16xi32>
              %gather3A_1253 = tpu.vector_load_idx %arg11[%gather3A_1237, %add3A_1252] : memref<128x64xf32, #tpu.memory_space<vmem>>[vector<16xi32>, vector<16xi32>], vector<16xf32>,
              tpu.vector_store_idx %arg9[%gather3A_1236, %add3A_1252], %gather3A_1253 : memref<640x64xf32, #tpu.memory_space<vmem>>[vector<16xi32>, vector<16xi32>], vector<16xf32>,
            }
            %while3A_1233 = arith.constant 1 : i32
            scf.for %while3A_1234 = %while3A_1231 to %while3A_1227 step %while3A_1233  : i32 {
              %broadcast_in_dim3A_1235 = vector.broadcast %while3A_1234 : i32 to vector<16xi32>
              %gather3A_1236 = tpu.vector_load_idx %arg12[%broadcast_in_dim3A_1235] : memref<16xi32, #tpu.memory_space<vmem>>[vector<16xi32>], vector<16xi32>,
              %gather3A_1237 = tpu.vector_load_idx %arg13[%broadcast_in_dim3A_1235] : memref<16xi32, #tpu.memory_space<vmem>>[vector<16xi32>], vector<16xi32>,
              %add3A_1238 = arith.constant 0 : i32
              %add3A_1239 = vector.broadcast %add3A_1238 : i32 to vector<16xi32>
              %add3A_1240 = arith.addi %iota3A, %add3A_1239 : vector<16xi32>
              %gather3A_1241 = tpu.vector_load_idx %arg11[%gather3A_1237, %add3A_1240] : memref<128x64xf32, #tpu.memory_space<vmem>>[vector<16xi32>, vector<16xi32>], vector<16xf32>,
              tpu.vector_store_idx %arg9[%gather3A_1236, %add3A_1240], %gather3A_1241 : memref<640x64xf32, #tpu.memory_space<vmem>>[vector<16xi32>, vector<16xi32>], vector<16xf32>,
              %add3A_1242 = arith.constant 16 : i32
              %add3A_1243 = vector.broadcast %add3A_1242 : i32 to vector<16xi32>
              %add3A_1244 = arith.addi %iota3A, %add3A_1243 : vector<16xi32>
              %gather3A_1245 = tpu.vector_load_idx %arg11[%gather3A_1237, %add3A_1244] : memref<128x64xf32, #tpu.memory_space<vmem>>[vector<16xi32>, vector<16xi32>], vector<16xf32>,
              tpu.vector_store_idx %arg9[%gather3A_1236, %add3A_1244], %gather3A_1245 : memref<640x64xf32, #tpu.memory_space<vmem>>[vector<16xi32>, vector<16xi32>], vector<16xf32>,
              %add3A_1246 = arith.constant 32 : i32
              %add3A_1247 = vector.broadcast %add3A_1246 : i32 to vector<16xi32>
              %add3A_1248 = arith.addi %iota3A, %add3A_1247 : vector<16xi32>
              %gather3A_1249 = tpu.vector_load_idx %arg11[%gather3A_1237, %add3A_1248] : memref<128x64xf32, #tpu.memory_space<vmem>>[vector<16xi32>, vector<16xi32>], vector<16xf32>,
              tpu.vector_store_idx %arg9[%gather3A_1236, %add3A_1248], %gather3A_1249 : memref<640x64xf32, #tpu.memory_space<vmem>>[vector<16xi32>, vector<16xi32>], vector<16xf32>,
              %add3A_1250 = arith.constant 48 : i32
              %add3A_1251 = vector.broadcast %add3A_1250 : i32 to vector<16xi32>
              %add3A_1252 = arith.addi %iota3A, %add3A_1251 : vector<16xi32>
              %gather3A_1253 = tpu.vector_load_idx %arg11[%gather3A_1237, %add3A_1252] : memref<128x64xf32, #tpu.memory_space<vmem>>[vector<16xi32>, vector<16xi32>], vector<16xf32>,
              tpu.vector_store_idx %arg9[%gather3A_1236, %add3A_1252], %gather3A_1253 : memref<640x64xf32, #tpu.memory_space<vmem>>[vector<16xi32>, vector<16xi32>], vector<16xf32>,
            }
          } else {
          }
        }
        %scan3A_1130 = arith.constant 8 : i32
      } else {
      }
      %add3A_859 = arith.constant 2 : i32
      %add3A_860 = arith.addi %mul3A_690, %add3A_859 : i32
      %broadcast_in_dim3A_861 = arith.constant 2147483647 : i32
      %broadcast_in_dim3A_862 = vector.broadcast %broadcast_in_dim3A_861 : i32 to vector<16xi32>
      %broadcast_in_dim3A_863 = arith.constant -2147483648 : i32
      %broadcast_in_dim3A_864 = vector.broadcast %broadcast_in_dim3A_863 : i32 to vector<16xi32>
      %get3A_865 = arith.constant 0 : i32
      %get3A_866 = tpu.memref_slice %arg7[%add3A_860, %get3A_865] : memref<50x128xi32, #tpu.memory_space<vmem>> -> memref<1x128xi32, #tpu.memory_space<vmem>>
      %get3A_867 = tpu.memref_squeeze %get3A_866 : memref<1x128xi32, #tpu.memory_space<vmem>> -> memref<128xi32, #tpu.memory_space<vmem>>
      %get3A_868 = arith.constant 0 : index
      %get3A_869 = tpu.vector_load %get3A_867[%get3A_868] {strides = array<i32>} : memref<128xi32, #tpu.memory_space<vmem>>, vector<16xi32>,
      %min3A_870 = arith.minsi %broadcast_in_dim3A_862, %get3A_869 : vector<16xi32>
      %max3A_871 = arith.maxsi %broadcast_in_dim3A_864, %get3A_869 : vector<16xi32>
      %get3A_872 = arith.constant 0 : i32
      %get3A_873 = tpu.memref_slice %arg7[%add3A_860, %get3A_872] : memref<50x128xi32, #tpu.memory_space<vmem>> -> memref<1x128xi32, #tpu.memory_space<vmem>>
      %get3A_874 = tpu.memref_squeeze %get3A_873 : memref<1x128xi32, #tpu.memory_space<vmem>> -> memref<128xi32, #tpu.memory_space<vmem>>
      %get3A_875 = arith.constant 16 : index
      %get3A_876 = tpu.vector_load %get3A_874[%get3A_875] {strides = array<i32>} : memref<128xi32, #tpu.memory_space<vmem>>, vector<16xi32>,
      %min3A_877 = arith.minsi %min3A_870, %get3A_876 : vector<16xi32>
      %max3A_878 = arith.maxsi %max3A_871, %get3A_876 : vector<16xi32>
      %get3A_879 = arith.constant 0 : i32
      %get3A_880 = tpu.memref_slice %arg7[%add3A_860, %get3A_879] : memref<50x128xi32, #tpu.memory_space<vmem>> -> memref<1x128xi32, #tpu.memory_space<vmem>>
      %get3A_881 = tpu.memref_squeeze %get3A_880 : memref<1x128xi32, #tpu.memory_space<vmem>> -> memref<128xi32, #tpu.memory_space<vmem>>
      %get3A_882 = arith.constant 32 : index
      %get3A_883 = tpu.vector_load %get3A_881[%get3A_882] {strides = array<i32>} : memref<128xi32, #tpu.memory_space<vmem>>, vector<16xi32>,
      %min3A_884 = arith.minsi %min3A_877, %get3A_883 : vector<16xi32>
      %max3A_885 = arith.maxsi %max3A_878, %get3A_883 : vector<16xi32>
      %get3A_886 = arith.constant 0 : i32
      %get3A_887 = tpu.memref_slice %arg7[%add3A_860, %get3A_886] : memref<50x128xi32, #tpu.memory_space<vmem>> -> memref<1x128xi32, #tpu.memory_space<vmem>>
      %get3A_888 = tpu.memref_squeeze %get3A_887 : memref<1x128xi32, #tpu.memory_space<vmem>> -> memref<128xi32, #tpu.memory_space<vmem>>
      %get3A_889 = arith.constant 48 : index
      %get3A_890 = tpu.vector_load %get3A_888[%get3A_889] {strides = array<i32>} : memref<128xi32, #tpu.memory_space<vmem>>, vector<16xi32>,
      %min3A_891 = arith.minsi %min3A_884, %get3A_890 : vector<16xi32>
      %max3A_892 = arith.maxsi %max3A_885, %get3A_890 : vector<16xi32>
      %get3A_893 = arith.constant 0 : i32
      %get3A_894 = tpu.memref_slice %arg7[%add3A_860, %get3A_893] : memref<50x128xi32, #tpu.memory_space<vmem>> -> memref<1x128xi32, #tpu.memory_space<vmem>>
      %get3A_895 = tpu.memref_squeeze %get3A_894 : memref<1x128xi32, #tpu.memory_space<vmem>> -> memref<128xi32, #tpu.memory_space<vmem>>
      %get3A_896 = arith.constant 64 : index
      %get3A_897 = tpu.vector_load %get3A_895[%get3A_896] {strides = array<i32>} : memref<128xi32, #tpu.memory_space<vmem>>, vector<16xi32>,
      %min3A_898 = arith.minsi %min3A_891, %get3A_897 : vector<16xi32>
      %max3A_899 = arith.maxsi %max3A_892, %get3A_897 : vector<16xi32>
      %get3A_900 = arith.constant 0 : i32
      %get3A_901 = tpu.memref_slice %arg7[%add3A_860, %get3A_900] : memref<50x128xi32, #tpu.memory_space<vmem>> -> memref<1x128xi32, #tpu.memory_space<vmem>>
      %get3A_902 = tpu.memref_squeeze %get3A_901 : memref<1x128xi32, #tpu.memory_space<vmem>> -> memref<128xi32, #tpu.memory_space<vmem>>
      %get3A_903 = arith.constant 80 : index
      %get3A_904 = tpu.vector_load %get3A_902[%get3A_903] {strides = array<i32>} : memref<128xi32, #tpu.memory_space<vmem>>, vector<16xi32>,
      %min3A_905 = arith.minsi %min3A_898, %get3A_904 : vector<16xi32>
      %max3A_906 = arith.maxsi %max3A_899, %get3A_904 : vector<16xi32>
      %get3A_907 = arith.constant 0 : i32
      %get3A_908 = tpu.memref_slice %arg7[%add3A_860, %get3A_907] : memref<50x128xi32, #tpu.memory_space<vmem>> -> memref<1x128xi32, #tpu.memory_space<vmem>>
      %get3A_909 = tpu.memref_squeeze %get3A_908 : memref<1x128xi32, #tpu.memory_space<vmem>> -> memref<128xi32, #tpu.memory_space<vmem>>
      %get3A_910 = arith.constant 96 : index
      %get3A_911 = tpu.vector_load %get3A_909[%get3A_910] {strides = array<i32>} : memref<128xi32, #tpu.memory_space<vmem>>, vector<16xi32>,
      %min3A_912 = arith.minsi %min3A_905, %get3A_911 : vector<16xi32>
      %max3A_913 = arith.maxsi %max3A_906, %get3A_911 : vector<16xi32>
      %get3A_914 = arith.constant 0 : i32
      %get3A_915 = tpu.memref_slice %arg7[%add3A_860, %get3A_914] : memref<50x128xi32, #tpu.memory_space<vmem>> -> memref<1x128xi32, #tpu.memory_space<vmem>>
      %get3A_916 = tpu.memref_squeeze %get3A_915 : memref<1x128xi32, #tpu.memory_space<vmem>> -> memref<128xi32, #tpu.memory_space<vmem>>
      %get3A_917 = arith.constant 112 : index
      %get3A_918 = tpu.vector_load %get3A_916[%get3A_917] {strides = array<i32>} : memref<128xi32, #tpu.memory_space<vmem>>, vector<16xi32>,
      %min3A_919 = arith.minsi %min3A_912, %get3A_918 : vector<16xi32>
      %max3A_920 = arith.maxsi %max3A_913, %get3A_918 : vector<16xi32>
      %reduce_min3A_921 = arith.constant true
      %reduce_min3A_922 = vector.broadcast %reduce_min3A_921 : i1 to vector<16xi1>
      %reduce_min3A_923 = arith.constant -2147483648 : i32
      %reduce_min3A_924 = vector.broadcast %reduce_min3A_923 : i32 to vector<16xi32>
      %reduce_min3A_925 = arith.xori %min3A_919, %reduce_min3A_924 : vector<16xi32>
      %reduce_min3A_926 = tpu.scan <min>, %reduce_min3A_925 masked %reduce_min3A_922 : vector<16xi32>, vector<16xi1> -> vector<16xi32>
      %reduce_min3A_927 = arith.xori %reduce_min3A_926, %reduce_min3A_924 : vector<16xi32>
      %reduce_min3A_928 = vector.extract %reduce_min3A_927[15] : i32 from vector<16xi32>
      %le3A_929 = arith.cmpi sle, %reduce_min3A_928, %reduce_max3A_23 : i32
      %reduce_max3A_930 = arith.constant true
      %reduce_max3A_931 = vector.broadcast %reduce_max3A_930 : i1 to vector<16xi1>
      %reduce_max3A_932 = arith.constant -2147483648 : i32
      %reduce_max3A_933 = vector.broadcast %reduce_max3A_932 : i32 to vector<16xi32>
      %reduce_max3A_934 = arith.xori %max3A_920, %reduce_max3A_933 : vector<16xi32>
      %reduce_max3A_935 = tpu.scan <max>, %reduce_max3A_934 masked %reduce_max3A_931 : vector<16xi32>, vector<16xi1> -> vector<16xi32>
      %reduce_max3A_936 = arith.xori %reduce_max3A_935, %reduce_max3A_933 : vector<16xi32>
      %reduce_max3A_937 = vector.extract %reduce_max3A_936[15] : i32 from vector<16xi32>
      %ge3A_938 = arith.cmpi sge, %reduce_max3A_937, %reduce_min3A_12 : i32
      %and3A_939 = arith.andi %le3A_929, %ge3A_938 : i1
      %convert_element_type3A_940 = arith.extui %and3A_939 : i1 to i32
      %cond3A_941 = arith.constant 0 : i32
      %cond3A_942 = arith.cmpi ne, %convert_element_type3A_940, %cond3A_941 : i32
      scf.if %cond3A_942 {
        %scan3A_1125 = arith.constant 0 : i32
        %scan3A_1126 = arith.constant 0 : i32
        %scan3A_1127 = arith.constant 8 : i32
        %scan3A_1128 = arith.addi %scan3A_1126, %scan3A_1127 : i32
        %scan3A_1129 = arith.constant 1 : i32
        scf.for %scan3A_1131 = %scan3A_1126 to %scan3A_1128 step %scan3A_1129  : i32 {
          %mul3A_1132 = arith.constant 16 : i32
          %mul3A_1133 = arith.muli %scan3A_1131, %mul3A_1132 : i32
          %get3A_1134 = arith.constant 0 : i32
          %get3A_1135 = tpu.memref_slice %arg7[%add3A_860, %get3A_1134] : memref<50x128xi32, #tpu.memory_space<vmem>> -> memref<1x128xi32, #tpu.memory_space<vmem>>
          %get3A_1136 = tpu.memref_squeeze %get3A_1135 : memref<1x128xi32, #tpu.memory_space<vmem>> -> memref<128xi32, #tpu.memory_space<vmem>>
          %get3A_1137 = arith.index_cast %mul3A_1133 : i32 to index
          %get3A_1138 = tpu.vector_load %get3A_1136[%get3A_1137] {strides = array<i32>} : memref<128xi32, #tpu.memory_space<vmem>>, vector<16xi32>,
          %add3A_1139 = arith.constant 64 : i32
          %add3A_1140 = vector.broadcast %add3A_1139 : i32 to vector<16xi32>
          %add3A_1141 = arith.addi %broadcast_in_dim3A_5, %add3A_1140 : vector<16xi32>
          %sub3A = arith.constant 1 : i32
          %sub3A_1142 = vector.broadcast %sub3A : i32 to vector<16xi32>
          %sub3A_1143 = arith.subi %add3A_1141, %sub3A_1142 : vector<16xi32>
          %gather3A_1144 = tpu.vector_load_idx %arg10[%sub3A_1143] : memref<128xi32, #tpu.memory_space<vmem>>[vector<16xi32>], vector<16xi32>,
          %lt3A_1145 = arith.cmpi slt, %gather3A_1144, %get3A_1138 : vector<16xi32>
          %select_n3A = arith.select %lt3A_1145, %add3A_1141, %broadcast_in_dim3A_5 : vector<16xi1>, vector<16xi32>
          %add3A_1146 = arith.constant 32 : i32
          %add3A_1147 = vector.broadcast %add3A_1146 : i32 to vector<16xi32>
          %add3A_1148 = arith.addi %select_n3A, %add3A_1147 : vector<16xi32>
          %sub3A_1149 = arith.constant 1 : i32
          %sub3A_1150 = vector.broadcast %sub3A_1149 : i32 to vector<16xi32>
          %sub3A_1151 = arith.subi %add3A_1148, %sub3A_1150 : vector<16xi32>
          %gather3A_1152 = tpu.vector_load_idx %arg10[%sub3A_1151] : memref<128xi32, #tpu.memory_space<vmem>>[vector<16xi32>], vector<16xi32>,
          %lt3A_1153 = arith.cmpi slt, %gather3A_1152, %get3A_1138 : vector<16xi32>
          %select_n3A_1154 = arith.select %lt3A_1153, %add3A_1148, %select_n3A : vector<16xi1>, vector<16xi32>
          %add3A_1155 = arith.constant 16 : i32
          %add3A_1156 = vector.broadcast %add3A_1155 : i32 to vector<16xi32>
          %add3A_1157 = arith.addi %select_n3A_1154, %add3A_1156 : vector<16xi32>
          %sub3A_1158 = arith.constant 1 : i32
          %sub3A_1159 = vector.broadcast %sub3A_1158 : i32 to vector<16xi32>
          %sub3A_1160 = arith.subi %add3A_1157, %sub3A_1159 : vector<16xi32>
          %gather3A_1161 = tpu.vector_load_idx %arg10[%sub3A_1160] : memref<128xi32, #tpu.memory_space<vmem>>[vector<16xi32>], vector<16xi32>,
          %lt3A_1162 = arith.cmpi slt, %gather3A_1161, %get3A_1138 : vector<16xi32>
          %select_n3A_1163 = arith.select %lt3A_1162, %add3A_1157, %select_n3A_1154 : vector<16xi1>, vector<16xi32>
          %add3A_1164 = arith.constant 8 : i32
          %add3A_1165 = vector.broadcast %add3A_1164 : i32 to vector<16xi32>
          %add3A_1166 = arith.addi %select_n3A_1163, %add3A_1165 : vector<16xi32>
          %sub3A_1167 = arith.constant 1 : i32
          %sub3A_1168 = vector.broadcast %sub3A_1167 : i32 to vector<16xi32>
          %sub3A_1169 = arith.subi %add3A_1166, %sub3A_1168 : vector<16xi32>
          %gather3A_1170 = tpu.vector_load_idx %arg10[%sub3A_1169] : memref<128xi32, #tpu.memory_space<vmem>>[vector<16xi32>], vector<16xi32>,
          %lt3A_1171 = arith.cmpi slt, %gather3A_1170, %get3A_1138 : vector<16xi32>
          %select_n3A_1172 = arith.select %lt3A_1171, %add3A_1166, %select_n3A_1163 : vector<16xi1>, vector<16xi32>
          %add3A_1173 = arith.constant 4 : i32
          %add3A_1174 = vector.broadcast %add3A_1173 : i32 to vector<16xi32>
          %add3A_1175 = arith.addi %select_n3A_1172, %add3A_1174 : vector<16xi32>
          %sub3A_1176 = arith.constant 1 : i32
          %sub3A_1177 = vector.broadcast %sub3A_1176 : i32 to vector<16xi32>
          %sub3A_1178 = arith.subi %add3A_1175, %sub3A_1177 : vector<16xi32>
          %gather3A_1179 = tpu.vector_load_idx %arg10[%sub3A_1178] : memref<128xi32, #tpu.memory_space<vmem>>[vector<16xi32>], vector<16xi32>,
          %lt3A_1180 = arith.cmpi slt, %gather3A_1179, %get3A_1138 : vector<16xi32>
          %select_n3A_1181 = arith.select %lt3A_1180, %add3A_1175, %select_n3A_1172 : vector<16xi1>, vector<16xi32>
          %add3A_1182 = arith.constant 2 : i32
          %add3A_1183 = vector.broadcast %add3A_1182 : i32 to vector<16xi32>
          %add3A_1184 = arith.addi %select_n3A_1181, %add3A_1183 : vector<16xi32>
          %sub3A_1185 = arith.constant 1 : i32
          %sub3A_1186 = vector.broadcast %sub3A_1185 : i32 to vector<16xi32>
          %sub3A_1187 = arith.subi %add3A_1184, %sub3A_1186 : vector<16xi32>
          %gather3A_1188 = tpu.vector_load_idx %arg10[%sub3A_1187] : memref<128xi32, #tpu.memory_space<vmem>>[vector<16xi32>], vector<16xi32>,
          %lt3A_1189 = arith.cmpi slt, %gather3A_1188, %get3A_1138 : vector<16xi32>
          %select_n3A_1190 = arith.select %lt3A_1189, %add3A_1184, %select_n3A_1181 : vector<16xi1>, vector<16xi32>
          %add3A_1191 = arith.constant 1 : i32
          %add3A_1192 = vector.broadcast %add3A_1191 : i32 to vector<16xi32>
          %add3A_1193 = arith.addi %select_n3A_1190, %add3A_1192 : vector<16xi32>
          %sub3A_1194 = arith.constant 1 : i32
          %sub3A_1195 = vector.broadcast %sub3A_1194 : i32 to vector<16xi32>
          %sub3A_1196 = arith.subi %add3A_1193, %sub3A_1195 : vector<16xi32>
          %gather3A_1197 = tpu.vector_load_idx %arg10[%sub3A_1196] : memref<128xi32, #tpu.memory_space<vmem>>[vector<16xi32>], vector<16xi32>,
          %lt3A_1198 = arith.cmpi slt, %gather3A_1197, %get3A_1138 : vector<16xi32>
          %select_n3A_1199 = arith.select %lt3A_1198, %add3A_1193, %select_n3A_1190 : vector<16xi1>, vector<16xi32>
          %min3A_1200 = arith.constant 127 : i32
          %min3A_1201 = vector.broadcast %min3A_1200 : i32 to vector<16xi32>
          %min3A_1202 = arith.minsi %select_n3A_1199, %min3A_1201 : vector<16xi32>
          %gather3A_1203 = tpu.vector_load_idx %arg10[%min3A_1202] : memref<128xi32, #tpu.memory_space<vmem>>[vector<16xi32>], vector<16xi32>,
          %eq3A = arith.cmpi eq, %gather3A_1203, %get3A_1138 : vector<16xi32>
          %lt3A_1204 = arith.constant 128 : i32
          %lt3A_1205 = vector.broadcast %lt3A_1204 : i32 to vector<16xi32>
          %lt3A_1206 = arith.cmpi slt, %select_n3A_1199, %lt3A_1205 : vector<16xi32>
          %and3A_1207 = arith.andi %eq3A, %lt3A_1206 : vector<16xi1>
          %convert_element_type3A_1208 = arith.extui %and3A_1207 : vector<16xi1> to vector<16xi32>
          %reduce_sum3A = arith.constant true
          %reduce_sum3A_1209 = vector.broadcast %reduce_sum3A : i1 to vector<16xi1>
          %reduce_sum3A_1210 = tpu.scan <sum>, %convert_element_type3A_1208 masked %reduce_sum3A_1209 : vector<16xi32>, vector<16xi1> -> vector<16xi32>
          %reduce_sum3A_1211 = vector.extract %reduce_sum3A_1210[15] : i32 from vector<16xi32>
          %gt3A = arith.constant 0 : i32
          %gt3A_1212 = arith.cmpi sgt, %reduce_sum3A_1211, %gt3A : i32
          %convert_element_type3A_1213 = arith.extui %gt3A_1212 : i1 to i32
          %cond3A_1214 = arith.constant 0 : i32
          %cond3A_1215 = arith.cmpi ne, %convert_element_type3A_1213, %cond3A_1214 : i32
          scf.if %cond3A_1215 {
            %mul3A_1216 = arith.constant 16 : i32
            %mul3A_1217 = arith.muli %scan3A_1131, %mul3A_1216 : i32
            %add3A_1218 = arith.constant 256 : i32
            %add3A_1219 = arith.addi %add3A_1218, %mul3A_1217 : i32
            %add3A_1220 = vector.broadcast %add3A_1219 : i32 to vector<16xi32>
            %add3A_1221 = arith.addi %add3A_1220, %iota3A : vector<16xi32>
            %swap3A = arith.constant 0 : index
            %swap3A_1222 = tpu.vector_load %arg12[%swap3A] masked %and3A_1207 {strides = array<i32>} : memref<16xi32, #tpu.memory_space<vmem>>, vector<16xi32>, vector<16xi1>
            tpu.vector_store %arg12[%swap3A], %add3A_1221 masked %and3A_1207 {strides = array<i32>} : memref<16xi32, #tpu.memory_space<vmem>>, vector<16xi32>, vector<16xi1>
            %swap3A_1223 = arith.constant 0 : index
            %swap3A_1224 = tpu.vector_load %arg13[%swap3A_1223] masked %and3A_1207 {strides = array<i32>} : memref<16xi32, #tpu.memory_space<vmem>>, vector<16xi32>, vector<16xi1>
            tpu.vector_store %arg13[%swap3A_1223], %select_n3A_1199 masked %and3A_1207 {strides = array<i32>} : memref<16xi32, #tpu.memory_space<vmem>>, vector<16xi32>, vector<16xi1>
            %while3A = arith.constant 0 : i32
            %while3A_1225 = arith.constant 0 : i32
            %while3A_1226 = arith.subi %reduce_sum3A_1211, %while3A_1225 : i32
            %while3A_1227 = arith.addi %while3A_1225, %while3A_1226 : i32
            %while3A_1228 = arith.constant 1 : i32
            %while3A_1229 = arith.divsi %while3A_1226, %while3A_1228 : i32
            %while3A_1230 = arith.muli %while3A_1229, %while3A_1228 : i32
            %while3A_1231 = arith.addi %while3A_1225, %while3A_1230 : i32
            %while3A_1232 = arith.constant 1 : i32
            scf.for %while3A_1234 = %while3A_1225 to %while3A_1231 step %while3A_1232  : i32 {
              %broadcast_in_dim3A_1235 = vector.broadcast %while3A_1234 : i32 to vector<16xi32>
              %gather3A_1236 = tpu.vector_load_idx %arg12[%broadcast_in_dim3A_1235] : memref<16xi32, #tpu.memory_space<vmem>>[vector<16xi32>], vector<16xi32>,
              %gather3A_1237 = tpu.vector_load_idx %arg13[%broadcast_in_dim3A_1235] : memref<16xi32, #tpu.memory_space<vmem>>[vector<16xi32>], vector<16xi32>,
              %add3A_1238 = arith.constant 0 : i32
              %add3A_1239 = vector.broadcast %add3A_1238 : i32 to vector<16xi32>
              %add3A_1240 = arith.addi %iota3A, %add3A_1239 : vector<16xi32>
              %gather3A_1241 = tpu.vector_load_idx %arg11[%gather3A_1237, %add3A_1240] : memref<128x64xf32, #tpu.memory_space<vmem>>[vector<16xi32>, vector<16xi32>], vector<16xf32>,
              tpu.vector_store_idx %arg9[%gather3A_1236, %add3A_1240], %gather3A_1241 : memref<640x64xf32, #tpu.memory_space<vmem>>[vector<16xi32>, vector<16xi32>], vector<16xf32>,
              %add3A_1242 = arith.constant 16 : i32
              %add3A_1243 = vector.broadcast %add3A_1242 : i32 to vector<16xi32>
              %add3A_1244 = arith.addi %iota3A, %add3A_1243 : vector<16xi32>
              %gather3A_1245 = tpu.vector_load_idx %arg11[%gather3A_1237, %add3A_1244] : memref<128x64xf32, #tpu.memory_space<vmem>>[vector<16xi32>, vector<16xi32>], vector<16xf32>,
              tpu.vector_store_idx %arg9[%gather3A_1236, %add3A_1244], %gather3A_1245 : memref<640x64xf32, #tpu.memory_space<vmem>>[vector<16xi32>, vector<16xi32>], vector<16xf32>,
              %add3A_1246 = arith.constant 32 : i32
              %add3A_1247 = vector.broadcast %add3A_1246 : i32 to vector<16xi32>
              %add3A_1248 = arith.addi %iota3A, %add3A_1247 : vector<16xi32>
              %gather3A_1249 = tpu.vector_load_idx %arg11[%gather3A_1237, %add3A_1248] : memref<128x64xf32, #tpu.memory_space<vmem>>[vector<16xi32>, vector<16xi32>], vector<16xf32>,
              tpu.vector_store_idx %arg9[%gather3A_1236, %add3A_1248], %gather3A_1249 : memref<640x64xf32, #tpu.memory_space<vmem>>[vector<16xi32>, vector<16xi32>], vector<16xf32>,
              %add3A_1250 = arith.constant 48 : i32
              %add3A_1251 = vector.broadcast %add3A_1250 : i32 to vector<16xi32>
              %add3A_1252 = arith.addi %iota3A, %add3A_1251 : vector<16xi32>
              %gather3A_1253 = tpu.vector_load_idx %arg11[%gather3A_1237, %add3A_1252] : memref<128x64xf32, #tpu.memory_space<vmem>>[vector<16xi32>, vector<16xi32>], vector<16xf32>,
              tpu.vector_store_idx %arg9[%gather3A_1236, %add3A_1252], %gather3A_1253 : memref<640x64xf32, #tpu.memory_space<vmem>>[vector<16xi32>, vector<16xi32>], vector<16xf32>,
            }
            %while3A_1233 = arith.constant 1 : i32
            scf.for %while3A_1234 = %while3A_1231 to %while3A_1227 step %while3A_1233  : i32 {
              %broadcast_in_dim3A_1235 = vector.broadcast %while3A_1234 : i32 to vector<16xi32>
              %gather3A_1236 = tpu.vector_load_idx %arg12[%broadcast_in_dim3A_1235] : memref<16xi32, #tpu.memory_space<vmem>>[vector<16xi32>], vector<16xi32>,
              %gather3A_1237 = tpu.vector_load_idx %arg13[%broadcast_in_dim3A_1235] : memref<16xi32, #tpu.memory_space<vmem>>[vector<16xi32>], vector<16xi32>,
              %add3A_1238 = arith.constant 0 : i32
              %add3A_1239 = vector.broadcast %add3A_1238 : i32 to vector<16xi32>
              %add3A_1240 = arith.addi %iota3A, %add3A_1239 : vector<16xi32>
              %gather3A_1241 = tpu.vector_load_idx %arg11[%gather3A_1237, %add3A_1240] : memref<128x64xf32, #tpu.memory_space<vmem>>[vector<16xi32>, vector<16xi32>], vector<16xf32>,
              tpu.vector_store_idx %arg9[%gather3A_1236, %add3A_1240], %gather3A_1241 : memref<640x64xf32, #tpu.memory_space<vmem>>[vector<16xi32>, vector<16xi32>], vector<16xf32>,
              %add3A_1242 = arith.constant 16 : i32
              %add3A_1243 = vector.broadcast %add3A_1242 : i32 to vector<16xi32>
              %add3A_1244 = arith.addi %iota3A, %add3A_1243 : vector<16xi32>
              %gather3A_1245 = tpu.vector_load_idx %arg11[%gather3A_1237, %add3A_1244] : memref<128x64xf32, #tpu.memory_space<vmem>>[vector<16xi32>, vector<16xi32>], vector<16xf32>,
              tpu.vector_store_idx %arg9[%gather3A_1236, %add3A_1244], %gather3A_1245 : memref<640x64xf32, #tpu.memory_space<vmem>>[vector<16xi32>, vector<16xi32>], vector<16xf32>,
              %add3A_1246 = arith.constant 32 : i32
              %add3A_1247 = vector.broadcast %add3A_1246 : i32 to vector<16xi32>
              %add3A_1248 = arith.addi %iota3A, %add3A_1247 : vector<16xi32>
              %gather3A_1249 = tpu.vector_load_idx %arg11[%gather3A_1237, %add3A_1248] : memref<128x64xf32, #tpu.memory_space<vmem>>[vector<16xi32>, vector<16xi32>], vector<16xf32>,
              tpu.vector_store_idx %arg9[%gather3A_1236, %add3A_1248], %gather3A_1249 : memref<640x64xf32, #tpu.memory_space<vmem>>[vector<16xi32>, vector<16xi32>], vector<16xf32>,
              %add3A_1250 = arith.constant 48 : i32
              %add3A_1251 = vector.broadcast %add3A_1250 : i32 to vector<16xi32>
              %add3A_1252 = arith.addi %iota3A, %add3A_1251 : vector<16xi32>
              %gather3A_1253 = tpu.vector_load_idx %arg11[%gather3A_1237, %add3A_1252] : memref<128x64xf32, #tpu.memory_space<vmem>>[vector<16xi32>, vector<16xi32>], vector<16xf32>,
              tpu.vector_store_idx %arg9[%gather3A_1236, %add3A_1252], %gather3A_1253 : memref<640x64xf32, #tpu.memory_space<vmem>>[vector<16xi32>, vector<16xi32>], vector<16xf32>,
            }
          } else {
          }
        }
        %scan3A_1130 = arith.constant 8 : i32
      } else {
      }
      %add3A_943 = arith.constant 3 : i32
      %add3A_944 = arith.addi %mul3A_690, %add3A_943 : i32
      %broadcast_in_dim3A_945 = arith.constant 2147483647 : i32
      %broadcast_in_dim3A_946 = vector.broadcast %broadcast_in_dim3A_945 : i32 to vector<16xi32>
      %broadcast_in_dim3A_947 = arith.constant -2147483648 : i32
      %broadcast_in_dim3A_948 = vector.broadcast %broadcast_in_dim3A_947 : i32 to vector<16xi32>
      %get3A_949 = arith.constant 0 : i32
      %get3A_950 = tpu.memref_slice %arg7[%add3A_944, %get3A_949] : memref<50x128xi32, #tpu.memory_space<vmem>> -> memref<1x128xi32, #tpu.memory_space<vmem>>
      %get3A_951 = tpu.memref_squeeze %get3A_950 : memref<1x128xi32, #tpu.memory_space<vmem>> -> memref<128xi32, #tpu.memory_space<vmem>>
      %get3A_952 = arith.constant 0 : index
      %get3A_953 = tpu.vector_load %get3A_951[%get3A_952] {strides = array<i32>} : memref<128xi32, #tpu.memory_space<vmem>>, vector<16xi32>,
      %min3A_954 = arith.minsi %broadcast_in_dim3A_946, %get3A_953 : vector<16xi32>
      %max3A_955 = arith.maxsi %broadcast_in_dim3A_948, %get3A_953 : vector<16xi32>
      %get3A_956 = arith.constant 0 : i32
      %get3A_957 = tpu.memref_slice %arg7[%add3A_944, %get3A_956] : memref<50x128xi32, #tpu.memory_space<vmem>> -> memref<1x128xi32, #tpu.memory_space<vmem>>
      %get3A_958 = tpu.memref_squeeze %get3A_957 : memref<1x128xi32, #tpu.memory_space<vmem>> -> memref<128xi32, #tpu.memory_space<vmem>>
      %get3A_959 = arith.constant 16 : index
      %get3A_960 = tpu.vector_load %get3A_958[%get3A_959] {strides = array<i32>} : memref<128xi32, #tpu.memory_space<vmem>>, vector<16xi32>,
      %min3A_961 = arith.minsi %min3A_954, %get3A_960 : vector<16xi32>
      %max3A_962 = arith.maxsi %max3A_955, %get3A_960 : vector<16xi32>
      %get3A_963 = arith.constant 0 : i32
      %get3A_964 = tpu.memref_slice %arg7[%add3A_944, %get3A_963] : memref<50x128xi32, #tpu.memory_space<vmem>> -> memref<1x128xi32, #tpu.memory_space<vmem>>
      %get3A_965 = tpu.memref_squeeze %get3A_964 : memref<1x128xi32, #tpu.memory_space<vmem>> -> memref<128xi32, #tpu.memory_space<vmem>>
      %get3A_966 = arith.constant 32 : index
      %get3A_967 = tpu.vector_load %get3A_965[%get3A_966] {strides = array<i32>} : memref<128xi32, #tpu.memory_space<vmem>>, vector<16xi32>,
      %min3A_968 = arith.minsi %min3A_961, %get3A_967 : vector<16xi32>
      %max3A_969 = arith.maxsi %max3A_962, %get3A_967 : vector<16xi32>
      %get3A_970 = arith.constant 0 : i32
      %get3A_971 = tpu.memref_slice %arg7[%add3A_944, %get3A_970] : memref<50x128xi32, #tpu.memory_space<vmem>> -> memref<1x128xi32, #tpu.memory_space<vmem>>
      %get3A_972 = tpu.memref_squeeze %get3A_971 : memref<1x128xi32, #tpu.memory_space<vmem>> -> memref<128xi32, #tpu.memory_space<vmem>>
      %get3A_973 = arith.constant 48 : index
      %get3A_974 = tpu.vector_load %get3A_972[%get3A_973] {strides = array<i32>} : memref<128xi32, #tpu.memory_space<vmem>>, vector<16xi32>,
      %min3A_975 = arith.minsi %min3A_968, %get3A_974 : vector<16xi32>
      %max3A_976 = arith.maxsi %max3A_969, %get3A_974 : vector<16xi32>
      %get3A_977 = arith.constant 0 : i32
      %get3A_978 = tpu.memref_slice %arg7[%add3A_944, %get3A_977] : memref<50x128xi32, #tpu.memory_space<vmem>> -> memref<1x128xi32, #tpu.memory_space<vmem>>
      %get3A_979 = tpu.memref_squeeze %get3A_978 : memref<1x128xi32, #tpu.memory_space<vmem>> -> memref<128xi32, #tpu.memory_space<vmem>>
      %get3A_980 = arith.constant 64 : index
      %get3A_981 = tpu.vector_load %get3A_979[%get3A_980] {strides = array<i32>} : memref<128xi32, #tpu.memory_space<vmem>>, vector<16xi32>,
      %min3A_982 = arith.minsi %min3A_975, %get3A_981 : vector<16xi32>
      %max3A_983 = arith.maxsi %max3A_976, %get3A_981 : vector<16xi32>
      %get3A_984 = arith.constant 0 : i32
      %get3A_985 = tpu.memref_slice %arg7[%add3A_944, %get3A_984] : memref<50x128xi32, #tpu.memory_space<vmem>> -> memref<1x128xi32, #tpu.memory_space<vmem>>
      %get3A_986 = tpu.memref_squeeze %get3A_985 : memref<1x128xi32, #tpu.memory_space<vmem>> -> memref<128xi32, #tpu.memory_space<vmem>>
      %get3A_987 = arith.constant 80 : index
      %get3A_988 = tpu.vector_load %get3A_986[%get3A_987] {strides = array<i32>} : memref<128xi32, #tpu.memory_space<vmem>>, vector<16xi32>,
      %min3A_989 = arith.minsi %min3A_982, %get3A_988 : vector<16xi32>
      %max3A_990 = arith.maxsi %max3A_983, %get3A_988 : vector<16xi32>
      %get3A_991 = arith.constant 0 : i32
      %get3A_992 = tpu.memref_slice %arg7[%add3A_944, %get3A_991] : memref<50x128xi32, #tpu.memory_space<vmem>> -> memref<1x128xi32, #tpu.memory_space<vmem>>
      %get3A_993 = tpu.memref_squeeze %get3A_992 : memref<1x128xi32, #tpu.memory_space<vmem>> -> memref<128xi32, #tpu.memory_space<vmem>>
      %get3A_994 = arith.constant 96 : index
      %get3A_995 = tpu.vector_load %get3A_993[%get3A_994] {strides = array<i32>} : memref<128xi32, #tpu.memory_space<vmem>>, vector<16xi32>,
      %min3A_996 = arith.minsi %min3A_989, %get3A_995 : vector<16xi32>
      %max3A_997 = arith.maxsi %max3A_990, %get3A_995 : vector<16xi32>
      %get3A_998 = arith.constant 0 : i32
      %get3A_999 = tpu.memref_slice %arg7[%add3A_944, %get3A_998] : memref<50x128xi32, #tpu.memory_space<vmem>> -> memref<1x128xi32, #tpu.memory_space<vmem>>
      %get3A_1000 = tpu.memref_squeeze %get3A_999 : memref<1x128xi32, #tpu.memory_space<vmem>> -> memref<128xi32, #tpu.memory_space<vmem>>
      %get3A_1001 = arith.constant 112 : index
      %get3A_1002 = tpu.vector_load %get3A_1000[%get3A_1001] {strides = array<i32>} : memref<128xi32, #tpu.memory_space<vmem>>, vector<16xi32>,
      %min3A_1003 = arith.minsi %min3A_996, %get3A_1002 : vector<16xi32>
      %max3A_1004 = arith.maxsi %max3A_997, %get3A_1002 : vector<16xi32>
      %reduce_min3A_1005 = arith.constant true
      %reduce_min3A_1006 = vector.broadcast %reduce_min3A_1005 : i1 to vector<16xi1>
      %reduce_min3A_1007 = arith.constant -2147483648 : i32
      %reduce_min3A_1008 = vector.broadcast %reduce_min3A_1007 : i32 to vector<16xi32>
      %reduce_min3A_1009 = arith.xori %min3A_1003, %reduce_min3A_1008 : vector<16xi32>
      %reduce_min3A_1010 = tpu.scan <min>, %reduce_min3A_1009 masked %reduce_min3A_1006 : vector<16xi32>, vector<16xi1> -> vector<16xi32>
      %reduce_min3A_1011 = arith.xori %reduce_min3A_1010, %reduce_min3A_1008 : vector<16xi32>
      %reduce_min3A_1012 = vector.extract %reduce_min3A_1011[15] : i32 from vector<16xi32>
      %le3A_1013 = arith.cmpi sle, %reduce_min3A_1012, %reduce_max3A_23 : i32
      %reduce_max3A_1014 = arith.constant true
      %reduce_max3A_1015 = vector.broadcast %reduce_max3A_1014 : i1 to vector<16xi1>
      %reduce_max3A_1016 = arith.constant -2147483648 : i32
      %reduce_max3A_1017 = vector.broadcast %reduce_max3A_1016 : i32 to vector<16xi32>
      %reduce_max3A_1018 = arith.xori %max3A_1004, %reduce_max3A_1017 : vector<16xi32>
      %reduce_max3A_1019 = tpu.scan <max>, %reduce_max3A_1018 masked %reduce_max3A_1015 : vector<16xi32>, vector<16xi1> -> vector<16xi32>
      %reduce_max3A_1020 = arith.xori %reduce_max3A_1019, %reduce_max3A_1017 : vector<16xi32>
      %reduce_max3A_1021 = vector.extract %reduce_max3A_1020[15] : i32 from vector<16xi32>
      %ge3A_1022 = arith.cmpi sge, %reduce_max3A_1021, %reduce_min3A_12 : i32
      %and3A_1023 = arith.andi %le3A_1013, %ge3A_1022 : i1
      %convert_element_type3A_1024 = arith.extui %and3A_1023 : i1 to i32
      %cond3A_1025 = arith.constant 0 : i32
      %cond3A_1026 = arith.cmpi ne, %convert_element_type3A_1024, %cond3A_1025 : i32
      scf.if %cond3A_1026 {
        %scan3A_1125 = arith.constant 0 : i32
        %scan3A_1126 = arith.constant 0 : i32
        %scan3A_1127 = arith.constant 8 : i32
        %scan3A_1128 = arith.addi %scan3A_1126, %scan3A_1127 : i32
        %scan3A_1129 = arith.constant 1 : i32
        scf.for %scan3A_1131 = %scan3A_1126 to %scan3A_1128 step %scan3A_1129  : i32 {
          %mul3A_1132 = arith.constant 16 : i32
          %mul3A_1133 = arith.muli %scan3A_1131, %mul3A_1132 : i32
          %get3A_1134 = arith.constant 0 : i32
          %get3A_1135 = tpu.memref_slice %arg7[%add3A_944, %get3A_1134] : memref<50x128xi32, #tpu.memory_space<vmem>> -> memref<1x128xi32, #tpu.memory_space<vmem>>
          %get3A_1136 = tpu.memref_squeeze %get3A_1135 : memref<1x128xi32, #tpu.memory_space<vmem>> -> memref<128xi32, #tpu.memory_space<vmem>>
          %get3A_1137 = arith.index_cast %mul3A_1133 : i32 to index
          %get3A_1138 = tpu.vector_load %get3A_1136[%get3A_1137] {strides = array<i32>} : memref<128xi32, #tpu.memory_space<vmem>>, vector<16xi32>,
          %add3A_1139 = arith.constant 64 : i32
          %add3A_1140 = vector.broadcast %add3A_1139 : i32 to vector<16xi32>
          %add3A_1141 = arith.addi %broadcast_in_dim3A_5, %add3A_1140 : vector<16xi32>
          %sub3A = arith.constant 1 : i32
          %sub3A_1142 = vector.broadcast %sub3A : i32 to vector<16xi32>
          %sub3A_1143 = arith.subi %add3A_1141, %sub3A_1142 : vector<16xi32>
          %gather3A_1144 = tpu.vector_load_idx %arg10[%sub3A_1143] : memref<128xi32, #tpu.memory_space<vmem>>[vector<16xi32>], vector<16xi32>,
          %lt3A_1145 = arith.cmpi slt, %gather3A_1144, %get3A_1138 : vector<16xi32>
          %select_n3A = arith.select %lt3A_1145, %add3A_1141, %broadcast_in_dim3A_5 : vector<16xi1>, vector<16xi32>
          %add3A_1146 = arith.constant 32 : i32
          %add3A_1147 = vector.broadcast %add3A_1146 : i32 to vector<16xi32>
          %add3A_1148 = arith.addi %select_n3A, %add3A_1147 : vector<16xi32>
          %sub3A_1149 = arith.constant 1 : i32
          %sub3A_1150 = vector.broadcast %sub3A_1149 : i32 to vector<16xi32>
          %sub3A_1151 = arith.subi %add3A_1148, %sub3A_1150 : vector<16xi32>
          %gather3A_1152 = tpu.vector_load_idx %arg10[%sub3A_1151] : memref<128xi32, #tpu.memory_space<vmem>>[vector<16xi32>], vector<16xi32>,
          %lt3A_1153 = arith.cmpi slt, %gather3A_1152, %get3A_1138 : vector<16xi32>
          %select_n3A_1154 = arith.select %lt3A_1153, %add3A_1148, %select_n3A : vector<16xi1>, vector<16xi32>
          %add3A_1155 = arith.constant 16 : i32
          %add3A_1156 = vector.broadcast %add3A_1155 : i32 to vector<16xi32>
          %add3A_1157 = arith.addi %select_n3A_1154, %add3A_1156 : vector<16xi32>
          %sub3A_1158 = arith.constant 1 : i32
          %sub3A_1159 = vector.broadcast %sub3A_1158 : i32 to vector<16xi32>
          %sub3A_1160 = arith.subi %add3A_1157, %sub3A_1159 : vector<16xi32>
          %gather3A_1161 = tpu.vector_load_idx %arg10[%sub3A_1160] : memref<128xi32, #tpu.memory_space<vmem>>[vector<16xi32>], vector<16xi32>,
          %lt3A_1162 = arith.cmpi slt, %gather3A_1161, %get3A_1138 : vector<16xi32>
          %select_n3A_1163 = arith.select %lt3A_1162, %add3A_1157, %select_n3A_1154 : vector<16xi1>, vector<16xi32>
          %add3A_1164 = arith.constant 8 : i32
          %add3A_1165 = vector.broadcast %add3A_1164 : i32 to vector<16xi32>
          %add3A_1166 = arith.addi %select_n3A_1163, %add3A_1165 : vector<16xi32>
          %sub3A_1167 = arith.constant 1 : i32
          %sub3A_1168 = vector.broadcast %sub3A_1167 : i32 to vector<16xi32>
          %sub3A_1169 = arith.subi %add3A_1166, %sub3A_1168 : vector<16xi32>
          %gather3A_1170 = tpu.vector_load_idx %arg10[%sub3A_1169] : memref<128xi32, #tpu.memory_space<vmem>>[vector<16xi32>], vector<16xi32>,
          %lt3A_1171 = arith.cmpi slt, %gather3A_1170, %get3A_1138 : vector<16xi32>
          %select_n3A_1172 = arith.select %lt3A_1171, %add3A_1166, %select_n3A_1163 : vector<16xi1>, vector<16xi32>
          %add3A_1173 = arith.constant 4 : i32
          %add3A_1174 = vector.broadcast %add3A_1173 : i32 to vector<16xi32>
          %add3A_1175 = arith.addi %select_n3A_1172, %add3A_1174 : vector<16xi32>
          %sub3A_1176 = arith.constant 1 : i32
          %sub3A_1177 = vector.broadcast %sub3A_1176 : i32 to vector<16xi32>
          %sub3A_1178 = arith.subi %add3A_1175, %sub3A_1177 : vector<16xi32>
          %gather3A_1179 = tpu.vector_load_idx %arg10[%sub3A_1178] : memref<128xi32, #tpu.memory_space<vmem>>[vector<16xi32>], vector<16xi32>,
          %lt3A_1180 = arith.cmpi slt, %gather3A_1179, %get3A_1138 : vector<16xi32>
          %select_n3A_1181 = arith.select %lt3A_1180, %add3A_1175, %select_n3A_1172 : vector<16xi1>, vector<16xi32>
          %add3A_1182 = arith.constant 2 : i32
          %add3A_1183 = vector.broadcast %add3A_1182 : i32 to vector<16xi32>
          %add3A_1184 = arith.addi %select_n3A_1181, %add3A_1183 : vector<16xi32>
          %sub3A_1185 = arith.constant 1 : i32
          %sub3A_1186 = vector.broadcast %sub3A_1185 : i32 to vector<16xi32>
          %sub3A_1187 = arith.subi %add3A_1184, %sub3A_1186 : vector<16xi32>
          %gather3A_1188 = tpu.vector_load_idx %arg10[%sub3A_1187] : memref<128xi32, #tpu.memory_space<vmem>>[vector<16xi32>], vector<16xi32>,
          %lt3A_1189 = arith.cmpi slt, %gather3A_1188, %get3A_1138 : vector<16xi32>
          %select_n3A_1190 = arith.select %lt3A_1189, %add3A_1184, %select_n3A_1181 : vector<16xi1>, vector<16xi32>
          %add3A_1191 = arith.constant 1 : i32
          %add3A_1192 = vector.broadcast %add3A_1191 : i32 to vector<16xi32>
          %add3A_1193 = arith.addi %select_n3A_1190, %add3A_1192 : vector<16xi32>
          %sub3A_1194 = arith.constant 1 : i32
          %sub3A_1195 = vector.broadcast %sub3A_1194 : i32 to vector<16xi32>
          %sub3A_1196 = arith.subi %add3A_1193, %sub3A_1195 : vector<16xi32>
          %gather3A_1197 = tpu.vector_load_idx %arg10[%sub3A_1196] : memref<128xi32, #tpu.memory_space<vmem>>[vector<16xi32>], vector<16xi32>,
          %lt3A_1198 = arith.cmpi slt, %gather3A_1197, %get3A_1138 : vector<16xi32>
          %select_n3A_1199 = arith.select %lt3A_1198, %add3A_1193, %select_n3A_1190 : vector<16xi1>, vector<16xi32>
          %min3A_1200 = arith.constant 127 : i32
          %min3A_1201 = vector.broadcast %min3A_1200 : i32 to vector<16xi32>
          %min3A_1202 = arith.minsi %select_n3A_1199, %min3A_1201 : vector<16xi32>
          %gather3A_1203 = tpu.vector_load_idx %arg10[%min3A_1202] : memref<128xi32, #tpu.memory_space<vmem>>[vector<16xi32>], vector<16xi32>,
          %eq3A = arith.cmpi eq, %gather3A_1203, %get3A_1138 : vector<16xi32>
          %lt3A_1204 = arith.constant 128 : i32
          %lt3A_1205 = vector.broadcast %lt3A_1204 : i32 to vector<16xi32>
          %lt3A_1206 = arith.cmpi slt, %select_n3A_1199, %lt3A_1205 : vector<16xi32>
          %and3A_1207 = arith.andi %eq3A, %lt3A_1206 : vector<16xi1>
          %convert_element_type3A_1208 = arith.extui %and3A_1207 : vector<16xi1> to vector<16xi32>
          %reduce_sum3A = arith.constant true
          %reduce_sum3A_1209 = vector.broadcast %reduce_sum3A : i1 to vector<16xi1>
          %reduce_sum3A_1210 = tpu.scan <sum>, %convert_element_type3A_1208 masked %reduce_sum3A_1209 : vector<16xi32>, vector<16xi1> -> vector<16xi32>
          %reduce_sum3A_1211 = vector.extract %reduce_sum3A_1210[15] : i32 from vector<16xi32>
          %gt3A = arith.constant 0 : i32
          %gt3A_1212 = arith.cmpi sgt, %reduce_sum3A_1211, %gt3A : i32
          %convert_element_type3A_1213 = arith.extui %gt3A_1212 : i1 to i32
          %cond3A_1214 = arith.constant 0 : i32
          %cond3A_1215 = arith.cmpi ne, %convert_element_type3A_1213, %cond3A_1214 : i32
          scf.if %cond3A_1215 {
            %mul3A_1216 = arith.constant 16 : i32
            %mul3A_1217 = arith.muli %scan3A_1131, %mul3A_1216 : i32
            %add3A_1218 = arith.constant 384 : i32
            %add3A_1219 = arith.addi %add3A_1218, %mul3A_1217 : i32
            %add3A_1220 = vector.broadcast %add3A_1219 : i32 to vector<16xi32>
            %add3A_1221 = arith.addi %add3A_1220, %iota3A : vector<16xi32>
            %swap3A = arith.constant 0 : index
            %swap3A_1222 = tpu.vector_load %arg12[%swap3A] masked %and3A_1207 {strides = array<i32>} : memref<16xi32, #tpu.memory_space<vmem>>, vector<16xi32>, vector<16xi1>
            tpu.vector_store %arg12[%swap3A], %add3A_1221 masked %and3A_1207 {strides = array<i32>} : memref<16xi32, #tpu.memory_space<vmem>>, vector<16xi32>, vector<16xi1>
            %swap3A_1223 = arith.constant 0 : index
            %swap3A_1224 = tpu.vector_load %arg13[%swap3A_1223] masked %and3A_1207 {strides = array<i32>} : memref<16xi32, #tpu.memory_space<vmem>>, vector<16xi32>, vector<16xi1>
            tpu.vector_store %arg13[%swap3A_1223], %select_n3A_1199 masked %and3A_1207 {strides = array<i32>} : memref<16xi32, #tpu.memory_space<vmem>>, vector<16xi32>, vector<16xi1>
            %while3A = arith.constant 0 : i32
            %while3A_1225 = arith.constant 0 : i32
            %while3A_1226 = arith.subi %reduce_sum3A_1211, %while3A_1225 : i32
            %while3A_1227 = arith.addi %while3A_1225, %while3A_1226 : i32
            %while3A_1228 = arith.constant 1 : i32
            %while3A_1229 = arith.divsi %while3A_1226, %while3A_1228 : i32
            %while3A_1230 = arith.muli %while3A_1229, %while3A_1228 : i32
            %while3A_1231 = arith.addi %while3A_1225, %while3A_1230 : i32
            %while3A_1232 = arith.constant 1 : i32
            scf.for %while3A_1234 = %while3A_1225 to %while3A_1231 step %while3A_1232  : i32 {
              %broadcast_in_dim3A_1235 = vector.broadcast %while3A_1234 : i32 to vector<16xi32>
              %gather3A_1236 = tpu.vector_load_idx %arg12[%broadcast_in_dim3A_1235] : memref<16xi32, #tpu.memory_space<vmem>>[vector<16xi32>], vector<16xi32>,
              %gather3A_1237 = tpu.vector_load_idx %arg13[%broadcast_in_dim3A_1235] : memref<16xi32, #tpu.memory_space<vmem>>[vector<16xi32>], vector<16xi32>,
              %add3A_1238 = arith.constant 0 : i32
              %add3A_1239 = vector.broadcast %add3A_1238 : i32 to vector<16xi32>
              %add3A_1240 = arith.addi %iota3A, %add3A_1239 : vector<16xi32>
              %gather3A_1241 = tpu.vector_load_idx %arg11[%gather3A_1237, %add3A_1240] : memref<128x64xf32, #tpu.memory_space<vmem>>[vector<16xi32>, vector<16xi32>], vector<16xf32>,
              tpu.vector_store_idx %arg9[%gather3A_1236, %add3A_1240], %gather3A_1241 : memref<640x64xf32, #tpu.memory_space<vmem>>[vector<16xi32>, vector<16xi32>], vector<16xf32>,
              %add3A_1242 = arith.constant 16 : i32
              %add3A_1243 = vector.broadcast %add3A_1242 : i32 to vector<16xi32>
              %add3A_1244 = arith.addi %iota3A, %add3A_1243 : vector<16xi32>
              %gather3A_1245 = tpu.vector_load_idx %arg11[%gather3A_1237, %add3A_1244] : memref<128x64xf32, #tpu.memory_space<vmem>>[vector<16xi32>, vector<16xi32>], vector<16xf32>,
              tpu.vector_store_idx %arg9[%gather3A_1236, %add3A_1244], %gather3A_1245 : memref<640x64xf32, #tpu.memory_space<vmem>>[vector<16xi32>, vector<16xi32>], vector<16xf32>,
              %add3A_1246 = arith.constant 32 : i32
              %add3A_1247 = vector.broadcast %add3A_1246 : i32 to vector<16xi32>
              %add3A_1248 = arith.addi %iota3A, %add3A_1247 : vector<16xi32>
              %gather3A_1249 = tpu.vector_load_idx %arg11[%gather3A_1237, %add3A_1248] : memref<128x64xf32, #tpu.memory_space<vmem>>[vector<16xi32>, vector<16xi32>], vector<16xf32>,
              tpu.vector_store_idx %arg9[%gather3A_1236, %add3A_1248], %gather3A_1249 : memref<640x64xf32, #tpu.memory_space<vmem>>[vector<16xi32>, vector<16xi32>], vector<16xf32>,
              %add3A_1250 = arith.constant 48 : i32
              %add3A_1251 = vector.broadcast %add3A_1250 : i32 to vector<16xi32>
              %add3A_1252 = arith.addi %iota3A, %add3A_1251 : vector<16xi32>
              %gather3A_1253 = tpu.vector_load_idx %arg11[%gather3A_1237, %add3A_1252] : memref<128x64xf32, #tpu.memory_space<vmem>>[vector<16xi32>, vector<16xi32>], vector<16xf32>,
              tpu.vector_store_idx %arg9[%gather3A_1236, %add3A_1252], %gather3A_1253 : memref<640x64xf32, #tpu.memory_space<vmem>>[vector<16xi32>, vector<16xi32>], vector<16xf32>,
            }
            %while3A_1233 = arith.constant 1 : i32
            scf.for %while3A_1234 = %while3A_1231 to %while3A_1227 step %while3A_1233  : i32 {
              %broadcast_in_dim3A_1235 = vector.broadcast %while3A_1234 : i32 to vector<16xi32>
              %gather3A_1236 = tpu.vector_load_idx %arg12[%broadcast_in_dim3A_1235] : memref<16xi32, #tpu.memory_space<vmem>>[vector<16xi32>], vector<16xi32>,
              %gather3A_1237 = tpu.vector_load_idx %arg13[%broadcast_in_dim3A_1235] : memref<16xi32, #tpu.memory_space<vmem>>[vector<16xi32>], vector<16xi32>,
              %add3A_1238 = arith.constant 0 : i32
              %add3A_1239 = vector.broadcast %add3A_1238 : i32 to vector<16xi32>
              %add3A_1240 = arith.addi %iota3A, %add3A_1239 : vector<16xi32>
              %gather3A_1241 = tpu.vector_load_idx %arg11[%gather3A_1237, %add3A_1240] : memref<128x64xf32, #tpu.memory_space<vmem>>[vector<16xi32>, vector<16xi32>], vector<16xf32>,
              tpu.vector_store_idx %arg9[%gather3A_1236, %add3A_1240], %gather3A_1241 : memref<640x64xf32, #tpu.memory_space<vmem>>[vector<16xi32>, vector<16xi32>], vector<16xf32>,
              %add3A_1242 = arith.constant 16 : i32
              %add3A_1243 = vector.broadcast %add3A_1242 : i32 to vector<16xi32>
              %add3A_1244 = arith.addi %iota3A, %add3A_1243 : vector<16xi32>
              %gather3A_1245 = tpu.vector_load_idx %arg11[%gather3A_1237, %add3A_1244] : memref<128x64xf32, #tpu.memory_space<vmem>>[vector<16xi32>, vector<16xi32>], vector<16xf32>,
              tpu.vector_store_idx %arg9[%gather3A_1236, %add3A_1244], %gather3A_1245 : memref<640x64xf32, #tpu.memory_space<vmem>>[vector<16xi32>, vector<16xi32>], vector<16xf32>,
              %add3A_1246 = arith.constant 32 : i32
              %add3A_1247 = vector.broadcast %add3A_1246 : i32 to vector<16xi32>
              %add3A_1248 = arith.addi %iota3A, %add3A_1247 : vector<16xi32>
              %gather3A_1249 = tpu.vector_load_idx %arg11[%gather3A_1237, %add3A_1248] : memref<128x64xf32, #tpu.memory_space<vmem>>[vector<16xi32>, vector<16xi32>], vector<16xf32>,
              tpu.vector_store_idx %arg9[%gather3A_1236, %add3A_1248], %gather3A_1249 : memref<640x64xf32, #tpu.memory_space<vmem>>[vector<16xi32>, vector<16xi32>], vector<16xf32>,
              %add3A_1250 = arith.constant 48 : i32
              %add3A_1251 = vector.broadcast %add3A_1250 : i32 to vector<16xi32>
              %add3A_1252 = arith.addi %iota3A, %add3A_1251 : vector<16xi32>
              %gather3A_1253 = tpu.vector_load_idx %arg11[%gather3A_1237, %add3A_1252] : memref<128x64xf32, #tpu.memory_space<vmem>>[vector<16xi32>, vector<16xi32>], vector<16xf32>,
              tpu.vector_store_idx %arg9[%gather3A_1236, %add3A_1252], %gather3A_1253 : memref<640x64xf32, #tpu.memory_space<vmem>>[vector<16xi32>, vector<16xi32>], vector<16xf32>,
            }
          } else {
          }
        }
        %scan3A_1130 = arith.constant 8 : i32
      } else {
      }
      %add3A_1027 = arith.constant 4 : i32
      %add3A_1028 = arith.addi %mul3A_690, %add3A_1027 : i32
      %broadcast_in_dim3A_1029 = arith.constant 2147483647 : i32
      %broadcast_in_dim3A_1030 = vector.broadcast %broadcast_in_dim3A_1029 : i32 to vector<16xi32>
      %broadcast_in_dim3A_1031 = arith.constant -2147483648 : i32
      %broadcast_in_dim3A_1032 = vector.broadcast %broadcast_in_dim3A_1031 : i32 to vector<16xi32>
      %get3A_1033 = arith.constant 0 : i32
      %get3A_1034 = tpu.memref_slice %arg7[%add3A_1028, %get3A_1033] : memref<50x128xi32, #tpu.memory_space<vmem>> -> memref<1x128xi32, #tpu.memory_space<vmem>>
      %get3A_1035 = tpu.memref_squeeze %get3A_1034 : memref<1x128xi32, #tpu.memory_space<vmem>> -> memref<128xi32, #tpu.memory_space<vmem>>
      %get3A_1036 = arith.constant 0 : index
      %get3A_1037 = tpu.vector_load %get3A_1035[%get3A_1036] {strides = array<i32>} : memref<128xi32, #tpu.memory_space<vmem>>, vector<16xi32>,
      %min3A_1038 = arith.minsi %broadcast_in_dim3A_1030, %get3A_1037 : vector<16xi32>
      %max3A_1039 = arith.maxsi %broadcast_in_dim3A_1032, %get3A_1037 : vector<16xi32>
      %get3A_1040 = arith.constant 0 : i32
      %get3A_1041 = tpu.memref_slice %arg7[%add3A_1028, %get3A_1040] : memref<50x128xi32, #tpu.memory_space<vmem>> -> memref<1x128xi32, #tpu.memory_space<vmem>>
      %get3A_1042 = tpu.memref_squeeze %get3A_1041 : memref<1x128xi32, #tpu.memory_space<vmem>> -> memref<128xi32, #tpu.memory_space<vmem>>
      %get3A_1043 = arith.constant 16 : index
      %get3A_1044 = tpu.vector_load %get3A_1042[%get3A_1043] {strides = array<i32>} : memref<128xi32, #tpu.memory_space<vmem>>, vector<16xi32>,
      %min3A_1045 = arith.minsi %min3A_1038, %get3A_1044 : vector<16xi32>
      %max3A_1046 = arith.maxsi %max3A_1039, %get3A_1044 : vector<16xi32>
      %get3A_1047 = arith.constant 0 : i32
      %get3A_1048 = tpu.memref_slice %arg7[%add3A_1028, %get3A_1047] : memref<50x128xi32, #tpu.memory_space<vmem>> -> memref<1x128xi32, #tpu.memory_space<vmem>>
      %get3A_1049 = tpu.memref_squeeze %get3A_1048 : memref<1x128xi32, #tpu.memory_space<vmem>> -> memref<128xi32, #tpu.memory_space<vmem>>
      %get3A_1050 = arith.constant 32 : index
      %get3A_1051 = tpu.vector_load %get3A_1049[%get3A_1050] {strides = array<i32>} : memref<128xi32, #tpu.memory_space<vmem>>, vector<16xi32>,
      %min3A_1052 = arith.minsi %min3A_1045, %get3A_1051 : vector<16xi32>
      %max3A_1053 = arith.maxsi %max3A_1046, %get3A_1051 : vector<16xi32>
      %get3A_1054 = arith.constant 0 : i32
      %get3A_1055 = tpu.memref_slice %arg7[%add3A_1028, %get3A_1054] : memref<50x128xi32, #tpu.memory_space<vmem>> -> memref<1x128xi32, #tpu.memory_space<vmem>>
      %get3A_1056 = tpu.memref_squeeze %get3A_1055 : memref<1x128xi32, #tpu.memory_space<vmem>> -> memref<128xi32, #tpu.memory_space<vmem>>
      %get3A_1057 = arith.constant 48 : index
      %get3A_1058 = tpu.vector_load %get3A_1056[%get3A_1057] {strides = array<i32>} : memref<128xi32, #tpu.memory_space<vmem>>, vector<16xi32>,
      %min3A_1059 = arith.minsi %min3A_1052, %get3A_1058 : vector<16xi32>
      %max3A_1060 = arith.maxsi %max3A_1053, %get3A_1058 : vector<16xi32>
      %get3A_1061 = arith.constant 0 : i32
      %get3A_1062 = tpu.memref_slice %arg7[%add3A_1028, %get3A_1061] : memref<50x128xi32, #tpu.memory_space<vmem>> -> memref<1x128xi32, #tpu.memory_space<vmem>>
      %get3A_1063 = tpu.memref_squeeze %get3A_1062 : memref<1x128xi32, #tpu.memory_space<vmem>> -> memref<128xi32, #tpu.memory_space<vmem>>
      %get3A_1064 = arith.constant 64 : index
      %get3A_1065 = tpu.vector_load %get3A_1063[%get3A_1064] {strides = array<i32>} : memref<128xi32, #tpu.memory_space<vmem>>, vector<16xi32>,
      %min3A_1066 = arith.minsi %min3A_1059, %get3A_1065 : vector<16xi32>
      %max3A_1067 = arith.maxsi %max3A_1060, %get3A_1065 : vector<16xi32>
      %get3A_1068 = arith.constant 0 : i32
      %get3A_1069 = tpu.memref_slice %arg7[%add3A_1028, %get3A_1068] : memref<50x128xi32, #tpu.memory_space<vmem>> -> memref<1x128xi32, #tpu.memory_space<vmem>>
      %get3A_1070 = tpu.memref_squeeze %get3A_1069 : memref<1x128xi32, #tpu.memory_space<vmem>> -> memref<128xi32, #tpu.memory_space<vmem>>
      %get3A_1071 = arith.constant 80 : index
      %get3A_1072 = tpu.vector_load %get3A_1070[%get3A_1071] {strides = array<i32>} : memref<128xi32, #tpu.memory_space<vmem>>, vector<16xi32>,
      %min3A_1073 = arith.minsi %min3A_1066, %get3A_1072 : vector<16xi32>
      %max3A_1074 = arith.maxsi %max3A_1067, %get3A_1072 : vector<16xi32>
      %get3A_1075 = arith.constant 0 : i32
      %get3A_1076 = tpu.memref_slice %arg7[%add3A_1028, %get3A_1075] : memref<50x128xi32, #tpu.memory_space<vmem>> -> memref<1x128xi32, #tpu.memory_space<vmem>>
      %get3A_1077 = tpu.memref_squeeze %get3A_1076 : memref<1x128xi32, #tpu.memory_space<vmem>> -> memref<128xi32, #tpu.memory_space<vmem>>
      %get3A_1078 = arith.constant 96 : index
      %get3A_1079 = tpu.vector_load %get3A_1077[%get3A_1078] {strides = array<i32>} : memref<128xi32, #tpu.memory_space<vmem>>, vector<16xi32>,
      %min3A_1080 = arith.minsi %min3A_1073, %get3A_1079 : vector<16xi32>
      %max3A_1081 = arith.maxsi %max3A_1074, %get3A_1079 : vector<16xi32>
      %get3A_1082 = arith.constant 0 : i32
      %get3A_1083 = tpu.memref_slice %arg7[%add3A_1028, %get3A_1082] : memref<50x128xi32, #tpu.memory_space<vmem>> -> memref<1x128xi32, #tpu.memory_space<vmem>>
      %get3A_1084 = tpu.memref_squeeze %get3A_1083 : memref<1x128xi32, #tpu.memory_space<vmem>> -> memref<128xi32, #tpu.memory_space<vmem>>
      %get3A_1085 = arith.constant 112 : index
      %get3A_1086 = tpu.vector_load %get3A_1084[%get3A_1085] {strides = array<i32>} : memref<128xi32, #tpu.memory_space<vmem>>, vector<16xi32>,
      %min3A_1087 = arith.minsi %min3A_1080, %get3A_1086 : vector<16xi32>
      %max3A_1088 = arith.maxsi %max3A_1081, %get3A_1086 : vector<16xi32>
      %reduce_min3A_1089 = arith.constant true
      %reduce_min3A_1090 = vector.broadcast %reduce_min3A_1089 : i1 to vector<16xi1>
      %reduce_min3A_1091 = arith.constant -2147483648 : i32
      %reduce_min3A_1092 = vector.broadcast %reduce_min3A_1091 : i32 to vector<16xi32>
      %reduce_min3A_1093 = arith.xori %min3A_1087, %reduce_min3A_1092 : vector<16xi32>
      %reduce_min3A_1094 = tpu.scan <min>, %reduce_min3A_1093 masked %reduce_min3A_1090 : vector<16xi32>, vector<16xi1> -> vector<16xi32>
      %reduce_min3A_1095 = arith.xori %reduce_min3A_1094, %reduce_min3A_1092 : vector<16xi32>
      %reduce_min3A_1096 = vector.extract %reduce_min3A_1095[15] : i32 from vector<16xi32>
      %le3A_1097 = arith.cmpi sle, %reduce_min3A_1096, %reduce_max3A_23 : i32
      %reduce_max3A_1098 = arith.constant true
      %reduce_max3A_1099 = vector.broadcast %reduce_max3A_1098 : i1 to vector<16xi1>
      %reduce_max3A_1100 = arith.constant -2147483648 : i32
      %reduce_max3A_1101 = vector.broadcast %reduce_max3A_1100 : i32 to vector<16xi32>
      %reduce_max3A_1102 = arith.xori %max3A_1088, %reduce_max3A_1101 : vector<16xi32>
      %reduce_max3A_1103 = tpu.scan <max>, %reduce_max3A_1102 masked %reduce_max3A_1099 : vector<16xi32>, vector<16xi1> -> vector<16xi32>
      %reduce_max3A_1104 = arith.xori %reduce_max3A_1103, %reduce_max3A_1101 : vector<16xi32>
      %reduce_max3A_1105 = vector.extract %reduce_max3A_1104[15] : i32 from vector<16xi32>
      %ge3A_1106 = arith.cmpi sge, %reduce_max3A_1105, %reduce_min3A_12 : i32
      %and3A_1107 = arith.andi %le3A_1097, %ge3A_1106 : i1
      %convert_element_type3A_1108 = arith.extui %and3A_1107 : i1 to i32
      %cond3A_1109 = arith.constant 0 : i32
      %cond3A_1110 = arith.cmpi ne, %convert_element_type3A_1108, %cond3A_1109 : i32
      scf.if %cond3A_1110 {
        %scan3A_1125 = arith.constant 0 : i32
        %scan3A_1126 = arith.constant 0 : i32
        %scan3A_1127 = arith.constant 8 : i32
        %scan3A_1128 = arith.addi %scan3A_1126, %scan3A_1127 : i32
        %scan3A_1129 = arith.constant 1 : i32
        scf.for %scan3A_1131 = %scan3A_1126 to %scan3A_1128 step %scan3A_1129  : i32 {
          %mul3A_1132 = arith.constant 16 : i32
          %mul3A_1133 = arith.muli %scan3A_1131, %mul3A_1132 : i32
          %get3A_1134 = arith.constant 0 : i32
          %get3A_1135 = tpu.memref_slice %arg7[%add3A_1028, %get3A_1134] : memref<50x128xi32, #tpu.memory_space<vmem>> -> memref<1x128xi32, #tpu.memory_space<vmem>>
          %get3A_1136 = tpu.memref_squeeze %get3A_1135 : memref<1x128xi32, #tpu.memory_space<vmem>> -> memref<128xi32, #tpu.memory_space<vmem>>
          %get3A_1137 = arith.index_cast %mul3A_1133 : i32 to index
          %get3A_1138 = tpu.vector_load %get3A_1136[%get3A_1137] {strides = array<i32>} : memref<128xi32, #tpu.memory_space<vmem>>, vector<16xi32>,
          %add3A_1139 = arith.constant 64 : i32
          %add3A_1140 = vector.broadcast %add3A_1139 : i32 to vector<16xi32>
          %add3A_1141 = arith.addi %broadcast_in_dim3A_5, %add3A_1140 : vector<16xi32>
          %sub3A = arith.constant 1 : i32
          %sub3A_1142 = vector.broadcast %sub3A : i32 to vector<16xi32>
          %sub3A_1143 = arith.subi %add3A_1141, %sub3A_1142 : vector<16xi32>
          %gather3A_1144 = tpu.vector_load_idx %arg10[%sub3A_1143] : memref<128xi32, #tpu.memory_space<vmem>>[vector<16xi32>], vector<16xi32>,
          %lt3A_1145 = arith.cmpi slt, %gather3A_1144, %get3A_1138 : vector<16xi32>
          %select_n3A = arith.select %lt3A_1145, %add3A_1141, %broadcast_in_dim3A_5 : vector<16xi1>, vector<16xi32>
          %add3A_1146 = arith.constant 32 : i32
          %add3A_1147 = vector.broadcast %add3A_1146 : i32 to vector<16xi32>
          %add3A_1148 = arith.addi %select_n3A, %add3A_1147 : vector<16xi32>
          %sub3A_1149 = arith.constant 1 : i32
          %sub3A_1150 = vector.broadcast %sub3A_1149 : i32 to vector<16xi32>
          %sub3A_1151 = arith.subi %add3A_1148, %sub3A_1150 : vector<16xi32>
          %gather3A_1152 = tpu.vector_load_idx %arg10[%sub3A_1151] : memref<128xi32, #tpu.memory_space<vmem>>[vector<16xi32>], vector<16xi32>,
          %lt3A_1153 = arith.cmpi slt, %gather3A_1152, %get3A_1138 : vector<16xi32>
          %select_n3A_1154 = arith.select %lt3A_1153, %add3A_1148, %select_n3A : vector<16xi1>, vector<16xi32>
          %add3A_1155 = arith.constant 16 : i32
          %add3A_1156 = vector.broadcast %add3A_1155 : i32 to vector<16xi32>
          %add3A_1157 = arith.addi %select_n3A_1154, %add3A_1156 : vector<16xi32>
          %sub3A_1158 = arith.constant 1 : i32
          %sub3A_1159 = vector.broadcast %sub3A_1158 : i32 to vector<16xi32>
          %sub3A_1160 = arith.subi %add3A_1157, %sub3A_1159 : vector<16xi32>
          %gather3A_1161 = tpu.vector_load_idx %arg10[%sub3A_1160] : memref<128xi32, #tpu.memory_space<vmem>>[vector<16xi32>], vector<16xi32>,
          %lt3A_1162 = arith.cmpi slt, %gather3A_1161, %get3A_1138 : vector<16xi32>
          %select_n3A_1163 = arith.select %lt3A_1162, %add3A_1157, %select_n3A_1154 : vector<16xi1>, vector<16xi32>
          %add3A_1164 = arith.constant 8 : i32
          %add3A_1165 = vector.broadcast %add3A_1164 : i32 to vector<16xi32>
          %add3A_1166 = arith.addi %select_n3A_1163, %add3A_1165 : vector<16xi32>
          %sub3A_1167 = arith.constant 1 : i32
          %sub3A_1168 = vector.broadcast %sub3A_1167 : i32 to vector<16xi32>
          %sub3A_1169 = arith.subi %add3A_1166, %sub3A_1168 : vector<16xi32>
          %gather3A_1170 = tpu.vector_load_idx %arg10[%sub3A_1169] : memref<128xi32, #tpu.memory_space<vmem>>[vector<16xi32>], vector<16xi32>,
          %lt3A_1171 = arith.cmpi slt, %gather3A_1170, %get3A_1138 : vector<16xi32>
          %select_n3A_1172 = arith.select %lt3A_1171, %add3A_1166, %select_n3A_1163 : vector<16xi1>, vector<16xi32>
          %add3A_1173 = arith.constant 4 : i32
          %add3A_1174 = vector.broadcast %add3A_1173 : i32 to vector<16xi32>
          %add3A_1175 = arith.addi %select_n3A_1172, %add3A_1174 : vector<16xi32>
          %sub3A_1176 = arith.constant 1 : i32
          %sub3A_1177 = vector.broadcast %sub3A_1176 : i32 to vector<16xi32>
          %sub3A_1178 = arith.subi %add3A_1175, %sub3A_1177 : vector<16xi32>
          %gather3A_1179 = tpu.vector_load_idx %arg10[%sub3A_1178] : memref<128xi32, #tpu.memory_space<vmem>>[vector<16xi32>], vector<16xi32>,
          %lt3A_1180 = arith.cmpi slt, %gather3A_1179, %get3A_1138 : vector<16xi32>
          %select_n3A_1181 = arith.select %lt3A_1180, %add3A_1175, %select_n3A_1172 : vector<16xi1>, vector<16xi32>
          %add3A_1182 = arith.constant 2 : i32
          %add3A_1183 = vector.broadcast %add3A_1182 : i32 to vector<16xi32>
          %add3A_1184 = arith.addi %select_n3A_1181, %add3A_1183 : vector<16xi32>
          %sub3A_1185 = arith.constant 1 : i32
          %sub3A_1186 = vector.broadcast %sub3A_1185 : i32 to vector<16xi32>
          %sub3A_1187 = arith.subi %add3A_1184, %sub3A_1186 : vector<16xi32>
          %gather3A_1188 = tpu.vector_load_idx %arg10[%sub3A_1187] : memref<128xi32, #tpu.memory_space<vmem>>[vector<16xi32>], vector<16xi32>,
          %lt3A_1189 = arith.cmpi slt, %gather3A_1188, %get3A_1138 : vector<16xi32>
          %select_n3A_1190 = arith.select %lt3A_1189, %add3A_1184, %select_n3A_1181 : vector<16xi1>, vector<16xi32>
          %add3A_1191 = arith.constant 1 : i32
          %add3A_1192 = vector.broadcast %add3A_1191 : i32 to vector<16xi32>
          %add3A_1193 = arith.addi %select_n3A_1190, %add3A_1192 : vector<16xi32>
          %sub3A_1194 = arith.constant 1 : i32
          %sub3A_1195 = vector.broadcast %sub3A_1194 : i32 to vector<16xi32>
          %sub3A_1196 = arith.subi %add3A_1193, %sub3A_1195 : vector<16xi32>
          %gather3A_1197 = tpu.vector_load_idx %arg10[%sub3A_1196] : memref<128xi32, #tpu.memory_space<vmem>>[vector<16xi32>], vector<16xi32>,
          %lt3A_1198 = arith.cmpi slt, %gather3A_1197, %get3A_1138 : vector<16xi32>
          %select_n3A_1199 = arith.select %lt3A_1198, %add3A_1193, %select_n3A_1190 : vector<16xi1>, vector<16xi32>
          %min3A_1200 = arith.constant 127 : i32
          %min3A_1201 = vector.broadcast %min3A_1200 : i32 to vector<16xi32>
          %min3A_1202 = arith.minsi %select_n3A_1199, %min3A_1201 : vector<16xi32>
          %gather3A_1203 = tpu.vector_load_idx %arg10[%min3A_1202] : memref<128xi32, #tpu.memory_space<vmem>>[vector<16xi32>], vector<16xi32>,
          %eq3A = arith.cmpi eq, %gather3A_1203, %get3A_1138 : vector<16xi32>
          %lt3A_1204 = arith.constant 128 : i32
          %lt3A_1205 = vector.broadcast %lt3A_1204 : i32 to vector<16xi32>
          %lt3A_1206 = arith.cmpi slt, %select_n3A_1199, %lt3A_1205 : vector<16xi32>
          %and3A_1207 = arith.andi %eq3A, %lt3A_1206 : vector<16xi1>
          %convert_element_type3A_1208 = arith.extui %and3A_1207 : vector<16xi1> to vector<16xi32>
          %reduce_sum3A = arith.constant true
          %reduce_sum3A_1209 = vector.broadcast %reduce_sum3A : i1 to vector<16xi1>
          %reduce_sum3A_1210 = tpu.scan <sum>, %convert_element_type3A_1208 masked %reduce_sum3A_1209 : vector<16xi32>, vector<16xi1> -> vector<16xi32>
          %reduce_sum3A_1211 = vector.extract %reduce_sum3A_1210[15] : i32 from vector<16xi32>
          %gt3A = arith.constant 0 : i32
          %gt3A_1212 = arith.cmpi sgt, %reduce_sum3A_1211, %gt3A : i32
          %convert_element_type3A_1213 = arith.extui %gt3A_1212 : i1 to i32
          %cond3A_1214 = arith.constant 0 : i32
          %cond3A_1215 = arith.cmpi ne, %convert_element_type3A_1213, %cond3A_1214 : i32
          scf.if %cond3A_1215 {
            %mul3A_1216 = arith.constant 16 : i32
            %mul3A_1217 = arith.muli %scan3A_1131, %mul3A_1216 : i32
            %add3A_1218 = arith.constant 512 : i32
            %add3A_1219 = arith.addi %add3A_1218, %mul3A_1217 : i32
            %add3A_1220 = vector.broadcast %add3A_1219 : i32 to vector<16xi32>
            %add3A_1221 = arith.addi %add3A_1220, %iota3A : vector<16xi32>
            %swap3A = arith.constant 0 : index
            %swap3A_1222 = tpu.vector_load %arg12[%swap3A] masked %and3A_1207 {strides = array<i32>} : memref<16xi32, #tpu.memory_space<vmem>>, vector<16xi32>, vector<16xi1>
            tpu.vector_store %arg12[%swap3A], %add3A_1221 masked %and3A_1207 {strides = array<i32>} : memref<16xi32, #tpu.memory_space<vmem>>, vector<16xi32>, vector<16xi1>
            %swap3A_1223 = arith.constant 0 : index
            %swap3A_1224 = tpu.vector_load %arg13[%swap3A_1223] masked %and3A_1207 {strides = array<i32>} : memref<16xi32, #tpu.memory_space<vmem>>, vector<16xi32>, vector<16xi1>
            tpu.vector_store %arg13[%swap3A_1223], %select_n3A_1199 masked %and3A_1207 {strides = array<i32>} : memref<16xi32, #tpu.memory_space<vmem>>, vector<16xi32>, vector<16xi1>
            %while3A = arith.constant 0 : i32
            %while3A_1225 = arith.constant 0 : i32
            %while3A_1226 = arith.subi %reduce_sum3A_1211, %while3A_1225 : i32
            %while3A_1227 = arith.addi %while3A_1225, %while3A_1226 : i32
            %while3A_1228 = arith.constant 1 : i32
            %while3A_1229 = arith.divsi %while3A_1226, %while3A_1228 : i32
            %while3A_1230 = arith.muli %while3A_1229, %while3A_1228 : i32
            %while3A_1231 = arith.addi %while3A_1225, %while3A_1230 : i32
            %while3A_1232 = arith.constant 1 : i32
            scf.for %while3A_1234 = %while3A_1225 to %while3A_1231 step %while3A_1232  : i32 {
              %broadcast_in_dim3A_1235 = vector.broadcast %while3A_1234 : i32 to vector<16xi32>
              %gather3A_1236 = tpu.vector_load_idx %arg12[%broadcast_in_dim3A_1235] : memref<16xi32, #tpu.memory_space<vmem>>[vector<16xi32>], vector<16xi32>,
              %gather3A_1237 = tpu.vector_load_idx %arg13[%broadcast_in_dim3A_1235] : memref<16xi32, #tpu.memory_space<vmem>>[vector<16xi32>], vector<16xi32>,
              %add3A_1238 = arith.constant 0 : i32
              %add3A_1239 = vector.broadcast %add3A_1238 : i32 to vector<16xi32>
              %add3A_1240 = arith.addi %iota3A, %add3A_1239 : vector<16xi32>
              %gather3A_1241 = tpu.vector_load_idx %arg11[%gather3A_1237, %add3A_1240] : memref<128x64xf32, #tpu.memory_space<vmem>>[vector<16xi32>, vector<16xi32>], vector<16xf32>,
              tpu.vector_store_idx %arg9[%gather3A_1236, %add3A_1240], %gather3A_1241 : memref<640x64xf32, #tpu.memory_space<vmem>>[vector<16xi32>, vector<16xi32>], vector<16xf32>,
              %add3A_1242 = arith.constant 16 : i32
              %add3A_1243 = vector.broadcast %add3A_1242 : i32 to vector<16xi32>
              %add3A_1244 = arith.addi %iota3A, %add3A_1243 : vector<16xi32>
              %gather3A_1245 = tpu.vector_load_idx %arg11[%gather3A_1237, %add3A_1244] : memref<128x64xf32, #tpu.memory_space<vmem>>[vector<16xi32>, vector<16xi32>], vector<16xf32>,
              tpu.vector_store_idx %arg9[%gather3A_1236, %add3A_1244], %gather3A_1245 : memref<640x64xf32, #tpu.memory_space<vmem>>[vector<16xi32>, vector<16xi32>], vector<16xf32>,
              %add3A_1246 = arith.constant 32 : i32
              %add3A_1247 = vector.broadcast %add3A_1246 : i32 to vector<16xi32>
              %add3A_1248 = arith.addi %iota3A, %add3A_1247 : vector<16xi32>
              %gather3A_1249 = tpu.vector_load_idx %arg11[%gather3A_1237, %add3A_1248] : memref<128x64xf32, #tpu.memory_space<vmem>>[vector<16xi32>, vector<16xi32>], vector<16xf32>,
              tpu.vector_store_idx %arg9[%gather3A_1236, %add3A_1248], %gather3A_1249 : memref<640x64xf32, #tpu.memory_space<vmem>>[vector<16xi32>, vector<16xi32>], vector<16xf32>,
              %add3A_1250 = arith.constant 48 : i32
              %add3A_1251 = vector.broadcast %add3A_1250 : i32 to vector<16xi32>
              %add3A_1252 = arith.addi %iota3A, %add3A_1251 : vector<16xi32>
              %gather3A_1253 = tpu.vector_load_idx %arg11[%gather3A_1237, %add3A_1252] : memref<128x64xf32, #tpu.memory_space<vmem>>[vector<16xi32>, vector<16xi32>], vector<16xf32>,
              tpu.vector_store_idx %arg9[%gather3A_1236, %add3A_1252], %gather3A_1253 : memref<640x64xf32, #tpu.memory_space<vmem>>[vector<16xi32>, vector<16xi32>], vector<16xf32>,
            }
            %while3A_1233 = arith.constant 1 : i32
            scf.for %while3A_1234 = %while3A_1231 to %while3A_1227 step %while3A_1233  : i32 {
              %broadcast_in_dim3A_1235 = vector.broadcast %while3A_1234 : i32 to vector<16xi32>
              %gather3A_1236 = tpu.vector_load_idx %arg12[%broadcast_in_dim3A_1235] : memref<16xi32, #tpu.memory_space<vmem>>[vector<16xi32>], vector<16xi32>,
              %gather3A_1237 = tpu.vector_load_idx %arg13[%broadcast_in_dim3A_1235] : memref<16xi32, #tpu.memory_space<vmem>>[vector<16xi32>], vector<16xi32>,
              %add3A_1238 = arith.constant 0 : i32
              %add3A_1239 = vector.broadcast %add3A_1238 : i32 to vector<16xi32>
              %add3A_1240 = arith.addi %iota3A, %add3A_1239 : vector<16xi32>
              %gather3A_1241 = tpu.vector_load_idx %arg11[%gather3A_1237, %add3A_1240] : memref<128x64xf32, #tpu.memory_space<vmem>>[vector<16xi32>, vector<16xi32>], vector<16xf32>,
              tpu.vector_store_idx %arg9[%gather3A_1236, %add3A_1240], %gather3A_1241 : memref<640x64xf32, #tpu.memory_space<vmem>>[vector<16xi32>, vector<16xi32>], vector<16xf32>,
              %add3A_1242 = arith.constant 16 : i32
              %add3A_1243 = vector.broadcast %add3A_1242 : i32 to vector<16xi32>
              %add3A_1244 = arith.addi %iota3A, %add3A_1243 : vector<16xi32>
              %gather3A_1245 = tpu.vector_load_idx %arg11[%gather3A_1237, %add3A_1244] : memref<128x64xf32, #tpu.memory_space<vmem>>[vector<16xi32>, vector<16xi32>], vector<16xf32>,
              tpu.vector_store_idx %arg9[%gather3A_1236, %add3A_1244], %gather3A_1245 : memref<640x64xf32, #tpu.memory_space<vmem>>[vector<16xi32>, vector<16xi32>], vector<16xf32>,
              %add3A_1246 = arith.constant 32 : i32
              %add3A_1247 = vector.broadcast %add3A_1246 : i32 to vector<16xi32>
              %add3A_1248 = arith.addi %iota3A, %add3A_1247 : vector<16xi32>
              %gather3A_1249 = tpu.vector_load_idx %arg11[%gather3A_1237, %add3A_1248] : memref<128x64xf32, #tpu.memory_space<vmem>>[vector<16xi32>, vector<16xi32>], vector<16xf32>,
              tpu.vector_store_idx %arg9[%gather3A_1236, %add3A_1248], %gather3A_1249 : memref<640x64xf32, #tpu.memory_space<vmem>>[vector<16xi32>, vector<16xi32>], vector<16xf32>,
              %add3A_1250 = arith.constant 48 : i32
              %add3A_1251 = vector.broadcast %add3A_1250 : i32 to vector<16xi32>
              %add3A_1252 = arith.addi %iota3A, %add3A_1251 : vector<16xi32>
              %gather3A_1253 = tpu.vector_load_idx %arg11[%gather3A_1237, %add3A_1252] : memref<128x64xf32, #tpu.memory_space<vmem>>[vector<16xi32>, vector<16xi32>], vector<16xf32>,
              tpu.vector_store_idx %arg9[%gather3A_1236, %add3A_1252], %gather3A_1253 : memref<640x64xf32, #tpu.memory_space<vmem>>[vector<16xi32>, vector<16xi32>], vector<16xf32>,
            }
          } else {
          }
        }
        %scan3A_1130 = arith.constant 8 : i32
      } else {
      }
      %mul3A_1111 = arith.constant 640 : i32
      %mul3A_1112 = arith.muli %add3A_631, %mul3A_1111 : i32
      %add3A_1113 = arith.addi %mul3A_2, %mul3A_1112 : i32
      %dma_start3A_1114 = arith.constant 0 : i32
      %dma_start3A_1115 = tpu.memref_slice %arg6[%add3A_1113, %dma_start3A_1114] : memref<204800x64xf32, #tpu.memory_space<hbm>> -> memref<640x64xf32, #tpu.memory_space<hbm>>
      %dma_start3A_1116 = arith.constant 0 : i32
      %dma_start3A_1117 = tpu.memref_slice %arg6[%add3A_1113, %dma_start3A_1116] : memref<204800x64xf32, #tpu.memory_space<hbm>> -> memref<640x64xf32, #tpu.memory_space<hbm>>
      tpu.enqueue_dma source(%arg9 : memref<640x64xf32, #tpu.memory_space<vmem>>) target(%dma_start3A_1117 : memref<640x64xf32, #tpu.memory_space<hbm>>) target_semaphore(%arg17 : memref<!tpu.dma_semaphore, #tpu.memory_space<semaphore_mem>>)
      %add3A_1118 = arith.constant 2 : i32
      %add3A_1119 = arith.addi %add3A_631, %add3A_1118 : i32
      %lt3A_1120 = arith.constant 10 : i32
      %lt3A_1121 = arith.cmpi slt, %add3A_1119, %lt3A_1120 : i32
      %convert_element_type3A_1122 = arith.extui %lt3A_1121 : i1 to i32
      %cond3A_1123 = arith.constant 0 : i32
      %cond3A_1124 = arith.cmpi ne, %convert_element_type3A_1122, %cond3A_1123 : i32
      scf.if %cond3A_1124 {
        %dma_wait3A_1125 = arith.constant 0 : i32
        %dma_wait3A_1126 = tpu.memref_slice %arg6[%add3A_1113, %dma_wait3A_1125] : memref<204800x64xf32, #tpu.memory_space<hbm>> -> memref<640x64xf32, #tpu.memory_space<hbm>>
        %dma_wait3A_1127 = arith.constant 0 : i32
        %dma_wait3A_1128 = tpu.memref_slice %arg6[%add3A_1113, %dma_wait3A_1127] : memref<204800x64xf32, #tpu.memory_space<hbm>> -> memref<640x64xf32, #tpu.memory_space<hbm>>
        tpu.wait_dma2 semaphore(%arg17 : memref<!tpu.dma_semaphore, #tpu.memory_space<semaphore_mem>>) src(%arg9 : memref<640x64xf32, #tpu.memory_space<vmem>>) dst(%dma_wait3A_1128 : memref<640x64xf32, #tpu.memory_space<hbm>>)
        %add3A_1129 = arith.constant 2 : i32
        %add3A_1130 = arith.addi %add3A_631, %add3A_1129 : i32
        %mul3A_1131 = arith.constant 5 : i32
        %mul3A_1132 = arith.muli %add3A_1130, %mul3A_1131 : i32
        %add3A_1133 = arith.constant 0 : i32
        %add3A_1134 = arith.addi %mul3A_1132, %add3A_1133 : i32
        %dma_start3A_1135 = arith.constant 0 : i32
        %dma_start3A_1136 = arith.constant 0 : i32
        %dma_start3A_1137 = tpu.memref_slice %arg9[%dma_start3A_1135, %dma_start3A_1136] : memref<640x64xf32, #tpu.memory_space<vmem>> -> memref<128x64xf32, #tpu.memory_space<vmem>>
        %dma_start3A_1138 = arith.constant 0 : i32
        %dma_start3A_1139 = tpu.memref_slice %arg7[%add3A_1134, %dma_start3A_1138] : memref<50x128xi32, #tpu.memory_space<vmem>> -> memref<1x128xi32, #tpu.memory_space<vmem>>
        %dma_start3A_1140 = tpu.memref_squeeze %dma_start3A_1139 : memref<1x128xi32, #tpu.memory_space<vmem>> -> memref<128xi32, #tpu.memory_space<vmem>>
        %dma_start3A_1141 = arith.constant 0 : i32
        %dma_start3A_1142 = arith.constant 0 : i32
        %dma_start3A_1143 = tpu.memref_slice %arg3[%dma_start3A_1141, %dma_start3A_1142] : memref<100000x64xf32, #tpu.memory_space<hbm>> -> memref<100000x64xf32, #tpu.memory_space<hbm>>
        tpu.enqueue_indirect_dma source(%dma_start3A_1143 : memref<100000x64xf32, #tpu.memory_space<hbm>>) target(%dma_start3A_1137 : memref<128x64xf32, #tpu.memory_space<vmem>>) offsets(%dma_start3A_1140 : memref<128xi32, #tpu.memory_space<vmem>>) semaphore(%arg15 : memref<!tpu.dma_semaphore, #tpu.memory_space<semaphore_mem>>)
        %add3A_1144 = arith.constant 1 : i32
        %add3A_1145 = arith.addi %mul3A_1132, %add3A_1144 : i32
        %dma_start3A_1146 = arith.constant 128 : i32
        %dma_start3A_1147 = arith.constant 0 : i32
        %dma_start3A_1148 = tpu.memref_slice %arg9[%dma_start3A_1146, %dma_start3A_1147] : memref<640x64xf32, #tpu.memory_space<vmem>> -> memref<128x64xf32, #tpu.memory_space<vmem>>
        %dma_start3A_1149 = arith.constant 0 : i32
        %dma_start3A_1150 = tpu.memref_slice %arg7[%add3A_1145, %dma_start3A_1149] : memref<50x128xi32, #tpu.memory_space<vmem>> -> memref<1x128xi32, #tpu.memory_space<vmem>>
        %dma_start3A_1151 = tpu.memref_squeeze %dma_start3A_1150 : memref<1x128xi32, #tpu.memory_space<vmem>> -> memref<128xi32, #tpu.memory_space<vmem>>
        %dma_start3A_1152 = arith.constant 0 : i32
        %dma_start3A_1153 = arith.constant 0 : i32
        %dma_start3A_1154 = tpu.memref_slice %arg3[%dma_start3A_1152, %dma_start3A_1153] : memref<100000x64xf32, #tpu.memory_space<hbm>> -> memref<100000x64xf32, #tpu.memory_space<hbm>>
        tpu.enqueue_indirect_dma source(%dma_start3A_1154 : memref<100000x64xf32, #tpu.memory_space<hbm>>) target(%dma_start3A_1148 : memref<128x64xf32, #tpu.memory_space<vmem>>) offsets(%dma_start3A_1151 : memref<128xi32, #tpu.memory_space<vmem>>) semaphore(%arg15 : memref<!tpu.dma_semaphore, #tpu.memory_space<semaphore_mem>>)
        %add3A_1155 = arith.constant 2 : i32
        %add3A_1156 = arith.addi %mul3A_1132, %add3A_1155 : i32
        %dma_start3A_1157 = arith.constant 256 : i32
        %dma_start3A_1158 = arith.constant 0 : i32
        %dma_start3A_1159 = tpu.memref_slice %arg9[%dma_start3A_1157, %dma_start3A_1158] : memref<640x64xf32, #tpu.memory_space<vmem>> -> memref<128x64xf32, #tpu.memory_space<vmem>>
        %dma_start3A_1160 = arith.constant 0 : i32
        %dma_start3A_1161 = tpu.memref_slice %arg7[%add3A_1156, %dma_start3A_1160] : memref<50x128xi32, #tpu.memory_space<vmem>> -> memref<1x128xi32, #tpu.memory_space<vmem>>
        %dma_start3A_1162 = tpu.memref_squeeze %dma_start3A_1161 : memref<1x128xi32, #tpu.memory_space<vmem>> -> memref<128xi32, #tpu.memory_space<vmem>>
        %dma_start3A_1163 = arith.constant 0 : i32
        %dma_start3A_1164 = arith.constant 0 : i32
        %dma_start3A_1165 = tpu.memref_slice %arg3[%dma_start3A_1163, %dma_start3A_1164] : memref<100000x64xf32, #tpu.memory_space<hbm>> -> memref<100000x64xf32, #tpu.memory_space<hbm>>
        tpu.enqueue_indirect_dma source(%dma_start3A_1165 : memref<100000x64xf32, #tpu.memory_space<hbm>>) target(%dma_start3A_1159 : memref<128x64xf32, #tpu.memory_space<vmem>>) offsets(%dma_start3A_1162 : memref<128xi32, #tpu.memory_space<vmem>>) semaphore(%arg15 : memref<!tpu.dma_semaphore, #tpu.memory_space<semaphore_mem>>)
        %add3A_1166 = arith.constant 3 : i32
        %add3A_1167 = arith.addi %mul3A_1132, %add3A_1166 : i32
        %dma_start3A_1168 = arith.constant 384 : i32
        %dma_start3A_1169 = arith.constant 0 : i32
        %dma_start3A_1170 = tpu.memref_slice %arg9[%dma_start3A_1168, %dma_start3A_1169] : memref<640x64xf32, #tpu.memory_space<vmem>> -> memref<128x64xf32, #tpu.memory_space<vmem>>
        %dma_start3A_1171 = arith.constant 0 : i32
        %dma_start3A_1172 = tpu.memref_slice %arg7[%add3A_1167, %dma_start3A_1171] : memref<50x128xi32, #tpu.memory_space<vmem>> -> memref<1x128xi32, #tpu.memory_space<vmem>>
        %dma_start3A_1173 = tpu.memref_squeeze %dma_start3A_1172 : memref<1x128xi32, #tpu.memory_space<vmem>> -> memref<128xi32, #tpu.memory_space<vmem>>
        %dma_start3A_1174 = arith.constant 0 : i32
        %dma_start3A_1175 = arith.constant 0 : i32
        %dma_start3A_1176 = tpu.memref_slice %arg3[%dma_start3A_1174, %dma_start3A_1175] : memref<100000x64xf32, #tpu.memory_space<hbm>> -> memref<100000x64xf32, #tpu.memory_space<hbm>>
        tpu.enqueue_indirect_dma source(%dma_start3A_1176 : memref<100000x64xf32, #tpu.memory_space<hbm>>) target(%dma_start3A_1170 : memref<128x64xf32, #tpu.memory_space<vmem>>) offsets(%dma_start3A_1173 : memref<128xi32, #tpu.memory_space<vmem>>) semaphore(%arg15 : memref<!tpu.dma_semaphore, #tpu.memory_space<semaphore_mem>>)
        %add3A_1177 = arith.constant 4 : i32
        %add3A_1178 = arith.addi %mul3A_1132, %add3A_1177 : i32
        %dma_start3A_1179 = arith.constant 512 : i32
        %dma_start3A_1180 = arith.constant 0 : i32
        %dma_start3A_1181 = tpu.memref_slice %arg9[%dma_start3A_1179, %dma_start3A_1180] : memref<640x64xf32, #tpu.memory_space<vmem>> -> memref<128x64xf32, #tpu.memory_space<vmem>>
        %dma_start3A_1182 = arith.constant 0 : i32
        %dma_start3A_1183 = tpu.memref_slice %arg7[%add3A_1178, %dma_start3A_1182] : memref<50x128xi32, #tpu.memory_space<vmem>> -> memref<1x128xi32, #tpu.memory_space<vmem>>
        %dma_start3A_1184 = tpu.memref_squeeze %dma_start3A_1183 : memref<1x128xi32, #tpu.memory_space<vmem>> -> memref<128xi32, #tpu.memory_space<vmem>>
        %dma_start3A_1185 = arith.constant 0 : i32
        %dma_start3A_1186 = arith.constant 0 : i32
        %dma_start3A_1187 = tpu.memref_slice %arg3[%dma_start3A_1185, %dma_start3A_1186] : memref<100000x64xf32, #tpu.memory_space<hbm>> -> memref<100000x64xf32, #tpu.memory_space<hbm>>
        tpu.enqueue_indirect_dma source(%dma_start3A_1187 : memref<100000x64xf32, #tpu.memory_space<hbm>>) target(%dma_start3A_1181 : memref<128x64xf32, #tpu.memory_space<vmem>>) offsets(%dma_start3A_1184 : memref<128xi32, #tpu.memory_space<vmem>>) semaphore(%arg15 : memref<!tpu.dma_semaphore, #tpu.memory_space<semaphore_mem>>)
      } else {
      }
    }
    %scan3A_127 = arith.constant 5 : i32
    %add3A_128 = arith.constant 5120 : i32
    %add3A_129 = arith.addi %mul3A_2, %add3A_128 : i32
    %dma_wait3A = arith.constant 0 : i32
    %dma_wait3A_130 = tpu.memref_slice %arg6[%add3A_129, %dma_wait3A] : memref<204800x64xf32, #tpu.memory_space<hbm>> -> memref<640x64xf32, #tpu.memory_space<hbm>>
    %dma_wait3A_131 = arith.constant 0 : i32
    %dma_wait3A_132 = tpu.memref_slice %arg6[%add3A_129, %dma_wait3A_131] : memref<204800x64xf32, #tpu.memory_space<hbm>> -> memref<640x64xf32, #tpu.memory_space<hbm>>
    tpu.wait_dma2 semaphore(%arg16 : memref<!tpu.dma_semaphore, #tpu.memory_space<semaphore_mem>>) src(%arg8 : memref<640x64xf32, #tpu.memory_space<vmem>>) dst(%dma_wait3A_132 : memref<640x64xf32, #tpu.memory_space<hbm>>)
    %add3A_133 = arith.constant 5760 : i32
    %add3A_134 = arith.addi %mul3A_2, %add3A_133 : i32
    %dma_wait3A_135 = arith.constant 0 : i32
    %dma_wait3A_136 = tpu.memref_slice %arg6[%add3A_134, %dma_wait3A_135] : memref<204800x64xf32, #tpu.memory_space<hbm>> -> memref<640x64xf32, #tpu.memory_space<hbm>>
    %dma_wait3A_137 = arith.constant 0 : i32
    %dma_wait3A_138 = tpu.memref_slice %arg6[%add3A_134, %dma_wait3A_137] : memref<204800x64xf32, #tpu.memory_space<hbm>> -> memref<640x64xf32, #tpu.memory_space<hbm>>
    tpu.wait_dma2 semaphore(%arg17 : memref<!tpu.dma_semaphore, #tpu.memory_space<semaphore_mem>>) src(%arg9 : memref<640x64xf32, #tpu.memory_space<vmem>>) dst(%dma_wait3A_138 : memref<640x64xf32, #tpu.memory_space<hbm>>)
    return
  }
}

</mosaic_0001>

<sc_bundles>
// kernel: kernel.3.cloned.1.call-start
scs
__scs_entry_jumppad:
0x0: {  	(pc) =	sbr.rel $0x88, $3  }
0x1: {  	(tag) =	ssettag $0x0;
	lr =	simm.s32 $0x1  }
0x2: {  	[smem:$0x3F9D] =	sst lr;
	_ =	strace $0xD0000000  }
0x3: {  	_ = 	snop  }
0x4: {  	_ = 	snop  }
0x5: {  	_ = 	snop  }
0x6: {  	_ = 	snop  }
0x7: {  	_ = 	snop  }
__scs_overlays_trampoline_lowered:
0x8: {  	[smem:$0x3FAC] =	sst s0  }
0x9: {  	[smem:$0x3FAD] =	sst s1  }
0xa: {  	[smem:$0x3FAE] =	sst s2  }
0xb: {  	[smem:$0x3FAF] =	sst s3  }
0xc: {  	[smem:$0x3FB0] =	sst s4  }
0xd: {  	[smem:$0x3FB1] =	sst s5  }
0xe: {  	[smem:$0x3FB2] =	sst s6  }
0xf: {  	[smem:$0x3FB3] =	sst s7  }
0x10: {  	[smem:$0x3FB4] =	sst s8  }
0x11: {  	[smem:$0x3FB5] =	sst s9;
	s0 =	simm.s32 @!p0 $0x0  }
0x12: {  	s1 =	sld [smem:$0x3F9B];
	s0 =	simm.s32 @p0 $0x1  }
0x13: {  	[smem:$0x3FB6] =	sst s0;
	s0 =	simm.s32 @!p1 $0x0  }
0x14: {  	s2 =	sld [smem:$0x3F9A];
	s0 =	simm.s32 @p1 $0x1  }
0x15: {  	[smem:$0x3FB7] =	sst s0;
	s0 =	simm.s32 @!p2 $0x0  }
0x16: {  	s3 =	sld [smem:$0x3FDB];
	s0 =	simm.s32 @p2 $0x1  }
0x17: {  	s4 =	simm.s32 $0x1BF5;
	[smem:$0x3FB9] =	sst s0  }
0x18: {  	s0 =	sld [smem:$0x3F9C];
	_ =	swait.ge [sflag:s4], $0x0  }
0x19: {  	s7 =	sld [smem:$0x3F9D]  }
0x1a: {  	s8 =	sadd.s32 $0xFFFFE003, lr  }
0x1b: {  	s9 =	sadd.s32 $0xFFFFFEF7, lr;
	s5 =	simm.s32 $0xFFFFFFFF;
	p2 =	slt.u32 s8, $0xFFFFF086  }
0x1c: {  	p1 =	slt.u32 s9, $0xF7A;
	s5 =	simm.s32 @!p2 $0x0  }
0x1d: {  	s5 =	simm.s32 @p1 $0x1;
	p0 =	seq.s32 s7, s2  }
0x1e: {  	s7 =	smul.u32 @!p0 $0xF7A, s2;
	p2 =	seq.s32 @!p0 s5, $0x0  }
0x1f: {  	s9 =	smul.u32 $0xF7A, s1;
	s8 =	simm.s32 @!p0 $0x1BF5;
	p2 =	por !p2, p0  }
0x20: {  	[sflag:s8] =	ssyncset.s32 @!p0 $0xFFFFF086;
	s6 =	sadd.s32 @!p0 s3, s7;
	s7 =	simm.s32 @!p0 $0x108  }
0x21: {  	s3 =	sadd.s32 s3, s9;
	s6 =	sadd.s32 @!p0 $0x88, s6;
	s7 =	simm.s32 @p2 $0x1082  }
0x22: {  	[simem:s7], [sflag:s8] =	dma.local @!p0 [hbm:s6], $0xF7A  }
0x23: {  	s9 =	sor.u32 $0xD0000000, s2;
	s6 =	simm.s32 $0x108;
	_ =	swait.ge @!p0 [sflag:s8], $0x0  }
0x24: {  	s3 =	sadd.s32 $0x88, s3;
	s6 =	simm.s32 @!p1 $0x1082;
	[sflag:s4] =	ssyncset.s32 $0xFFFFF086  }
0x25: {  	[simem:s6], [sflag:s4] =	dma.local [hbm:s3], $0xF7A  }
0x26: {  	[smem:$0x3F9D] =	sst s1;
	(tag) =	ssettag s2;
	_ =	strace s9  }
0x27: {  	s1 =	sld [smem:$0x3FAD]  }
0x28: {  	s2 =	sld [smem:$0x3FAE]  }
0x29: {  	s4 =	sld [smem:$0x3FB0]  }
0x2a: {  	p0 =	seq.s32 s5, $0x0;
	s5 =	sld [smem:$0x3FB1]  }
0x2b: {  	s6 =	sld [smem:$0x3FB2]  }
0x2c: {  	s7 =	sld [smem:$0x3FB3]  }
0x2d: {  	s3 =	simm.s32 $0x108;
	s8 =	sld [smem:$0x3FB4]  }
0x2e: {  	s3 =	simm.s32 @!p0 $0x1082;
	s9 =	sld [smem:$0x3FB5]  }
0x2f: {  	lr =	sadd.s32 s0, s3;
	s0 =	sld [smem:$0x3FAC]  }
0x30: {  	s3 =	sld [smem:$0x3FAF]  }
0x31: {  	[smem:$0x3FB8] =	sst s10  }
0x32: {  	s10 =	sld [smem:$0x3FB6];
	_ =	sdelay $0x3  }
0x33: {  	p0 =	seq.s32 s10, $0x1;
	s10 =	sld [smem:$0x3FB8];
	_ =	sdelay $0x3  }
0x34: {  	[smem:$0x3FB8] =	sst s10  }
0x35: {  	s10 =	sld [smem:$0x3FB7];
	_ =	sdelay $0x3  }
0x36: {  	p1 =	seq.s32 s10, $0x1;
	s10 =	sld [smem:$0x3FB8];
	_ =	sdelay $0x3  }
0x37: {  	[smem:$0x3FB8] =	sst s10  }
0x38: {  	s10 =	sld [smem:$0x3FB9]  }
0x39: {  	_ = 	snop;
	(pc) =	sbr.ind lr, $3  }
0x3a: {  	_ = 	snop  }
0x3b: {  	_ = 	snop  }
0x3c: {  	p2 =	seq.s32 s10, $0x1;
	s10 =	sld [smem:$0x3FB8]  }
0x3d: {  	_ =	shalt  }
0x3e: {  	_ =	shalt  }
0x3f: {  	_ =	shalt  }
0x40: {  	_ =	shalt  }
0x41: {  	_ =	shalt  }
0x42: {  	_ =	shalt  }
0x43: {  	_ =	shalt  }
0x44: {  	_ =	shalt  }
0x45: {  	_ =	shalt  }
0x46: {  	_ =	shalt  }
0x47: {  	_ =	shalt  }
0x48: {  	_ =	shalt  }
0x49: {  	_ =	shalt  }
0x4a: {  	_ =	shalt  }
0x4b: {  	_ =	shalt  }
0x4c: {  	_ =	shalt  }
0x4d: {  	_ =	shalt  }
0x4e: {  	_ =	shalt  }
0x4f: {  	_ =	shalt  }
0x50: {  	_ =	shalt  }
0x51: {  	_ =	shalt  }
0x52: {  	_ =	shalt  }
0x53: {  	_ =	shalt  }
0x54: {  	_ =	shalt  }
0x55: {  	_ =	shalt  }
0x56: {  	_ =	shalt  }
0x57: {  	_ =	shalt  }
0x58: {  	_ =	shalt  }
0x59: {  	_ =	shalt  }
0x5a: {  	_ =	shalt  }
0x5b: {  	_ =	shalt  }
0x5c: {  	_ =	shalt  }
0x5d: {  	_ =	shalt  }
0x5e: {  	_ =	shalt  }
0x5f: {  	_ =	shalt  }
0x60: {  	_ =	shalt  }
0x61: {  	_ =	shalt  }
0x62: {  	_ =	shalt  }
0x63: {  	_ =	shalt  }
0x64: {  	_ =	shalt  }
0x65: {  	_ =	shalt  }
0x66: {  	_ =	shalt  }
0x67: {  	_ =	shalt  }
0x68: {  	_ =	shalt  }
0x69: {  	_ =	shalt  }
0x6a: {  	_ =	shalt  }
0x6b: {  	_ =	shalt  }
0x6c: {  	_ =	shalt  }
0x6d: {  	_ =	shalt  }
0x6e: {  	_ =	shalt  }
0x6f: {  	_ =	shalt  }
0x70: {  	_ =	shalt  }
0x71: {  	_ =	shalt  }
0x72: {  	_ =	shalt  }
0x73: {  	_ =	shalt  }
0x74: {  	_ =	shalt  }
0x75: {  	_ =	shalt  }
0x76: {  	_ =	shalt  }
0x77: {  	_ =	shalt  }
0x78: {  	_ =	shalt  }
0x79: {  	_ =	shalt  }
0x7a: {  	_ =	shalt  }
0x7b: {  	_ =	shalt  }
0x7c: {  	_ =	shalt  }
0x7d: {  	_ =	shalt  }
0x7e: {  	_ =	shalt  }
0x7f: {  	_ =	shalt  }
0x80: {  	_ =	shalt  }
0x81: {  	_ =	shalt  }
0x82: {  	_ =	shalt  }
0x83: {  	_ =	shalt  }
0x84: {  	_ =	shalt  }
0x85: {  	_ =	shalt  }
0x86: {  	_ =	shalt  }
0x87: {  	_ =	shalt  }
.Lfunc_end0:
.L_simem_size_0:
called_computation.1_lowered:
.L_overlay_start_0:
0x88: {  	s2 =	sld [smem:$0x3FD9]  }
0x89: {  	s3 =	sld [smem:$0x3FFE];
	_ =	sdelay $0x1  }
0x8a: {  	s1 =	srdreg.scid  }
0x8b: {  	s0 =	sand.u32 $0x1, s1  }
0x8c: {  	s17 =	sshll.u32 s0, $0xA;
	s2 =	sadd.s32 s3, s2  }
0x8d: {  	s2 =	sadd.s32 s2, s17  }
0x8e: {  	[smem:$0x3FC4] =	sst s2  }
0x8f: {  	_ = 	snop  }
0x90: {  	s2 =	sld [smem:$0x3FC6]  }
0x91: {  	s18 =	sld [smem:$0x3FD0];
	(tm) =	ssettm $0x1  }
0x92: {  	s4 =	sld [smem:$0x3FFB];
	_ =	sdelay $0x3  }
0x93: {  	_ =	strace s4  }
0x94: {  	s4 =	sld [smem:$0x3FFC];
	_ =	sdelay $0x3  }
0x95: {  	_ =	strace s4  }
0x96: {  	s4 =	sld [smem:$0x3FFD];
	_ =	sdelay $0x3  }
0x97: {  	_ =	strace s4  }
0x98: {  	_ =	strace $0x8FFFFFFF  }
0x99: {  	s19 =	sld [smem:$0x3FDB];
	_ =	sdelay $0x1  }
0x9a: {  	s5 =	simm.s32 $_scs_section_size  }
0x9b: {  	s6 =	simm.s32 $_size__tile_overlayer_lowered;
	s7 =	simm.s32 $_tile_overlayer_lowered  }
0x9c: {  	s22 =	simm.s32 $0x1BFF;
	s21 =	sshll.u32 s7, $0x1;
	s4 =	sadd.s32 s5, s19  }
0x9d: {  	s8 =	simm.s32 $0x0;
	s20 =	sshll.u32 s6, $0x1;
	s6 =	sadd.s32 s21, s4  }
0x9e: {  	[timem:s8], [sflag:s22] =	dma.local [hbm:s6], s20  }
0x9f: {  	_ =	swait.ge [sflag:s22], s20  }
0xa0: {  	s5 =	ssub.s32 $0x0, s20;
	[sflag:s22] =	ssyncset.done $0x0  }
0xa1: {  	[sflag:s22] =	ssyncadd.s32 s5;
	_ =	sdelay $0x1  }
0xa2: {  	s23 =	simm.s32 $0x1B8B  }
0xa3: {  	_ =	swait.ge [sflag:s23], $0x1  }
0xa4: {  	[sflag:s23] =	ssyncset.done $0x0  }
0xa5: {  	s25 =	simm.s32 $0x1B8E;
	s24 =	sld [smem:$0x3FFE];
	[sflag:s23] =	ssyncadd.s32 $0xFFFFFFFF  }
0xa6: {  	s26 =	simm.s32 $execute0_lowered;
	[smem:$0x3FD2] =	sst s25  }
0xa7: {  	s6 =	sshll.u32 s26, $0x1;
	_ =	strace $0x80000046;
	[dreg:$0x1] =	wrdreg $0xFFFFFFFF  }
0xa8: {  	s28 =	simm.s32 $_size_execute0_lowered;
	s4 =	sadd.s32 s4, s6;
	[dreg:$0x0] =	wrdreg $0x0  }
0xa9: {  	s6 =	sshll.u32 s28, $0x1;
	[dreg:$0x2] =	wrdreg s4  }
0xaa: {  	[dreg:$0x3] =	wrdreg s6  }
0xab: {  	[dreg:$0x4] =	wrdreg $0xC0  }
0xac: {  	_ =	task [dreg:s8], $0x5FFFF  }
0xad: {  	[dreg:$0x1] =	wrdreg $0xFFFFFFFF  }
0xae: {  	[dreg:$0x0] =	wrdreg $0x60  }
0xaf: {  	[dreg:$0x2] =	wrdreg s24  }
0xb0: {  	[dreg:$0x3] =	wrdreg s2  }
0xb1: {  	[dreg:$0x4] =	wrdreg s18  }
0xb2: {  	[dreg:$0x5] =	wrdreg $0x9  }
0xb3: {  	_ =	task.clear_ibuf [dreg:s8], $0x6FFFF;
	_ =	strace $0x90000046  }
0xb4: {  	s29 =	simm.s32 $0x9;
	_ =	strace $0x80000048  }
0xb5: {  	_ =	swait.ge [sflag:s29], $0x1  }
0xb6: {  	[sflag:s29] =	ssyncadd.s32 $0xFFFFFFFF  }
0xb7: {  	_ =	strace $0x90000048  }
0xb8: {  	_ =	sfence  }
0xb9: {  	s30 =	sld [smem:$0x0];
	_ =	sdelay $0x2  }
0xba: {  	s31 =	sshll.u32 s1, $0xD;
	s1 =	sshrl.u32 s1, $0x2  }
0xbb: {  	s3 =	sand.u32 $0x4000, s31;
	s1 =	sadd.s32 s1, s30  }
0xbc: {  	s0 =	sor.u32 s3, s0;
	s1 =	sshll.u32 s1, $0x11  }
0xbd: {  	s0 =	sor.u32 s1, s0  }
0xbe: {  	s0 =	sadd.s32 $0x8F2B, s0  }
0xbf: {  	[sflag:s0] =	ssyncadd.remote.s32 $0x1  }
0xc0: {  	_ =	sfence.sel $0xFFFF  }
0xc1: {  	[dreg:$0x0] =	wrdreg $0xFFFFFFFF;
	(pc) =	sbr.abs _section_cstart, $3  }
0xc2: {  	[dreg:$0x1] =	wrdreg $0xFFFFFFFF  }
0xc3: {  	_ =	task.clear_ibuf [dreg:s8], $0x2FFFF;
	_ =	strace $0x9FFFFFFF  }
0xc4: {  	(tm) =	ssettm $0x7FFFFFFF  }
0xc5: {  	_ =	shalt  }
tec
execute0_lowered:
.L_overlay_start_1:
0x0: {  	(tag) =	ssettag $0x1  }
0x1: {  	s0 =	rddreg [dreg:$0x0];
	s1 =	srdreg.scid  }
0x2: {  	s2 =	stileid.u32;
	s3 =	rddreg [dreg:$0x2];
	s4 =	simm.s32 $0x0  }
0x3: {  	s10 =	simm.s32 $0x5;
	s11 =	simm.s32 $0x15900;
	s12 =	simm.s32 $0x15980  }
0x4: {  	s13 =	simm.s32 $0x80;
	s14 =	simm.s32 $0x1900;
	s23 =	simm.s32 $0xB900  }
0x5: {  	s25 =	simm.s32 $0xD900;
	s28 =	simm.s32 $0xF900;
	s30 =	simm.s32 $0x11900  }
0x6: {  	s15 =	simm.s32 $0x17990;
	s1 =	sand.u32 $0x1, s1;
	s2 =	sshll.u32 s2, $0x1  }
0x7: {  	s16 =	simm.s32 $0x2;
	s17 =	simm.s32 $0x3;
	s2 =	sor.u32 s1, s2  }
0x8: {  	s18 =	simm.s32 $0x4;
	s19 =	simm.s32 $0x0;
	s5 =	smul.u32 $0x320, s2  }
0x9: {  	[smem:$0x7FF] =	sst s4;
	s1 =	ssub.s32 $0x2, s1;
	s7 =	smul.u32 $0x1900, s2  }
.Ltmp0:
0xa: {  	_ =	strace $0x80000047;
	s29 =	sshrl.u32 s1, $0x1;
	(pc) =	sbr.rel .LBB2_1-.Ltmp0, $4  }
0xb: {  	s6 =	sadd.s32 s5, s0;
	s5 =	sadd.s32 $0x7000, s0;
	s0 =	sadd.s32 $0x800, s0  }
0xc: {  	v0 =	vimm.s32 $0x7F;
	[dreg:$0x4] =	wrdreg s0;
	s0 =	ssub.s32 s1, s29;
	s31 =	sadd.s32 $0xC00, s6  }
0xd: {  	v1 =	vimm.s32 $0x3F;
	v2 =	vimm.s32 $0x0;
	v3 =	vlaneseq.u32;
	s2 =	simm.s32 $0x17980;
	[dreg:$0x5] =	wrdreg s31;
	s0 =	smax.u32 s0, $0x1  }
0xe: {  	v4 =	vor.u32 $0x10, v3;
	v5 =	vor.u32 $0x20, v3;
	v6 =	vor.u32 $0x30, v3;
	s1 =	simm.s32 $0x13900;
	[dreg:$0x6] =	wrdreg s0;
	s0 =	simm.s32 $0x1  }
.LBB2_92:
0xf: {  	_ =	swait.ge [sflag:s17], $0xA000  }
0x10: {  	[sflag:s17] =	ssyncset.done $0x0  }
0x11: {  	[sflag:s17] =	ssyncadd.s32 $0xFFFF6000  }
0x12: {  	_ =	swait.ge [sflag:s18], $0xA000  }
0x13: {  	s19 =	sadd.s32 $0x1, s19;
	s6 =	rddreg [dreg:$0x6]  }
0x14: {  	p0 =	sne.s32 s19, s6  }
.Ltmp1:
0x15: {  	_ = 	snop;
	(pc) =	sbr.rel @!p0 .LBB2_93-.Ltmp1, $3  }
0x16: {  	_ =	sdelay $0x1  }
0x17: {  	[sflag:s18] =	ssyncset.done $0x0  }
0x18: {  	[sflag:s18] =	ssyncadd.s32 $0xFFFF6000  }
.LBB2_1:
0x19: {  	s6 =	rddreg [dreg:$0x5]  }
0x1a: {  	[tilespmem:s4], [sflag:$0x5] =	stream.linear.gather [hbm4b:s6+s4], $0x1900, $0x38;
	[tilespmem:$0x179A0] =	vst v63  }
0x1b: {  	_ =	swait.ge [sflag:s10], $0x1900  }
0x1c: {  	[sflag:s10] =	ssyncset.done $0x0  }
0x1d: {  	[sflag:s10] =	ssyncadd.s32 $0xFFFFE700  }
0x1e: {  	s24 =	rddreg [dreg:$0x1]  }
0x1f: {  	[tilespmem:s11], [sflag:$0x5] =	stream.linear.gather [hbm4b:s24+s4], $0x80, $0x38;
	[tilespmem:$0x179A0] =	vst v63  }
0x20: {  	_ =	swait.ge [sflag:s10], $0x80  }
0x21: {  	[sflag:s10] =	ssyncset.done $0x0  }
0x22: {  	s26 =	rddreg [dreg:$0x4];
	[sflag:s10] =	ssyncadd.s32 $0xFFFFFF80  }
0x23: {  	[tilespmem:s12], [sflag:$0x5] =	stream.linear.gather [hbm4b:s26+s4], $0x2000, $0x38;
	[tilespmem:$0x179A0] =	vst v63  }
0x24: {  	_ =	swait.ge [sflag:s10], $0x2000  }
0x25: {  	[sflag:s10] =	ssyncset.done $0x0  }
0x26: {  	[sflag:s10] =	ssyncadd.s32 $0xFFFFE000  }
0x27: {  	v7 =	vld.msk [tilespmem:s11+$0x0], $0xffff  }
0x28: {  	v8 =	vld.idx.msk [tilespmem:v0+s11+$0x0], $0xffff;
	_ =	sdelay $0x3  }
0x29: {  	v7 =	vxor.u32 $0x80000000, v7  }
0x2a: {  	(xrf0) =	vmin.scan.msk.u32 $0xffff, v7;
	v7 =	vxor.u32 $0x80000000, v8  }
0x2b: {  	(xrf0) =	vmax.scan.msk.u32 $0xffff, v7;
	_ =	sdelay $0x1  }
0x2c: {  	[tilespmem:s14], [sflag:$0x1] =	stream.indirect.gather [hbm4b:s5+s13], $0x40, s4, s13, $0xb8;
	[tilespmem:$0x179A0] =	vst v63  }
0x2d: {  	s29 =	simm.s32 $0x3900  }
0x2e: {  	[tilespmem:s29], [sflag:$0x1] =	stream.indirect.gather [hbm4b:s5+s13], $0x40, s13, s13, $0xb8;
	[tilespmem:$0x179A0] =	vst v63  }
0x2f: {  	s31 =	simm.s32 $0x100;
	s8 =	simm.s32 $0x5900;
	v7, _, _ =	vpop (xrf0)  }
0x30: {  	[tilespmem:s8], [sflag:$0x1] =	stream.indirect.gather [hbm4b:s5+s13], $0x40, s31, s13, $0xb8;
	(v2sf) =	vpush v7, $0xF;
	v7, _, _ =	vpop (xrf0);
	[tilespmem:$0x179A0] =	vst v63  }
0x31: {  	s9 =	simm.s32 $0x7900;
	s8 =	simm.s32 $0x180;
	(v2sf) =	vpush v7, $0xF  }
0x32: {  	[tilespmem:s9], [sflag:$0x1] =	stream.indirect.gather [hbm4b:s5+s13], $0x40, s8, s13, $0xb8;
	[tilespmem:$0x179A0] =	vst v63  }
0x33: {  	s20 =	simm.s32 $0x200;
	s21 =	simm.s32 $0x9900  }
0x34: {  	[tilespmem:s21], [sflag:$0x1] =	stream.indirect.gather [hbm4b:s5+s13], $0x40, s20, s13, $0xb8;
	[tilespmem:$0x179A0] =	vst v63  }
0x35: {  	s22 =	simm.s32 $0x280  }
0x36: {  	[tilespmem:s23], [sflag:$0x2] =	stream.indirect.gather [hbm4b:s5+s13], $0x40, s22, s13, $0xb8;
	[tilespmem:$0x179A0] =	vst v63  }
0x37: {  	s24 =	simm.s32 $0x300  }
0x38: {  	[tilespmem:s25], [sflag:$0x2] =	stream.indirect.gather [hbm4b:s5+s13], $0x40, s24, s13, $0xb8;
	[tilespmem:$0x179A0] =	vst v63  }
0x39: {  	s26 =	simm.s32 $0x380  }
0x3a: {  	[tilespmem:s28], [sflag:$0x2] =	stream.indirect.gather [hbm4b:s5+s13], $0x40, s26, s13, $0xb8;
	[tilespmem:$0x179A0] =	vst v63  }
0x3b: {  	s29 =	simm.s32 $0x400  }
0x3c: {  	[tilespmem:s30], [sflag:$0x2] =	stream.indirect.gather [hbm4b:s5+s13], $0x40, s29, s13, $0xb8;
	[tilespmem:$0x179A0] =	vst v63  }
0x3d: {  	s31 =	simm.s32 $0x480  }
0x3e: {  	[tilespmem:s1], [sflag:$0x2] =	stream.indirect.gather [hbm4b:s5+s13], $0x40, s31, s13, $0xb8;
	[tilespmem:$0x179A0] =	vst v63  }
0x3f: {  	s20 =	spop (v2sf)  }
0x40: {  	s22 =	simm.s32 $0x0;
	s21 =	spop (v2sf)  }
.LBB2_2:
0x41: {  	_ =	swait.ge [sflag:s0], $0x2000  }
0x42: {  	[sflag:s0] =	ssyncset.done $0x0  }
0x43: {  	[sflag:s0] =	ssyncadd.s32 $0xFFFFE000  }
0x44: {  	_ =	swait.ge [sflag:s0], $0x2000  }
0x45: {  	[sflag:s0] =	ssyncset.done $0x0  }
0x46: {  	[sflag:s0] =	ssyncadd.s32 $0xFFFFE000  }
0x47: {  	_ =	swait.ge [sflag:s0], $0x2000  }
0x48: {  	[sflag:s0] =	ssyncset.done $0x0  }
0x49: {  	[sflag:s0] =	ssyncadd.s32 $0xFFFFE000  }
0x4a: {  	_ =	swait.ge [sflag:s0], $0x2000  }
0x4b: {  	[sflag:s0] =	ssyncset.done $0x0  }
0x4c: {  	[sflag:s0] =	ssyncadd.s32 $0xFFFFE000  }
0x4d: {  	s6 =	smul.u32 $0x1400, s22;
	_ =	swait.ge [sflag:s0], $0x2000  }
0x4e: {  	[sflag:s0] =	ssyncset.done $0x0  }
0x4f: {  	s24 =	sshra.s32 s6, $0x2;
	[sflag:s0] =	ssyncadd.s32 $0xFFFFE000  }
0x50: {  	v7 =	vld [tilespmem:s24+$0x0]  }
0x51: {  	v8 =	vld [tilespmem:s24+$0x10];
	_ =	sdelay $0x1  }
0x52: {  	v9 =	vld [tilespmem:s24+$0x20];
	_ =	sdelay $0x1  }
0x53: {  	v10 =	vld [tilespmem:s24+$0x30]  }
0x54: {  	vm0 =	vgt.s32 v7, v8  }
0x55: {  	v12 =	vld [tilespmem:s24+$0x40];
	v11 =	vsel vm0, v8, v7  }
0x56: {  	v7 =	vsel vm0, v7, v8;
	vm4 =	vlt.s32 v11, v9  }
0x57: {  	v61 =	vld [tilespmem:s24+$0x50];
	vm5 =	vgt.s32 v7, v9;
	v8 =	vsel vm4, v11, v9  }
0x58: {  	v7 =	vsel vm5, v7, v9;
	vm6 =	vlt.s32 v8, v10  }
0x59: {  	v62 =	vld [tilespmem:s24+$0x60];
	vm7 =	vgt.s32 v7, v10;
	v8 =	vsel vm6, v8, v10  }
0x5a: {  	v7 =	vsel vm7, v7, v10;
	vm8 =	vlt.s32 v8, v12  }
0x5b: {  	v63 =	vld [tilespmem:s24+$0x70];
	vm9 =	vgt.s32 v7, v12;
	v8 =	vsel vm8, v8, v12  }
0x5c: {  	v7 =	vsel vm9, v7, v12;
	vm10 =	vlt.s32 v8, v61  }
0x5d: {  	vm11 =	vgt.s32 v7, v61;
	v8 =	vsel vm10, v8, v61  }
0x5e: {  	v7 =	vsel vm11, v7, v61;
	vm12 =	vlt.s32 v8, v62  }
0x5f: {  	vm13 =	vgt.s32 v7, v62;
	v8 =	vsel vm12, v8, v62  }
0x60: {  	v7 =	vsel vm13, v7, v62;
	vm14 =	vlt.s32 v8, v63  }
0x61: {  	vm15 =	vgt.s32 v7, v63;
	v8 =	vsel vm14, v8, v63  }
0x62: {  	v7 =	vsel vm15, v7, v63;
	v8 =	vxor.u32 $0x80000000, v8  }
0x63: {  	v7 =	vxor.u32 $0x80000000, v7;
	(xrf0) =	vmin.scan.msk.u32 $0xffff, v8  }
0x64: {  	(xrf0) =	vmax.scan.msk.u32 $0xffff, v7;
	_ =	sdelay $0x4  }
0x65: {  	v7, _, _ =	vpop (xrf0)  }
0x66: {  	(v2sf) =	vpush v7, $0xF;
	v7, _, _ =	vpop (xrf0)  }
0x67: {  	(v2sf) =	vpush v7, $0xF;
	_ =	sdelay $0xd  }
0x68: {  	s31 =	spop (v2sf)  }
0x69: {  	p0 =	sgt.u32 s31, s21;
	s6 =	spop (v2sf)  }
0x6a: {  	p1 =	slt.u32 @!p0 s6, s20  }
0x6b: {  	p0 =	por p0, p1  }
.Ltmp2:
0x6c: {  	_ = 	snop;
	(pc) =	sbr.rel @!p0 .LBB2_3-.Ltmp2, $2  }
0x6d: {  	_ =	sdelay $0x2  }
0x6e: {  	s26 =	simm.s32 $0x0  }
.LBB2_10:
0x6f: {  	v7 =	vld [tilespmem:s24+$0x80]  }
0x70: {  	v8 =	vld [tilespmem:s24+$0x90];
	_ =	sdelay $0x1  }
0x71: {  	v9 =	vld [tilespmem:s24+$0xA0];
	_ =	sdelay $0x1  }
0x72: {  	v10 =	vld [tilespmem:s24+$0xB0]  }
0x73: {  	vm0 =	vgt.s32 v7, v8  }
0x74: {  	v12 =	vld [tilespmem:s24+$0xC0];
	v11 =	vsel vm0, v8, v7  }
0x75: {  	v7 =	vsel vm0, v7, v8;
	vm4 =	vlt.s32 v11, v9  }
0x76: {  	v61 =	vld [tilespmem:s24+$0xD0];
	vm5 =	vgt.s32 v7, v9;
	v8 =	vsel vm4, v11, v9  }
0x77: {  	v7 =	vsel vm5, v7, v9;
	vm6 =	vlt.s32 v8, v10  }
0x78: {  	v62 =	vld [tilespmem:s24+$0xE0];
	vm7 =	vgt.s32 v7, v10;
	v8 =	vsel vm6, v8, v10  }
0x79: {  	v7 =	vsel vm7, v7, v10;
	vm8 =	vlt.s32 v8, v12  }
0x7a: {  	v63 =	vld [tilespmem:s24+$0xF0];
	vm9 =	vgt.s32 v7, v12;
	v8 =	vsel vm8, v8, v12  }
0x7b: {  	v7 =	vsel vm9, v7, v12;
	vm10 =	vlt.s32 v8, v61  }
0x7c: {  	vm11 =	vgt.s32 v7, v61;
	v8 =	vsel vm10, v8, v61  }
0x7d: {  	v7 =	vsel vm11, v7, v61;
	vm12 =	vlt.s32 v8, v62  }
0x7e: {  	vm13 =	vgt.s32 v7, v62;
	v8 =	vsel vm12, v8, v62  }
0x7f: {  	v7 =	vsel vm13, v7, v62;
	vm14 =	vlt.s32 v8, v63  }
0x80: {  	vm15 =	vgt.s32 v7, v63;
	v8 =	vsel vm14, v8, v63  }
0x81: {  	v7 =	vsel vm15, v7, v63;
	v8 =	vxor.u32 $0x80000000, v8  }
0x82: {  	v7 =	vxor.u32 $0x80000000, v7;
	(xrf0) =	vmin.scan.msk.u32 $0xffff, v8  }
0x83: {  	(xrf0) =	vmax.scan.msk.u32 $0xffff, v7;
	_ =	sdelay $0x4  }
0x84: {  	v7, _, _ =	vpop (xrf0)  }
0x85: {  	(v2sf) =	vpush v7, $0xF;
	v7, _, _ =	vpop (xrf0)  }
0x86: {  	(v2sf) =	vpush v7, $0xF;
	_ =	sdelay $0xd  }
0x87: {  	s6 =	spop (v2sf)  }
0x88: {  	p0 =	sgt.u32 s6, s21;
	s6 =	spop (v2sf)  }
0x89: {  	p1 =	slt.u32 @!p0 s6, s20  }
0x8a: {  	p0 =	por p0, p1  }
.Ltmp3:
0x8b: {  	_ = 	snop;
	(pc) =	sbr.rel @p0 .LBB2_19-.Ltmp3, $1  }
0x8c: {  	_ =	sdelay $0x3  }
.Ltmp4:
0x8d: {  	(pc) =	sbr.rel .LBB2_12-.Ltmp4, $3  }
0x8e: {  	_ =	sdelay $0x1  }
0x8f: {  	s6 =	sadd.s32 $0x80, s24  }
0x90: {  	s26 =	simm.s32 $0x0;
	v7 =	vmov s6  }
.LBB2_5:
0x91: {  	_ = 	snop  }
.LBB2_8:
0x92: {  	_ =	sdelay $0x3  }
0x93: {  	[tilespmem:v9+s14+$0x0] =	vst.idx.msk @p0 $0xffff, v8  }
0x94: {  	v8 =	vld.idx.msk [tilespmem:v7+s15+$0x0], $0xffff;
	_ =	sdelay $0x4  }
0x95: {  	v7 =	vld.idx.msk [tilespmem:v7+s2+$0x0], $0xffff;
	v8 =	vshll.u32 v8, $0x6  }
0x96: {  	v60 =	vor.u32 v3, v8;
	_ =	sdelay $0x3  }
0x97: {  	v7 =	vshll.u32 v7, $0x6  }
0x98: {  	v10 =	vor.u32 v3, v7;
	v9 =	vld.idx.msk [tilespmem:v60+s12+$0x0], $0xffff  }
0x99: {  	v11 =	vor.u32 v4, v8;
	_ =	sdelay $0x3  }
0x9a: {  	[tilespmem:v10+s14+$0x0] =	vst.idx.msk $0xffff, v9  }
0x9b: {  	v61 =	vor.u32 v4, v7;
	v9 =	vld.idx.msk [tilespmem:v11+s12+$0x0], $0xffff  }
0x9c: {  	v62 =	vor.u32 v5, v8;
	_ =	sdelay $0x3  }
0x9d: {  	[tilespmem:v61+s14+$0x0] =	vst.idx.msk $0xffff, v9  }
0x9e: {  	v63 =	vor.u32 v5, v7;
	v9 =	vld.idx.msk [tilespmem:v62+s12+$0x0], $0xffff  }
0x9f: {  	v8 =	vor.u32 v6, v8;
	_ =	sdelay $0x3  }
0xa0: {  	[tilespmem:v63+s14+$0x0] =	vst.idx.msk $0xffff, v9  }
0xa1: {  	v7 =	vor.u32 v6, v7;
	v8 =	vld.idx.msk [tilespmem:v8+s12+$0x0], $0xffff;
	_ =	sdelay $0x4  }
0xa2: {  	[tilespmem:v7+s14+$0x0] =	vst.idx.msk $0xffff, v8  }
.LBB2_9:
0xa3: {  	s26 =	sadd.s32 $0x1, s26  }
0xa4: {  	p0 =	sne.s32 s26, $0x8  }
.Ltmp5:
0xa5: {  	_ = 	snop;
	(pc) =	sbr.rel @!p0 .LBB2_10-.Ltmp5, $1  }
0xa6: {  	_ =	sdelay $0x3  }
.LBB2_3:
0xa7: {  	_ =	sdelay $0x2  }
0xa8: {  	s8 =	sshll.u32 s26, $0x4  }
0xa9: {  	v7 =	vld.idx.msk [tilespmem:v1+s11+$0x0], $0xffff;
	s6 =	sadd.s32 s8, s24  }
0xaa: {  	v8 =	vld [tilespmem:s6+$0x0];
	_ =	sdelay $0x4  }
0xab: {  	vm0 =	vlt.s32 v7, v8  }
0xac: {  	v7 =	vsel vm0, $0x40, v2  }
0xad: {  	v9 =	vor.u32 $0x1F, v7;
	_ =	sdelay $0x4  }
0xae: {  	v9 =	vld.idx.msk [tilespmem:v9+s11+$0x0], $0xffff;
	_ =	sdelay $0x4  }
0xaf: {  	v10 =	vor.u32 $0x20, v7;
	vm0 =	vlt.s32 v9, v8  }
0xb0: {  	v7 =	vsel vm0, v10, v7  }
0xb1: {  	v59 =	vor.u32 $0xF, v7;
	_ =	sdelay $0x4  }
0xb2: {  	v9 =	vld.idx.msk [tilespmem:v59+s11+$0x0], $0xffff;
	_ =	sdelay $0x4  }
0xb3: {  	v10 =	vor.u32 $0x10, v7;
	vm0 =	vlt.s32 v9, v8  }
0xb4: {  	v7 =	vsel vm0, v10, v7  }
0xb5: {  	v60 =	vor.u32 $0x7, v7;
	_ =	sdelay $0x4  }
0xb6: {  	v9 =	vld.idx.msk [tilespmem:v60+s11+$0x0], $0xffff;
	_ =	sdelay $0x4  }
0xb7: {  	v10 =	vor.u32 $0x8, v7;
	vm0 =	vlt.s32 v9, v8  }
0xb8: {  	v7 =	vsel vm0, v10, v7  }
0xb9: {  	v61 =	vadd.s32 $0x3, v7;
	_ =	sdelay $0x4  }
0xba: {  	v9 =	vld.idx.msk [tilespmem:v61+s11+$0x0], $0xffff;
	_ =	sdelay $0x4  }
0xbb: {  	v10 =	vadd.s32 $0x4, v7;
	vm0 =	vlt.s32 v9, v8  }
0xbc: {  	v7 =	vsel vm0, v10, v7  }
0xbd: {  	v62 =	vadd.s32 $0x1, v7;
	_ =	sdelay $0x4  }
0xbe: {  	v9 =	vld.idx.msk [tilespmem:v62+s11+$0x0], $0xffff;
	_ =	sdelay $0x4  }
0xbf: {  	v10 =	vadd.s32 $0x2, v7;
	vm0 =	vlt.s32 v9, v8  }
0xc0: {  	v7 =	vsel vm0, v10, v7;
	_ =	sdelay $0x4  }
0xc1: {  	v63 =	vld.idx.msk [tilespmem:v7+s11+$0x0], $0xffff;
	_ =	sdelay $0x4  }
0xc2: {  	vm0 =	vlt.s32 v63, v8  }
0xc3: {  	v9 =	vsel vm0, $0x1, v2  }
0xc4: {  	v7 =	vadd.s32 v9, v7  }
0xc5: {  	v9 =	vmin.u32 v7, $0x7F;
	_ =	sdelay $0x4  }
0xc6: {  	v9 =	vld.idx.msk [tilespmem:v9+s11+$0x0], $0xffff;
	_ =	sdelay $0x4  }
0xc7: {  	vm1 =	vlt.u32 v7, $0x80;
	vm0 =	veq.s32 v9, v8  }
0xc8: {  	vm0 =	vmand vm0, vm1  }
0xc9: {  	v8 =	vsel vm0, $0x1, v2  }
0xca: {  	(xrf0) =	vadd.scan.msk.s32 $0xffff, v8;
	_ =	sdelay $0x5  }
0xcb: {  	v8, _, _ =	vpop (xrf0)  }
0xcc: {  	(v2sf) =	vpush v8, $0xF;
	_ =	sdelay $0xe  }
0xcd: {  	s6 =	spop (v2sf)  }
0xce: {  	p0 =	slt.s32 s6, $0x1  }
.Ltmp6:
0xcf: {  	_ = 	snop;
	(pc) =	sbr.rel @p0 .LBB2_9-.Ltmp6, $1  }
0xd0: {  	_ =	sdelay $0x3  }
0xd1: {  	p1 =	sne.s32 s6, $0x1  }
.Ltmp7:
0xd2: {  	_ = 	snop;
	(pc) =	sbr.rel @!p1 .LBB2_5-.Ltmp7, $4  }
0xd3: {  	_ = 	snop  }
0xd4: {  	v8 =	vor.u32 s8, v3  }
0xd5: {  	s9 =	simm.s32 $0x0;
	[tilespmem:s2+$0x0] =	vst.msk vm0, v8  }
0xd6: {  	s8 =	simm.s32 $0x1;
	p0 =	por $0x0, $0x0;
	[tilespmem:s15+$0x0] =	vst.msk vm0, v7;
	v7 =	vmov s9  }
0xd7: {  	_ =	sdelay $0x3  }
0xd8: {  	v8 =	vld.idx.msk [tilespmem:v7+s15+$0x0], $0xffff;
	_ =	sdelay $0x4  }
0xd9: {  	v7 =	vld.idx.msk [tilespmem:v7+s2+$0x0], $0xffff;
	v8 =	vshll.u32 v8, $0x6  }
0xda: {  	v9 =	vor.u32 v3, v8;
	_ =	sdelay $0x3  }
0xdb: {  	v7 =	vshll.u32 v7, $0x6  }
0xdc: {  	v10 =	vor.u32 v3, v7;
	v9 =	vld.idx.msk [tilespmem:v9+s12+$0x0], $0xffff  }
0xdd: {  	v11 =	vor.u32 v4, v8;
	_ =	sdelay $0x3  }
0xde: {  	[tilespmem:v10+s14+$0x0] =	vst.idx.msk $0xffff, v9  }
0xdf: {  	v10 =	vor.u32 v4, v7;
	v9 =	vld.idx.msk [tilespmem:v11+s12+$0x0], $0xffff  }
0xe0: {  	v11 =	vor.u32 v5, v8;
	_ =	sdelay $0x3  }
0xe1: {  	[tilespmem:v10+s14+$0x0] =	vst.idx.msk $0xffff, v9  }
0xe2: {  	v10 =	vor.u32 v5, v7;
	v9 =	vld.idx.msk [tilespmem:v11+s12+$0x0], $0xffff  }
0xe3: {  	v8 =	vor.u32 v6, v8;
	_ =	sdelay $0x3  }
0xe4: {  	p1 =	sne.s32 s6, $0x2;
	[tilespmem:v10+s14+$0x0] =	vst.idx.msk $0xffff, v9  }
.Ltmp8:
0xe5: {  	v9 =	vor.u32 v6, v7;
	v8 =	vld.idx.msk [tilespmem:v8+s12+$0x0], $0xffff;
	(pc) =	sbr.rel @!p1 .LBB2_8-.Ltmp8, $2  }
0xe6: {  	v7 =	vmov s8;
	_ =	sdelay $0x2  }
0xe7: {  	s29 =	simm.s32 $0x2;
	p0 =	por $0x1, $0x1  }
.LBB2_7:
0xe8: {  	[tilespmem:v9+s14+$0x0] =	vst.idx.msk $0xffff, v8;
	s8 =	smov.u32 s29;
	s29 =	sadd.s32 $0x1, s29  }
0xe9: {  	p1 =	sne.s32 s6, s29;
	v8 =	vld.idx.msk [tilespmem:v7+s15+$0x0], $0xffff;
	_ =	sdelay $0x5  }
0xea: {  	v8 =	vshll.u32 v8, $0x6;
	v7 =	vld.idx.msk [tilespmem:v7+s2+$0x0], $0xffff  }
0xeb: {  	v9 =	vor.u32 v3, v8;
	_ =	sdelay $0x4  }
0xec: {  	v7 =	vshll.u32 v7, $0x6;
	v9 =	vld.idx.msk [tilespmem:v9+s12+$0x0], $0xffff  }
0xed: {  	v10 =	vor.u32 v3, v7  }
0xee: {  	v11 =	vor.u32 v4, v8;
	_ =	sdelay $0x3  }
0xef: {  	[tilespmem:v10+s14+$0x0] =	vst.idx.msk $0xffff, v9  }
0xf0: {  	v9 =	vld.idx.msk [tilespmem:v11+s12+$0x0], $0xffff  }
0xf1: {  	v10 =	vor.u32 v4, v7  }
0xf2: {  	v11 =	vor.u32 v5, v8;
	_ =	sdelay $0x3  }
0xf3: {  	[tilespmem:v10+s14+$0x0] =	vst.idx.msk $0xffff, v9  }
0xf4: {  	v9 =	vld.idx.msk [tilespmem:v11+s12+$0x0], $0xffff  }
0xf5: {  	v10 =	vor.u32 v5, v7  }
0xf6: {  	v8 =	vor.u32 v6, v8;
	_ =	sdelay $0x2  }
.Ltmp9:
0xf7: {  	(pc) =	sbr.rel @p1 .LBB2_7-.Ltmp9, $4  }
0xf8: {  	[tilespmem:v10+s14+$0x0] =	vst.idx.msk $0xffff, v9  }
0xf9: {  	v8 =	vld.idx.msk [tilespmem:v8+s12+$0x0], $0xffff  }
0xfa: {  	v9 =	vor.u32 v6, v7  }
0xfb: {  	v7 =	vmov s8  }
.Ltmp10:
0xfc: {  	_ = 	snop;
	(pc) =	sbr.rel .LBB2_8-.Ltmp10, $1  }
0xfd: {  	_ =	sdelay $0x3  }
.LBB2_14:
0xfe: {  	_ = 	snop  }
.LBB2_17:
0xff: {  	_ =	sdelay $0x3  }
0x100: {  	[tilespmem:v10+s14+$0x0] =	vst.idx.msk @p0 $0xffff, v9  }
0x101: {  	v9 =	vld.idx.msk [tilespmem:v8+s15+$0x0], $0xffff;
	_ =	sdelay $0x4  }
0x102: {  	v8 =	vld.idx.msk [tilespmem:v8+s2+$0x0], $0xffff;
	v9 =	vshll.u32 v9, $0x6  }
0x103: {  	v60 =	vor.u32 v3, v9;
	_ =	sdelay $0x3  }
0x104: {  	v8 =	vshll.u32 v8, $0x6  }
0x105: {  	v11 =	vor.u32 v3, v8;
	v10 =	vld.idx.msk [tilespmem:v60+s12+$0x0], $0xffff  }
0x106: {  	v12 =	vor.u32 v4, v9;
	_ =	sdelay $0x3  }
0x107: {  	[tilespmem:v11+s14+$0x0] =	vst.idx.msk $0xffff, v10  }
0x108: {  	v61 =	vor.u32 v4, v8;
	v10 =	vld.idx.msk [tilespmem:v12+s12+$0x0], $0xffff  }
0x109: {  	v62 =	vor.u32 v5, v9;
	_ =	sdelay $0x3  }
0x10a: {  	[tilespmem:v61+s14+$0x0] =	vst.idx.msk $0xffff, v10  }
0x10b: {  	v63 =	vor.u32 v5, v8;
	v10 =	vld.idx.msk [tilespmem:v62+s12+$0x0], $0xffff  }
0x10c: {  	v9 =	vor.u32 v6, v9;
	_ =	sdelay $0x3  }
0x10d: {  	[tilespmem:v63+s14+$0x0] =	vst.idx.msk $0xffff, v10  }
0x10e: {  	v8 =	vor.u32 v6, v8;
	v9 =	vld.idx.msk [tilespmem:v9+s12+$0x0], $0xffff;
	_ =	sdelay $0x4  }
0x10f: {  	[tilespmem:v8+s14+$0x0] =	vst.idx.msk $0xffff, v9  }
.LBB2_18:
0x110: {  	s26 =	sadd.s32 $0x1, s26  }
0x111: {  	p0 =	sne.s32 s26, $0x8  }
.Ltmp11:
0x112: {  	_ = 	snop;
	(pc) =	sbr.rel @!p0 .LBB2_19-.Ltmp11, $1  }
0x113: {  	_ =	sdelay $0x3  }
.LBB2_12:
0x114: {  	_ =	sdelay $0x3  }
0x115: {  	s6 =	sshll.u32 s26, $0x4;
	v8 =	vld.idx.msk [tilespmem:v1+s11+$0x0], $0xffff  }
0x116: {  	v9 =	vld.idx.msk [tilespmem:v7+s6+$0x0 ss:$0x1], $0xffff;
	_ =	sdelay $0x4  }
0x117: {  	vm0 =	vlt.s32 v8, v9  }
0x118: {  	v8 =	vsel vm0, $0x40, v2  }
0x119: {  	v10 =	vor.u32 $0x1F, v8;
	_ =	sdelay $0x4  }
0x11a: {  	v10 =	vld.idx.msk [tilespmem:v10+s11+$0x0], $0xffff;
	_ =	sdelay $0x4  }
0x11b: {  	v11 =	vor.u32 $0x20, v8;
	vm0 =	vlt.s32 v10, v9  }
0x11c: {  	v8 =	vsel vm0, v11, v8  }
0x11d: {  	v10 =	vor.u32 $0xF, v8;
	_ =	sdelay $0x4  }
0x11e: {  	v10 =	vld.idx.msk [tilespmem:v10+s11+$0x0], $0xffff;
	_ =	sdelay $0x4  }
0x11f: {  	v11 =	vor.u32 $0x10, v8;
	vm0 =	vlt.s32 v10, v9  }
0x120: {  	v8 =	vsel vm0, v11, v8  }
0x121: {  	v10 =	vor.u32 $0x7, v8;
	_ =	sdelay $0x4  }
0x122: {  	v10 =	vld.idx.msk [tilespmem:v10+s11+$0x0], $0xffff;
	_ =	sdelay $0x4  }
0x123: {  	v11 =	vor.u32 $0x8, v8;
	vm0 =	vlt.s32 v10, v9  }
0x124: {  	v8 =	vsel vm0, v11, v8  }
0x125: {  	v10 =	vadd.s32 $0x3, v8;
	_ =	sdelay $0x4  }
0x126: {  	v10 =	vld.idx.msk [tilespmem:v10+s11+$0x0], $0xffff;
	_ =	sdelay $0x4  }
0x127: {  	v11 =	vadd.s32 $0x4, v8;
	vm0 =	vlt.s32 v10, v9  }
0x128: {  	v8 =	vsel vm0, v11, v8  }
0x129: {  	v10 =	vadd.s32 $0x1, v8;
	_ =	sdelay $0x4  }
0x12a: {  	v10 =	vld.idx.msk [tilespmem:v10+s11+$0x0], $0xffff;
	_ =	sdelay $0x4  }
0x12b: {  	v11 =	vadd.s32 $0x2, v8;
	vm0 =	vlt.s32 v10, v9  }
0x12c: {  	v8 =	vsel vm0, v11, v8;
	_ =	sdelay $0x4  }
0x12d: {  	v10 =	vld.idx.msk [tilespmem:v8+s11+$0x0], $0xffff;
	_ =	sdelay $0x4  }
0x12e: {  	vm0 =	vlt.s32 v10, v9  }
0x12f: {  	v10 =	vsel vm0, $0x1, v2  }
0x130: {  	v8 =	vadd.s32 v10, v8  }
0x131: {  	v10 =	vmin.u32 v8, $0x7F;
	_ =	sdelay $0x4  }
0x132: {  	v10 =	vld.idx.msk [tilespmem:v10+s11+$0x0], $0xffff;
	_ =	sdelay $0x4  }
0x133: {  	vm1 =	vlt.u32 v8, $0x80;
	vm0 =	veq.s32 v10, v9  }
0x134: {  	vm0 =	vmand vm0, vm1  }
0x135: {  	v9 =	vsel vm0, $0x1, v2  }
0x136: {  	(xrf0) =	vadd.scan.msk.s32 $0xffff, v9;
	_ =	sdelay $0x5  }
0x137: {  	v9, _, _ =	vpop (xrf0)  }
0x138: {  	(v2sf) =	vpush v9, $0xF;
	_ =	sdelay $0xe  }
0x139: {  	s29 =	spop (v2sf)  }
0x13a: {  	p0 =	slt.s32 s29, $0x1  }
.Ltmp12:
0x13b: {  	_ = 	snop;
	(pc) =	sbr.rel @p0 .LBB2_18-.Ltmp12, $1  }
0x13c: {  	_ =	sdelay $0x3  }
0x13d: {  	p1 =	sne.s32 s29, $0x1  }
.Ltmp13:
0x13e: {  	_ = 	snop;
	(pc) =	sbr.rel @!p1 .LBB2_14-.Ltmp13, $4  }
0x13f: {  	s6 =	sor.u32 $0x80, s6  }
0x140: {  	v9 =	vor.u32 s6, v3  }
0x141: {  	s31 =	simm.s32 $0x0;
	[tilespmem:s2+$0x0] =	vst.msk vm0, v9  }
0x142: {  	s8 =	simm.s32 $0x1;
	p0 =	por $0x0, $0x0;
	[tilespmem:s15+$0x0] =	vst.msk vm0, v8;
	v8 =	vmov s31  }
0x143: {  	_ =	sdelay $0x3  }
0x144: {  	v9 =	vld.idx.msk [tilespmem:v8+s15+$0x0], $0xffff;
	_ =	sdelay $0x4  }
0x145: {  	v8 =	vld.idx.msk [tilespmem:v8+s2+$0x0], $0xffff;
	v9 =	vshll.u32 v9, $0x6  }
0x146: {  	v10 =	vor.u32 v3, v9;
	_ =	sdelay $0x3  }
0x147: {  	v8 =	vshll.u32 v8, $0x6  }
0x148: {  	v11 =	vor.u32 v3, v8;
	v10 =	vld.idx.msk [tilespmem:v10+s12+$0x0], $0xffff  }
0x149: {  	v12 =	vor.u32 v4, v9;
	_ =	sdelay $0x3  }
0x14a: {  	[tilespmem:v11+s14+$0x0] =	vst.idx.msk $0xffff, v10  }
0x14b: {  	v11 =	vor.u32 v4, v8;
	v10 =	vld.idx.msk [tilespmem:v12+s12+$0x0], $0xffff  }
0x14c: {  	v63 =	vor.u32 v5, v9;
	_ =	sdelay $0x3  }
0x14d: {  	[tilespmem:v11+s14+$0x0] =	vst.idx.msk $0xffff, v10  }
0x14e: {  	v11 =	vor.u32 v5, v8;
	v10 =	vld.idx.msk [tilespmem:v63+s12+$0x0], $0xffff  }
0x14f: {  	v9 =	vor.u32 v6, v9;
	_ =	sdelay $0x3  }
0x150: {  	p1 =	sne.s32 s29, $0x2;
	[tilespmem:v11+s14+$0x0] =	vst.idx.msk $0xffff, v10  }
.Ltmp14:
0x151: {  	v10 =	vor.u32 v6, v8;
	v9 =	vld.idx.msk [tilespmem:v9+s12+$0x0], $0xffff;
	(pc) =	sbr.rel @!p1 .LBB2_17-.Ltmp14, $2  }
0x152: {  	v8 =	vmov s8;
	_ =	sdelay $0x2  }
0x153: {  	s6 =	simm.s32 $0x2;
	p0 =	por $0x1, $0x1  }
.LBB2_16:
0x154: {  	[tilespmem:v10+s14+$0x0] =	vst.idx.msk $0xffff, v9;
	s8 =	smov.u32 s6;
	s6 =	sadd.s32 $0x1, s6  }
0x155: {  	p1 =	sne.s32 s29, s6;
	v9 =	vld.idx.msk [tilespmem:v8+s15+$0x0], $0xffff;
	_ =	sdelay $0x5  }
0x156: {  	v9 =	vshll.u32 v9, $0x6;
	v8 =	vld.idx.msk [tilespmem:v8+s2+$0x0], $0xffff  }
0x157: {  	v10 =	vor.u32 v3, v9;
	_ =	sdelay $0x4  }
0x158: {  	v8 =	vshll.u32 v8, $0x6;
	v10 =	vld.idx.msk [tilespmem:v10+s12+$0x0], $0xffff  }
0x159: {  	v11 =	vor.u32 v3, v8  }
0x15a: {  	v12 =	vor.u32 v4, v9;
	_ =	sdelay $0x3  }
0x15b: {  	[tilespmem:v11+s14+$0x0] =	vst.idx.msk $0xffff, v10  }
0x15c: {  	v10 =	vld.idx.msk [tilespmem:v12+s12+$0x0], $0xffff  }
0x15d: {  	v11 =	vor.u32 v4, v8  }
0x15e: {  	v12 =	vor.u32 v5, v9;
	_ =	sdelay $0x3  }
0x15f: {  	[tilespmem:v11+s14+$0x0] =	vst.idx.msk $0xffff, v10  }
0x160: {  	v10 =	vld.idx.msk [tilespmem:v12+s12+$0x0], $0xffff  }
0x161: {  	v11 =	vor.u32 v5, v8  }
0x162: {  	v9 =	vor.u32 v6, v9;
	_ =	sdelay $0x2  }
.Ltmp15:
0x163: {  	(pc) =	sbr.rel @p1 .LBB2_16-.Ltmp15, $4  }
0x164: {  	[tilespmem:v11+s14+$0x0] =	vst.idx.msk $0xffff, v10  }
0x165: {  	v9 =	vld.idx.msk [tilespmem:v9+s12+$0x0], $0xffff  }
0x166: {  	v10 =	vor.u32 v6, v8  }
0x167: {  	v8 =	vmov s8  }
.Ltmp16:
0x168: {  	_ = 	snop;
	(pc) =	sbr.rel .LBB2_17-.Ltmp16, $1  }
0x169: {  	_ =	sdelay $0x3  }
.LBB2_19:
0x16a: {  	v7 =	vld [tilespmem:s24+$0x100]  }
0x16b: {  	v8 =	vld [tilespmem:s24+$0x110];
	_ =	sdelay $0x1  }
0x16c: {  	v9 =	vld [tilespmem:s24+$0x120];
	_ =	sdelay $0x1  }
0x16d: {  	v10 =	vld [tilespmem:s24+$0x130]  }
0x16e: {  	vm0 =	vgt.s32 v7, v8  }
0x16f: {  	v12 =	vld [tilespmem:s24+$0x140];
	v11 =	vsel vm0, v8, v7  }
0x170: {  	v7 =	vsel vm0, v7, v8;
	vm4 =	vlt.s32 v11, v9  }
0x171: {  	v61 =	vld [tilespmem:s24+$0x150];
	vm5 =	vgt.s32 v7, v9;
	v8 =	vsel vm4, v11, v9  }
0x172: {  	v7 =	vsel vm5, v7, v9;
	vm6 =	vlt.s32 v8, v10  }
0x173: {  	v62 =	vld [tilespmem:s24+$0x160];
	vm7 =	vgt.s32 v7, v10;
	v8 =	vsel vm6, v8, v10  }
0x174: {  	v7 =	vsel vm7, v7, v10;
	vm8 =	vlt.s32 v8, v12  }
0x175: {  	v63 =	vld [tilespmem:s24+$0x170];
	vm9 =	vgt.s32 v7, v12;
	v8 =	vsel vm8, v8, v12  }
0x176: {  	v7 =	vsel vm9, v7, v12;
	vm10 =	vlt.s32 v8, v61  }
0x177: {  	vm11 =	vgt.s32 v7, v61;
	v8 =	vsel vm10, v8, v61  }
0x178: {  	v7 =	vsel vm11, v7, v61;
	vm12 =	vlt.s32 v8, v62  }
0x179: {  	vm13 =	vgt.s32 v7, v62;
	v8 =	vsel vm12, v8, v62  }
0x17a: {  	v7 =	vsel vm13, v7, v62;
	vm14 =	vlt.s32 v8, v63  }
0x17b: {  	vm15 =	vgt.s32 v7, v63;
	v8 =	vsel vm14, v8, v63  }
0x17c: {  	v7 =	vsel vm15, v7, v63;
	v8 =	vxor.u32 $0x80000000, v8  }
0x17d: {  	v7 =	vxor.u32 $0x80000000, v7;
	(xrf0) =	vmin.scan.msk.u32 $0xffff, v8  }
0x17e: {  	(xrf0) =	vmax.scan.msk.u32 $0xffff, v7;
	_ =	sdelay $0x4  }
0x17f: {  	v7, _, _ =	vpop (xrf0)  }
0x180: {  	(v2sf) =	vpush v7, $0xF;
	v7, _, _ =	vpop (xrf0)  }
0x181: {  	(v2sf) =	vpush v7, $0xF;
	_ =	sdelay $0xd  }
0x182: {  	s6 =	spop (v2sf)  }
0x183: {  	p0 =	sgt.u32 s6, s21;
	s6 =	spop (v2sf)  }
0x184: {  	p1 =	slt.u32 @!p0 s6, s20  }
0x185: {  	p0 =	por p0, p1  }
.Ltmp17:
0x186: {  	_ = 	snop;
	(pc) =	sbr.rel @p0 .LBB2_28-.Ltmp17, $1  }
0x187: {  	_ =	sdelay $0x3  }
.Ltmp18:
0x188: {  	(pc) =	sbr.rel .LBB2_21-.Ltmp18, $3  }
0x189: {  	_ =	sdelay $0x1  }
0x18a: {  	s6 =	sadd.s32 $0x100, s24  }
0x18b: {  	s26 =	simm.s32 $0x0;
	v7 =	vmov s6  }
.LBB2_23:
0x18c: {  	_ = 	snop  }
.LBB2_26:
0x18d: {  	_ =	sdelay $0x3  }
0x18e: {  	[tilespmem:v10+s14+$0x0] =	vst.idx.msk @p0 $0xffff, v9  }
0x18f: {  	v9 =	vld.idx.msk [tilespmem:v8+s15+$0x0], $0xffff;
	_ =	sdelay $0x4  }
0x190: {  	v8 =	vld.idx.msk [tilespmem:v8+s2+$0x0], $0xffff;
	v9 =	vshll.u32 v9, $0x6  }
0x191: {  	v60 =	vor.u32 v3, v9;
	_ =	sdelay $0x3  }
0x192: {  	v8 =	vshll.u32 v8, $0x6  }
0x193: {  	v11 =	vor.u32 v3, v8;
	v10 =	vld.idx.msk [tilespmem:v60+s12+$0x0], $0xffff  }
0x194: {  	v12 =	vor.u32 v4, v9;
	_ =	sdelay $0x3  }
0x195: {  	[tilespmem:v11+s14+$0x0] =	vst.idx.msk $0xffff, v10  }
0x196: {  	v61 =	vor.u32 v4, v8;
	v10 =	vld.idx.msk [tilespmem:v12+s12+$0x0], $0xffff  }
0x197: {  	v62 =	vor.u32 v5, v9;
	_ =	sdelay $0x3  }
0x198: {  	[tilespmem:v61+s14+$0x0] =	vst.idx.msk $0xffff, v10  }
0x199: {  	v63 =	vor.u32 v5, v8;
	v10 =	vld.idx.msk [tilespmem:v62+s12+$0x0], $0xffff  }
0x19a: {  	v9 =	vor.u32 v6, v9;
	_ =	sdelay $0x3  }
0x19b: {  	[tilespmem:v63+s14+$0x0] =	vst.idx.msk $0xffff, v10  }
0x19c: {  	v8 =	vor.u32 v6, v8;
	v9 =	vld.idx.msk [tilespmem:v9+s12+$0x0], $0xffff;
	_ =	sdelay $0x4  }
0x19d: {  	[tilespmem:v8+s14+$0x0] =	vst.idx.msk $0xffff, v9  }
.LBB2_27:
0x19e: {  	s26 =	sadd.s32 $0x1, s26  }
0x19f: {  	p0 =	sne.s32 s26, $0x8  }
.Ltmp19:
0x1a0: {  	_ = 	snop;
	(pc) =	sbr.rel @!p0 .LBB2_28-.Ltmp19, $1  }
0x1a1: {  	_ =	sdelay $0x3  }
.LBB2_21:
0x1a2: {  	_ =	sdelay $0x3  }
0x1a3: {  	s6 =	sshll.u32 s26, $0x4;
	v8 =	vld.idx.msk [tilespmem:v1+s11+$0x0], $0xffff  }
0x1a4: {  	v9 =	vld.idx.msk [tilespmem:v7+s6+$0x0 ss:$0x1], $0xffff;
	_ =	sdelay $0x4  }
0x1a5: {  	vm0 =	vlt.s32 v8, v9  }
0x1a6: {  	v8 =	vsel vm0, $0x40, v2  }
0x1a7: {  	v10 =	vor.u32 $0x1F, v8;
	_ =	sdelay $0x4  }
0x1a8: {  	v10 =	vld.idx.msk [tilespmem:v10+s11+$0x0], $0xffff;
	_ =	sdelay $0x4  }
0x1a9: {  	v11 =	vor.u32 $0x20, v8;
	vm0 =	vlt.s32 v10, v9  }
0x1aa: {  	v8 =	vsel vm0, v11, v8  }
0x1ab: {  	v10 =	vor.u32 $0xF, v8;
	_ =	sdelay $0x4  }
0x1ac: {  	v10 =	vld.idx.msk [tilespmem:v10+s11+$0x0], $0xffff;
	_ =	sdelay $0x4  }
0x1ad: {  	v11 =	vor.u32 $0x10, v8;
	vm0 =	vlt.s32 v10, v9  }
0x1ae: {  	v8 =	vsel vm0, v11, v8  }
0x1af: {  	v10 =	vor.u32 $0x7, v8;
	_ =	sdelay $0x4  }
0x1b0: {  	v10 =	vld.idx.msk [tilespmem:v10+s11+$0x0], $0xffff;
	_ =	sdelay $0x4  }
0x1b1: {  	v11 =	vor.u32 $0x8, v8;
	vm0 =	vlt.s32 v10, v9  }
0x1b2: {  	v8 =	vsel vm0, v11, v8  }
0x1b3: {  	v10 =	vadd.s32 $0x3, v8;
	_ =	sdelay $0x4  }
0x1b4: {  	v10 =	vld.idx.msk [tilespmem:v10+s11+$0x0], $0xffff;
	_ =	sdelay $0x4  }
0x1b5: {  	v11 =	vadd.s32 $0x4, v8;
	vm0 =	vlt.s32 v10, v9  }
0x1b6: {  	v8 =	vsel vm0, v11, v8  }
0x1b7: {  	v10 =	vadd.s32 $0x1, v8;
	_ =	sdelay $0x4  }
0x1b8: {  	v10 =	vld.idx.msk [tilespmem:v10+s11+$0x0], $0xffff;
	_ =	sdelay $0x4  }
0x1b9: {  	v11 =	vadd.s32 $0x2, v8;
	vm0 =	vlt.s32 v10, v9  }
0x1ba: {  	v8 =	vsel vm0, v11, v8;
	_ =	sdelay $0x4  }
0x1bb: {  	v10 =	vld.idx.msk [tilespmem:v8+s11+$0x0], $0xffff;
	_ =	sdelay $0x4  }
0x1bc: {  	vm0 =	vlt.s32 v10, v9  }
0x1bd: {  	v10 =	vsel vm0, $0x1, v2  }
0x1be: {  	v8 =	vadd.s32 v10, v8  }
0x1bf: {  	v10 =	vmin.u32 v8, $0x7F;
	_ =	sdelay $0x4  }
0x1c0: {  	v10 =	vld.idx.msk [tilespmem:v10+s11+$0x0], $0xffff;
	_ =	sdelay $0x4  }
0x1c1: {  	vm1 =	vlt.u32 v8, $0x80;
	vm0 =	veq.s32 v10, v9  }
0x1c2: {  	vm0 =	vmand vm0, vm1  }
0x1c3: {  	v9 =	vsel vm0, $0x1, v2  }
0x1c4: {  	(xrf0) =	vadd.scan.msk.s32 $0xffff, v9;
	_ =	sdelay $0x5  }
0x1c5: {  	v9, _, _ =	vpop (xrf0)  }
0x1c6: {  	(v2sf) =	vpush v9, $0xF;
	_ =	sdelay $0xe  }
0x1c7: {  	s29 =	spop (v2sf)  }
0x1c8: {  	p0 =	slt.s32 s29, $0x1  }
.Ltmp20:
0x1c9: {  	_ = 	snop;
	(pc) =	sbr.rel @p0 .LBB2_27-.Ltmp20, $1  }
0x1ca: {  	_ =	sdelay $0x3  }
0x1cb: {  	p1 =	sne.s32 s29, $0x1  }
.Ltmp21:
0x1cc: {  	_ = 	snop;
	(pc) =	sbr.rel @!p1 .LBB2_23-.Ltmp21, $4  }
0x1cd: {  	s6 =	sor.u32 $0x100, s6  }
0x1ce: {  	v9 =	vor.u32 s6, v3  }
0x1cf: {  	s31 =	simm.s32 $0x0;
	[tilespmem:s2+$0x0] =	vst.msk vm0, v9  }
0x1d0: {  	s8 =	simm.s32 $0x1;
	p0 =	por $0x0, $0x0;
	[tilespmem:s15+$0x0] =	vst.msk vm0, v8;
	v8 =	vmov s31  }
0x1d1: {  	_ =	sdelay $0x3  }
0x1d2: {  	v9 =	vld.idx.msk [tilespmem:v8+s15+$0x0], $0xffff;
	_ =	sdelay $0x4  }
0x1d3: {  	v8 =	vld.idx.msk [tilespmem:v8+s2+$0x0], $0xffff;
	v9 =	vshll.u32 v9, $0x6  }
0x1d4: {  	v10 =	vor.u32 v3, v9;
	_ =	sdelay $0x3  }
0x1d5: {  	v8 =	vshll.u32 v8, $0x6  }
0x1d6: {  	v11 =	vor.u32 v3, v8;
	v10 =	vld.idx.msk [tilespmem:v10+s12+$0x0], $0xffff  }
0x1d7: {  	v12 =	vor.u32 v4, v9;
	_ =	sdelay $0x3  }
0x1d8: {  	[tilespmem:v11+s14+$0x0] =	vst.idx.msk $0xffff, v10  }
0x1d9: {  	v11 =	vor.u32 v4, v8;
	v10 =	vld.idx.msk [tilespmem:v12+s12+$0x0], $0xffff  }
0x1da: {  	v63 =	vor.u32 v5, v9;
	_ =	sdelay $0x3  }
0x1db: {  	[tilespmem:v11+s14+$0x0] =	vst.idx.msk $0xffff, v10  }
0x1dc: {  	v11 =	vor.u32 v5, v8;
	v10 =	vld.idx.msk [tilespmem:v63+s12+$0x0], $0xffff  }
0x1dd: {  	v9 =	vor.u32 v6, v9;
	_ =	sdelay $0x3  }
0x1de: {  	p1 =	sne.s32 s29, $0x2;
	[tilespmem:v11+s14+$0x0] =	vst.idx.msk $0xffff, v10  }
.Ltmp22:
0x1df: {  	v10 =	vor.u32 v6, v8;
	v9 =	vld.idx.msk [tilespmem:v9+s12+$0x0], $0xffff;
	(pc) =	sbr.rel @!p1 .LBB2_26-.Ltmp22, $2  }
0x1e0: {  	v8 =	vmov s8;
	_ =	sdelay $0x2  }
0x1e1: {  	s6 =	simm.s32 $0x2;
	p0 =	por $0x1, $0x1  }
.LBB2_25:
0x1e2: {  	[tilespmem:v10+s14+$0x0] =	vst.idx.msk $0xffff, v9;
	s8 =	smov.u32 s6;
	s6 =	sadd.s32 $0x1, s6  }
0x1e3: {  	p1 =	sne.s32 s29, s6;
	v9 =	vld.idx.msk [tilespmem:v8+s15+$0x0], $0xffff;
	_ =	sdelay $0x5  }
0x1e4: {  	v9 =	vshll.u32 v9, $0x6;
	v8 =	vld.idx.msk [tilespmem:v8+s2+$0x0], $0xffff  }
0x1e5: {  	v10 =	vor.u32 v3, v9;
	_ =	sdelay $0x4  }
0x1e6: {  	v8 =	vshll.u32 v8, $0x6;
	v10 =	vld.idx.msk [tilespmem:v10+s12+$0x0], $0xffff  }
0x1e7: {  	v11 =	vor.u32 v3, v8  }
0x1e8: {  	v12 =	vor.u32 v4, v9;
	_ =	sdelay $0x3  }
0x1e9: {  	[tilespmem:v11+s14+$0x0] =	vst.idx.msk $0xffff, v10  }
0x1ea: {  	v10 =	vld.idx.msk [tilespmem:v12+s12+$0x0], $0xffff  }
0x1eb: {  	v11 =	vor.u32 v4, v8  }
0x1ec: {  	v12 =	vor.u32 v5, v9;
	_ =	sdelay $0x3  }
0x1ed: {  	[tilespmem:v11+s14+$0x0] =	vst.idx.msk $0xffff, v10  }
0x1ee: {  	v10 =	vld.idx.msk [tilespmem:v12+s12+$0x0], $0xffff  }
0x1ef: {  	v11 =	vor.u32 v5, v8  }
0x1f0: {  	v9 =	vor.u32 v6, v9;
	_ =	sdelay $0x2  }
.Ltmp23:
0x1f1: {  	(pc) =	sbr.rel @p1 .LBB2_25-.Ltmp23, $4  }
0x1f2: {  	[tilespmem:v11+s14+$0x0] =	vst.idx.msk $0xffff, v10  }
0x1f3: {  	v9 =	vld.idx.msk [tilespmem:v9+s12+$0x0], $0xffff  }
0x1f4: {  	v10 =	vor.u32 v6, v8  }
0x1f5: {  	v8 =	vmov s8  }
.Ltmp24:
0x1f6: {  	_ = 	snop;
	(pc) =	sbr.rel .LBB2_26-.Ltmp24, $1  }
0x1f7: {  	_ =	sdelay $0x3  }
.LBB2_28:
0x1f8: {  	v7 =	vld [tilespmem:s24+$0x180]  }
0x1f9: {  	v8 =	vld [tilespmem:s24+$0x190];
	_ =	sdelay $0x1  }
0x1fa: {  	v9 =	vld [tilespmem:s24+$0x1A0];
	_ =	sdelay $0x1  }
0x1fb: {  	v10 =	vld [tilespmem:s24+$0x1B0]  }
0x1fc: {  	vm0 =	vgt.s32 v7, v8  }
0x1fd: {  	v12 =	vld [tilespmem:s24+$0x1C0];
	v11 =	vsel vm0, v8, v7  }
0x1fe: {  	v7 =	vsel vm0, v7, v8;
	vm4 =	vlt.s32 v11, v9  }
0x1ff: {  	v61 =	vld [tilespmem:s24+$0x1D0];
	vm5 =	vgt.s32 v7, v9;
	v8 =	vsel vm4, v11, v9  }
0x200: {  	v7 =	vsel vm5, v7, v9;
	vm6 =	vlt.s32 v8, v10  }
0x201: {  	v62 =	vld [tilespmem:s24+$0x1E0];
	vm7 =	vgt.s32 v7, v10;
	v8 =	vsel vm6, v8, v10  }
0x202: {  	v7 =	vsel vm7, v7, v10;
	vm8 =	vlt.s32 v8, v12  }
0x203: {  	v63 =	vld [tilespmem:s24+$0x1F0];
	vm9 =	vgt.s32 v7, v12;
	v8 =	vsel vm8, v8, v12  }
0x204: {  	v7 =	vsel vm9, v7, v12;
	vm10 =	vlt.s32 v8, v61  }
0x205: {  	vm11 =	vgt.s32 v7, v61;
	v8 =	vsel vm10, v8, v61  }
0x206: {  	v7 =	vsel vm11, v7, v61;
	vm12 =	vlt.s32 v8, v62  }
0x207: {  	vm13 =	vgt.s32 v7, v62;
	v8 =	vsel vm12, v8, v62  }
0x208: {  	v7 =	vsel vm13, v7, v62;
	vm14 =	vlt.s32 v8, v63  }
0x209: {  	vm15 =	vgt.s32 v7, v63;
	v8 =	vsel vm14, v8, v63  }
0x20a: {  	v7 =	vsel vm15, v7, v63;
	v8 =	vxor.u32 $0x80000000, v8  }
0x20b: {  	v7 =	vxor.u32 $0x80000000, v7;
	(xrf0) =	vmin.scan.msk.u32 $0xffff, v8  }
0x20c: {  	(xrf0) =	vmax.scan.msk.u32 $0xffff, v7;
	_ =	sdelay $0x4  }
0x20d: {  	v7, _, _ =	vpop (xrf0)  }
0x20e: {  	(v2sf) =	vpush v7, $0xF;
	v7, _, _ =	vpop (xrf0)  }
0x20f: {  	(v2sf) =	vpush v7, $0xF;
	_ =	sdelay $0xd  }
0x210: {  	s6 =	spop (v2sf)  }
0x211: {  	p0 =	sgt.u32 s6, s21;
	s6 =	spop (v2sf)  }
0x212: {  	p1 =	slt.u32 @!p0 s6, s20  }
0x213: {  	p0 =	por p0, p1  }
.Ltmp25:
0x214: {  	_ = 	snop;
	(pc) =	sbr.rel @p0 .LBB2_37-.Ltmp25, $1  }
0x215: {  	_ =	sdelay $0x3  }
.Ltmp26:
0x216: {  	(pc) =	sbr.rel .LBB2_30-.Ltmp26, $3  }
0x217: {  	_ =	sdelay $0x1  }
0x218: {  	s6 =	sadd.s32 $0x180, s24  }
0x219: {  	s26 =	simm.s32 $0x0;
	v7 =	vmov s6  }
.LBB2_32:
0x21a: {  	_ = 	snop  }
.LBB2_35:
0x21b: {  	_ =	sdelay $0x3  }
0x21c: {  	[tilespmem:v10+s14+$0x0] =	vst.idx.msk @p0 $0xffff, v9  }
0x21d: {  	v9 =	vld.idx.msk [tilespmem:v8+s15+$0x0], $0xffff;
	_ =	sdelay $0x4  }
0x21e: {  	v8 =	vld.idx.msk [tilespmem:v8+s2+$0x0], $0xffff;
	v9 =	vshll.u32 v9, $0x6  }
0x21f: {  	v60 =	vor.u32 v3, v9;
	_ =	sdelay $0x3  }
0x220: {  	v8 =	vshll.u32 v8, $0x6  }
0x221: {  	v11 =	vor.u32 v3, v8;
	v10 =	vld.idx.msk [tilespmem:v60+s12+$0x0], $0xffff  }
0x222: {  	v12 =	vor.u32 v4, v9;
	_ =	sdelay $0x3  }
0x223: {  	[tilespmem:v11+s14+$0x0] =	vst.idx.msk $0xffff, v10  }
0x224: {  	v61 =	vor.u32 v4, v8;
	v10 =	vld.idx.msk [tilespmem:v12+s12+$0x0], $0xffff  }
0x225: {  	v62 =	vor.u32 v5, v9;
	_ =	sdelay $0x3  }
0x226: {  	[tilespmem:v61+s14+$0x0] =	vst.idx.msk $0xffff, v10  }
0x227: {  	v63 =	vor.u32 v5, v8;
	v10 =	vld.idx.msk [tilespmem:v62+s12+$0x0], $0xffff  }
0x228: {  	v9 =	vor.u32 v6, v9;
	_ =	sdelay $0x3  }
0x229: {  	[tilespmem:v63+s14+$0x0] =	vst.idx.msk $0xffff, v10  }
0x22a: {  	v8 =	vor.u32 v6, v8;
	v9 =	vld.idx.msk [tilespmem:v9+s12+$0x0], $0xffff;
	_ =	sdelay $0x4  }
0x22b: {  	[tilespmem:v8+s14+$0x0] =	vst.idx.msk $0xffff, v9  }
.LBB2_36:
0x22c: {  	s26 =	sadd.s32 $0x1, s26  }
0x22d: {  	p0 =	sne.s32 s26, $0x8  }
.Ltmp27:
0x22e: {  	_ = 	snop;
	(pc) =	sbr.rel @!p0 .LBB2_37-.Ltmp27, $1  }
0x22f: {  	_ =	sdelay $0x3  }
.LBB2_30:
0x230: {  	_ =	sdelay $0x3  }
0x231: {  	s6 =	sshll.u32 s26, $0x4;
	v8 =	vld.idx.msk [tilespmem:v1+s11+$0x0], $0xffff  }
0x232: {  	v9 =	vld.idx.msk [tilespmem:v7+s6+$0x0 ss:$0x1], $0xffff;
	_ =	sdelay $0x4  }
0x233: {  	vm0 =	vlt.s32 v8, v9  }
0x234: {  	v8 =	vsel vm0, $0x40, v2  }
0x235: {  	v10 =	vor.u32 $0x1F, v8;
	_ =	sdelay $0x4  }
0x236: {  	v10 =	vld.idx.msk [tilespmem:v10+s11+$0x0], $0xffff;
	_ =	sdelay $0x4  }
0x237: {  	v11 =	vor.u32 $0x20, v8;
	vm0 =	vlt.s32 v10, v9  }
0x238: {  	v8 =	vsel vm0, v11, v8  }
0x239: {  	v10 =	vor.u32 $0xF, v8;
	_ =	sdelay $0x4  }
0x23a: {  	v10 =	vld.idx.msk [tilespmem:v10+s11+$0x0], $0xffff;
	_ =	sdelay $0x4  }
0x23b: {  	v11 =	vor.u32 $0x10, v8;
	vm0 =	vlt.s32 v10, v9  }
0x23c: {  	v8 =	vsel vm0, v11, v8  }
0x23d: {  	v10 =	vor.u32 $0x7, v8;
	_ =	sdelay $0x4  }
0x23e: {  	v10 =	vld.idx.msk [tilespmem:v10+s11+$0x0], $0xffff;
	_ =	sdelay $0x4  }
0x23f: {  	v11 =	vor.u32 $0x8, v8;
	vm0 =	vlt.s32 v10, v9  }
0x240: {  	v8 =	vsel vm0, v11, v8  }
0x241: {  	v10 =	vadd.s32 $0x3, v8;
	_ =	sdelay $0x4  }
0x242: {  	v10 =	vld.idx.msk [tilespmem:v10+s11+$0x0], $0xffff;
	_ =	sdelay $0x4  }
0x243: {  	v11 =	vadd.s32 $0x4, v8;
	vm0 =	vlt.s32 v10, v9  }
0x244: {  	v8 =	vsel vm0, v11, v8  }
0x245: {  	v10 =	vadd.s32 $0x1, v8;
	_ =	sdelay $0x4  }
0x246: {  	v10 =	vld.idx.msk [tilespmem:v10+s11+$0x0], $0xffff;
	_ =	sdelay $0x4  }
0x247: {  	v11 =	vadd.s32 $0x2, v8;
	vm0 =	vlt.s32 v10, v9  }
0x248: {  	v8 =	vsel vm0, v11, v8;
	_ =	sdelay $0x4  }
0x249: {  	v10 =	vld.idx.msk [tilespmem:v8+s11+$0x0], $0xffff;
	_ =	sdelay $0x4  }
0x24a: {  	vm0 =	vlt.s32 v10, v9  }
0x24b: {  	v10 =	vsel vm0, $0x1, v2  }
0x24c: {  	v8 =	vadd.s32 v10, v8  }
0x24d: {  	v10 =	vmin.u32 v8, $0x7F;
	_ =	sdelay $0x4  }
0x24e: {  	v10 =	vld.idx.msk [tilespmem:v10+s11+$0x0], $0xffff;
	_ =	sdelay $0x4  }
0x24f: {  	vm1 =	vlt.u32 v8, $0x80;
	vm0 =	veq.s32 v10, v9  }
0x250: {  	vm0 =	vmand vm0, vm1  }
0x251: {  	v9 =	vsel vm0, $0x1, v2  }
0x252: {  	(xrf0) =	vadd.scan.msk.s32 $0xffff, v9;
	_ =	sdelay $0x5  }
0x253: {  	v9, _, _ =	vpop (xrf0)  }
0x254: {  	(v2sf) =	vpush v9, $0xF;
	_ =	sdelay $0xe  }
0x255: {  	s29 =	spop (v2sf)  }
0x256: {  	p0 =	slt.s32 s29, $0x1  }
.Ltmp28:
0x257: {  	_ = 	snop;
	(pc) =	sbr.rel @p0 .LBB2_36-.Ltmp28, $1  }
0x258: {  	_ =	sdelay $0x3  }
0x259: {  	p1 =	sne.s32 s29, $0x1  }
.Ltmp29:
0x25a: {  	_ = 	snop;
	(pc) =	sbr.rel @!p1 .LBB2_32-.Ltmp29, $4  }
0x25b: {  	s6 =	sor.u32 $0x180, s6  }
0x25c: {  	v9 =	vor.u32 s6, v3  }
0x25d: {  	s31 =	simm.s32 $0x0;
	[tilespmem:s2+$0x0] =	vst.msk vm0, v9  }
0x25e: {  	s8 =	simm.s32 $0x1;
	p0 =	por $0x0, $0x0;
	[tilespmem:s15+$0x0] =	vst.msk vm0, v8;
	v8 =	vmov s31  }
0x25f: {  	_ =	sdelay $0x3  }
0x260: {  	v9 =	vld.idx.msk [tilespmem:v8+s15+$0x0], $0xffff;
	_ =	sdelay $0x4  }
0x261: {  	v8 =	vld.idx.msk [tilespmem:v8+s2+$0x0], $0xffff;
	v9 =	vshll.u32 v9, $0x6  }
0x262: {  	v10 =	vor.u32 v3, v9;
	_ =	sdelay $0x3  }
0x263: {  	v8 =	vshll.u32 v8, $0x6  }
0x264: {  	v11 =	vor.u32 v3, v8;
	v10 =	vld.idx.msk [tilespmem:v10+s12+$0x0], $0xffff  }
0x265: {  	v12 =	vor.u32 v4, v9;
	_ =	sdelay $0x3  }
0x266: {  	[tilespmem:v11+s14+$0x0] =	vst.idx.msk $0xffff, v10  }
0x267: {  	v11 =	vor.u32 v4, v8;
	v10 =	vld.idx.msk [tilespmem:v12+s12+$0x0], $0xffff  }
0x268: {  	v63 =	vor.u32 v5, v9;
	_ =	sdelay $0x3  }
0x269: {  	[tilespmem:v11+s14+$0x0] =	vst.idx.msk $0xffff, v10  }
0x26a: {  	v11 =	vor.u32 v5, v8;
	v10 =	vld.idx.msk [tilespmem:v63+s12+$0x0], $0xffff  }
0x26b: {  	v9 =	vor.u32 v6, v9;
	_ =	sdelay $0x3  }
0x26c: {  	p1 =	sne.s32 s29, $0x2;
	[tilespmem:v11+s14+$0x0] =	vst.idx.msk $0xffff, v10  }
.Ltmp30:
0x26d: {  	v10 =	vor.u32 v6, v8;
	v9 =	vld.idx.msk [tilespmem:v9+s12+$0x0], $0xffff;
	(pc) =	sbr.rel @!p1 .LBB2_35-.Ltmp30, $2  }
0x26e: {  	v8 =	vmov s8;
	_ =	sdelay $0x2  }
0x26f: {  	s6 =	simm.s32 $0x2;
	p0 =	por $0x1, $0x1  }
.LBB2_34:
0x270: {  	[tilespmem:v10+s14+$0x0] =	vst.idx.msk $0xffff, v9;
	s8 =	smov.u32 s6;
	s6 =	sadd.s32 $0x1, s6  }
0x271: {  	p1 =	sne.s32 s29, s6;
	v9 =	vld.idx.msk [tilespmem:v8+s15+$0x0], $0xffff;
	_ =	sdelay $0x5  }
0x272: {  	v9 =	vshll.u32 v9, $0x6;
	v8 =	vld.idx.msk [tilespmem:v8+s2+$0x0], $0xffff  }
0x273: {  	v10 =	vor.u32 v3, v9;
	_ =	sdelay $0x4  }
0x274: {  	v8 =	vshll.u32 v8, $0x6;
	v10 =	vld.idx.msk [tilespmem:v10+s12+$0x0], $0xffff  }
0x275: {  	v11 =	vor.u32 v3, v8  }
0x276: {  	v12 =	vor.u32 v4, v9;
	_ =	sdelay $0x3  }
0x277: {  	[tilespmem:v11+s14+$0x0] =	vst.idx.msk $0xffff, v10  }
0x278: {  	v10 =	vld.idx.msk [tilespmem:v12+s12+$0x0], $0xffff  }
0x279: {  	v11 =	vor.u32 v4, v8  }
0x27a: {  	v12 =	vor.u32 v5, v9;
	_ =	sdelay $0x3  }
0x27b: {  	[tilespmem:v11+s14+$0x0] =	vst.idx.msk $0xffff, v10  }
0x27c: {  	v10 =	vld.idx.msk [tilespmem:v12+s12+$0x0], $0xffff  }
0x27d: {  	v11 =	vor.u32 v5, v8  }
0x27e: {  	v9 =	vor.u32 v6, v9;
	_ =	sdelay $0x2  }
.Ltmp31:
0x27f: {  	(pc) =	sbr.rel @p1 .LBB2_34-.Ltmp31, $4  }
0x280: {  	[tilespmem:v11+s14+$0x0] =	vst.idx.msk $0xffff, v10  }
0x281: {  	v9 =	vld.idx.msk [tilespmem:v9+s12+$0x0], $0xffff  }
0x282: {  	v10 =	vor.u32 v6, v8  }
0x283: {  	v8 =	vmov s8  }
.Ltmp32:
0x284: {  	_ = 	snop;
	(pc) =	sbr.rel .LBB2_35-.Ltmp32, $1  }
0x285: {  	_ =	sdelay $0x3  }
.LBB2_37:
0x286: {  	v7 =	vld [tilespmem:s24+$0x200]  }
0x287: {  	v8 =	vld [tilespmem:s24+$0x210];
	_ =	sdelay $0x1  }
0x288: {  	v9 =	vld [tilespmem:s24+$0x220];
	_ =	sdelay $0x1  }
0x289: {  	v10 =	vld [tilespmem:s24+$0x230]  }
0x28a: {  	vm0 =	vgt.s32 v7, v8  }
0x28b: {  	v12 =	vld [tilespmem:s24+$0x240];
	v11 =	vsel vm0, v8, v7  }
0x28c: {  	v7 =	vsel vm0, v7, v8;
	vm4 =	vlt.s32 v11, v9  }
0x28d: {  	v61 =	vld [tilespmem:s24+$0x250];
	vm5 =	vgt.s32 v7, v9;
	v8 =	vsel vm4, v11, v9  }
0x28e: {  	v7 =	vsel vm5, v7, v9;
	vm6 =	vlt.s32 v8, v10  }
0x28f: {  	v62 =	vld [tilespmem:s24+$0x260];
	vm7 =	vgt.s32 v7, v10;
	v8 =	vsel vm6, v8, v10  }
0x290: {  	v7 =	vsel vm7, v7, v10;
	vm8 =	vlt.s32 v8, v12  }
0x291: {  	v63 =	vld [tilespmem:s24+$0x270];
	vm9 =	vgt.s32 v7, v12;
	v8 =	vsel vm8, v8, v12  }
0x292: {  	v7 =	vsel vm9, v7, v12;
	vm10 =	vlt.s32 v8, v61  }
0x293: {  	vm11 =	vgt.s32 v7, v61;
	v8 =	vsel vm10, v8, v61  }
0x294: {  	v7 =	vsel vm11, v7, v61;
	vm12 =	vlt.s32 v8, v62  }
0x295: {  	vm13 =	vgt.s32 v7, v62;
	v8 =	vsel vm12, v8, v62  }
0x296: {  	v7 =	vsel vm13, v7, v62;
	vm14 =	vlt.s32 v8, v63  }
0x297: {  	vm15 =	vgt.s32 v7, v63;
	v8 =	vsel vm14, v8, v63  }
0x298: {  	v7 =	vsel vm15, v7, v63;
	v8 =	vxor.u32 $0x80000000, v8  }
0x299: {  	v7 =	vxor.u32 $0x80000000, v7;
	(xrf0) =	vmin.scan.msk.u32 $0xffff, v8  }
0x29a: {  	(xrf0) =	vmax.scan.msk.u32 $0xffff, v7;
	_ =	sdelay $0x4  }
0x29b: {  	v7, _, _ =	vpop (xrf0)  }
0x29c: {  	(v2sf) =	vpush v7, $0xF;
	v7, _, _ =	vpop (xrf0)  }
0x29d: {  	(v2sf) =	vpush v7, $0xF;
	_ =	sdelay $0xd  }
0x29e: {  	s6 =	spop (v2sf)  }
0x29f: {  	p0 =	sgt.u32 s6, s21;
	s6 =	spop (v2sf)  }
0x2a0: {  	p1 =	slt.u32 @!p0 s6, s20  }
0x2a1: {  	p0 =	por p0, p1  }
.Ltmp33:
0x2a2: {  	_ = 	snop;
	(pc) =	sbr.rel @p0 .LBB2_46-.Ltmp33, $1  }
0x2a3: {  	_ =	sdelay $0x3  }
.Ltmp34:
0x2a4: {  	(pc) =	sbr.rel .LBB2_39-.Ltmp34, $3  }
0x2a5: {  	_ =	sdelay $0x1  }
0x2a6: {  	s6 =	sadd.s32 $0x200, s24  }
0x2a7: {  	s26 =	simm.s32 $0x0;
	v7 =	vmov s6  }
.LBB2_41:
0x2a8: {  	_ = 	snop  }
.LBB2_44:
0x2a9: {  	_ =	sdelay $0x3  }
0x2aa: {  	[tilespmem:v10+s14+$0x0] =	vst.idx.msk @p0 $0xffff, v9  }
0x2ab: {  	v9 =	vld.idx.msk [tilespmem:v8+s15+$0x0], $0xffff;
	_ =	sdelay $0x4  }
0x2ac: {  	v8 =	vld.idx.msk [tilespmem:v8+s2+$0x0], $0xffff;
	v9 =	vshll.u32 v9, $0x6  }
0x2ad: {  	v60 =	vor.u32 v3, v9;
	_ =	sdelay $0x3  }
0x2ae: {  	v8 =	vshll.u32 v8, $0x6  }
0x2af: {  	v11 =	vor.u32 v3, v8;
	v10 =	vld.idx.msk [tilespmem:v60+s12+$0x0], $0xffff  }
0x2b0: {  	v12 =	vor.u32 v4, v9;
	_ =	sdelay $0x3  }
0x2b1: {  	[tilespmem:v11+s14+$0x0] =	vst.idx.msk $0xffff, v10  }
0x2b2: {  	v61 =	vor.u32 v4, v8;
	v10 =	vld.idx.msk [tilespmem:v12+s12+$0x0], $0xffff  }
0x2b3: {  	v62 =	vor.u32 v5, v9;
	_ =	sdelay $0x3  }
0x2b4: {  	[tilespmem:v61+s14+$0x0] =	vst.idx.msk $0xffff, v10  }
0x2b5: {  	v63 =	vor.u32 v5, v8;
	v10 =	vld.idx.msk [tilespmem:v62+s12+$0x0], $0xffff  }
0x2b6: {  	v9 =	vor.u32 v6, v9;
	_ =	sdelay $0x3  }
0x2b7: {  	[tilespmem:v63+s14+$0x0] =	vst.idx.msk $0xffff, v10  }
0x2b8: {  	v8 =	vor.u32 v6, v8;
	v9 =	vld.idx.msk [tilespmem:v9+s12+$0x0], $0xffff;
	_ =	sdelay $0x4  }
0x2b9: {  	[tilespmem:v8+s14+$0x0] =	vst.idx.msk $0xffff, v9  }
.LBB2_45:
0x2ba: {  	s26 =	sadd.s32 $0x1, s26  }
0x2bb: {  	p0 =	sne.s32 s26, $0x8  }
.Ltmp35:
0x2bc: {  	_ = 	snop;
	(pc) =	sbr.rel @!p0 .LBB2_46-.Ltmp35, $1  }
0x2bd: {  	_ =	sdelay $0x3  }
.LBB2_39:
0x2be: {  	_ =	sdelay $0x3  }
0x2bf: {  	s6 =	sshll.u32 s26, $0x4;
	v8 =	vld.idx.msk [tilespmem:v1+s11+$0x0], $0xffff  }
0x2c0: {  	v9 =	vld.idx.msk [tilespmem:v7+s6+$0x0 ss:$0x1], $0xffff;
	_ =	sdelay $0x4  }
0x2c1: {  	vm0 =	vlt.s32 v8, v9  }
0x2c2: {  	v8 =	vsel vm0, $0x40, v2  }
0x2c3: {  	v10 =	vor.u32 $0x1F, v8;
	_ =	sdelay $0x4  }
0x2c4: {  	v10 =	vld.idx.msk [tilespmem:v10+s11+$0x0], $0xffff;
	_ =	sdelay $0x4  }
0x2c5: {  	v11 =	vor.u32 $0x20, v8;
	vm0 =	vlt.s32 v10, v9  }
0x2c6: {  	v8 =	vsel vm0, v11, v8  }
0x2c7: {  	v10 =	vor.u32 $0xF, v8;
	_ =	sdelay $0x4  }
0x2c8: {  	v10 =	vld.idx.msk [tilespmem:v10+s11+$0x0], $0xffff;
	_ =	sdelay $0x4  }
0x2c9: {  	v11 =	vor.u32 $0x10, v8;
	vm0 =	vlt.s32 v10, v9  }
0x2ca: {  	v8 =	vsel vm0, v11, v8  }
0x2cb: {  	v10 =	vor.u32 $0x7, v8;
	_ =	sdelay $0x4  }
0x2cc: {  	v10 =	vld.idx.msk [tilespmem:v10+s11+$0x0], $0xffff;
	_ =	sdelay $0x4  }
0x2cd: {  	v11 =	vor.u32 $0x8, v8;
	vm0 =	vlt.s32 v10, v9  }
0x2ce: {  	v8 =	vsel vm0, v11, v8  }
0x2cf: {  	v10 =	vadd.s32 $0x3, v8;
	_ =	sdelay $0x4  }
0x2d0: {  	v10 =	vld.idx.msk [tilespmem:v10+s11+$0x0], $0xffff;
	_ =	sdelay $0x4  }
0x2d1: {  	v11 =	vadd.s32 $0x4, v8;
	vm0 =	vlt.s32 v10, v9  }
0x2d2: {  	v8 =	vsel vm0, v11, v8  }
0x2d3: {  	v10 =	vadd.s32 $0x1, v8;
	_ =	sdelay $0x4  }
0x2d4: {  	v10 =	vld.idx.msk [tilespmem:v10+s11+$0x0], $0xffff;
	_ =	sdelay $0x4  }
0x2d5: {  	v11 =	vadd.s32 $0x2, v8;
	vm0 =	vlt.s32 v10, v9  }
0x2d6: {  	v8 =	vsel vm0, v11, v8;
	_ =	sdelay $0x4  }
0x2d7: {  	v10 =	vld.idx.msk [tilespmem:v8+s11+$0x0], $0xffff;
	_ =	sdelay $0x4  }
0x2d8: {  	vm0 =	vlt.s32 v10, v9  }
0x2d9: {  	v10 =	vsel vm0, $0x1, v2  }
0x2da: {  	v8 =	vadd.s32 v10, v8  }
0x2db: {  	v10 =	vmin.u32 v8, $0x7F;
	_ =	sdelay $0x4  }
0x2dc: {  	v10 =	vld.idx.msk [tilespmem:v10+s11+$0x0], $0xffff;
	_ =	sdelay $0x4  }
0x2dd: {  	vm1 =	vlt.u32 v8, $0x80;
	vm0 =	veq.s32 v10, v9  }
0x2de: {  	vm0 =	vmand vm0, vm1  }
0x2df: {  	v9 =	vsel vm0, $0x1, v2  }
0x2e0: {  	(xrf0) =	vadd.scan.msk.s32 $0xffff, v9;
	_ =	sdelay $0x5  }
0x2e1: {  	v9, _, _ =	vpop (xrf0)  }
0x2e2: {  	(v2sf) =	vpush v9, $0xF;
	_ =	sdelay $0xe  }
0x2e3: {  	s29 =	spop (v2sf)  }
0x2e4: {  	p0 =	slt.s32 s29, $0x1  }
.Ltmp36:
0x2e5: {  	_ = 	snop;
	(pc) =	sbr.rel @p0 .LBB2_45-.Ltmp36, $1  }
0x2e6: {  	_ =	sdelay $0x3  }
0x2e7: {  	p1 =	sne.s32 s29, $0x1  }
.Ltmp37:
0x2e8: {  	_ = 	snop;
	(pc) =	sbr.rel @!p1 .LBB2_41-.Ltmp37, $4  }
0x2e9: {  	s6 =	sor.u32 $0x200, s6  }
0x2ea: {  	v9 =	vor.u32 s6, v3  }
0x2eb: {  	s31 =	simm.s32 $0x0;
	[tilespmem:s2+$0x0] =	vst.msk vm0, v9  }
0x2ec: {  	s8 =	simm.s32 $0x1;
	p0 =	por $0x0, $0x0;
	[tilespmem:s15+$0x0] =	vst.msk vm0, v8;
	v8 =	vmov s31  }
0x2ed: {  	_ =	sdelay $0x3  }
0x2ee: {  	v9 =	vld.idx.msk [tilespmem:v8+s15+$0x0], $0xffff;
	_ =	sdelay $0x4  }
0x2ef: {  	v8 =	vld.idx.msk [tilespmem:v8+s2+$0x0], $0xffff;
	v9 =	vshll.u32 v9, $0x6  }
0x2f0: {  	v10 =	vor.u32 v3, v9;
	_ =	sdelay $0x3  }
0x2f1: {  	v8 =	vshll.u32 v8, $0x6  }
0x2f2: {  	v11 =	vor.u32 v3, v8;
	v10 =	vld.idx.msk [tilespmem:v10+s12+$0x0], $0xffff  }
0x2f3: {  	v12 =	vor.u32 v4, v9;
	_ =	sdelay $0x3  }
0x2f4: {  	[tilespmem:v11+s14+$0x0] =	vst.idx.msk $0xffff, v10  }
0x2f5: {  	v11 =	vor.u32 v4, v8;
	v10 =	vld.idx.msk [tilespmem:v12+s12+$0x0], $0xffff  }
0x2f6: {  	v63 =	vor.u32 v5, v9;
	_ =	sdelay $0x3  }
0x2f7: {  	[tilespmem:v11+s14+$0x0] =	vst.idx.msk $0xffff, v10  }
0x2f8: {  	v11 =	vor.u32 v5, v8;
	v10 =	vld.idx.msk [tilespmem:v63+s12+$0x0], $0xffff  }
0x2f9: {  	v9 =	vor.u32 v6, v9;
	_ =	sdelay $0x3  }
0x2fa: {  	p1 =	sne.s32 s29, $0x2;
	[tilespmem:v11+s14+$0x0] =	vst.idx.msk $0xffff, v10  }
.Ltmp38:
0x2fb: {  	v10 =	vor.u32 v6, v8;
	v9 =	vld.idx.msk [tilespmem:v9+s12+$0x0], $0xffff;
	(pc) =	sbr.rel @!p1 .LBB2_44-.Ltmp38, $2  }
0x2fc: {  	v8 =	vmov s8;
	_ =	sdelay $0x2  }
0x2fd: {  	s6 =	simm.s32 $0x2;
	p0 =	por $0x1, $0x1  }
.LBB2_43:
0x2fe: {  	[tilespmem:v10+s14+$0x0] =	vst.idx.msk $0xffff, v9;
	s8 =	smov.u32 s6;
	s6 =	sadd.s32 $0x1, s6  }
0x2ff: {  	p1 =	sne.s32 s29, s6;
	v9 =	vld.idx.msk [tilespmem:v8+s15+$0x0], $0xffff;
	_ =	sdelay $0x5  }
0x300: {  	v9 =	vshll.u32 v9, $0x6;
	v8 =	vld.idx.msk [tilespmem:v8+s2+$0x0], $0xffff  }
0x301: {  	v10 =	vor.u32 v3, v9;
	_ =	sdelay $0x4  }
0x302: {  	v8 =	vshll.u32 v8, $0x6;
	v10 =	vld.idx.msk [tilespmem:v10+s12+$0x0], $0xffff  }
0x303: {  	v11 =	vor.u32 v3, v8  }
0x304: {  	v12 =	vor.u32 v4, v9;
	_ =	sdelay $0x3  }
0x305: {  	[tilespmem:v11+s14+$0x0] =	vst.idx.msk $0xffff, v10  }
0x306: {  	v10 =	vld.idx.msk [tilespmem:v12+s12+$0x0], $0xffff  }
0x307: {  	v11 =	vor.u32 v4, v8  }
0x308: {  	v12 =	vor.u32 v5, v9;
	_ =	sdelay $0x3  }
0x309: {  	[tilespmem:v11+s14+$0x0] =	vst.idx.msk $0xffff, v10  }
0x30a: {  	v10 =	vld.idx.msk [tilespmem:v12+s12+$0x0], $0xffff  }
0x30b: {  	v11 =	vor.u32 v5, v8  }
0x30c: {  	v9 =	vor.u32 v6, v9;
	_ =	sdelay $0x2  }
.Ltmp39:
0x30d: {  	(pc) =	sbr.rel @p1 .LBB2_43-.Ltmp39, $4  }
0x30e: {  	[tilespmem:v11+s14+$0x0] =	vst.idx.msk $0xffff, v10  }
0x30f: {  	v9 =	vld.idx.msk [tilespmem:v9+s12+$0x0], $0xffff  }
0x310: {  	v10 =	vor.u32 v6, v8  }
0x311: {  	v8 =	vmov s8  }
.Ltmp40:
0x312: {  	_ = 	snop;
	(pc) =	sbr.rel .LBB2_44-.Ltmp40, $1  }
0x313: {  	_ =	sdelay $0x3  }
.LBB2_46:
0x314: {  	s6 =	smul.u32 $0x500, s22;
	_ =	sdelay $0x1  }
0x315: {  	s6 =	sadd.s32 s7, s6  }
0x316: {  	s6 =	sshll.u32 s6, $0x3  }
0x317: {  	p0 =	seq.s32 s22, $0x4;
	s6 =	sadd.s32 s3, s6  }
0x318: {  	[hbm4b:s6+s4] =	stream.linear.scatter [tilespmem:s14], [sflag:$0x3], $0xA000, $0x38;
	[tilespmem:$0x179A0] =	vst v63  }
0x319: {  	s6 =	simm.s32 @!p0 $0x3  }
0x31a: {  	_ =	swait.ge @!p0 [sflag:s6], $0xA000  }
0x31b: {  	s8 =	simm.s32 @!p0 $0x80;
	[sflag:s6] =	ssyncset.done @!p0 $0x0  }
0x31c: {  	s9 =	simm.s32 @!p0 $0x1900;
	[sflag:s6] =	ssyncadd.s32 @!p0 $0xFFFF6000;
	s6 =	sadd.s32 @!p0 $0x500, s24  }
0x31d: {  	[tilespmem:s9], [sflag:$0x1] =	stream.indirect.gather @!p0 [hbm4b:s5+s8], $0x40, s6, s8, $0xb8;
	[tilespmem:$0x179A0] =	vst v63  }
0x31e: {  	s6 =	sadd.s32 @!p0 $0x580, s24;
	s9 =	simm.s32 @!p0 $0x3900  }
0x31f: {  	[tilespmem:s9], [sflag:$0x1] =	stream.indirect.gather @!p0 [hbm4b:s5+s8], $0x40, s6, s8, $0xb8;
	[tilespmem:$0x179A0] =	vst v63  }
0x320: {  	s6 =	sadd.s32 @!p0 $0x600, s24;
	s9 =	simm.s32 @!p0 $0x5900  }
0x321: {  	[tilespmem:s9], [sflag:$0x1] =	stream.indirect.gather @!p0 [hbm4b:s5+s8], $0x40, s6, s8, $0xb8;
	[tilespmem:$0x179A0] =	vst v63  }
0x322: {  	s6 =	sadd.s32 @!p0 $0x680, s24;
	s9 =	simm.s32 @!p0 $0x7900  }
0x323: {  	[tilespmem:s9], [sflag:$0x1] =	stream.indirect.gather @!p0 [hbm4b:s5+s8], $0x40, s6, s8, $0xb8;
	[tilespmem:$0x179A0] =	vst v63  }
0x324: {  	s6 =	sadd.s32 @!p0 $0x700, s24;
	s9 =	simm.s32 @!p0 $0x9900  }
0x325: {  	[tilespmem:s9], [sflag:$0x1] =	stream.indirect.gather @!p0 [hbm4b:s5+s8], $0x40, s6, s8, $0xb8;
	[tilespmem:$0x179A0] =	vst v63  }
0x326: {  	_ =	swait.ge [sflag:s16], $0x2000  }
0x327: {  	[sflag:s16] =	ssyncset.done $0x0  }
0x328: {  	[sflag:s16] =	ssyncadd.s32 $0xFFFFE000  }
0x329: {  	_ =	swait.ge [sflag:s16], $0x2000  }
0x32a: {  	[sflag:s16] =	ssyncset.done $0x0  }
0x32b: {  	[sflag:s16] =	ssyncadd.s32 $0xFFFFE000  }
0x32c: {  	_ =	swait.ge [sflag:s16], $0x2000  }
0x32d: {  	[sflag:s16] =	ssyncset.done $0x0  }
0x32e: {  	[sflag:s16] =	ssyncadd.s32 $0xFFFFE000  }
0x32f: {  	_ =	swait.ge [sflag:s16], $0x2000  }
0x330: {  	s8 =	sshll.u32 s22, $0x1;
	[sflag:s16] =	ssyncset.done $0x0  }
0x331: {  	s26 =	sor.u32 $0x1, s8;
	[sflag:s16] =	ssyncadd.s32 $0xFFFFE000  }
0x332: {  	s6 =	smul.u32 $0xA00, s26;
	_ =	swait.ge [sflag:s16], $0x2000  }
0x333: {  	[sflag:s16] =	ssyncset.done $0x0  }
0x334: {  	s29 =	sshra.s32 s6, $0x2;
	[sflag:s16] =	ssyncadd.s32 $0xFFFFE000  }
0x335: {  	v7 =	vld [tilespmem:s29+$0x0]  }
0x336: {  	v8 =	vld [tilespmem:s29+$0x10];
	_ =	sdelay $0x1  }
0x337: {  	v9 =	vld [tilespmem:s29+$0x20];
	_ =	sdelay $0x1  }
0x338: {  	v10 =	vld [tilespmem:s29+$0x30]  }
0x339: {  	vm0 =	vgt.s32 v7, v8  }
0x33a: {  	v12 =	vld [tilespmem:s29+$0x40];
	v11 =	vsel vm0, v8, v7  }
0x33b: {  	v7 =	vsel vm0, v7, v8;
	vm4 =	vlt.s32 v11, v9  }
0x33c: {  	v61 =	vld [tilespmem:s29+$0x50];
	vm5 =	vgt.s32 v7, v9;
	v8 =	vsel vm4, v11, v9  }
0x33d: {  	v7 =	vsel vm5, v7, v9;
	vm6 =	vlt.s32 v8, v10  }
0x33e: {  	v62 =	vld [tilespmem:s29+$0x60];
	vm7 =	vgt.s32 v7, v10;
	v8 =	vsel vm6, v8, v10  }
0x33f: {  	v7 =	vsel vm7, v7, v10;
	vm8 =	vlt.s32 v8, v12  }
0x340: {  	v63 =	vld [tilespmem:s29+$0x70];
	vm9 =	vgt.s32 v7, v12;
	v8 =	vsel vm8, v8, v12  }
0x341: {  	v7 =	vsel vm9, v7, v12;
	vm10 =	vlt.s32 v8, v61  }
0x342: {  	vm11 =	vgt.s32 v7, v61;
	v8 =	vsel vm10, v8, v61  }
0x343: {  	v7 =	vsel vm11, v7, v61;
	vm12 =	vlt.s32 v8, v62  }
0x344: {  	vm13 =	vgt.s32 v7, v62;
	v8 =	vsel vm12, v8, v62  }
0x345: {  	v7 =	vsel vm13, v7, v62;
	vm14 =	vlt.s32 v8, v63  }
0x346: {  	vm15 =	vgt.s32 v7, v63;
	v8 =	vsel vm14, v8, v63  }
0x347: {  	v7 =	vsel vm15, v7, v63;
	v8 =	vxor.u32 $0x80000000, v8  }
0x348: {  	v7 =	vxor.u32 $0x80000000, v7;
	(xrf0) =	vmin.scan.msk.u32 $0xffff, v8  }
0x349: {  	(xrf0) =	vmax.scan.msk.u32 $0xffff, v7;
	_ =	sdelay $0x4  }
0x34a: {  	v7, _, _ =	vpop (xrf0)  }
0x34b: {  	(v2sf) =	vpush v7, $0xF;
	v7, _, _ =	vpop (xrf0)  }
0x34c: {  	(v2sf) =	vpush v7, $0xF;
	_ =	sdelay $0xd  }
0x34d: {  	s9 =	spop (v2sf)  }
0x34e: {  	p1 =	sgt.u32 s9, s21;
	s6 =	spop (v2sf)  }
0x34f: {  	p2 =	slt.u32 @!p1 s6, s20  }
0x350: {  	p1 =	por p1, p2  }
.Ltmp41:
0x351: {  	_ = 	snop;
	(pc) =	sbr.rel @!p1 .LBB2_47-.Ltmp41, $2  }
0x352: {  	_ =	sdelay $0x2  }
0x353: {  	s31 =	simm.s32 $0x0  }
.LBB2_54:
0x354: {  	v7 =	vld [tilespmem:s29+$0x80]  }
0x355: {  	v8 =	vld [tilespmem:s29+$0x90];
	_ =	sdelay $0x1  }
0x356: {  	v9 =	vld [tilespmem:s29+$0xA0];
	_ =	sdelay $0x1  }
0x357: {  	v10 =	vld [tilespmem:s29+$0xB0]  }
0x358: {  	vm0 =	vgt.s32 v7, v8  }
0x359: {  	v12 =	vld [tilespmem:s29+$0xC0];
	v11 =	vsel vm0, v8, v7  }
0x35a: {  	v7 =	vsel vm0, v7, v8;
	vm4 =	vlt.s32 v11, v9  }
0x35b: {  	v61 =	vld [tilespmem:s29+$0xD0];
	vm5 =	vgt.s32 v7, v9;
	v8 =	vsel vm4, v11, v9  }
0x35c: {  	v7 =	vsel vm5, v7, v9;
	vm6 =	vlt.s32 v8, v10  }
0x35d: {  	v62 =	vld [tilespmem:s29+$0xE0];
	vm7 =	vgt.s32 v7, v10;
	v8 =	vsel vm6, v8, v10  }
0x35e: {  	v7 =	vsel vm7, v7, v10;
	vm8 =	vlt.s32 v8, v12  }
0x35f: {  	v63 =	vld [tilespmem:s29+$0xF0];
	vm9 =	vgt.s32 v7, v12;
	v8 =	vsel vm8, v8, v12  }
0x360: {  	v7 =	vsel vm9, v7, v12;
	vm10 =	vlt.s32 v8, v61  }
0x361: {  	vm11 =	vgt.s32 v7, v61;
	v8 =	vsel vm10, v8, v61  }
0x362: {  	v7 =	vsel vm11, v7, v61;
	vm12 =	vlt.s32 v8, v62  }
0x363: {  	vm13 =	vgt.s32 v7, v62;
	v8 =	vsel vm12, v8, v62  }
0x364: {  	v7 =	vsel vm13, v7, v62;
	vm14 =	vlt.s32 v8, v63  }
0x365: {  	vm15 =	vgt.s32 v7, v63;
	v8 =	vsel vm14, v8, v63  }
0x366: {  	v7 =	vsel vm15, v7, v63;
	v8 =	vxor.u32 $0x80000000, v8  }
0x367: {  	v7 =	vxor.u32 $0x80000000, v7;
	(xrf0) =	vmin.scan.msk.u32 $0xffff, v8  }
0x368: {  	(xrf0) =	vmax.scan.msk.u32 $0xffff, v7;
	_ =	sdelay $0x4  }
0x369: {  	v7, _, _ =	vpop (xrf0)  }
0x36a: {  	(v2sf) =	vpush v7, $0xF;
	v7, _, _ =	vpop (xrf0)  }
0x36b: {  	(v2sf) =	vpush v7, $0xF;
	_ =	sdelay $0xd  }
0x36c: {  	s6 =	spop (v2sf)  }
0x36d: {  	p1 =	sgt.u32 s6, s21;
	s6 =	spop (v2sf)  }
0x36e: {  	p2 =	slt.u32 @!p1 s6, s20  }
0x36f: {  	p1 =	por p1, p2  }
.Ltmp42:
0x370: {  	_ = 	snop;
	(pc) =	sbr.rel @p1 .LBB2_63-.Ltmp42, $1  }
0x371: {  	_ =	sdelay $0x3  }
.Ltmp43:
0x372: {  	(pc) =	sbr.rel .LBB2_56-.Ltmp43, $3  }
0x373: {  	_ =	sdelay $0x1  }
0x374: {  	s6 =	sadd.s32 $0x80, s29  }
0x375: {  	s31 =	simm.s32 $0x0;
	v7 =	vmov s6  }
.LBB2_49:
0x376: {  	_ = 	snop  }
.LBB2_52:
0x377: {  	_ =	sdelay $0x3  }
0x378: {  	[tilespmem:v9+s23+$0x0] =	vst.idx.msk @p1 $0xffff, v8  }
0x379: {  	v8 =	vld.idx.msk [tilespmem:v7+s15+$0x0], $0xffff;
	_ =	sdelay $0x4  }
0x37a: {  	v7 =	vld.idx.msk [tilespmem:v7+s2+$0x0], $0xffff;
	v8 =	vshll.u32 v8, $0x6  }
0x37b: {  	v60 =	vor.u32 v3, v8;
	_ =	sdelay $0x3  }
0x37c: {  	v7 =	vshll.u32 v7, $0x6  }
0x37d: {  	v10 =	vor.u32 v3, v7;
	v9 =	vld.idx.msk [tilespmem:v60+s12+$0x0], $0xffff  }
0x37e: {  	v11 =	vor.u32 v4, v8;
	_ =	sdelay $0x3  }
0x37f: {  	[tilespmem:v10+s23+$0x0] =	vst.idx.msk $0xffff, v9  }
0x380: {  	v61 =	vor.u32 v4, v7;
	v9 =	vld.idx.msk [tilespmem:v11+s12+$0x0], $0xffff  }
0x381: {  	v62 =	vor.u32 v5, v8;
	_ =	sdelay $0x3  }
0x382: {  	[tilespmem:v61+s23+$0x0] =	vst.idx.msk $0xffff, v9  }
0x383: {  	v63 =	vor.u32 v5, v7;
	v9 =	vld.idx.msk [tilespmem:v62+s12+$0x0], $0xffff  }
0x384: {  	v8 =	vor.u32 v6, v8;
	_ =	sdelay $0x3  }
0x385: {  	[tilespmem:v63+s23+$0x0] =	vst.idx.msk $0xffff, v9  }
0x386: {  	v7 =	vor.u32 v6, v7;
	v8 =	vld.idx.msk [tilespmem:v8+s12+$0x0], $0xffff;
	_ =	sdelay $0x4  }
0x387: {  	[tilespmem:v7+s23+$0x0] =	vst.idx.msk $0xffff, v8  }
.LBB2_53:
0x388: {  	s31 =	sadd.s32 $0x1, s31  }
0x389: {  	p1 =	sne.s32 s31, $0x8  }
.Ltmp44:
0x38a: {  	_ = 	snop;
	(pc) =	sbr.rel @!p1 .LBB2_54-.Ltmp44, $1  }
0x38b: {  	_ =	sdelay $0x3  }
.LBB2_47:
0x38c: {  	_ =	sdelay $0x2  }
0x38d: {  	s8 =	sshll.u32 s31, $0x4  }
0x38e: {  	v7 =	vld.idx.msk [tilespmem:v1+s11+$0x0], $0xffff;
	s6 =	sadd.s32 s8, s29  }
0x38f: {  	v8 =	vld [tilespmem:s6+$0x0];
	_ =	sdelay $0x4  }
0x390: {  	vm0 =	vlt.s32 v7, v8  }
0x391: {  	v7 =	vsel vm0, $0x40, v2  }
0x392: {  	v9 =	vor.u32 $0x1F, v7;
	_ =	sdelay $0x4  }
0x393: {  	v9 =	vld.idx.msk [tilespmem:v9+s11+$0x0], $0xffff;
	_ =	sdelay $0x4  }
0x394: {  	v10 =	vor.u32 $0x20, v7;
	vm0 =	vlt.s32 v9, v8  }
0x395: {  	v7 =	vsel vm0, v10, v7  }
0x396: {  	v59 =	vor.u32 $0xF, v7;
	_ =	sdelay $0x4  }
0x397: {  	v9 =	vld.idx.msk [tilespmem:v59+s11+$0x0], $0xffff;
	_ =	sdelay $0x4  }
0x398: {  	v10 =	vor.u32 $0x10, v7;
	vm0 =	vlt.s32 v9, v8  }
0x399: {  	v7 =	vsel vm0, v10, v7  }
0x39a: {  	v60 =	vor.u32 $0x7, v7;
	_ =	sdelay $0x4  }
0x39b: {  	v9 =	vld.idx.msk [tilespmem:v60+s11+$0x0], $0xffff;
	_ =	sdelay $0x4  }
0x39c: {  	v10 =	vor.u32 $0x8, v7;
	vm0 =	vlt.s32 v9, v8  }
0x39d: {  	v7 =	vsel vm0, v10, v7  }
0x39e: {  	v61 =	vadd.s32 $0x3, v7;
	_ =	sdelay $0x4  }
0x39f: {  	v9 =	vld.idx.msk [tilespmem:v61+s11+$0x0], $0xffff;
	_ =	sdelay $0x4  }
0x3a0: {  	v10 =	vadd.s32 $0x4, v7;
	vm0 =	vlt.s32 v9, v8  }
0x3a1: {  	v7 =	vsel vm0, v10, v7  }
0x3a2: {  	v62 =	vadd.s32 $0x1, v7;
	_ =	sdelay $0x4  }
0x3a3: {  	v9 =	vld.idx.msk [tilespmem:v62+s11+$0x0], $0xffff;
	_ =	sdelay $0x4  }
0x3a4: {  	v10 =	vadd.s32 $0x2, v7;
	vm0 =	vlt.s32 v9, v8  }
0x3a5: {  	v7 =	vsel vm0, v10, v7;
	_ =	sdelay $0x4  }
0x3a6: {  	v63 =	vld.idx.msk [tilespmem:v7+s11+$0x0], $0xffff;
	_ =	sdelay $0x4  }
0x3a7: {  	vm0 =	vlt.s32 v63, v8  }
0x3a8: {  	v9 =	vsel vm0, $0x1, v2  }
0x3a9: {  	v7 =	vadd.s32 v9, v7  }
0x3aa: {  	v9 =	vmin.u32 v7, $0x7F;
	_ =	sdelay $0x4  }
0x3ab: {  	v9 =	vld.idx.msk [tilespmem:v9+s11+$0x0], $0xffff;
	_ =	sdelay $0x4  }
0x3ac: {  	vm1 =	vlt.u32 v7, $0x80;
	vm0 =	veq.s32 v9, v8  }
0x3ad: {  	vm0 =	vmand vm0, vm1  }
0x3ae: {  	v8 =	vsel vm0, $0x1, v2  }
0x3af: {  	(xrf0) =	vadd.scan.msk.s32 $0xffff, v8;
	_ =	sdelay $0x5  }
0x3b0: {  	v8, _, _ =	vpop (xrf0)  }
0x3b1: {  	(v2sf) =	vpush v8, $0xF;
	_ =	sdelay $0xe  }
0x3b2: {  	s6 =	spop (v2sf)  }
0x3b3: {  	p1 =	slt.s32 s6, $0x1  }
.Ltmp45:
0x3b4: {  	_ = 	snop;
	(pc) =	sbr.rel @p1 .LBB2_53-.Ltmp45, $1  }
0x3b5: {  	_ =	sdelay $0x3  }
0x3b6: {  	p2 =	sne.s32 s6, $0x1  }
.Ltmp46:
0x3b7: {  	_ = 	snop;
	(pc) =	sbr.rel @!p2 .LBB2_49-.Ltmp46, $4  }
0x3b8: {  	_ = 	snop  }
0x3b9: {  	v8 =	vor.u32 s8, v3  }
0x3ba: {  	s8 =	simm.s32 $0x0;
	[tilespmem:s2+$0x0] =	vst.msk vm0, v8  }
0x3bb: {  	s9 =	simm.s32 $0x1;
	p1 =	por $0x0, $0x0;
	[tilespmem:s15+$0x0] =	vst.msk vm0, v7;
	v7 =	vmov s8  }
0x3bc: {  	_ =	sdelay $0x3  }
0x3bd: {  	v8 =	vld.idx.msk [tilespmem:v7+s15+$0x0], $0xffff;
	_ =	sdelay $0x4  }
0x3be: {  	v7 =	vld.idx.msk [tilespmem:v7+s2+$0x0], $0xffff;
	v8 =	vshll.u32 v8, $0x6  }
0x3bf: {  	v9 =	vor.u32 v3, v8;
	_ =	sdelay $0x3  }
0x3c0: {  	v7 =	vshll.u32 v7, $0x6  }
0x3c1: {  	v10 =	vor.u32 v3, v7;
	v9 =	vld.idx.msk [tilespmem:v9+s12+$0x0], $0xffff  }
0x3c2: {  	v11 =	vor.u32 v4, v8;
	_ =	sdelay $0x3  }
0x3c3: {  	[tilespmem:v10+s23+$0x0] =	vst.idx.msk $0xffff, v9  }
0x3c4: {  	v10 =	vor.u32 v4, v7;
	v9 =	vld.idx.msk [tilespmem:v11+s12+$0x0], $0xffff  }
0x3c5: {  	v11 =	vor.u32 v5, v8;
	_ =	sdelay $0x3  }
0x3c6: {  	[tilespmem:v10+s23+$0x0] =	vst.idx.msk $0xffff, v9  }
0x3c7: {  	v10 =	vor.u32 v5, v7;
	v9 =	vld.idx.msk [tilespmem:v11+s12+$0x0], $0xffff  }
0x3c8: {  	v8 =	vor.u32 v6, v8;
	_ =	sdelay $0x3  }
0x3c9: {  	p2 =	sne.s32 s6, $0x2;
	[tilespmem:v10+s23+$0x0] =	vst.idx.msk $0xffff, v9  }
.Ltmp47:
0x3ca: {  	v9 =	vor.u32 v6, v7;
	v8 =	vld.idx.msk [tilespmem:v8+s12+$0x0], $0xffff;
	(pc) =	sbr.rel @!p2 .LBB2_52-.Ltmp47, $2  }
0x3cb: {  	v7 =	vmov s9;
	_ =	sdelay $0x2  }
0x3cc: {  	s8 =	simm.s32 $0x2;
	p1 =	por $0x1, $0x1  }
.LBB2_51:
0x3cd: {  	[tilespmem:v9+s23+$0x0] =	vst.idx.msk $0xffff, v8;
	s9 =	smov.u32 s8;
	s8 =	sadd.s32 $0x1, s8  }
0x3ce: {  	p2 =	sne.s32 s6, s8;
	v8 =	vld.idx.msk [tilespmem:v7+s15+$0x0], $0xffff;
	_ =	sdelay $0x5  }
0x3cf: {  	v8 =	vshll.u32 v8, $0x6;
	v7 =	vld.idx.msk [tilespmem:v7+s2+$0x0], $0xffff  }
0x3d0: {  	v9 =	vor.u32 v3, v8;
	_ =	sdelay $0x4  }
0x3d1: {  	v7 =	vshll.u32 v7, $0x6;
	v9 =	vld.idx.msk [tilespmem:v9+s12+$0x0], $0xffff  }
0x3d2: {  	v10 =	vor.u32 v3, v7  }
0x3d3: {  	v11 =	vor.u32 v4, v8;
	_ =	sdelay $0x3  }
0x3d4: {  	[tilespmem:v10+s23+$0x0] =	vst.idx.msk $0xffff, v9  }
0x3d5: {  	v9 =	vld.idx.msk [tilespmem:v11+s12+$0x0], $0xffff  }
0x3d6: {  	v10 =	vor.u32 v4, v7  }
0x3d7: {  	v11 =	vor.u32 v5, v8;
	_ =	sdelay $0x3  }
0x3d8: {  	[tilespmem:v10+s23+$0x0] =	vst.idx.msk $0xffff, v9  }
0x3d9: {  	v9 =	vld.idx.msk [tilespmem:v11+s12+$0x0], $0xffff  }
0x3da: {  	v10 =	vor.u32 v5, v7  }
0x3db: {  	v8 =	vor.u32 v6, v8;
	_ =	sdelay $0x2  }
.Ltmp48:
0x3dc: {  	(pc) =	sbr.rel @p2 .LBB2_51-.Ltmp48, $4  }
0x3dd: {  	[tilespmem:v10+s23+$0x0] =	vst.idx.msk $0xffff, v9  }
0x3de: {  	v8 =	vld.idx.msk [tilespmem:v8+s12+$0x0], $0xffff  }
0x3df: {  	v9 =	vor.u32 v6, v7  }
0x3e0: {  	v7 =	vmov s9  }
.Ltmp49:
0x3e1: {  	_ = 	snop;
	(pc) =	sbr.rel .LBB2_52-.Ltmp49, $1  }
0x3e2: {  	_ =	sdelay $0x3  }
.LBB2_58:
0x3e3: {  	_ = 	snop  }
.LBB2_61:
0x3e4: {  	_ =	sdelay $0x3  }
0x3e5: {  	[tilespmem:v10+s23+$0x0] =	vst.idx.msk @p1 $0xffff, v9  }
0x3e6: {  	v9 =	vld.idx.msk [tilespmem:v8+s15+$0x0], $0xffff;
	_ =	sdelay $0x4  }
0x3e7: {  	v8 =	vld.idx.msk [tilespmem:v8+s2+$0x0], $0xffff;
	v9 =	vshll.u32 v9, $0x6  }
0x3e8: {  	v60 =	vor.u32 v3, v9;
	_ =	sdelay $0x3  }
0x3e9: {  	v8 =	vshll.u32 v8, $0x6  }
0x3ea: {  	v11 =	vor.u32 v3, v8;
	v10 =	vld.idx.msk [tilespmem:v60+s12+$0x0], $0xffff  }
0x3eb: {  	v12 =	vor.u32 v4, v9;
	_ =	sdelay $0x3  }
0x3ec: {  	[tilespmem:v11+s23+$0x0] =	vst.idx.msk $0xffff, v10  }
0x3ed: {  	v61 =	vor.u32 v4, v8;
	v10 =	vld.idx.msk [tilespmem:v12+s12+$0x0], $0xffff  }
0x3ee: {  	v62 =	vor.u32 v5, v9;
	_ =	sdelay $0x3  }
0x3ef: {  	[tilespmem:v61+s23+$0x0] =	vst.idx.msk $0xffff, v10  }
0x3f0: {  	v63 =	vor.u32 v5, v8;
	v10 =	vld.idx.msk [tilespmem:v62+s12+$0x0], $0xffff  }
0x3f1: {  	v9 =	vor.u32 v6, v9;
	_ =	sdelay $0x3  }
0x3f2: {  	[tilespmem:v63+s23+$0x0] =	vst.idx.msk $0xffff, v10  }
0x3f3: {  	v8 =	vor.u32 v6, v8;
	v9 =	vld.idx.msk [tilespmem:v9+s12+$0x0], $0xffff;
	_ =	sdelay $0x4  }
0x3f4: {  	[tilespmem:v8+s23+$0x0] =	vst.idx.msk $0xffff, v9  }
.LBB2_62:
0x3f5: {  	s31 =	sadd.s32 $0x1, s31  }
0x3f6: {  	p1 =	sne.s32 s31, $0x8  }
.Ltmp50:
0x3f7: {  	_ = 	snop;
	(pc) =	sbr.rel @!p1 .LBB2_63-.Ltmp50, $1  }
0x3f8: {  	_ =	sdelay $0x3  }
.LBB2_56:
0x3f9: {  	_ =	sdelay $0x3  }
0x3fa: {  	s8 =	sshll.u32 s31, $0x4;
	v8 =	vld.idx.msk [tilespmem:v1+s11+$0x0], $0xffff  }
0x3fb: {  	v9 =	vld.idx.msk [tilespmem:v7+s8+$0x0 ss:$0x1], $0xffff;
	_ =	sdelay $0x4  }
0x3fc: {  	vm0 =	vlt.s32 v8, v9  }
0x3fd: {  	v8 =	vsel vm0, $0x40, v2  }
0x3fe: {  	v10 =	vor.u32 $0x1F, v8;
	_ =	sdelay $0x4  }
0x3ff: {  	v10 =	vld.idx.msk [tilespmem:v10+s11+$0x0], $0xffff;
	_ =	sdelay $0x4  }
0x400: {  	v11 =	vor.u32 $0x20, v8;
	vm0 =	vlt.s32 v10, v9  }
0x401: {  	v8 =	vsel vm0, v11, v8  }
0x402: {  	v10 =	vor.u32 $0xF, v8;
	_ =	sdelay $0x4  }
0x403: {  	v10 =	vld.idx.msk [tilespmem:v10+s11+$0x0], $0xffff;
	_ =	sdelay $0x4  }
0x404: {  	v11 =	vor.u32 $0x10, v8;
	vm0 =	vlt.s32 v10, v9  }
0x405: {  	v8 =	vsel vm0, v11, v8  }
0x406: {  	v10 =	vor.u32 $0x7, v8;
	_ =	sdelay $0x4  }
0x407: {  	v10 =	vld.idx.msk [tilespmem:v10+s11+$0x0], $0xffff;
	_ =	sdelay $0x4  }
0x408: {  	v11 =	vor.u32 $0x8, v8;
	vm0 =	vlt.s32 v10, v9  }
0x409: {  	v8 =	vsel vm0, v11, v8  }
0x40a: {  	v10 =	vadd.s32 $0x3, v8;
	_ =	sdelay $0x4  }
0x40b: {  	v10 =	vld.idx.msk [tilespmem:v10+s11+$0x0], $0xffff;
	_ =	sdelay $0x4  }
0x40c: {  	v11 =	vadd.s32 $0x4, v8;
	vm0 =	vlt.s32 v10, v9  }
0x40d: {  	v8 =	vsel vm0, v11, v8  }
0x40e: {  	v10 =	vadd.s32 $0x1, v8;
	_ =	sdelay $0x4  }
0x40f: {  	v10 =	vld.idx.msk [tilespmem:v10+s11+$0x0], $0xffff;
	_ =	sdelay $0x4  }
0x410: {  	v11 =	vadd.s32 $0x2, v8;
	vm0 =	vlt.s32 v10, v9  }
0x411: {  	v8 =	vsel vm0, v11, v8;
	_ =	sdelay $0x4  }
0x412: {  	v10 =	vld.idx.msk [tilespmem:v8+s11+$0x0], $0xffff;
	_ =	sdelay $0x4  }
0x413: {  	vm0 =	vlt.s32 v10, v9  }
0x414: {  	v10 =	vsel vm0, $0x1, v2  }
0x415: {  	v8 =	vadd.s32 v10, v8  }
0x416: {  	v10 =	vmin.u32 v8, $0x7F;
	_ =	sdelay $0x4  }
0x417: {  	v10 =	vld.idx.msk [tilespmem:v10+s11+$0x0], $0xffff;
	_ =	sdelay $0x4  }
0x418: {  	vm1 =	vlt.u32 v8, $0x80;
	vm0 =	veq.s32 v10, v9  }
0x419: {  	vm0 =	vmand vm0, vm1  }
0x41a: {  	v9 =	vsel vm0, $0x1, v2  }
0x41b: {  	(xrf0) =	vadd.scan.msk.s32 $0xffff, v9;
	_ =	sdelay $0x5  }
0x41c: {  	v9, _, _ =	vpop (xrf0)  }
0x41d: {  	(v2sf) =	vpush v9, $0xF;
	_ =	sdelay $0xe  }
0x41e: {  	s6 =	spop (v2sf)  }
0x41f: {  	p1 =	slt.s32 s6, $0x1  }
.Ltmp51:
0x420: {  	_ = 	snop;
	(pc) =	sbr.rel @p1 .LBB2_62-.Ltmp51, $1  }
0x421: {  	_ =	sdelay $0x3  }
0x422: {  	p2 =	sne.s32 s6, $0x1  }
.Ltmp52:
0x423: {  	_ = 	snop;
	(pc) =	sbr.rel @!p2 .LBB2_58-.Ltmp52, $4  }
0x424: {  	s8 =	sor.u32 $0x80, s8  }
0x425: {  	v9 =	vor.u32 s8, v3  }
0x426: {  	s8 =	simm.s32 $0x0;
	[tilespmem:s2+$0x0] =	vst.msk vm0, v9  }
0x427: {  	s9 =	simm.s32 $0x1;
	p1 =	por $0x0, $0x0;
	[tilespmem:s15+$0x0] =	vst.msk vm0, v8;
	v8 =	vmov s8  }
0x428: {  	_ =	sdelay $0x3  }
0x429: {  	v9 =	vld.idx.msk [tilespmem:v8+s15+$0x0], $0xffff;
	_ =	sdelay $0x4  }
0x42a: {  	v8 =	vld.idx.msk [tilespmem:v8+s2+$0x0], $0xffff;
	v9 =	vshll.u32 v9, $0x6  }
0x42b: {  	v10 =	vor.u32 v3, v9;
	_ =	sdelay $0x3  }
0x42c: {  	v8 =	vshll.u32 v8, $0x6  }
0x42d: {  	v11 =	vor.u32 v3, v8;
	v10 =	vld.idx.msk [tilespmem:v10+s12+$0x0], $0xffff  }
0x42e: {  	v12 =	vor.u32 v4, v9;
	_ =	sdelay $0x3  }
0x42f: {  	[tilespmem:v11+s23+$0x0] =	vst.idx.msk $0xffff, v10  }
0x430: {  	v11 =	vor.u32 v4, v8;
	v10 =	vld.idx.msk [tilespmem:v12+s12+$0x0], $0xffff  }
0x431: {  	v63 =	vor.u32 v5, v9;
	_ =	sdelay $0x3  }
0x432: {  	[tilespmem:v11+s23+$0x0] =	vst.idx.msk $0xffff, v10  }
0x433: {  	v11 =	vor.u32 v5, v8;
	v10 =	vld.idx.msk [tilespmem:v63+s12+$0x0], $0xffff  }
0x434: {  	v9 =	vor.u32 v6, v9;
	_ =	sdelay $0x3  }
0x435: {  	p2 =	sne.s32 s6, $0x2;
	[tilespmem:v11+s23+$0x0] =	vst.idx.msk $0xffff, v10  }
.Ltmp53:
0x436: {  	v10 =	vor.u32 v6, v8;
	v9 =	vld.idx.msk [tilespmem:v9+s12+$0x0], $0xffff;
	(pc) =	sbr.rel @!p2 .LBB2_61-.Ltmp53, $2  }
0x437: {  	v8 =	vmov s9;
	_ =	sdelay $0x2  }
0x438: {  	s8 =	simm.s32 $0x2;
	p1 =	por $0x1, $0x1  }
.LBB2_60:
0x439: {  	[tilespmem:v10+s23+$0x0] =	vst.idx.msk $0xffff, v9;
	s9 =	smov.u32 s8;
	s8 =	sadd.s32 $0x1, s8  }
0x43a: {  	p2 =	sne.s32 s6, s8;
	v9 =	vld.idx.msk [tilespmem:v8+s15+$0x0], $0xffff;
	_ =	sdelay $0x5  }
0x43b: {  	v9 =	vshll.u32 v9, $0x6;
	v8 =	vld.idx.msk [tilespmem:v8+s2+$0x0], $0xffff  }
0x43c: {  	v10 =	vor.u32 v3, v9;
	_ =	sdelay $0x4  }
0x43d: {  	v8 =	vshll.u32 v8, $0x6;
	v10 =	vld.idx.msk [tilespmem:v10+s12+$0x0], $0xffff  }
0x43e: {  	v11 =	vor.u32 v3, v8  }
0x43f: {  	v12 =	vor.u32 v4, v9;
	_ =	sdelay $0x3  }
0x440: {  	[tilespmem:v11+s23+$0x0] =	vst.idx.msk $0xffff, v10  }
0x441: {  	v10 =	vld.idx.msk [tilespmem:v12+s12+$0x0], $0xffff  }
0x442: {  	v11 =	vor.u32 v4, v8  }
0x443: {  	v12 =	vor.u32 v5, v9;
	_ =	sdelay $0x3  }
0x444: {  	[tilespmem:v11+s23+$0x0] =	vst.idx.msk $0xffff, v10  }
0x445: {  	v10 =	vld.idx.msk [tilespmem:v12+s12+$0x0], $0xffff  }
0x446: {  	v11 =	vor.u32 v5, v8  }
0x447: {  	v9 =	vor.u32 v6, v9;
	_ =	sdelay $0x2  }
.Ltmp54:
0x448: {  	(pc) =	sbr.rel @p2 .LBB2_60-.Ltmp54, $4  }
0x449: {  	[tilespmem:v11+s23+$0x0] =	vst.idx.msk $0xffff, v10  }
0x44a: {  	v9 =	vld.idx.msk [tilespmem:v9+s12+$0x0], $0xffff  }
0x44b: {  	v10 =	vor.u32 v6, v8  }
0x44c: {  	v8 =	vmov s9  }
.Ltmp55:
0x44d: {  	_ = 	snop;
	(pc) =	sbr.rel .LBB2_61-.Ltmp55, $1  }
0x44e: {  	_ =	sdelay $0x3  }
.LBB2_63:
0x44f: {  	v7 =	vld [tilespmem:s29+$0x100]  }
0x450: {  	v8 =	vld [tilespmem:s29+$0x110];
	_ =	sdelay $0x1  }
0x451: {  	v9 =	vld [tilespmem:s29+$0x120];
	_ =	sdelay $0x1  }
0x452: {  	v10 =	vld [tilespmem:s29+$0x130]  }
0x453: {  	vm0 =	vgt.s32 v7, v8  }
0x454: {  	v12 =	vld [tilespmem:s29+$0x140];
	v11 =	vsel vm0, v8, v7  }
0x455: {  	v7 =	vsel vm0, v7, v8;
	vm4 =	vlt.s32 v11, v9  }
0x456: {  	v61 =	vld [tilespmem:s29+$0x150];
	vm5 =	vgt.s32 v7, v9;
	v8 =	vsel vm4, v11, v9  }
0x457: {  	v7 =	vsel vm5, v7, v9;
	vm6 =	vlt.s32 v8, v10  }
0x458: {  	v62 =	vld [tilespmem:s29+$0x160];
	vm7 =	vgt.s32 v7, v10;
	v8 =	vsel vm6, v8, v10  }
0x459: {  	v7 =	vsel vm7, v7, v10;
	vm8 =	vlt.s32 v8, v12  }
0x45a: {  	v63 =	vld [tilespmem:s29+$0x170];
	vm9 =	vgt.s32 v7, v12;
	v8 =	vsel vm8, v8, v12  }
0x45b: {  	v7 =	vsel vm9, v7, v12;
	vm10 =	vlt.s32 v8, v61  }
0x45c: {  	vm11 =	vgt.s32 v7, v61;
	v8 =	vsel vm10, v8, v61  }
0x45d: {  	v7 =	vsel vm11, v7, v61;
	vm12 =	vlt.s32 v8, v62  }
0x45e: {  	vm13 =	vgt.s32 v7, v62;
	v8 =	vsel vm12, v8, v62  }
0x45f: {  	v7 =	vsel vm13, v7, v62;
	vm14 =	vlt.s32 v8, v63  }
0x460: {  	vm15 =	vgt.s32 v7, v63;
	v8 =	vsel vm14, v8, v63  }
0x461: {  	v7 =	vsel vm15, v7, v63;
	v8 =	vxor.u32 $0x80000000, v8  }
0x462: {  	v7 =	vxor.u32 $0x80000000, v7;
	(xrf0) =	vmin.scan.msk.u32 $0xffff, v8  }
0x463: {  	(xrf0) =	vmax.scan.msk.u32 $0xffff, v7;
	_ =	sdelay $0x4  }
0x464: {  	v7, _, _ =	vpop (xrf0)  }
0x465: {  	(v2sf) =	vpush v7, $0xF;
	v7, _, _ =	vpop (xrf0)  }
0x466: {  	(v2sf) =	vpush v7, $0xF;
	_ =	sdelay $0xd  }
0x467: {  	s6 =	spop (v2sf)  }
0x468: {  	p1 =	sgt.u32 s6, s21;
	s6 =	spop (v2sf)  }
0x469: {  	p2 =	slt.u32 @!p1 s6, s20  }
0x46a: {  	p1 =	por p1, p2  }
.Ltmp56:
0x46b: {  	_ = 	snop;
	(pc) =	sbr.rel @p1 .LBB2_72-.Ltmp56, $1  }
0x46c: {  	_ =	sdelay $0x3  }
.Ltmp57:
0x46d: {  	(pc) =	sbr.rel .LBB2_65-.Ltmp57, $3  }
0x46e: {  	_ =	sdelay $0x1  }
0x46f: {  	s6 =	sadd.s32 $0x100, s29  }
0x470: {  	s31 =	simm.s32 $0x0;
	v7 =	vmov s6  }
.LBB2_67:
0x471: {  	_ = 	snop  }
.LBB2_70:
0x472: {  	_ =	sdelay $0x3  }
0x473: {  	[tilespmem:v10+s23+$0x0] =	vst.idx.msk @p1 $0xffff, v9  }
0x474: {  	v9 =	vld.idx.msk [tilespmem:v8+s15+$0x0], $0xffff;
	_ =	sdelay $0x4  }
0x475: {  	v8 =	vld.idx.msk [tilespmem:v8+s2+$0x0], $0xffff;
	v9 =	vshll.u32 v9, $0x6  }
0x476: {  	v60 =	vor.u32 v3, v9;
	_ =	sdelay $0x3  }
0x477: {  	v8 =	vshll.u32 v8, $0x6  }
0x478: {  	v11 =	vor.u32 v3, v8;
	v10 =	vld.idx.msk [tilespmem:v60+s12+$0x0], $0xffff  }
0x479: {  	v12 =	vor.u32 v4, v9;
	_ =	sdelay $0x3  }
0x47a: {  	[tilespmem:v11+s23+$0x0] =	vst.idx.msk $0xffff, v10  }
0x47b: {  	v61 =	vor.u32 v4, v8;
	v10 =	vld.idx.msk [tilespmem:v12+s12+$0x0], $0xffff  }
0x47c: {  	v62 =	vor.u32 v5, v9;
	_ =	sdelay $0x3  }
0x47d: {  	[tilespmem:v61+s23+$0x0] =	vst.idx.msk $0xffff, v10  }
0x47e: {  	v63 =	vor.u32 v5, v8;
	v10 =	vld.idx.msk [tilespmem:v62+s12+$0x0], $0xffff  }
0x47f: {  	v9 =	vor.u32 v6, v9;
	_ =	sdelay $0x3  }
0x480: {  	[tilespmem:v63+s23+$0x0] =	vst.idx.msk $0xffff, v10  }
0x481: {  	v8 =	vor.u32 v6, v8;
	v9 =	vld.idx.msk [tilespmem:v9+s12+$0x0], $0xffff;
	_ =	sdelay $0x4  }
0x482: {  	[tilespmem:v8+s23+$0x0] =	vst.idx.msk $0xffff, v9  }
.LBB2_71:
0x483: {  	s31 =	sadd.s32 $0x1, s31  }
0x484: {  	p1 =	sne.s32 s31, $0x8  }
.Ltmp58:
0x485: {  	_ = 	snop;
	(pc) =	sbr.rel @!p1 .LBB2_72-.Ltmp58, $1  }
0x486: {  	_ =	sdelay $0x3  }
.LBB2_65:
0x487: {  	_ =	sdelay $0x3  }
0x488: {  	s8 =	sshll.u32 s31, $0x4;
	v8 =	vld.idx.msk [tilespmem:v1+s11+$0x0], $0xffff  }
0x489: {  	v9 =	vld.idx.msk [tilespmem:v7+s8+$0x0 ss:$0x1], $0xffff;
	_ =	sdelay $0x4  }
0x48a: {  	vm0 =	vlt.s32 v8, v9  }
0x48b: {  	v8 =	vsel vm0, $0x40, v2  }
0x48c: {  	v10 =	vor.u32 $0x1F, v8;
	_ =	sdelay $0x4  }
0x48d: {  	v10 =	vld.idx.msk [tilespmem:v10+s11+$0x0], $0xffff;
	_ =	sdelay $0x4  }
0x48e: {  	v11 =	vor.u32 $0x20, v8;
	vm0 =	vlt.s32 v10, v9  }
0x48f: {  	v8 =	vsel vm0, v11, v8  }
0x490: {  	v10 =	vor.u32 $0xF, v8;
	_ =	sdelay $0x4  }
0x491: {  	v10 =	vld.idx.msk [tilespmem:v10+s11+$0x0], $0xffff;
	_ =	sdelay $0x4  }
0x492: {  	v11 =	vor.u32 $0x10, v8;
	vm0 =	vlt.s32 v10, v9  }
0x493: {  	v8 =	vsel vm0, v11, v8  }
0x494: {  	v10 =	vor.u32 $0x7, v8;
	_ =	sdelay $0x4  }
0x495: {  	v10 =	vld.idx.msk [tilespmem:v10+s11+$0x0], $0xffff;
	_ =	sdelay $0x4  }
0x496: {  	v11 =	vor.u32 $0x8, v8;
	vm0 =	vlt.s32 v10, v9  }
0x497: {  	v8 =	vsel vm0, v11, v8  }
0x498: {  	v10 =	vadd.s32 $0x3, v8;
	_ =	sdelay $0x4  }
0x499: {  	v10 =	vld.idx.msk [tilespmem:v10+s11+$0x0], $0xffff;
	_ =	sdelay $0x4  }
0x49a: {  	v11 =	vadd.s32 $0x4, v8;
	vm0 =	vlt.s32 v10, v9  }
0x49b: {  	v8 =	vsel vm0, v11, v8  }
0x49c: {  	v10 =	vadd.s32 $0x1, v8;
	_ =	sdelay $0x4  }
0x49d: {  	v10 =	vld.idx.msk [tilespmem:v10+s11+$0x0], $0xffff;
	_ =	sdelay $0x4  }
0x49e: {  	v11 =	vadd.s32 $0x2, v8;
	vm0 =	vlt.s32 v10, v9  }
0x49f: {  	v8 =	vsel vm0, v11, v8;
	_ =	sdelay $0x4  }
0x4a0: {  	v10 =	vld.idx.msk [tilespmem:v8+s11+$0x0], $0xffff;
	_ =	sdelay $0x4  }
0x4a1: {  	vm0 =	vlt.s32 v10, v9  }
0x4a2: {  	v10 =	vsel vm0, $0x1, v2  }
0x4a3: {  	v8 =	vadd.s32 v10, v8  }
0x4a4: {  	v10 =	vmin.u32 v8, $0x7F;
	_ =	sdelay $0x4  }
0x4a5: {  	v10 =	vld.idx.msk [tilespmem:v10+s11+$0x0], $0xffff;
	_ =	sdelay $0x4  }
0x4a6: {  	vm1 =	vlt.u32 v8, $0x80;
	vm0 =	veq.s32 v10, v9  }
0x4a7: {  	vm0 =	vmand vm0, vm1  }
0x4a8: {  	v9 =	vsel vm0, $0x1, v2  }
0x4a9: {  	(xrf0) =	vadd.scan.msk.s32 $0xffff, v9;
	_ =	sdelay $0x5  }
0x4aa: {  	v9, _, _ =	vpop (xrf0)  }
0x4ab: {  	(v2sf) =	vpush v9, $0xF;
	_ =	sdelay $0xe  }
0x4ac: {  	s6 =	spop (v2sf)  }
0x4ad: {  	p1 =	slt.s32 s6, $0x1  }
.Ltmp59:
0x4ae: {  	_ = 	snop;
	(pc) =	sbr.rel @p1 .LBB2_71-.Ltmp59, $1  }
0x4af: {  	_ =	sdelay $0x3  }
0x4b0: {  	p2 =	sne.s32 s6, $0x1  }
.Ltmp60:
0x4b1: {  	_ = 	snop;
	(pc) =	sbr.rel @!p2 .LBB2_67-.Ltmp60, $4  }
0x4b2: {  	s8 =	sor.u32 $0x100, s8  }
0x4b3: {  	v9 =	vor.u32 s8, v3  }
0x4b4: {  	s8 =	simm.s32 $0x0;
	[tilespmem:s2+$0x0] =	vst.msk vm0, v9  }
0x4b5: {  	s9 =	simm.s32 $0x1;
	p1 =	por $0x0, $0x0;
	[tilespmem:s15+$0x0] =	vst.msk vm0, v8;
	v8 =	vmov s8  }
0x4b6: {  	_ =	sdelay $0x3  }
0x4b7: {  	v9 =	vld.idx.msk [tilespmem:v8+s15+$0x0], $0xffff;
	_ =	sdelay $0x4  }
0x4b8: {  	v8 =	vld.idx.msk [tilespmem:v8+s2+$0x0], $0xffff;
	v9 =	vshll.u32 v9, $0x6  }
0x4b9: {  	v10 =	vor.u32 v3, v9;
	_ =	sdelay $0x3  }
0x4ba: {  	v8 =	vshll.u32 v8, $0x6  }
0x4bb: {  	v11 =	vor.u32 v3, v8;
	v10 =	vld.idx.msk [tilespmem:v10+s12+$0x0], $0xffff  }
0x4bc: {  	v12 =	vor.u32 v4, v9;
	_ =	sdelay $0x3  }
0x4bd: {  	[tilespmem:v11+s23+$0x0] =	vst.idx.msk $0xffff, v10  }
0x4be: {  	v11 =	vor.u32 v4, v8;
	v10 =	vld.idx.msk [tilespmem:v12+s12+$0x0], $0xffff  }
0x4bf: {  	v63 =	vor.u32 v5, v9;
	_ =	sdelay $0x3  }
0x4c0: {  	[tilespmem:v11+s23+$0x0] =	vst.idx.msk $0xffff, v10  }
0x4c1: {  	v11 =	vor.u32 v5, v8;
	v10 =	vld.idx.msk [tilespmem:v63+s12+$0x0], $0xffff  }
0x4c2: {  	v9 =	vor.u32 v6, v9;
	_ =	sdelay $0x3  }
0x4c3: {  	p2 =	sne.s32 s6, $0x2;
	[tilespmem:v11+s23+$0x0] =	vst.idx.msk $0xffff, v10  }
.Ltmp61:
0x4c4: {  	v10 =	vor.u32 v6, v8;
	v9 =	vld.idx.msk [tilespmem:v9+s12+$0x0], $0xffff;
	(pc) =	sbr.rel @!p2 .LBB2_70-.Ltmp61, $2  }
0x4c5: {  	v8 =	vmov s9;
	_ =	sdelay $0x2  }
0x4c6: {  	s8 =	simm.s32 $0x2;
	p1 =	por $0x1, $0x1  }
.LBB2_69:
0x4c7: {  	[tilespmem:v10+s23+$0x0] =	vst.idx.msk $0xffff, v9;
	s9 =	smov.u32 s8;
	s8 =	sadd.s32 $0x1, s8  }
0x4c8: {  	p2 =	sne.s32 s6, s8;
	v9 =	vld.idx.msk [tilespmem:v8+s15+$0x0], $0xffff;
	_ =	sdelay $0x5  }
0x4c9: {  	v9 =	vshll.u32 v9, $0x6;
	v8 =	vld.idx.msk [tilespmem:v8+s2+$0x0], $0xffff  }
0x4ca: {  	v10 =	vor.u32 v3, v9;
	_ =	sdelay $0x4  }
0x4cb: {  	v8 =	vshll.u32 v8, $0x6;
	v10 =	vld.idx.msk [tilespmem:v10+s12+$0x0], $0xffff  }
0x4cc: {  	v11 =	vor.u32 v3, v8  }
0x4cd: {  	v12 =	vor.u32 v4, v9;
	_ =	sdelay $0x3  }
0x4ce: {  	[tilespmem:v11+s23+$0x0] =	vst.idx.msk $0xffff, v10  }
0x4cf: {  	v10 =	vld.idx.msk [tilespmem:v12+s12+$0x0], $0xffff  }
0x4d0: {  	v11 =	vor.u32 v4, v8  }
0x4d1: {  	v12 =	vor.u32 v5, v9;
	_ =	sdelay $0x3  }
0x4d2: {  	[tilespmem:v11+s23+$0x0] =	vst.idx.msk $0xffff, v10  }
0x4d3: {  	v10 =	vld.idx.msk [tilespmem:v12+s12+$0x0], $0xffff  }
0x4d4: {  	v11 =	vor.u32 v5, v8  }
0x4d5: {  	v9 =	vor.u32 v6, v9;
	_ =	sdelay $0x2  }
.Ltmp62:
0x4d6: {  	(pc) =	sbr.rel @p2 .LBB2_69-.Ltmp62, $4  }
0x4d7: {  	[tilespmem:v11+s23+$0x0] =	vst.idx.msk $0xffff, v10  }
0x4d8: {  	v9 =	vld.idx.msk [tilespmem:v9+s12+$0x0], $0xffff  }
0x4d9: {  	v10 =	vor.u32 v6, v8  }
0x4da: {  	v8 =	vmov s9  }
.Ltmp63:
0x4db: {  	_ = 	snop;
	(pc) =	sbr.rel .LBB2_70-.Ltmp63, $1  }
0x4dc: {  	_ =	sdelay $0x3  }
.LBB2_72:
0x4dd: {  	v7 =	vld [tilespmem:s29+$0x180]  }
0x4de: {  	v8 =	vld [tilespmem:s29+$0x190];
	_ =	sdelay $0x1  }
0x4df: {  	v9 =	vld [tilespmem:s29+$0x1A0];
	_ =	sdelay $0x1  }
0x4e0: {  	v10 =	vld [tilespmem:s29+$0x1B0]  }
0x4e1: {  	vm0 =	vgt.s32 v7, v8  }
0x4e2: {  	v12 =	vld [tilespmem:s29+$0x1C0];
	v11 =	vsel vm0, v8, v7  }
0x4e3: {  	v7 =	vsel vm0, v7, v8;
	vm4 =	vlt.s32 v11, v9  }
0x4e4: {  	v61 =	vld [tilespmem:s29+$0x1D0];
	vm5 =	vgt.s32 v7, v9;
	v8 =	vsel vm4, v11, v9  }
0x4e5: {  	v7 =	vsel vm5, v7, v9;
	vm6 =	vlt.s32 v8, v10  }
0x4e6: {  	v62 =	vld [tilespmem:s29+$0x1E0];
	vm7 =	vgt.s32 v7, v10;
	v8 =	vsel vm6, v8, v10  }
0x4e7: {  	v7 =	vsel vm7, v7, v10;
	vm8 =	vlt.s32 v8, v12  }
0x4e8: {  	v63 =	vld [tilespmem:s29+$0x1F0];
	vm9 =	vgt.s32 v7, v12;
	v8 =	vsel vm8, v8, v12  }
0x4e9: {  	v7 =	vsel vm9, v7, v12;
	vm10 =	vlt.s32 v8, v61  }
0x4ea: {  	vm11 =	vgt.s32 v7, v61;
	v8 =	vsel vm10, v8, v61  }
0x4eb: {  	v7 =	vsel vm11, v7, v61;
	vm12 =	vlt.s32 v8, v62  }
0x4ec: {  	vm13 =	vgt.s32 v7, v62;
	v8 =	vsel vm12, v8, v62  }
0x4ed: {  	v7 =	vsel vm13, v7, v62;
	vm14 =	vlt.s32 v8, v63  }
0x4ee: {  	vm15 =	vgt.s32 v7, v63;
	v8 =	vsel vm14, v8, v63  }
0x4ef: {  	v7 =	vsel vm15, v7, v63;
	v8 =	vxor.u32 $0x80000000, v8  }
0x4f0: {  	v7 =	vxor.u32 $0x80000000, v7;
	(xrf0) =	vmin.scan.msk.u32 $0xffff, v8  }
0x4f1: {  	(xrf0) =	vmax.scan.msk.u32 $0xffff, v7;
	_ =	sdelay $0x4  }
0x4f2: {  	v7, _, _ =	vpop (xrf0)  }
0x4f3: {  	(v2sf) =	vpush v7, $0xF;
	v7, _, _ =	vpop (xrf0)  }
0x4f4: {  	(v2sf) =	vpush v7, $0xF;
	_ =	sdelay $0xd  }
0x4f5: {  	s6 =	spop (v2sf)  }
0x4f6: {  	p1 =	sgt.u32 s6, s21;
	s6 =	spop (v2sf)  }
0x4f7: {  	p2 =	slt.u32 @!p1 s6, s20  }
0x4f8: {  	p1 =	por p1, p2  }
.Ltmp64:
0x4f9: {  	_ = 	snop;
	(pc) =	sbr.rel @p1 .LBB2_81-.Ltmp64, $1  }
0x4fa: {  	_ =	sdelay $0x3  }
.Ltmp65:
0x4fb: {  	(pc) =	sbr.rel .LBB2_74-.Ltmp65, $3  }
0x4fc: {  	_ =	sdelay $0x1  }
0x4fd: {  	s6 =	sadd.s32 $0x180, s29  }
0x4fe: {  	s31 =	simm.s32 $0x0;
	v7 =	vmov s6  }
.LBB2_76:
0x4ff: {  	_ = 	snop  }
.LBB2_79:
0x500: {  	_ =	sdelay $0x3  }
0x501: {  	[tilespmem:v10+s23+$0x0] =	vst.idx.msk @p1 $0xffff, v9  }
0x502: {  	v9 =	vld.idx.msk [tilespmem:v8+s15+$0x0], $0xffff;
	_ =	sdelay $0x4  }
0x503: {  	v8 =	vld.idx.msk [tilespmem:v8+s2+$0x0], $0xffff;
	v9 =	vshll.u32 v9, $0x6  }
0x504: {  	v60 =	vor.u32 v3, v9;
	_ =	sdelay $0x3  }
0x505: {  	v8 =	vshll.u32 v8, $0x6  }
0x506: {  	v11 =	vor.u32 v3, v8;
	v10 =	vld.idx.msk [tilespmem:v60+s12+$0x0], $0xffff  }
0x507: {  	v12 =	vor.u32 v4, v9;
	_ =	sdelay $0x3  }
0x508: {  	[tilespmem:v11+s23+$0x0] =	vst.idx.msk $0xffff, v10  }
0x509: {  	v61 =	vor.u32 v4, v8;
	v10 =	vld.idx.msk [tilespmem:v12+s12+$0x0], $0xffff  }
0x50a: {  	v62 =	vor.u32 v5, v9;
	_ =	sdelay $0x3  }
0x50b: {  	[tilespmem:v61+s23+$0x0] =	vst.idx.msk $0xffff, v10  }
0x50c: {  	v63 =	vor.u32 v5, v8;
	v10 =	vld.idx.msk [tilespmem:v62+s12+$0x0], $0xffff  }
0x50d: {  	v9 =	vor.u32 v6, v9;
	_ =	sdelay $0x3  }
0x50e: {  	[tilespmem:v63+s23+$0x0] =	vst.idx.msk $0xffff, v10  }
0x50f: {  	v8 =	vor.u32 v6, v8;
	v9 =	vld.idx.msk [tilespmem:v9+s12+$0x0], $0xffff;
	_ =	sdelay $0x4  }
0x510: {  	[tilespmem:v8+s23+$0x0] =	vst.idx.msk $0xffff, v9  }
.LBB2_80:
0x511: {  	s31 =	sadd.s32 $0x1, s31  }
0x512: {  	p1 =	sne.s32 s31, $0x8  }
.Ltmp66:
0x513: {  	_ = 	snop;
	(pc) =	sbr.rel @!p1 .LBB2_81-.Ltmp66, $1  }
0x514: {  	_ =	sdelay $0x3  }
.LBB2_74:
0x515: {  	_ =	sdelay $0x3  }
0x516: {  	s8 =	sshll.u32 s31, $0x4;
	v8 =	vld.idx.msk [tilespmem:v1+s11+$0x0], $0xffff  }
0x517: {  	v9 =	vld.idx.msk [tilespmem:v7+s8+$0x0 ss:$0x1], $0xffff;
	_ =	sdelay $0x4  }
0x518: {  	vm0 =	vlt.s32 v8, v9  }
0x519: {  	v8 =	vsel vm0, $0x40, v2  }
0x51a: {  	v10 =	vor.u32 $0x1F, v8;
	_ =	sdelay $0x4  }
0x51b: {  	v10 =	vld.idx.msk [tilespmem:v10+s11+$0x0], $0xffff;
	_ =	sdelay $0x4  }
0x51c: {  	v11 =	vor.u32 $0x20, v8;
	vm0 =	vlt.s32 v10, v9  }
0x51d: {  	v8 =	vsel vm0, v11, v8  }
0x51e: {  	v10 =	vor.u32 $0xF, v8;
	_ =	sdelay $0x4  }
0x51f: {  	v10 =	vld.idx.msk [tilespmem:v10+s11+$0x0], $0xffff;
	_ =	sdelay $0x4  }
0x520: {  	v11 =	vor.u32 $0x10, v8;
	vm0 =	vlt.s32 v10, v9  }
0x521: {  	v8 =	vsel vm0, v11, v8  }
0x522: {  	v10 =	vor.u32 $0x7, v8;
	_ =	sdelay $0x4  }
0x523: {  	v10 =	vld.idx.msk [tilespmem:v10+s11+$0x0], $0xffff;
	_ =	sdelay $0x4  }
0x524: {  	v11 =	vor.u32 $0x8, v8;
	vm0 =	vlt.s32 v10, v9  }
0x525: {  	v8 =	vsel vm0, v11, v8  }
0x526: {  	v10 =	vadd.s32 $0x3, v8;
	_ =	sdelay $0x4  }
0x527: {  	v10 =	vld.idx.msk [tilespmem:v10+s11+$0x0], $0xffff;
	_ =	sdelay $0x4  }
0x528: {  	v11 =	vadd.s32 $0x4, v8;
	vm0 =	vlt.s32 v10, v9  }
0x529: {  	v8 =	vsel vm0, v11, v8  }
0x52a: {  	v10 =	vadd.s32 $0x1, v8;
	_ =	sdelay $0x4  }
0x52b: {  	v10 =	vld.idx.msk [tilespmem:v10+s11+$0x0], $0xffff;
	_ =	sdelay $0x4  }
0x52c: {  	v11 =	vadd.s32 $0x2, v8;
	vm0 =	vlt.s32 v10, v9  }
0x52d: {  	v8 =	vsel vm0, v11, v8;
	_ =	sdelay $0x4  }
0x52e: {  	v10 =	vld.idx.msk [tilespmem:v8+s11+$0x0], $0xffff;
	_ =	sdelay $0x4  }
0x52f: {  	vm0 =	vlt.s32 v10, v9  }
0x530: {  	v10 =	vsel vm0, $0x1, v2  }
0x531: {  	v8 =	vadd.s32 v10, v8  }
0x532: {  	v10 =	vmin.u32 v8, $0x7F;
	_ =	sdelay $0x4  }
0x533: {  	v10 =	vld.idx.msk [tilespmem:v10+s11+$0x0], $0xffff;
	_ =	sdelay $0x4  }
0x534: {  	vm1 =	vlt.u32 v8, $0x80;
	vm0 =	veq.s32 v10, v9  }
0x535: {  	vm0 =	vmand vm0, vm1  }
0x536: {  	v9 =	vsel vm0, $0x1, v2  }
0x537: {  	(xrf0) =	vadd.scan.msk.s32 $0xffff, v9;
	_ =	sdelay $0x5  }
0x538: {  	v9, _, _ =	vpop (xrf0)  }
0x539: {  	(v2sf) =	vpush v9, $0xF;
	_ =	sdelay $0xe  }
0x53a: {  	s6 =	spop (v2sf)  }
0x53b: {  	p1 =	slt.s32 s6, $0x1  }
.Ltmp67:
0x53c: {  	_ = 	snop;
	(pc) =	sbr.rel @p1 .LBB2_80-.Ltmp67, $1  }
0x53d: {  	_ =	sdelay $0x3  }
0x53e: {  	p2 =	sne.s32 s6, $0x1  }
.Ltmp68:
0x53f: {  	_ = 	snop;
	(pc) =	sbr.rel @!p2 .LBB2_76-.Ltmp68, $4  }
0x540: {  	s8 =	sor.u32 $0x180, s8  }
0x541: {  	v9 =	vor.u32 s8, v3  }
0x542: {  	s8 =	simm.s32 $0x0;
	[tilespmem:s2+$0x0] =	vst.msk vm0, v9  }
0x543: {  	s9 =	simm.s32 $0x1;
	p1 =	por $0x0, $0x0;
	[tilespmem:s15+$0x0] =	vst.msk vm0, v8;
	v8 =	vmov s8  }
0x544: {  	_ =	sdelay $0x3  }
0x545: {  	v9 =	vld.idx.msk [tilespmem:v8+s15+$0x0], $0xffff;
	_ =	sdelay $0x4  }
0x546: {  	v8 =	vld.idx.msk [tilespmem:v8+s2+$0x0], $0xffff;
	v9 =	vshll.u32 v9, $0x6  }
0x547: {  	v10 =	vor.u32 v3, v9;
	_ =	sdelay $0x3  }
0x548: {  	v8 =	vshll.u32 v8, $0x6  }
0x549: {  	v11 =	vor.u32 v3, v8;
	v10 =	vld.idx.msk [tilespmem:v10+s12+$0x0], $0xffff  }
0x54a: {  	v12 =	vor.u32 v4, v9;
	_ =	sdelay $0x3  }
0x54b: {  	[tilespmem:v11+s23+$0x0] =	vst.idx.msk $0xffff, v10  }
0x54c: {  	v11 =	vor.u32 v4, v8;
	v10 =	vld.idx.msk [tilespmem:v12+s12+$0x0], $0xffff  }
0x54d: {  	v63 =	vor.u32 v5, v9;
	_ =	sdelay $0x3  }
0x54e: {  	[tilespmem:v11+s23+$0x0] =	vst.idx.msk $0xffff, v10  }
0x54f: {  	v11 =	vor.u32 v5, v8;
	v10 =	vld.idx.msk [tilespmem:v63+s12+$0x0], $0xffff  }
0x550: {  	v9 =	vor.u32 v6, v9;
	_ =	sdelay $0x3  }
0x551: {  	p2 =	sne.s32 s6, $0x2;
	[tilespmem:v11+s23+$0x0] =	vst.idx.msk $0xffff, v10  }
.Ltmp69:
0x552: {  	v10 =	vor.u32 v6, v8;
	v9 =	vld.idx.msk [tilespmem:v9+s12+$0x0], $0xffff;
	(pc) =	sbr.rel @!p2 .LBB2_79-.Ltmp69, $2  }
0x553: {  	v8 =	vmov s9;
	_ =	sdelay $0x2  }
0x554: {  	s8 =	simm.s32 $0x2;
	p1 =	por $0x1, $0x1  }
.LBB2_78:
0x555: {  	[tilespmem:v10+s23+$0x0] =	vst.idx.msk $0xffff, v9;
	s9 =	smov.u32 s8;
	s8 =	sadd.s32 $0x1, s8  }
0x556: {  	p2 =	sne.s32 s6, s8;
	v9 =	vld.idx.msk [tilespmem:v8+s15+$0x0], $0xffff;
	_ =	sdelay $0x5  }
0x557: {  	v9 =	vshll.u32 v9, $0x6;
	v8 =	vld.idx.msk [tilespmem:v8+s2+$0x0], $0xffff  }
0x558: {  	v10 =	vor.u32 v3, v9;
	_ =	sdelay $0x4  }
0x559: {  	v8 =	vshll.u32 v8, $0x6;
	v10 =	vld.idx.msk [tilespmem:v10+s12+$0x0], $0xffff  }
0x55a: {  	v11 =	vor.u32 v3, v8  }
0x55b: {  	v12 =	vor.u32 v4, v9;
	_ =	sdelay $0x3  }
0x55c: {  	[tilespmem:v11+s23+$0x0] =	vst.idx.msk $0xffff, v10  }
0x55d: {  	v10 =	vld.idx.msk [tilespmem:v12+s12+$0x0], $0xffff  }
0x55e: {  	v11 =	vor.u32 v4, v8  }
0x55f: {  	v12 =	vor.u32 v5, v9;
	_ =	sdelay $0x3  }
0x560: {  	[tilespmem:v11+s23+$0x0] =	vst.idx.msk $0xffff, v10  }
0x561: {  	v10 =	vld.idx.msk [tilespmem:v12+s12+$0x0], $0xffff  }
0x562: {  	v11 =	vor.u32 v5, v8  }
0x563: {  	v9 =	vor.u32 v6, v9;
	_ =	sdelay $0x2  }
.Ltmp70:
0x564: {  	(pc) =	sbr.rel @p2 .LBB2_78-.Ltmp70, $4  }
0x565: {  	[tilespmem:v11+s23+$0x0] =	vst.idx.msk $0xffff, v10  }
0x566: {  	v9 =	vld.idx.msk [tilespmem:v9+s12+$0x0], $0xffff  }
0x567: {  	v10 =	vor.u32 v6, v8  }
0x568: {  	v8 =	vmov s9  }
.Ltmp71:
0x569: {  	_ = 	snop;
	(pc) =	sbr.rel .LBB2_79-.Ltmp71, $1  }
0x56a: {  	_ =	sdelay $0x3  }
.LBB2_81:
0x56b: {  	v7 =	vld [tilespmem:s29+$0x200]  }
0x56c: {  	v8 =	vld [tilespmem:s29+$0x210];
	_ =	sdelay $0x1  }
0x56d: {  	v9 =	vld [tilespmem:s29+$0x220];
	_ =	sdelay $0x1  }
0x56e: {  	v10 =	vld [tilespmem:s29+$0x230]  }
0x56f: {  	vm0 =	vgt.s32 v7, v8  }
0x570: {  	v12 =	vld [tilespmem:s29+$0x240];
	v11 =	vsel vm0, v8, v7  }
0x571: {  	v7 =	vsel vm0, v7, v8;
	vm4 =	vlt.s32 v11, v9  }
0x572: {  	v61 =	vld [tilespmem:s29+$0x250];
	vm5 =	vgt.s32 v7, v9;
	v8 =	vsel vm4, v11, v9  }
0x573: {  	v7 =	vsel vm5, v7, v9;
	vm6 =	vlt.s32 v8, v10  }
0x574: {  	v62 =	vld [tilespmem:s29+$0x260];
	vm7 =	vgt.s32 v7, v10;
	v8 =	vsel vm6, v8, v10  }
0x575: {  	v7 =	vsel vm7, v7, v10;
	vm8 =	vlt.s32 v8, v12  }
0x576: {  	v63 =	vld [tilespmem:s29+$0x270];
	vm9 =	vgt.s32 v7, v12;
	v8 =	vsel vm8, v8, v12  }
0x577: {  	v7 =	vsel vm9, v7, v12;
	vm10 =	vlt.s32 v8, v61  }
0x578: {  	vm11 =	vgt.s32 v7, v61;
	v8 =	vsel vm10, v8, v61  }
0x579: {  	v7 =	vsel vm11, v7, v61;
	vm12 =	vlt.s32 v8, v62  }
0x57a: {  	vm13 =	vgt.s32 v7, v62;
	v8 =	vsel vm12, v8, v62  }
0x57b: {  	v7 =	vsel vm13, v7, v62;
	vm14 =	vlt.s32 v8, v63  }
0x57c: {  	vm15 =	vgt.s32 v7, v63;
	v8 =	vsel vm14, v8, v63  }
0x57d: {  	v7 =	vsel vm15, v7, v63;
	v8 =	vxor.u32 $0x80000000, v8  }
0x57e: {  	v7 =	vxor.u32 $0x80000000, v7;
	(xrf0) =	vmin.scan.msk.u32 $0xffff, v8  }
0x57f: {  	(xrf0) =	vmax.scan.msk.u32 $0xffff, v7;
	_ =	sdelay $0x4  }
0x580: {  	v7, _, _ =	vpop (xrf0)  }
0x581: {  	(v2sf) =	vpush v7, $0xF;
	v7, _, _ =	vpop (xrf0)  }
0x582: {  	(v2sf) =	vpush v7, $0xF;
	_ =	sdelay $0xd  }
0x583: {  	s6 =	spop (v2sf)  }
0x584: {  	p1 =	sgt.u32 s6, s21;
	s6 =	spop (v2sf)  }
0x585: {  	p2 =	slt.u32 @!p1 s6, s20  }
0x586: {  	p1 =	por p1, p2  }
.Ltmp72:
0x587: {  	_ = 	snop;
	(pc) =	sbr.rel @p1 .LBB2_90-.Ltmp72, $1  }
0x588: {  	_ =	sdelay $0x3  }
.Ltmp73:
0x589: {  	(pc) =	sbr.rel .LBB2_83-.Ltmp73, $3  }
0x58a: {  	_ =	sdelay $0x1  }
0x58b: {  	s6 =	sadd.s32 $0x200, s29  }
0x58c: {  	s29 =	simm.s32 $0x0;
	v7 =	vmov s6  }
.LBB2_85:
0x58d: {  	_ = 	snop  }
.LBB2_88:
0x58e: {  	_ =	sdelay $0x3  }
0x58f: {  	[tilespmem:v10+s23+$0x0] =	vst.idx.msk @p1 $0xffff, v9  }
0x590: {  	v9 =	vld.idx.msk [tilespmem:v8+s15+$0x0], $0xffff;
	_ =	sdelay $0x4  }
0x591: {  	v8 =	vld.idx.msk [tilespmem:v8+s2+$0x0], $0xffff;
	v9 =	vshll.u32 v9, $0x6  }
0x592: {  	v60 =	vor.u32 v3, v9;
	_ =	sdelay $0x3  }
0x593: {  	v8 =	vshll.u32 v8, $0x6  }
0x594: {  	v11 =	vor.u32 v3, v8;
	v10 =	vld.idx.msk [tilespmem:v60+s12+$0x0], $0xffff  }
0x595: {  	v12 =	vor.u32 v4, v9;
	_ =	sdelay $0x3  }
0x596: {  	[tilespmem:v11+s23+$0x0] =	vst.idx.msk $0xffff, v10  }
0x597: {  	v61 =	vor.u32 v4, v8;
	v10 =	vld.idx.msk [tilespmem:v12+s12+$0x0], $0xffff  }
0x598: {  	v62 =	vor.u32 v5, v9;
	_ =	sdelay $0x3  }
0x599: {  	[tilespmem:v61+s23+$0x0] =	vst.idx.msk $0xffff, v10  }
0x59a: {  	v63 =	vor.u32 v5, v8;
	v10 =	vld.idx.msk [tilespmem:v62+s12+$0x0], $0xffff  }
0x59b: {  	v9 =	vor.u32 v6, v9;
	_ =	sdelay $0x3  }
0x59c: {  	[tilespmem:v63+s23+$0x0] =	vst.idx.msk $0xffff, v10  }
0x59d: {  	v8 =	vor.u32 v6, v8;
	v9 =	vld.idx.msk [tilespmem:v9+s12+$0x0], $0xffff;
	_ =	sdelay $0x4  }
0x59e: {  	[tilespmem:v8+s23+$0x0] =	vst.idx.msk $0xffff, v9  }
.LBB2_89:
0x59f: {  	s29 =	sadd.s32 $0x1, s29  }
0x5a0: {  	p1 =	sne.s32 s29, $0x8  }
.Ltmp74:
0x5a1: {  	_ = 	snop;
	(pc) =	sbr.rel @!p1 .LBB2_90-.Ltmp74, $1  }
0x5a2: {  	_ =	sdelay $0x3  }
.LBB2_83:
0x5a3: {  	_ =	sdelay $0x3  }
0x5a4: {  	s8 =	sshll.u32 s29, $0x4;
	v8 =	vld.idx.msk [tilespmem:v1+s11+$0x0], $0xffff  }
0x5a5: {  	v9 =	vld.idx.msk [tilespmem:v7+s8+$0x0 ss:$0x1], $0xffff;
	_ =	sdelay $0x4  }
0x5a6: {  	vm0 =	vlt.s32 v8, v9  }
0x5a7: {  	v8 =	vsel vm0, $0x40, v2  }
0x5a8: {  	v10 =	vor.u32 $0x1F, v8;
	_ =	sdelay $0x4  }
0x5a9: {  	v10 =	vld.idx.msk [tilespmem:v10+s11+$0x0], $0xffff;
	_ =	sdelay $0x4  }
0x5aa: {  	v11 =	vor.u32 $0x20, v8;
	vm0 =	vlt.s32 v10, v9  }
0x5ab: {  	v8 =	vsel vm0, v11, v8  }
0x5ac: {  	v10 =	vor.u32 $0xF, v8;
	_ =	sdelay $0x4  }
0x5ad: {  	v10 =	vld.idx.msk [tilespmem:v10+s11+$0x0], $0xffff;
	_ =	sdelay $0x4  }
0x5ae: {  	v11 =	vor.u32 $0x10, v8;
	vm0 =	vlt.s32 v10, v9  }
0x5af: {  	v8 =	vsel vm0, v11, v8  }
0x5b0: {  	v10 =	vor.u32 $0x7, v8;
	_ =	sdelay $0x4  }
0x5b1: {  	v10 =	vld.idx.msk [tilespmem:v10+s11+$0x0], $0xffff;
	_ =	sdelay $0x4  }
0x5b2: {  	v11 =	vor.u32 $0x8, v8;
	vm0 =	vlt.s32 v10, v9  }
0x5b3: {  	v8 =	vsel vm0, v11, v8  }
0x5b4: {  	v10 =	vadd.s32 $0x3, v8;
	_ =	sdelay $0x4  }
0x5b5: {  	v10 =	vld.idx.msk [tilespmem:v10+s11+$0x0], $0xffff;
	_ =	sdelay $0x4  }
0x5b6: {  	v11 =	vadd.s32 $0x4, v8;
	vm0 =	vlt.s32 v10, v9  }
0x5b7: {  	v8 =	vsel vm0, v11, v8  }
0x5b8: {  	v10 =	vadd.s32 $0x1, v8;
	_ =	sdelay $0x4  }
0x5b9: {  	v10 =	vld.idx.msk [tilespmem:v10+s11+$0x0], $0xffff;
	_ =	sdelay $0x4  }
0x5ba: {  	v11 =	vadd.s32 $0x2, v8;
	vm0 =	vlt.s32 v10, v9  }
0x5bb: {  	v8 =	vsel vm0, v11, v8;
	_ =	sdelay $0x4  }
0x5bc: {  	v10 =	vld.idx.msk [tilespmem:v8+s11+$0x0], $0xffff;
	_ =	sdelay $0x4  }
0x5bd: {  	vm0 =	vlt.s32 v10, v9  }
0x5be: {  	v10 =	vsel vm0, $0x1, v2  }
0x5bf: {  	v8 =	vadd.s32 v10, v8  }
0x5c0: {  	v10 =	vmin.u32 v8, $0x7F;
	_ =	sdelay $0x4  }
0x5c1: {  	v10 =	vld.idx.msk [tilespmem:v10+s11+$0x0], $0xffff;
	_ =	sdelay $0x4  }
0x5c2: {  	vm1 =	vlt.u32 v8, $0x80;
	vm0 =	veq.s32 v10, v9  }
0x5c3: {  	vm0 =	vmand vm0, vm1  }
0x5c4: {  	v9 =	vsel vm0, $0x1, v2  }
0x5c5: {  	(xrf0) =	vadd.scan.msk.s32 $0xffff, v9;
	_ =	sdelay $0x5  }
0x5c6: {  	v9, _, _ =	vpop (xrf0)  }
0x5c7: {  	(v2sf) =	vpush v9, $0xF;
	_ =	sdelay $0xe  }
0x5c8: {  	s6 =	spop (v2sf)  }
0x5c9: {  	p1 =	slt.s32 s6, $0x1  }
.Ltmp75:
0x5ca: {  	_ = 	snop;
	(pc) =	sbr.rel @p1 .LBB2_89-.Ltmp75, $1  }
0x5cb: {  	_ =	sdelay $0x3  }
0x5cc: {  	p2 =	sne.s32 s6, $0x1  }
.Ltmp76:
0x5cd: {  	_ = 	snop;
	(pc) =	sbr.rel @!p2 .LBB2_85-.Ltmp76, $4  }
0x5ce: {  	s8 =	sor.u32 $0x200, s8  }
0x5cf: {  	v9 =	vor.u32 s8, v3  }
0x5d0: {  	s31 =	simm.s32 $0x0;
	[tilespmem:s2+$0x0] =	vst.msk vm0, v9  }
0x5d1: {  	s9 =	simm.s32 $0x1;
	p1 =	por $0x0, $0x0;
	[tilespmem:s15+$0x0] =	vst.msk vm0, v8;
	v8 =	vmov s31  }
0x5d2: {  	_ =	sdelay $0x3  }
0x5d3: {  	v9 =	vld.idx.msk [tilespmem:v8+s15+$0x0], $0xffff;
	_ =	sdelay $0x4  }
0x5d4: {  	v8 =	vld.idx.msk [tilespmem:v8+s2+$0x0], $0xffff;
	v9 =	vshll.u32 v9, $0x6  }
0x5d5: {  	v10 =	vor.u32 v3, v9;
	_ =	sdelay $0x3  }
0x5d6: {  	v8 =	vshll.u32 v8, $0x6  }
0x5d7: {  	v11 =	vor.u32 v3, v8;
	v10 =	vld.idx.msk [tilespmem:v10+s12+$0x0], $0xffff  }
0x5d8: {  	v12 =	vor.u32 v4, v9;
	_ =	sdelay $0x3  }
0x5d9: {  	[tilespmem:v11+s23+$0x0] =	vst.idx.msk $0xffff, v10  }
0x5da: {  	v11 =	vor.u32 v4, v8;
	v10 =	vld.idx.msk [tilespmem:v12+s12+$0x0], $0xffff  }
0x5db: {  	v63 =	vor.u32 v5, v9;
	_ =	sdelay $0x3  }
0x5dc: {  	[tilespmem:v11+s23+$0x0] =	vst.idx.msk $0xffff, v10  }
0x5dd: {  	v11 =	vor.u32 v5, v8;
	v10 =	vld.idx.msk [tilespmem:v63+s12+$0x0], $0xffff  }
0x5de: {  	v9 =	vor.u32 v6, v9;
	_ =	sdelay $0x3  }
0x5df: {  	p2 =	sne.s32 s6, $0x2;
	[tilespmem:v11+s23+$0x0] =	vst.idx.msk $0xffff, v10  }
.Ltmp77:
0x5e0: {  	v10 =	vor.u32 v6, v8;
	v9 =	vld.idx.msk [tilespmem:v9+s12+$0x0], $0xffff;
	(pc) =	sbr.rel @!p2 .LBB2_88-.Ltmp77, $2  }
0x5e1: {  	v8 =	vmov s9;
	_ =	sdelay $0x2  }
0x5e2: {  	s8 =	simm.s32 $0x2;
	p1 =	por $0x1, $0x1  }
.LBB2_87:
0x5e3: {  	[tilespmem:v10+s23+$0x0] =	vst.idx.msk $0xffff, v9;
	s9 =	smov.u32 s8;
	s8 =	sadd.s32 $0x1, s8  }
0x5e4: {  	p2 =	sne.s32 s6, s8;
	v9 =	vld.idx.msk [tilespmem:v8+s15+$0x0], $0xffff;
	_ =	sdelay $0x5  }
0x5e5: {  	v9 =	vshll.u32 v9, $0x6;
	v8 =	vld.idx.msk [tilespmem:v8+s2+$0x0], $0xffff  }
0x5e6: {  	v10 =	vor.u32 v3, v9;
	_ =	sdelay $0x4  }
0x5e7: {  	v8 =	vshll.u32 v8, $0x6;
	v10 =	vld.idx.msk [tilespmem:v10+s12+$0x0], $0xffff  }
0x5e8: {  	v11 =	vor.u32 v3, v8  }
0x5e9: {  	v12 =	vor.u32 v4, v9;
	_ =	sdelay $0x3  }
0x5ea: {  	[tilespmem:v11+s23+$0x0] =	vst.idx.msk $0xffff, v10  }
0x5eb: {  	v10 =	vld.idx.msk [tilespmem:v12+s12+$0x0], $0xffff  }
0x5ec: {  	v11 =	vor.u32 v4, v8  }
0x5ed: {  	v12 =	vor.u32 v5, v9;
	_ =	sdelay $0x3  }
0x5ee: {  	[tilespmem:v11+s23+$0x0] =	vst.idx.msk $0xffff, v10  }
0x5ef: {  	v10 =	vld.idx.msk [tilespmem:v12+s12+$0x0], $0xffff  }
0x5f0: {  	v11 =	vor.u32 v5, v8  }
0x5f1: {  	v9 =	vor.u32 v6, v9;
	_ =	sdelay $0x2  }
.Ltmp78:
0x5f2: {  	(pc) =	sbr.rel @p2 .LBB2_87-.Ltmp78, $4  }
0x5f3: {  	[tilespmem:v11+s23+$0x0] =	vst.idx.msk $0xffff, v10  }
0x5f4: {  	v9 =	vld.idx.msk [tilespmem:v9+s12+$0x0], $0xffff  }
0x5f5: {  	v10 =	vor.u32 v6, v8  }
0x5f6: {  	v8 =	vmov s9  }
.Ltmp79:
0x5f7: {  	_ = 	snop;
	(pc) =	sbr.rel .LBB2_88-.Ltmp79, $1  }
0x5f8: {  	_ =	sdelay $0x3  }
.LBB2_90:
0x5f9: {  	s6 =	smul.u32 $0x280, s26;
	_ =	sdelay $0x1  }
.Ltmp80:
0x5fa: {  	s6 =	sadd.s32 s7, s6;
	(pc) =	sbr.rel @p0 .LBB2_92-.Ltmp80, $4  }
0x5fb: {  	s6 =	sshll.u32 s6, $0x3  }
0x5fc: {  	s6 =	sand.u32 $0x1FFFFC00, s6  }
0x5fd: {  	s6 =	sadd.s32 s3, s6  }
0x5fe: {  	[hbm4b:s6+s4] =	stream.linear.scatter [tilespmem:s23], [sflag:$0x4], $0xA000, $0x38;
	[tilespmem:$0x179A0] =	vst v63  }
0x5ff: {  	_ =	swait.ge [sflag:s18], $0xA000  }
0x600: {  	[sflag:s18] =	ssyncset.done $0x0  }
0x601: {  	s6 =	sadd.s32 $0x780, s24;
	[sflag:s18] =	ssyncadd.s32 $0xFFFF6000  }
0x602: {  	[tilespmem:s23], [sflag:$0x2] =	stream.indirect.gather [hbm4b:s5+s13], $0x40, s6, s13, $0xb8;
	[tilespmem:$0x179A0] =	vst v63  }
0x603: {  	s9 =	sadd.s32 $0x800, s24  }
0x604: {  	[tilespmem:s25], [sflag:$0x2] =	stream.indirect.gather [hbm4b:s5+s13], $0x40, s9, s13, $0xb8;
	[tilespmem:$0x179A0] =	vst v63  }
0x605: {  	s26 =	sadd.s32 $0x880, s24  }
0x606: {  	[tilespmem:s28], [sflag:$0x2] =	stream.indirect.gather [hbm4b:s5+s13], $0x40, s26, s13, $0xb8;
	[tilespmem:$0x179A0] =	vst v63  }
.Ltmp81:
0x607: {  	_ = 	snop;
	(pc) =	sbr.rel .LBB2_2-.Ltmp81, $4  }
0x608: {  	s29 =	sadd.s32 $0x900, s24  }
0x609: {  	[tilespmem:s30], [sflag:$0x2] =	stream.indirect.gather [hbm4b:s5+s13], $0x40, s29, s13, $0xb8;
	[tilespmem:$0x179A0] =	vst v63  }
0x60a: {  	s31 =	sadd.s32 $0x980, s24;
	s22 =	sadd.s32 $0x1, s22  }
0x60b: {  	[tilespmem:s1], [sflag:$0x2] =	stream.indirect.gather [hbm4b:s5+s13], $0x40, s31, s13, $0xb8;
	[tilespmem:$0x179A0] =	vst v63  }
.LBB2_93:
0x60c: {  	_ =	sfence.sel $0x180000  }
0x60d: {  	[bflag:$0x0] =	sbarrier.arrive $0xFFFF  }
0x60e: {  	_ =	strace $0x90000047  }
0x60f: {  	s0 =	stileid.u32;
	[bflag:$0x2] =	sbarrier.arrive $0xFFFF  }
0x610: {  	p0 =	sne.s32 s0, $0x0;
	s0 =	rddreg [dreg:$0x3]  }
0x611: {  	s0 =	sadd.s32 @!p0 $0x100000, s0  }
0x612: {  	[sflag:s0] =	ssyncadd.tile.s32 @!p0 $0x1;
	_ =	shalt  }
.Lfunc_end2:
_tile_overlayer_lowered:
.L_overlay_start_2:
0x613: {  	(tag) =	ssettag $0x2  }
0x614: {  	s0 =	rddreg [dreg:$0x0];
	s2 =	stileid.u32  }
0x615: {  	s1 =	rddreg [dreg:$0x1];
	p0 =	sne.s32 s2, $0x0  }
0x616: {  	s3 =	rddreg [dreg:$0x2];
	[bflag:$0x3] =	sbarrier.arrive $0xFFFF;
	s2 =	simm.s32 @!p0 $0x1C05  }
0x617: {  	[timem:s3], [sflag:s2] =	dma.local @!p0 [hbm:s0], s1  }
0x618: {  	s0 =	simm.s32 @!p0 $0x5  }
0x619: {  	_ =	swait.ge @!p0 [sflag:s0], s1  }
0x61a: {  	s1 =	ssub.s32 @!p0 $0x0, s1;
	[sflag:s0] =	ssyncset.done @!p0 $0x0  }
0x61b: {  	[sflag:s0] =	ssyncadd.s32 @!p0 s1  }
0x61c: {  	[bflag:$0x3] =	sbarrier.arrive $0xFFFF  }
0x61d: {  	_ =	shalt  }

// kernel: sparse-core-data-format-call.cloned.1.call-start
scs
called_computation_lowered:
.L_overlay_start_0:
0x0: {  	s2 =	sld [smem:$0x3FD9]  }
0x1: {  	s3 =	sld [smem:$0x3FFE];
	_ =	sdelay $0x1  }
0x2: {  	s1 =	srdreg.scid  }
0x3: {  	s0 =	sand.u32 $0x1, s1  }
0x4: {  	s18 =	sshll.u32 s0, $0xA;
	s2 =	sadd.s32 s3, s2  }
0x5: {  	s2 =	sadd.s32 s2, s18  }
0x6: {  	[smem:$0x3FC4] =	sst s2  }
0x7: {  	_ = 	snop  }
0x8: {  	s2 =	sld [smem:$0x3FD0];
	(tm) =	ssettm $0x1  }
0x9: {  	s19 =	sld [smem:$0x3FFB];
	_ =	sdelay $0x3  }
0xa: {  	_ =	strace s19  }
0xb: {  	s3 =	sld [smem:$0x3FFC];
	_ =	sdelay $0x3  }
0xc: {  	_ =	strace s3  }
0xd: {  	s3 =	sld [smem:$0x3FFD];
	_ =	sdelay $0x3  }
0xe: {  	_ =	strace s3  }
0xf: {  	_ =	strace $0x8FFFFFFF  }
0x10: {  	s20 =	sld [smem:$0x3FDB];
	_ =	sdelay $0x1  }
0x11: {  	s4 =	simm.s32 $_scs_section_size  }
0x12: {  	s5 =	simm.s32 $_size__tile_overlayer_lowered;
	s6 =	simm.s32 $_tile_overlayer_lowered  }
0x13: {  	s23 =	simm.s32 $0x1BFF;
	s22 =	sshll.u32 s6, $0x1;
	s3 =	sadd.s32 s4, s20  }
0x14: {  	s7 =	simm.s32 $0x0;
	s21 =	sshll.u32 s5, $0x1;
	s5 =	sadd.s32 s22, s3  }
0x15: {  	[timem:s7], [sflag:s23] =	dma.local [hbm:s5], s21  }
0x16: {  	_ =	swait.ge [sflag:s23], s21  }
0x17: {  	s4 =	ssub.s32 $0x0, s21;
	[sflag:s23] =	ssyncset.done $0x0  }
0x18: {  	[sflag:s23] =	ssyncadd.s32 s4;
	_ =	sdelay $0x1  }
0x19: {  	s24 =	simm.s32 $0x1B8B  }
0x1a: {  	_ =	swait.ge [sflag:s24], $0x1  }
0x1b: {  	[sflag:s24] =	ssyncset.done $0x0  }
0x1c: {  	s26 =	simm.s32 $0x1B8E;
	s25 =	sld [smem:$0x3FFE];
	[sflag:s24] =	ssyncadd.s32 $0xFFFFFFFF  }
0x1d: {  	s27 =	simm.s32 $execute0_lowered;
	[smem:$0x3FD2] =	sst s26  }
0x1e: {  	s5 =	sshll.u32 s27, $0x1;
	_ =	strace $0x80000049;
	[dreg:$0x1] =	wrdreg $0xFFFFFFFF  }
0x1f: {  	s28 =	simm.s32 $_size_execute0_lowered;
	s3 =	sadd.s32 s3, s5;
	[dreg:$0x0] =	wrdreg $0x0  }
0x20: {  	s5 =	sshll.u32 s28, $0x1;
	[dreg:$0x2] =	wrdreg s3  }
0x21: {  	[dreg:$0x3] =	wrdreg s5  }
0x22: {  	[dreg:$0x4] =	wrdreg $0xC0  }
0x23: {  	_ =	task [dreg:s7], $0x5FFFF  }
0x24: {  	[dreg:$0x1] =	wrdreg $0xFFFFFFFF  }
0x25: {  	[dreg:$0x0] =	wrdreg $0x60  }
0x26: {  	[dreg:$0x2] =	wrdreg s25  }
0x27: {  	[dreg:$0x3] =	wrdreg s2  }
0x28: {  	[dreg:$0x4] =	wrdreg $0x9  }
0x29: {  	_ =	task.clear_ibuf [dreg:s7], $0x5FFFF;
	_ =	strace $0x90000049  }
0x2a: {  	s29 =	simm.s32 $0x9;
	_ =	strace $0x8000004B  }
0x2b: {  	_ =	swait.ge [sflag:s29], $0x1  }
0x2c: {  	[sflag:s29] =	ssyncadd.s32 $0xFFFFFFFF  }
0x2d: {  	_ =	strace $0x9000004B  }
0x2e: {  	_ =	sfence  }
0x2f: {  	s30 =	sld [smem:$0x0];
	_ =	sdelay $0x2  }
0x30: {  	s31 =	sshll.u32 s1, $0xD;
	s1 =	sshrl.u32 s1, $0x2  }
0x31: {  	s3 =	sand.u32 $0x4000, s31;
	s1 =	sadd.s32 s1, s30  }
0x32: {  	s0 =	sor.u32 s3, s0;
	s1 =	sshll.u32 s1, $0x11  }
0x33: {  	s0 =	sor.u32 s1, s0  }
0x34: {  	s0 =	sadd.s32 $0x8F2B, s0  }
0x35: {  	[sflag:s0] =	ssyncadd.remote.s32 $0x1  }
0x36: {  	_ =	sfence.sel $0xFFFF  }
0x37: {  	[dreg:$0x0] =	wrdreg $0xFFFFFFFF;
	(pc) =	sbr.abs _section_cstart, $3  }
0x38: {  	[dreg:$0x1] =	wrdreg $0xFFFFFFFF  }
0x39: {  	_ =	task.clear_ibuf [dreg:s7], $0x2FFFF;
	_ =	strace $0x9FFFFFFF  }
0x3a: {  	(tm) =	ssettm $0x7FFFFFFF  }
0x3b: {  	_ =	shalt  }
tec
execute0_lowered:
.L_overlay_start_1:
0x0: {  	(tag) =	ssettag $0x1  }
0x1: {  	s0 =	srdreg.scid  }
0x2: {  	s1 =	sshll.u32 s0, $0x4  }
0x3: {  	s0 =	stileid.u32;
	s1 =	sand.u32 $0x10, s1  }
0x4: {  	s1 =	sor.u32 s0, s1  }
0x5: {  	s6 =	rddreg [dreg:$0x0];
	s4 =	simm.s32 $0x1;
	s2 =	sshll.u32 s1, $0x7  }
0x6: {  	s7 =	simm.s32 $0x2;
	s12 =	simm.s32 $0x0;
	s1 =	ssub.s32 $0x1000, s2  }
0x7: {  	s8 =	simm.s32 $0x8000;
	s13 =	simm.s32 $0x0;
	s3 =	sand.u32 $0xF80, s1  }
0x8: {  	s9 =	simm.s32 $0x0;
	s5 =	sshrl.u32 s1, $0xC;
	p0 =	sne.s32 s3, $0x0  }
.Ltmp0:
0x9: {  	s1 =	rddreg [dreg:$0x2];
	s4 =	simm.s32 @!p0 $0x0;
	(pc) =	sbr.rel .LBB1_1-.Ltmp0, $4  }
0xa: {  	s11 =	simm.s32 $0x0;
	s3 =	rddreg [dreg:$0x1];
	s5 =	sadd.s32 s4, s5  }
0xb: {  	_ =	strace $0x8000004A;
	s4 =	simm.s32 $0x1;
	s5 =	smul.u32 $0x32, s5  }
0xc: {  	s6 =	sadd.s32 $0x800, s6;
	s10 =	smov.u32 s2;
	[sflag:s4] =	ssyncpa.u1 $0x0  }
0xd: {  	p0 =	por $0x0, $0x0;
	[sflag:s7] =	ssyncpa.u1 $0x0;
	s7 =	sor.u32 $0x1, s5  }
.LBB1_4:
0xe: {  	s16 =	sshll.u32 s13, $0x3;
	s17 =	sand.u32 $0x78, s13  }
0xf: {  	s30 =	sand.u32 $0x7E00, s13;
	s12 =	sshll.u32 s12, $0xF;
	s16 =	sand.u32 $0xC00, s16  }
0x10: {  	[tilespmem:s15+$0x810 ss:$0x81] =	vst.msk $0xffff, v2;
	s31 =	sand.u32 $0x7, s13;
	s16 =	sor.u32 s17, s16;
	s17 =	sadd.s32 s3, s30  }
0x11: {  	[tilespmem:s15+$0x1020 ss:$0x81] =	vst.msk $0xffff, v0;
	s13 =	sshll.u32 s31, $0x12;
	s12 =	sadd.s32 s12, s17;
	s16 =	sshrl.u32 s16, $0x3  }
0x12: {  	[tilespmem:s15+$0x0 ss:$0x81] =	vst.msk $0xffff, v1;
	s13 =	sor.u32 $0x400, s13;
	s12 =	sadd.s32 s16, s12  }
0x13: {  	[hbm4b:s12+s13] =	stream.strided.scatter [tilespmem:s14], [sflag:$0x2], $0x2000, s8, s13, $0x20;
	[tilespmem:$0x8080] =	vst v63  }
.LBB1_5:
0x14: {  	s14 =	sadd.s32 $0x1, s9  }
0x15: {  	s12 =	sadd.s32 $0x1000, s10;
	s16 =	smov.u32 s10;
	p2 =	sgt.s32 s14, $0x31  }
0x16: {  	s16 =	smov.u32 @p2 s12  }
0x17: {  	s14 =	simm.s32 @p2 $0x0;
	p2 =	sgt.s32 s16, $0xFFF  }
0x18: {  	s16 =	smov.u32 @p2 s2;
	p2 =	sne.s32 s11, s7  }
.Ltmp1:
0x19: {  	p1 =	slt.u32 s11, $0x2;
	(pc) =	sbr.rel @!p2 .LBB1_6-.Ltmp1, $4  }
0x1a: {  	s15 =	simm.s32 @!p1 $0x2  }
0x1b: {  	s13 =	smov.u32 s10;
	p0 =	por !p0, !p0;
	_ =	swait.ge @!p1 [sflag:s15], $0x2000  }
0x1c: {  	s12 =	smov.u32 s9;
	[sflag:s15] =	ssyncset.done @!p1 $0x0;
	s9 =	smov.u32 s14  }
0x1d: {  	s11 =	sadd.s32 $0x1, s11;
	[sflag:s15] =	ssyncadd.s32 @!p1 $0xFFFFE000;
	s10 =	smov.u32 s16  }
.LBB1_1:
0x1e: {  	p1 =	sge.u32 s11, s5  }
0x1f: {  	s14 =	sand.u32 @!p1 $0x1FFFFFF, s9  }
0x20: {  	s15 =	smulhi.u32 @!p1 $0x4924925, s14;
	_ =	sdelay $0x1  }
0x21: {  	s15 =	smul.u32 @!p1 $0x38, s15  }
0x22: {  	s16 =	sxor.u32 @!p1 $0xFFFFFFFF, s11;
	s17 =	smul.u32 @!p1 $0x380, s10  }
0x23: {  	s31 =	sadd.s32 $0xFFFFFFFF, s11;
	s16 =	sshll.u32 @!p1 s16, $0xD;
	s14 =	ssub.s32 @!p1 s14, s15  }
0x24: {  	s15 =	sand.u32 @!p1 $0x2000, s16;
	s16 =	sadd.s32 @!p1 s6, s17;
	s14 =	sshll.u32 @!p1 s14, $0x4  }
0x25: {  	s17 =	simm.s32 @!p1 $0x1C00;
	s14 =	sadd.s32 @!p1 s14, s16;
	s16 =	simm.s32 @!p1 $0x40  }
0x26: {  	[tilespmem:s15], [sflag:$0x1] =	stream.strided.gather @!p1 [hbm4b:s14+s16], $0x2000, s17, s16, $0x38;
	[tilespmem:$0x8080] =	vst v63  }
0x27: {  	p1 =	sge.u32 s31, s5  }
.Ltmp2:
0x28: {  	_ = 	snop;
	(pc) =	sbr.rel @p1 .LBB1_5-.Ltmp2, $1  }
0x29: {  	_ =	sdelay $0x3  }
0x2a: {  	s14 =	simm.s32 $0x1  }
0x2b: {  	_ =	swait.ge [sflag:s4], $0x2000;
	s14 =	simm.s32 @!p0 $0x0  }
0x2c: {  	[sflag:s4] =	ssyncset.done $0x0;
	s15 =	sshll.u32 s14, $0xD  }
0x2d: {  	[sflag:s4] =	ssyncadd.s32 $0xFFFFE000;
	s18 =	sor.u32 $0x20, s15  }
0x2e: {  	s14 =	smul.u32 $0x8100, s14;
	v3 =	vld [tilespmem:s18+$0x10]  }
0x2f: {  	s30 =	sand.u32 $0x1, s11;
	v2 =	vld [tilespmem:s18+$0xFFFFFFF0]  }
0x30: {  	s15 =	smul.u32 $0x8100, s30;
	s14 =	sshrl.u32 s14, $0x2;
	v0 =	vld [tilespmem:s18+$0x0]  }
0x31: {  	v1 =	vld [tilespmem:s18+$0xFFFFFFE0];
	s16 =	sor.u32 $0x4000, s14  }
0x32: {  	s31 =	sshrl.u32 s15, $0x2;
	s15 =	sadd.s32 $0x0, s16  }
0x33: {  	s17 =	simm.s32 $0x4;
	s18 =	sadd.s32 $0x40, s18;
	s14 =	sor.u32 $0x4000, s31;
	[tilespmem:s15+$0x1830 ss:$0x81] =	vst.msk $0xffff, v3  }
.LBB1_3:
0x34: {  	v3 =	vld [tilespmem:s18+$0x10];
	p1 =	sne.s32 s17, $0x1FC;
	[tilespmem:s15+$0x810 ss:$0x81] =	vst.msk $0xffff, v2;
	s19 =	smov.u32 s17;
	s17 =	sadd.s32 $0x4, s17  }
.Ltmp3:
0x35: {  	v2 =	vld [tilespmem:s18+$0xFFFFFFF0];
	[tilespmem:s15+$0x1020 ss:$0x81] =	vst.msk $0xffff, v0;
	(pc) =	sbr.rel @p1 .LBB1_3-.Ltmp3, $4  }
0x36: {  	v0 =	vld [tilespmem:s18+$0x0];
	[tilespmem:s15+$0x0 ss:$0x81] =	vst.msk $0xffff, v1  }
0x37: {  	s15 =	sshra.s32 s19, $0x2;
	v1 =	vld [tilespmem:s18+$0xFFFFFFE0]  }
0x38: {  	s15 =	sadd.s32 s15, s16  }
0x39: {  	s18 =	sadd.s32 $0x40, s18;
	[tilespmem:s15+$0x1830 ss:$0x81] =	vst.msk $0xffff, v3  }
.Ltmp4:
0x3a: {  	_ = 	snop;
	(pc) =	sbr.rel .LBB1_4-.Ltmp4, $1  }
0x3b: {  	_ =	sdelay $0x3  }
.LBB1_6:
0x3c: {  	_ =	sfence.sel $0x180000  }
0x3d: {  	s2 =	simm.s32 $0x1;
	[bflag:$0x0] =	sbarrier.arrive $0xFFFF  }
0x3e: {  	s31 =	simm.s32 $0x2;
	[sflag:s2] =	ssyncpa.u1 $0x1  }
0x3f: {  	[sflag:s31] =	ssyncpa.u1 $0x1  }
0x40: {  	p0 =	sne.s32 s0, $0x0;
	_ =	strace $0x9000004A  }
0x41: {  	s0 =	sadd.s32 @!p0 $0x100000, s1;
	[bflag:$0x2] =	sbarrier.arrive $0xFFFF  }
0x42: {  	[sflag:s0] =	ssyncadd.tile.s32 @!p0 $0x1;
	_ =	shalt  }
.Lfunc_end1:
_tile_overlayer_lowered:
.L_overlay_start_2:
0x43: {  	(tag) =	ssettag $0x2  }
0x44: {  	s0 =	rddreg [dreg:$0x0];
	s2 =	stileid.u32  }
0x45: {  	s1 =	rddreg [dreg:$0x1];
	p0 =	sne.s32 s2, $0x0  }
0x46: {  	s3 =	rddreg [dreg:$0x2];
	[bflag:$0x3] =	sbarrier.arrive $0xFFFF;
	s2 =	simm.s32 @!p0 $0x1C01  }
0x47: {  	[timem:s3], [sflag:s2] =	dma.local @!p0 [hbm:s0], s1  }
0x48: {  	s0 =	simm.s32 @!p0 $0x1  }
0x49: {  	_ =	swait.ge @!p0 [sflag:s0], s1  }
0x4a: {  	s1 =	ssub.s32 @!p0 $0x0, s1;
	[sflag:s0] =	ssyncset.done @!p0 $0x0  }
0x4b: {  	[sflag:s0] =	ssyncadd.s32 @!p0 s1  }
0x4c: {  	[bflag:$0x3] =	sbarrier.arrive $0xFFFF  }
0x4d: {  	_ =	shalt  }

</sc_bundles>
